<compile_context>
chip_gen: v7x
topology: tpu7x:2x2x1
jax: 0.10.2.dev20260603
libtpu: 0.0.44.dev20260713+nightly
codegen_flags: <defaults>
</compile_context>

<pallas_src>
import jax
import jax.numpy as jnp
from jax import lax
from jax.experimental import pallas as pl
from jax.experimental.pallas import tpu as pltpu
from jax.experimental.pallas import tpu_sc as plsc

N_ATOMS = 10000
N_BONDS = 320000
MAX_NB = 32
ATOM_FDIM = 128
BOND_FDIM = 144
HIDDEN = 128
N_MOLS = 512
DEPTH = 3

NW = 32
ATOMS_PAD = 10240
ATOMS_PER_W = ATOMS_PAD // NW
BONDS_PER_W = N_BONDS // NW


def _sc_mesh():
    return plsc.VectorSubcoreMesh(core_axis_name="c", subcore_axis_name="s")


IDX_PER_W = ATOMS_PER_W * MAX_NB


RCHUNK = 64
NSLOT_R = 5
PREF_R = 3
NG_R = IDX_PER_W // (2 * RCHUNK)


def _gather_raw_body(t1_hbm, t2_hbm, a2b_hbm, out_hbm, idx_all,
                     b1_0, b1_1, b1_2, b1_3, b1_4, b2_0, b2_1, b2_2, b2_3,
                     b2_4, gs0, gs1, gs2, gs3, gs4, ws0, ws1, ws2, ws3, ws4):
    wid = lax.axis_index("s") * 2 + lax.axis_index("c")
    rbase = wid * IDX_PER_W
    pltpu.sync_copy(a2b_hbm.at[pl.ds(rbase, IDX_PER_W)], idx_all)

    b1s = (b1_0, b1_1, b1_2, b1_3, b1_4)
    b2s = (b2_0, b2_1, b2_2, b2_3, b2_4)
    gss = (gs0, gs1, gs2, gs3, gs4)
    wss = (ws0, ws1, ws2, ws3, ws4)

    def gath(g, b):
        o = g * 2 * RCHUNK
        return (pltpu.make_async_copy(
                    t1_hbm.at[idx_all.at[pl.ds(o, RCHUNK)]], b1s[b], gss[b]),
                pltpu.make_async_copy(
                    t2_hbm.at[idx_all.at[pl.ds(o + RCHUNK, RCHUNK)]],
                    b2s[b], gss[b]))

    def wr(g, b):
        o = rbase + g * 2 * RCHUNK
        return (pltpu.make_async_copy(
                    b1s[b], out_hbm.at[pl.ds(o, RCHUNK)], wss[b]),
                pltpu.make_async_copy(
                    b2s[b], out_hbm.at[pl.ds(o + RCHUNK, RCHUNK)], wss[b]))

    def start2(pair):
        pair[0].start()
        pair[1].start()

    def wait2(pair):
        pair[0].wait()
        pair[1].wait()

    for b in range(PREF_R):
        start2(gath(b, b))

    def step(g, b):
        wait2(gath(g, b))
        start2(wr(g, b))
        f = g + PREF_R
        fb = (b + PREF_R) % NSLOT_R

        @pl.when(f >= NSLOT_R)
        def _():
            wait2(wr(f - NSLOT_R, fb))

        @pl.when(f < NG_R)
        def _():
            start2(gath(f, fb))

    def outer(i, _):
        for b in range(NSLOT_R):
            step(NSLOT_R * i + b, b)
        return 0

    lax.fori_loop(0, NG_R // NSLOT_R, outer, 0)
    for g in range(NG_R - (NSLOT_R - PREF_R), NG_R):
        wait2(wr(g, g % NSLOT_R))


def _sc_gather_raw(msgA, msgB, a2b_flat):
    k = pl.kernel(
        _gather_raw_body,
        out_type=jax.ShapeDtypeStruct((ATOMS_PAD * MAX_NB, HIDDEN),
                                      jnp.float32),
        mesh=_sc_mesh(),
        scratch_types=(
            [pltpu.VMEM((IDX_PER_W,), jnp.int32)]
            + [pltpu.VMEM((RCHUNK, HIDDEN), jnp.float32) for _ in range(10)]
            + [pltpu.SemaphoreType.DMA for _ in range(10)]
        ),
    )
    return k(msgA, msgB, a2b_flat)


_RBLK = 256


def _tc_reduce_body(nei_ref, out_ref):
    out_ref[...] = jnp.sum(nei_ref[...], axis=1)


def _tc_reduce(nei3d):
    return pl.pallas_call(
        _tc_reduce_body,
        grid=(ATOMS_PAD // _RBLK,),
        in_specs=[pl.BlockSpec((_RBLK, MAX_NB, HIDDEN), lambda i: (i, 0, 0))],
        out_specs=pl.BlockSpec((_RBLK, HIDDEN), lambda i: (i, 0)),
        out_shape=jax.ShapeDtypeStruct((ATOMS_PAD, HIDDEN), jnp.float32),
    )(nei3d)


def _sc_gather_sum(msgA, msgB, a2b_flat):
    nei = _sc_gather_raw(msgA, msgB, a2b_flat)
    return _tc_reduce(nei.reshape(ATOMS_PAD, MAX_NB, HIDDEN))


DCHUNK = 64
NSLOT_D = 4
PREF_D = 2
NG_D = 156
TAIL_OFF = BONDS_PER_W - DCHUNK


def _dual_gather_body(t1_hbm, idx1_hbm, t2_hbm, idx2_hbm, g1_hbm, g2_hbm,
                      i1_all, i2_all,
                      b1_0, b1_1, b1_2, b1_3, b2_0, b2_1, b2_2, b2_3,
                      gs0, gs1, gs2, gs3, ws0, ws1, ws2, ws3):
    wid = lax.axis_index("s") * 2 + lax.axis_index("c")
    bbase = wid * BONDS_PER_W
    pltpu.sync_copy(idx1_hbm.at[pl.ds(bbase, BONDS_PER_W)], i1_all)
    pltpu.sync_copy(idx2_hbm.at[pl.ds(bbase, BONDS_PER_W)], i2_all)

    b1s = (b1_0, b1_1, b1_2, b1_3)
    b2s = (b2_0, b2_1, b2_2, b2_3)
    gss = (gs0, gs1, gs2, gs3)
    wss = (ws0, ws1, ws2, ws3)

    def gath(off, b):
        return (pltpu.make_async_copy(t1_hbm.at[i1_all.at[pl.ds(off, DCHUNK)]],
                                      b1s[b], gss[b]),
                pltpu.make_async_copy(t2_hbm.at[i2_all.at[pl.ds(off, DCHUNK)]],
                                      b2s[b], gss[b]))

    def wr(off, b):
        o = bbase + off
        return (pltpu.make_async_copy(b1s[b], g1_hbm.at[pl.ds(o, DCHUNK)],
                                      wss[b]),
                pltpu.make_async_copy(b2s[b], g2_hbm.at[pl.ds(o, DCHUNK)],
                                      wss[b]))

    def start2(pair):
        pair[0].start()
        pair[1].start()

    def wait2(pair):
        pair[0].wait()
        pair[1].wait()

    for b in range(PREF_D):
        start2(gath(b * DCHUNK, b))

    def step(g, b):
        wait2(gath(g * DCHUNK, b))
        start2(wr(g * DCHUNK, b))
        f = g + PREF_D
        fb = (b + PREF_D) % NSLOT_D

        @pl.when(f >= NSLOT_D)
        def _():
            wait2(wr((f - NSLOT_D) * DCHUNK, fb))

        @pl.when(f < NG_D)
        def _():
            start2(gath(f * DCHUNK, fb))

    def outer(i, _):
        for b in range(NSLOT_D):
            step(NSLOT_D * i + b, b)
        return 0

    lax.fori_loop(0, NG_D // NSLOT_D, outer, 0)
    for g in range(NG_D - PREF_D, NG_D):
        wait2(wr(g * DCHUNK, g % NSLOT_D))
    start2(gath(TAIL_OFF, 0))
    wait2(gath(TAIL_OFF, 0))
    start2(wr(TAIL_OFF, 0))
    wait2(wr(TAIL_OFF, 0))


def _sc_dual_gather(t1, idx1, t2, idx2):
    k = pl.kernel(
        _dual_gather_body,
        out_type=(jax.ShapeDtypeStruct((N_BONDS, HIDDEN), jnp.float32),
                  jax.ShapeDtypeStruct((N_BONDS, HIDDEN), jnp.float32)),
        mesh=_sc_mesh(),
        scratch_types=(
            [pltpu.VMEM((BONDS_PER_W,), jnp.int32) for _ in range(2)]
            + [pltpu.VMEM((DCHUNK, HIDDEN), jnp.float32) for _ in range(8)]
            + [pltpu.SemaphoreType.DMA for _ in range(8)]
        ),
    )
    return k(t1, idx1, t2, idx2)


_BLK = 2000


def _tc1_body(fb_ref, wi_ref, wh_ref, inp_ref, m_ref, negmh_ref, negmh2_ref):
    inp = jnp.dot(fb_ref[...], wi_ref[...], preferred_element_type=jnp.float32)
    m = jnp.maximum(inp, 0.0)
    inp_ref[...] = inp
    m_ref[...] = m
    negmh = -jnp.dot(m, wh_ref[...], preferred_element_type=jnp.float32)
    negmh_ref[...] = negmh
    negmh2_ref[...] = negmh


def _tc1(f_bonds, W_i, W_h):
    return pl.pallas_call(
        _tc1_body,
        grid=(N_BONDS // _BLK,),
        in_specs=[
            pl.BlockSpec((_BLK, BOND_FDIM), lambda i: (i, 0)),
            pl.BlockSpec((BOND_FDIM, HIDDEN), lambda i: (0, 0)),
            pl.BlockSpec((HIDDEN, HIDDEN), lambda i: (0, 0)),
        ],
        out_specs=[
            pl.BlockSpec((_BLK, HIDDEN), lambda i: (i, 0)),
            pl.BlockSpec((_BLK, HIDDEN), lambda i: (i, 0)),
            pl.BlockSpec((_BLK, HIDDEN), lambda i: (i, 0)),
            pl.BlockSpec((_BLK, HIDDEN), lambda i: (i, 0)),
        ],
        out_shape=[
            jax.ShapeDtypeStruct((N_BONDS, HIDDEN), jnp.float32),
            jax.ShapeDtypeStruct((N_BONDS, HIDDEN), jnp.float32),
            jax.ShapeDtypeStruct((N_BONDS, HIDDEN), jnp.float32),
            jax.ShapeDtypeStruct((N_BONDS, HIDDEN), jnp.float32),
        ],
    )(f_bonds, W_i, W_h)


def _tc_iter_body(inp_ref, g1_ref, g2_ref, wh_ref, negmh_ref, negmh2_ref):
    m = jnp.maximum(inp_ref[...] - g1_ref[...] + g2_ref[...], 0.0)
    negmh = -jnp.dot(m, wh_ref[...], preferred_element_type=jnp.float32)
    negmh_ref[...] = negmh
    negmh2_ref[...] = negmh


def _tc_iter(inp, g1, g2, W_h):
    return pl.pallas_call(
        _tc_iter_body,
        grid=(N_BONDS // _BLK,),
        in_specs=[
            pl.BlockSpec((_BLK, HIDDEN), lambda i: (i, 0)),
            pl.BlockSpec((_BLK, HIDDEN), lambda i: (i, 0)),
            pl.BlockSpec((_BLK, HIDDEN), lambda i: (i, 0)),
            pl.BlockSpec((HIDDEN, HIDDEN), lambda i: (0, 0)),
        ],
        out_specs=[
            pl.BlockSpec((_BLK, HIDDEN), lambda i: (i, 0)),
            pl.BlockSpec((_BLK, HIDDEN), lambda i: (i, 0)),
        ],
        out_shape=[
            jax.ShapeDtypeStruct((N_BONDS, HIDDEN), jnp.float32),
            jax.ShapeDtypeStruct((N_BONDS, HIDDEN), jnp.float32),
        ],
    )(inp, g1, g2, W_h)


def _tc_last_body(inp_ref, g1_ref, g2_ref, m_ref, m2_ref):
    m = jnp.maximum(inp_ref[...] - g1_ref[...] + g2_ref[...], 0.0)
    m_ref[...] = m
    m2_ref[...] = m


def _tc_last(inp, g1, g2):
    return pl.pallas_call(
        _tc_last_body,
        grid=(N_BONDS // _BLK,),
        in_specs=[
            pl.BlockSpec((_BLK, HIDDEN), lambda i: (i, 0)),
            pl.BlockSpec((_BLK, HIDDEN), lambda i: (i, 0)),
            pl.BlockSpec((_BLK, HIDDEN), lambda i: (i, 0)),
        ],
        out_specs=[
            pl.BlockSpec((_BLK, HIDDEN), lambda i: (i, 0)),
            pl.BlockSpec((_BLK, HIDDEN), lambda i: (i, 0)),
        ],
        out_shape=[
            jax.ShapeDtypeStruct((N_BONDS, HIDDEN), jnp.float32),
            jax.ShapeDtypeStruct((N_BONDS, HIDDEN), jnp.float32),
        ],
    )(inp, g1, g2)


_ABLK = 1000


def _tc_out_body(fa_ref, am_ref, seg_ref, wo1_ref, wo2_ref, bo_ref,
                 out_ref, sums_ref, cnts_ref):
    i = pl.program_id(0)

    @pl.when(i == 0)
    def _():
        sums_ref[...] = jnp.zeros_like(sums_ref)
        cnts_ref[...] = jnp.zeros_like(cnts_ref)

    hid = jnp.dot(fa_ref[...], wo1_ref[...], preferred_element_type=jnp.float32)
    hid = hid + jnp.dot(am_ref[...], wo2_ref[...],
                        preferred_element_type=jnp.float32)
    hid = jnp.maximum(hid + bo_ref[...], 0.0)

    seg = seg_ref[0]
    oh = (lax.broadcasted_iota(jnp.int32, (N_MOLS, _ABLK), 0) == seg
          ).astype(jnp.float32)
    sums_ref[...] += jnp.dot(oh, hid, preferred_element_type=jnp.float32)
    cnts_ref[...] += jnp.dot(oh, jnp.ones((_ABLK, HIDDEN), jnp.float32),
                             preferred_element_type=jnp.float32)

    @pl.when(i == pl.num_programs(0) - 1)
    def _():
        out_ref[...] = sums_ref[...] / jnp.maximum(cnts_ref[...], 1.0)


def _tc_out(f_atoms, amsg, seg3d, W_o1, W_o2, b_o2):
    return pl.pallas_call(
        _tc_out_body,
        grid=(N_ATOMS // _ABLK,),
        in_specs=[
            pl.BlockSpec((_ABLK, ATOM_FDIM), lambda i: (i, 0)),
            pl.BlockSpec((_ABLK, HIDDEN), lambda i: (i, 0)),
            pl.BlockSpec((1, 1, _ABLK), lambda i: (i, 0, 0)),
            pl.BlockSpec((ATOM_FDIM, HIDDEN), lambda i: (0, 0)),
            pl.BlockSpec((HIDDEN, HIDDEN), lambda i: (0, 0)),
            pl.BlockSpec((1, HIDDEN), lambda i: (0, 0)),
        ],
        out_specs=pl.BlockSpec((N_MOLS, HIDDEN), lambda i: (0, 0)),
        out_shape=jax.ShapeDtypeStruct((N_MOLS, HIDDEN), jnp.float32),
        scratch_shapes=[
            pltpu.VMEM((N_MOLS, HIDDEN), jnp.float32),
            pltpu.VMEM((N_MOLS, HIDDEN), jnp.float32),
        ],
    )(f_atoms, amsg, seg3d, W_o1, W_o2, b_o2)


@jax.jit
def kernel(f_atoms, f_bonds, a2b, b2a, b2revb, segment_ids, W_i, W_h, W_o, b_o):
    a2b_flat = jnp.pad(a2b, ((0, ATOMS_PAD - N_ATOMS), (0, 0))).reshape(-1)
    seg3d = segment_ids.reshape(10, 1, _ABLK)
    W_o1 = W_o[:ATOM_FDIM]
    W_o2 = W_o[ATOM_FDIM:]
    b_o2 = b_o.reshape(1, HIDDEN)

    inp, m, negMh, negMh2 = _tc1(f_bonds, W_i, W_h)
    for d in range(DEPTH - 1):
        negAh = _sc_gather_sum(negMh, negMh2, a2b_flat)
        g1, g2 = _sc_dual_gather(negAh, b2a, negMh, b2revb)
        if d < DEPTH - 2:
            negMh, negMh2 = _tc_iter(inp, g1, g2, W_h)
        else:
            m, m2 = _tc_last(inp, g1, g2)
    amsg = _sc_gather_sum(m, m2, a2b_flat)
    return _tc_out(f_atoms, amsg[:N_ATOMS], seg3d, W_o1, W_o2, b_o2)

# --- scband reference (transcript-rebuilt; emitter-appended) ---
"""Pipeline reference for scband-mpnencoder-15530601742850 (READ-ONLY COPY).

The authoritative reference and input builder live on the scoring server;
editing this copy changes nothing except your own understanding.
"""

import jax, jax.numpy as jnp
import numpy as np

N_ATOMS = 10000
N_BONDS = 320000
MAX_NB = 32
ATOM_FDIM = 128
BOND_FDIM = 144
HIDDEN = 128
N_MOLS = 512
DEPTH = 3


def setup_inputs(seed: int = 0) -> dict:
    key = jax.random.key(seed)
    ks = jax.random.split(key, 10)
    f_atoms = jax.random.normal(ks[0], (N_ATOMS, ATOM_FDIM), dtype=jnp.float32)
    f_bonds = jax.random.normal(ks[1], (N_BONDS, BOND_FDIM), dtype=jnp.float32)
    a2b = jax.random.randint(ks[2], (N_ATOMS, MAX_NB), 0, N_BONDS)
    b2a = jax.random.randint(ks[3], (N_BONDS,), 0, N_ATOMS)
    b2revb = jax.random.randint(ks[4], (N_BONDS,), 0, N_BONDS)
    segment_ids = jnp.sort(jax.random.randint(ks[5], (N_ATOMS,), 0, N_MOLS))
    W_i = jax.random.normal(ks[6], (BOND_FDIM, HIDDEN), dtype=jnp.float32) * (1.0 / np.sqrt(BOND_FDIM))
    W_h = jax.random.normal(ks[7], (HIDDEN, HIDDEN), dtype=jnp.float32) * (1.0 / np.sqrt(HIDDEN))
    W_o = jax.random.normal(ks[8], (ATOM_FDIM + HIDDEN, HIDDEN), dtype=jnp.float32) * (1.0 / np.sqrt(ATOM_FDIM + HIDDEN))
    b_o = jnp.zeros((HIDDEN,), dtype=jnp.float32)
    return {"f_atoms": f_atoms, "f_bonds": f_bonds, "a2b": a2b, "b2a": b2a,
            "b2revb": b2revb, "segment_ids": segment_ids,
            "W_i": W_i, "W_h": W_h, "W_o": W_o, "b_o": b_o}


def reference(f_atoms, f_bonds, a2b, b2a, b2revb, segment_ids, W_i, W_h, W_o, b_o):
    # W_i: bond-message input projection (bias=False, atom_messages=False)
    inp = f_bonds @ W_i                         # [N_BONDS, HIDDEN]
    message = jax.nn.relu(inp)
    for _ in range(DEPTH - 1):
        # index_select_ND(message, a2b): gather incoming bond messages per atom
        nei_a_message = message[a2b]            # [N_ATOMS, MAX_NB, HIDDEN]
        a_message = nei_a_message.sum(axis=1)   # [N_ATOMS, HIDDEN]
        rev_message = message[b2revb]           # [N_BONDS, HIDDEN]
        message = a_message[b2a] - rev_message  # [N_BONDS, HIDDEN]
        message = message @ W_h
        message = jax.nn.relu(inp + message)    # dropout p=0.0
    nei_a_message = message[a2b]                # [N_ATOMS, MAX_NB, HIDDEN]
    a_message = nei_a_message.sum(axis=1)       # [N_ATOMS, HIDDEN]
    a_input = jnp.concatenate([f_atoms, a_message], axis=1)
    atom_hiddens = jax.nn.relu(a_input @ W_o + b_o)  # [N_ATOMS, HIDDEN]
    # a_scope mean-pool per molecule, expressed as a segment mean
    sums = jax.ops.segment_sum(atom_hiddens, segment_ids, num_segments=N_MOLS)
    counts = jax.ops.segment_sum(jnp.ones((N_ATOMS,), jnp.float32), segment_ids, num_segments=N_MOLS)
    mol_vecs = sums / jnp.maximum(counts, 1.0)[:, None]  # empty mol -> zero vector
    return mol_vecs

if __name__ == "__main__":
    import jax
    _d = setup_inputs()
    print(jax.jit(kernel)(*tuple(_d.values())))

</pallas_src>

<mosaic_0001>
#map = affine_map<(d0, d1) -> (0, 0)>
#map1 = affine_map<(d0, d1) -> (0)>
module attributes {stable_mosaic.version = 14 : i64} {
  func.func @_gather_raw_body(%arg0: i32, %arg1: i32, %arg2: memref<320000x128xf32, #tpu.memory_space<hbm>>, %arg3: memref<320000x128xf32, #tpu.memory_space<hbm>>, %arg4: memref<327680xi32, #tpu.memory_space<hbm>>, %arg5: memref<327680x128xf32, #tpu.memory_space<hbm>>, %arg6: memref<10240xi32, #tpu.memory_space<vmem>>, %arg7: memref<64x128xf32, #tpu.memory_space<vmem>>, %arg8: memref<64x128xf32, #tpu.memory_space<vmem>>, %arg9: memref<64x128xf32, #tpu.memory_space<vmem>>, %arg10: memref<64x128xf32, #tpu.memory_space<vmem>>, %arg11: memref<64x128xf32, #tpu.memory_space<vmem>>, %arg12: memref<64x128xf32, #tpu.memory_space<vmem>>, %arg13: memref<64x128xf32, #tpu.memory_space<vmem>>, %arg14: memref<64x128xf32, #tpu.memory_space<vmem>>, %arg15: memref<64x128xf32, #tpu.memory_space<vmem>>, %arg16: memref<64x128xf32, #tpu.memory_space<vmem>>, %arg17: memref<!tpu.dma_semaphore, #tpu.memory_space<semaphore_mem>>, %arg18: memref<!tpu.dma_semaphore, #tpu.memory_space<semaphore_mem>>, %arg19: memref<!tpu.dma_semaphore, #tpu.memory_space<semaphore_mem>>, %arg20: memref<!tpu.dma_semaphore, #tpu.memory_space<semaphore_mem>>, %arg21: memref<!tpu.dma_semaphore, #tpu.memory_space<semaphore_mem>>, %arg22: memref<!tpu.dma_semaphore, #tpu.memory_space<semaphore_mem>>, %arg23: memref<!tpu.dma_semaphore, #tpu.memory_space<semaphore_mem>>, %arg24: memref<!tpu.dma_semaphore, #tpu.memory_space<semaphore_mem>>, %arg25: memref<!tpu.dma_semaphore, #tpu.memory_space<semaphore_mem>>, %arg26: memref<!tpu.dma_semaphore, #tpu.memory_space<semaphore_mem>>) attributes {dimension_semantics = [#tpu.dimension_semantics<core_parallel>, #tpu.dimension_semantics<subcore_parallel>], iteration_bounds = array<i64: 2, 16>, scalar_prefetch = 0 : i64, scratch_operands = 21 : i64, tpu.core_type = #tpu.core_type<sc_vector_subcore>, window_params = [{transform_indices = #map}, {transform_indices = #map}, {transform_indices = #map1}, {transform_indices = #map}]} {
    %mul3A = arith.constant 2 : i32
    %mul3A_0 = arith.muli %arg1, %mul3A : i32
    %add3A = arith.addi %mul3A_0, %arg0 : i32
    %mul3A_1 = arith.constant 10240 : i32
    %mul3A_2 = arith.muli %add3A, %mul3A_1 : i32
    "tpu.region"() ({
      %run_scoped3A = tpu.sem_alloc : memref<!tpu.dma_semaphore, #tpu.memory_space<semaphore_mem>>
      %dma_start3A_61 = tpu.memref_slice %arg4[%mul3A_2] : memref<327680xi32, #tpu.memory_space<hbm>> -> memref<10240xi32, #tpu.memory_space<hbm>>
      %dma_start3A_62 = tpu.memref_slice %arg4[%mul3A_2] : memref<327680xi32, #tpu.memory_space<hbm>> -> memref<10240xi32, #tpu.memory_space<hbm>>
      tpu.enqueue_dma source(%dma_start3A_62 : memref<10240xi32, #tpu.memory_space<hbm>>) target(%arg6 : memref<10240xi32, #tpu.memory_space<vmem>>) target_semaphore(%run_scoped3A : memref<!tpu.dma_semaphore, #tpu.memory_space<semaphore_mem>>)
      %dma_wait3A_63 = tpu.memref_slice %arg4[%mul3A_2] : memref<327680xi32, #tpu.memory_space<hbm>> -> memref<10240xi32, #tpu.memory_space<hbm>>
      %dma_wait3A_64 = tpu.memref_slice %arg4[%mul3A_2] : memref<327680xi32, #tpu.memory_space<hbm>> -> memref<10240xi32, #tpu.memory_space<hbm>>
      tpu.wait_dma2 semaphore(%run_scoped3A : memref<!tpu.dma_semaphore, #tpu.memory_space<semaphore_mem>>) src(%dma_wait3A_64 : memref<10240xi32, #tpu.memory_space<hbm>>) dst(%arg6 : memref<10240xi32, #tpu.memory_space<vmem>>)
      tpu.yield
    }) : () -> ()
    %dma_start3A = arith.constant 0 : i32
    %dma_start3A_3 = tpu.memref_slice %arg6[%dma_start3A] : memref<10240xi32, #tpu.memory_space<vmem>> -> memref<64xi32, #tpu.memory_space<vmem>>
    %dma_start3A_4 = arith.constant 0 : i32
    %dma_start3A_5 = arith.constant 0 : i32
    %dma_start3A_6 = tpu.memref_slice %arg2[%dma_start3A_4, %dma_start3A_5] : memref<320000x128xf32, #tpu.memory_space<hbm>> -> memref<320000x128xf32, #tpu.memory_space<hbm>>
    tpu.enqueue_indirect_dma source(%dma_start3A_6 : memref<320000x128xf32, #tpu.memory_space<hbm>>) target(%arg7 : memref<64x128xf32, #tpu.memory_space<vmem>>) offsets(%dma_start3A_3 : memref<64xi32, #tpu.memory_space<vmem>>) semaphore(%arg17 : memref<!tpu.dma_semaphore, #tpu.memory_space<semaphore_mem>>)
    %dma_start3A_7 = arith.constant 64 : i32
    %dma_start3A_8 = tpu.memref_slice %arg6[%dma_start3A_7] : memref<10240xi32, #tpu.memory_space<vmem>> -> memref<64xi32, #tpu.memory_space<vmem>>
    %dma_start3A_9 = arith.constant 0 : i32
    %dma_start3A_10 = arith.constant 0 : i32
    %dma_start3A_11 = tpu.memref_slice %arg3[%dma_start3A_9, %dma_start3A_10] : memref<320000x128xf32, #tpu.memory_space<hbm>> -> memref<320000x128xf32, #tpu.memory_space<hbm>>
    tpu.enqueue_indirect_dma source(%dma_start3A_11 : memref<320000x128xf32, #tpu.memory_space<hbm>>) target(%arg12 : memref<64x128xf32, #tpu.memory_space<vmem>>) offsets(%dma_start3A_8 : memref<64xi32, #tpu.memory_space<vmem>>) semaphore(%arg17 : memref<!tpu.dma_semaphore, #tpu.memory_space<semaphore_mem>>)
    %dma_start3A_12 = arith.constant 128 : i32
    %dma_start3A_13 = tpu.memref_slice %arg6[%dma_start3A_12] : memref<10240xi32, #tpu.memory_space<vmem>> -> memref<64xi32, #tpu.memory_space<vmem>>
    %dma_start3A_14 = arith.constant 0 : i32
    %dma_start3A_15 = arith.constant 0 : i32
    %dma_start3A_16 = tpu.memref_slice %arg2[%dma_start3A_14, %dma_start3A_15] : memref<320000x128xf32, #tpu.memory_space<hbm>> -> memref<320000x128xf32, #tpu.memory_space<hbm>>
    tpu.enqueue_indirect_dma source(%dma_start3A_16 : memref<320000x128xf32, #tpu.memory_space<hbm>>) target(%arg8 : memref<64x128xf32, #tpu.memory_space<vmem>>) offsets(%dma_start3A_13 : memref<64xi32, #tpu.memory_space<vmem>>) semaphore(%arg18 : memref<!tpu.dma_semaphore, #tpu.memory_space<semaphore_mem>>)
    %dma_start3A_17 = arith.constant 192 : i32
    %dma_start3A_18 = tpu.memref_slice %arg6[%dma_start3A_17] : memref<10240xi32, #tpu.memory_space<vmem>> -> memref<64xi32, #tpu.memory_space<vmem>>
    %dma_start3A_19 = arith.constant 0 : i32
    %dma_start3A_20 = arith.constant 0 : i32
    %dma_start3A_21 = tpu.memref_slice %arg3[%dma_start3A_19, %dma_start3A_20] : memref<320000x128xf32, #tpu.memory_space<hbm>> -> memref<320000x128xf32, #tpu.memory_space<hbm>>
    tpu.enqueue_indirect_dma source(%dma_start3A_21 : memref<320000x128xf32, #tpu.memory_space<hbm>>) target(%arg13 : memref<64x128xf32, #tpu.memory_space<vmem>>) offsets(%dma_start3A_18 : memref<64xi32, #tpu.memory_space<vmem>>) semaphore(%arg18 : memref<!tpu.dma_semaphore, #tpu.memory_space<semaphore_mem>>)
    %dma_start3A_22 = arith.constant 256 : i32
    %dma_start3A_23 = tpu.memref_slice %arg6[%dma_start3A_22] : memref<10240xi32, #tpu.memory_space<vmem>> -> memref<64xi32, #tpu.memory_space<vmem>>
    %dma_start3A_24 = arith.constant 0 : i32
    %dma_start3A_25 = arith.constant 0 : i32
    %dma_start3A_26 = tpu.memref_slice %arg2[%dma_start3A_24, %dma_start3A_25] : memref<320000x128xf32, #tpu.memory_space<hbm>> -> memref<320000x128xf32, #tpu.memory_space<hbm>>
    tpu.enqueue_indirect_dma source(%dma_start3A_26 : memref<320000x128xf32, #tpu.memory_space<hbm>>) target(%arg9 : memref<64x128xf32, #tpu.memory_space<vmem>>) offsets(%dma_start3A_23 : memref<64xi32, #tpu.memory_space<vmem>>) semaphore(%arg19 : memref<!tpu.dma_semaphore, #tpu.memory_space<semaphore_mem>>)
    %dma_start3A_27 = arith.constant 320 : i32
    %dma_start3A_28 = tpu.memref_slice %arg6[%dma_start3A_27] : memref<10240xi32, #tpu.memory_space<vmem>> -> memref<64xi32, #tpu.memory_space<vmem>>
    %dma_start3A_29 = arith.constant 0 : i32
    %dma_start3A_30 = arith.constant 0 : i32
    %dma_start3A_31 = tpu.memref_slice %arg3[%dma_start3A_29, %dma_start3A_30] : memref<320000x128xf32, #tpu.memory_space<hbm>> -> memref<320000x128xf32, #tpu.memory_space<hbm>>
    tpu.enqueue_indirect_dma source(%dma_start3A_31 : memref<320000x128xf32, #tpu.memory_space<hbm>>) target(%arg14 : memref<64x128xf32, #tpu.memory_space<vmem>>) offsets(%dma_start3A_28 : memref<64xi32, #tpu.memory_space<vmem>>) semaphore(%arg19 : memref<!tpu.dma_semaphore, #tpu.memory_space<semaphore_mem>>)
    %scan3A = arith.constant 0 : i32
    %scan3A_32 = arith.constant 0 : i32
    %scan3A_33 = arith.constant 16 : i32
    %scan3A_34 = arith.addi %scan3A_32, %scan3A_33 : i32
    %scan3A_35 = arith.constant 1 : i32
    %scan3A_36 = scf.for %scan3A_61 = %scan3A_32 to %scan3A_34 step %scan3A_35 iter_args(%scan3A_62 = %scan3A) -> (i32)  : i32 {
      %mul3A_63 = arith.constant 5 : i32
      %mul3A_64 = arith.muli %mul3A_63, %scan3A_61 : i32
      %add3A_65 = arith.constant 0 : i32
      %add3A_66 = arith.addi %mul3A_64, %add3A_65 : i32
      %mul3A_67 = arith.constant 2 : i32
      %mul3A_68 = arith.muli %add3A_66, %mul3A_67 : i32
      %mul3A_69 = arith.constant 64 : i32
      %mul3A_70 = arith.muli %mul3A_68, %mul3A_69 : i32
      %add3A_71 = arith.constant 64 : i32
      %add3A_72 = arith.addi %mul3A_70, %add3A_71 : i32
      %dma_wait3A_73 = tpu.memref_slice %arg6[%mul3A_70] : memref<10240xi32, #tpu.memory_space<vmem>> -> memref<64xi32, #tpu.memory_space<vmem>>
      %dma_wait3A_74 = arith.constant 0 : i32
      %dma_wait3A_75 = arith.constant 0 : i32
      %dma_wait3A_76 = tpu.memref_slice %arg2[%dma_wait3A_74, %dma_wait3A_75] : memref<320000x128xf32, #tpu.memory_space<hbm>> -> memref<320000x128xf32, #tpu.memory_space<hbm>>
      tpu.wait_indirect_dma semaphore(%arg17 : memref<!tpu.dma_semaphore, #tpu.memory_space<semaphore_mem>>) src(%dma_wait3A_76 : memref<320000x128xf32, #tpu.memory_space<hbm>>) dst(%arg7 : memref<64x128xf32, #tpu.memory_space<vmem>>)
      %dma_wait3A_77 = tpu.memref_slice %arg6[%add3A_72] : memref<10240xi32, #tpu.memory_space<vmem>> -> memref<64xi32, #tpu.memory_space<vmem>>
      %dma_wait3A_78 = arith.constant 0 : i32
      %dma_wait3A_79 = arith.constant 0 : i32
      %dma_wait3A_80 = tpu.memref_slice %arg3[%dma_wait3A_78, %dma_wait3A_79] : memref<320000x128xf32, #tpu.memory_space<hbm>> -> memref<320000x128xf32, #tpu.memory_space<hbm>>
      tpu.wait_indirect_dma semaphore(%arg17 : memref<!tpu.dma_semaphore, #tpu.memory_space<semaphore_mem>>) src(%dma_wait3A_80 : memref<320000x128xf32, #tpu.memory_space<hbm>>) dst(%arg12 : memref<64x128xf32, #tpu.memory_space<vmem>>)
      %mul3A_81 = arith.constant 2 : i32
      %mul3A_82 = arith.muli %add3A_66, %mul3A_81 : i32
      %mul3A_83 = arith.constant 64 : i32
      %mul3A_84 = arith.muli %mul3A_82, %mul3A_83 : i32
      %add3A_85 = arith.addi %mul3A_2, %mul3A_84 : i32
      %add3A_86 = arith.constant 64 : i32
      %add3A_87 = arith.addi %add3A_85, %add3A_86 : i32
      %dma_start3A_88 = arith.constant 0 : i32
      %dma_start3A_89 = tpu.memref_slice %arg5[%add3A_85, %dma_start3A_88] : memref<327680x128xf32, #tpu.memory_space<hbm>> -> memref<64x128xf32, #tpu.memory_space<hbm>>
      %dma_start3A_90 = arith.constant 0 : i32
      %dma_start3A_91 = tpu.memref_slice %arg5[%add3A_85, %dma_start3A_90] : memref<327680x128xf32, #tpu.memory_space<hbm>> -> memref<64x128xf32, #tpu.memory_space<hbm>>
      tpu.enqueue_dma source(%arg7 : memref<64x128xf32, #tpu.memory_space<vmem>>) target(%dma_start3A_91 : memref<64x128xf32, #tpu.memory_space<hbm>>) target_semaphore(%arg22 : memref<!tpu.dma_semaphore, #tpu.memory_space<semaphore_mem>>)
      %dma_start3A_92 = arith.constant 0 : i32
      %dma_start3A_93 = tpu.memref_slice %arg5[%add3A_87, %dma_start3A_92] : memref<327680x128xf32, #tpu.memory_space<hbm>> -> memref<64x128xf32, #tpu.memory_space<hbm>>
      %dma_start3A_94 = arith.constant 0 : i32
      %dma_start3A_95 = tpu.memref_slice %arg5[%add3A_87, %dma_start3A_94] : memref<327680x128xf32, #tpu.memory_space<hbm>> -> memref<64x128xf32, #tpu.memory_space<hbm>>
      tpu.enqueue_dma source(%arg12 : memref<64x128xf32, #tpu.memory_space<vmem>>) target(%dma_start3A_95 : memref<64x128xf32, #tpu.memory_space<hbm>>) target_semaphore(%arg22 : memref<!tpu.dma_semaphore, #tpu.memory_space<semaphore_mem>>)
      %add3A_96 = arith.constant 3 : i32
      %add3A_97 = arith.addi %add3A_66, %add3A_96 : i32
      %ge3A = arith.constant 5 : i32
      %ge3A_98 = arith.cmpi sge, %add3A_97, %ge3A : i32
      %convert_element_type3A = arith.extui %ge3A_98 : i1 to i32
      %cond3A = arith.constant 0 : i32
      %cond3A_99 = arith.cmpi ne, %convert_element_type3A, %cond3A : i32
      scf.if %cond3A_99 {
        %sub3A = arith.constant 5 : i32
        %sub3A_285 = arith.subi %add3A_97, %sub3A : i32
        %mul3A_286 = arith.constant 2 : i32
        %mul3A_287 = arith.muli %sub3A_285, %mul3A_286 : i32
        %mul3A_288 = arith.constant 64 : i32
        %mul3A_289 = arith.muli %mul3A_287, %mul3A_288 : i32
        %add3A_290 = arith.addi %mul3A_2, %mul3A_289 : i32
        %add3A_291 = arith.constant 64 : i32
        %add3A_292 = arith.addi %add3A_290, %add3A_291 : i32
        %dma_wait3A_293 = arith.constant 0 : i32
        %dma_wait3A_294 = tpu.memref_slice %arg5[%add3A_290, %dma_wait3A_293] : memref<327680x128xf32, #tpu.memory_space<hbm>> -> memref<64x128xf32, #tpu.memory_space<hbm>>
        %dma_wait3A_295 = arith.constant 0 : i32
        %dma_wait3A_296 = tpu.memref_slice %arg5[%add3A_290, %dma_wait3A_295] : memref<327680x128xf32, #tpu.memory_space<hbm>> -> memref<64x128xf32, #tpu.memory_space<hbm>>
        tpu.wait_dma2 semaphore(%arg25 : memref<!tpu.dma_semaphore, #tpu.memory_space<semaphore_mem>>) src(%arg10 : memref<64x128xf32, #tpu.memory_space<vmem>>) dst(%dma_wait3A_296 : memref<64x128xf32, #tpu.memory_space<hbm>>)
        %dma_wait3A_297 = arith.constant 0 : i32
        %dma_wait3A_298 = tpu.memref_slice %arg5[%add3A_292, %dma_wait3A_297] : memref<327680x128xf32, #tpu.memory_space<hbm>> -> memref<64x128xf32, #tpu.memory_space<hbm>>
        %dma_wait3A_299 = arith.constant 0 : i32
        %dma_wait3A_300 = tpu.memref_slice %arg5[%add3A_292, %dma_wait3A_299] : memref<327680x128xf32, #tpu.memory_space<hbm>> -> memref<64x128xf32, #tpu.memory_space<hbm>>
        tpu.wait_dma2 semaphore(%arg25 : memref<!tpu.dma_semaphore, #tpu.memory_space<semaphore_mem>>) src(%arg15 : memref<64x128xf32, #tpu.memory_space<vmem>>) dst(%dma_wait3A_300 : memref<64x128xf32, #tpu.memory_space<hbm>>)
      } else {
      }
      %lt3A = arith.constant 80 : i32
      %lt3A_100 = arith.cmpi slt, %add3A_97, %lt3A : i32
      %convert_element_type3A_101 = arith.extui %lt3A_100 : i1 to i32
      %cond3A_102 = arith.constant 0 : i32
      %cond3A_103 = arith.cmpi ne, %convert_element_type3A_101, %cond3A_102 : i32
      scf.if %cond3A_103 {
        %mul3A_285 = arith.constant 2 : i32
        %mul3A_286 = arith.muli %add3A_97, %mul3A_285 : i32
        %mul3A_287 = arith.constant 64 : i32
        %mul3A_288 = arith.muli %mul3A_286, %mul3A_287 : i32
        %add3A_289 = arith.constant 64 : i32
        %add3A_290 = arith.addi %mul3A_288, %add3A_289 : i32
        %dma_start3A_291 = tpu.memref_slice %arg6[%mul3A_288] : memref<10240xi32, #tpu.memory_space<vmem>> -> memref<64xi32, #tpu.memory_space<vmem>>
        %dma_start3A_292 = arith.constant 0 : i32
        %dma_start3A_293 = arith.constant 0 : i32
        %dma_start3A_294 = tpu.memref_slice %arg2[%dma_start3A_292, %dma_start3A_293] : memref<320000x128xf32, #tpu.memory_space<hbm>> -> memref<320000x128xf32, #tpu.memory_space<hbm>>
        tpu.enqueue_indirect_dma source(%dma_start3A_294 : memref<320000x128xf32, #tpu.memory_space<hbm>>) target(%arg10 : memref<64x128xf32, #tpu.memory_space<vmem>>) offsets(%dma_start3A_291 : memref<64xi32, #tpu.memory_space<vmem>>) semaphore(%arg20 : memref<!tpu.dma_semaphore, #tpu.memory_space<semaphore_mem>>)
        %dma_start3A_295 = tpu.memref_slice %arg6[%add3A_290] : memref<10240xi32, #tpu.memory_space<vmem>> -> memref<64xi32, #tpu.memory_space<vmem>>
        %dma_start3A_296 = arith.constant 0 : i32
        %dma_start3A_297 = arith.constant 0 : i32
        %dma_start3A_298 = tpu.memref_slice %arg3[%dma_start3A_296, %dma_start3A_297] : memref<320000x128xf32, #tpu.memory_space<hbm>> -> memref<320000x128xf32, #tpu.memory_space<hbm>>
        tpu.enqueue_indirect_dma source(%dma_start3A_298 : memref<320000x128xf32, #tpu.memory_space<hbm>>) target(%arg15 : memref<64x128xf32, #tpu.memory_space<vmem>>) offsets(%dma_start3A_295 : memref<64xi32, #tpu.memory_space<vmem>>) semaphore(%arg20 : memref<!tpu.dma_semaphore, #tpu.memory_space<semaphore_mem>>)
      } else {
      }
      %mul3A_104 = arith.constant 5 : i32
      %mul3A_105 = arith.muli %mul3A_104, %scan3A_61 : i32
      %add3A_106 = arith.constant 1 : i32
      %add3A_107 = arith.addi %mul3A_105, %add3A_106 : i32
      %mul3A_108 = arith.constant 2 : i32
      %mul3A_109 = arith.muli %add3A_107, %mul3A_108 : i32
      %mul3A_110 = arith.constant 64 : i32
      %mul3A_111 = arith.muli %mul3A_109, %mul3A_110 : i32
      %add3A_112 = arith.constant 64 : i32
      %add3A_113 = arith.addi %mul3A_111, %add3A_112 : i32
      %dma_wait3A_114 = tpu.memref_slice %arg6[%mul3A_111] : memref<10240xi32, #tpu.memory_space<vmem>> -> memref<64xi32, #tpu.memory_space<vmem>>
      %dma_wait3A_115 = arith.constant 0 : i32
      %dma_wait3A_116 = arith.constant 0 : i32
      %dma_wait3A_117 = tpu.memref_slice %arg2[%dma_wait3A_115, %dma_wait3A_116] : memref<320000x128xf32, #tpu.memory_space<hbm>> -> memref<320000x128xf32, #tpu.memory_space<hbm>>
      tpu.wait_indirect_dma semaphore(%arg18 : memref<!tpu.dma_semaphore, #tpu.memory_space<semaphore_mem>>) src(%dma_wait3A_117 : memref<320000x128xf32, #tpu.memory_space<hbm>>) dst(%arg8 : memref<64x128xf32, #tpu.memory_space<vmem>>)
      %dma_wait3A_118 = tpu.memref_slice %arg6[%add3A_113] : memref<10240xi32, #tpu.memory_space<vmem>> -> memref<64xi32, #tpu.memory_space<vmem>>
      %dma_wait3A_119 = arith.constant 0 : i32
      %dma_wait3A_120 = arith.constant 0 : i32
      %dma_wait3A_121 = tpu.memref_slice %arg3[%dma_wait3A_119, %dma_wait3A_120] : memref<320000x128xf32, #tpu.memory_space<hbm>> -> memref<320000x128xf32, #tpu.memory_space<hbm>>
      tpu.wait_indirect_dma semaphore(%arg18 : memref<!tpu.dma_semaphore, #tpu.memory_space<semaphore_mem>>) src(%dma_wait3A_121 : memref<320000x128xf32, #tpu.memory_space<hbm>>) dst(%arg13 : memref<64x128xf32, #tpu.memory_space<vmem>>)
      %mul3A_122 = arith.constant 2 : i32
      %mul3A_123 = arith.muli %add3A_107, %mul3A_122 : i32
      %mul3A_124 = arith.constant 64 : i32
      %mul3A_125 = arith.muli %mul3A_123, %mul3A_124 : i32
      %add3A_126 = arith.addi %mul3A_2, %mul3A_125 : i32
      %add3A_127 = arith.constant 64 : i32
      %add3A_128 = arith.addi %add3A_126, %add3A_127 : i32
      %dma_start3A_129 = arith.constant 0 : i32
      %dma_start3A_130 = tpu.memref_slice %arg5[%add3A_126, %dma_start3A_129] : memref<327680x128xf32, #tpu.memory_space<hbm>> -> memref<64x128xf32, #tpu.memory_space<hbm>>
      %dma_start3A_131 = arith.constant 0 : i32
      %dma_start3A_132 = tpu.memref_slice %arg5[%add3A_126, %dma_start3A_131] : memref<327680x128xf32, #tpu.memory_space<hbm>> -> memref<64x128xf32, #tpu.memory_space<hbm>>
      tpu.enqueue_dma source(%arg8 : memref<64x128xf32, #tpu.memory_space<vmem>>) target(%dma_start3A_132 : memref<64x128xf32, #tpu.memory_space<hbm>>) target_semaphore(%arg23 : memref<!tpu.dma_semaphore, #tpu.memory_space<semaphore_mem>>)
      %dma_start3A_133 = arith.constant 0 : i32
      %dma_start3A_134 = tpu.memref_slice %arg5[%add3A_128, %dma_start3A_133] : memref<327680x128xf32, #tpu.memory_space<hbm>> -> memref<64x128xf32, #tpu.memory_space<hbm>>
      %dma_start3A_135 = arith.constant 0 : i32
      %dma_start3A_136 = tpu.memref_slice %arg5[%add3A_128, %dma_start3A_135] : memref<327680x128xf32, #tpu.memory_space<hbm>> -> memref<64x128xf32, #tpu.memory_space<hbm>>
      tpu.enqueue_dma source(%arg13 : memref<64x128xf32, #tpu.memory_space<vmem>>) target(%dma_start3A_136 : memref<64x128xf32, #tpu.memory_space<hbm>>) target_semaphore(%arg23 : memref<!tpu.dma_semaphore, #tpu.memory_space<semaphore_mem>>)
      %add3A_137 = arith.constant 3 : i32
      %add3A_138 = arith.addi %add3A_107, %add3A_137 : i32
      %ge3A_139 = arith.constant 5 : i32
      %ge3A_140 = arith.cmpi sge, %add3A_138, %ge3A_139 : i32
      %convert_element_type3A_141 = arith.extui %ge3A_140 : i1 to i32
      %cond3A_142 = arith.constant 0 : i32
      %cond3A_143 = arith.cmpi ne, %convert_element_type3A_141, %cond3A_142 : i32
      scf.if %cond3A_143 {
        %sub3A = arith.constant 5 : i32
        %sub3A_285 = arith.subi %add3A_138, %sub3A : i32
        %mul3A_286 = arith.constant 2 : i32
        %mul3A_287 = arith.muli %sub3A_285, %mul3A_286 : i32
        %mul3A_288 = arith.constant 64 : i32
        %mul3A_289 = arith.muli %mul3A_287, %mul3A_288 : i32
        %add3A_290 = arith.addi %mul3A_2, %mul3A_289 : i32
        %add3A_291 = arith.constant 64 : i32
        %add3A_292 = arith.addi %add3A_290, %add3A_291 : i32
        %dma_wait3A_293 = arith.constant 0 : i32
        %dma_wait3A_294 = tpu.memref_slice %arg5[%add3A_290, %dma_wait3A_293] : memref<327680x128xf32, #tpu.memory_space<hbm>> -> memref<64x128xf32, #tpu.memory_space<hbm>>
        %dma_wait3A_295 = arith.constant 0 : i32
        %dma_wait3A_296 = tpu.memref_slice %arg5[%add3A_290, %dma_wait3A_295] : memref<327680x128xf32, #tpu.memory_space<hbm>> -> memref<64x128xf32, #tpu.memory_space<hbm>>
        tpu.wait_dma2 semaphore(%arg26 : memref<!tpu.dma_semaphore, #tpu.memory_space<semaphore_mem>>) src(%arg11 : memref<64x128xf32, #tpu.memory_space<vmem>>) dst(%dma_wait3A_296 : memref<64x128xf32, #tpu.memory_space<hbm>>)
        %dma_wait3A_297 = arith.constant 0 : i32
        %dma_wait3A_298 = tpu.memref_slice %arg5[%add3A_292, %dma_wait3A_297] : memref<327680x128xf32, #tpu.memory_space<hbm>> -> memref<64x128xf32, #tpu.memory_space<hbm>>
        %dma_wait3A_299 = arith.constant 0 : i32
        %dma_wait3A_300 = tpu.memref_slice %arg5[%add3A_292, %dma_wait3A_299] : memref<327680x128xf32, #tpu.memory_space<hbm>> -> memref<64x128xf32, #tpu.memory_space<hbm>>
        tpu.wait_dma2 semaphore(%arg26 : memref<!tpu.dma_semaphore, #tpu.memory_space<semaphore_mem>>) src(%arg16 : memref<64x128xf32, #tpu.memory_space<vmem>>) dst(%dma_wait3A_300 : memref<64x128xf32, #tpu.memory_space<hbm>>)
      } else {
      }
      %lt3A_144 = arith.constant 80 : i32
      %lt3A_145 = arith.cmpi slt, %add3A_138, %lt3A_144 : i32
      %convert_element_type3A_146 = arith.extui %lt3A_145 : i1 to i32
      %cond3A_147 = arith.constant 0 : i32
      %cond3A_148 = arith.cmpi ne, %convert_element_type3A_146, %cond3A_147 : i32
      scf.if %cond3A_148 {
        %mul3A_285 = arith.constant 2 : i32
        %mul3A_286 = arith.muli %add3A_138, %mul3A_285 : i32
        %mul3A_287 = arith.constant 64 : i32
        %mul3A_288 = arith.muli %mul3A_286, %mul3A_287 : i32
        %add3A_289 = arith.constant 64 : i32
        %add3A_290 = arith.addi %mul3A_288, %add3A_289 : i32
        %dma_start3A_291 = tpu.memref_slice %arg6[%mul3A_288] : memref<10240xi32, #tpu.memory_space<vmem>> -> memref<64xi32, #tpu.memory_space<vmem>>
        %dma_start3A_292 = arith.constant 0 : i32
        %dma_start3A_293 = arith.constant 0 : i32
        %dma_start3A_294 = tpu.memref_slice %arg2[%dma_start3A_292, %dma_start3A_293] : memref<320000x128xf32, #tpu.memory_space<hbm>> -> memref<320000x128xf32, #tpu.memory_space<hbm>>
        tpu.enqueue_indirect_dma source(%dma_start3A_294 : memref<320000x128xf32, #tpu.memory_space<hbm>>) target(%arg11 : memref<64x128xf32, #tpu.memory_space<vmem>>) offsets(%dma_start3A_291 : memref<64xi32, #tpu.memory_space<vmem>>) semaphore(%arg21 : memref<!tpu.dma_semaphore, #tpu.memory_space<semaphore_mem>>)
        %dma_start3A_295 = tpu.memref_slice %arg6[%add3A_290] : memref<10240xi32, #tpu.memory_space<vmem>> -> memref<64xi32, #tpu.memory_space<vmem>>
        %dma_start3A_296 = arith.constant 0 : i32
        %dma_start3A_297 = arith.constant 0 : i32
        %dma_start3A_298 = tpu.memref_slice %arg3[%dma_start3A_296, %dma_start3A_297] : memref<320000x128xf32, #tpu.memory_space<hbm>> -> memref<320000x128xf32, #tpu.memory_space<hbm>>
        tpu.enqueue_indirect_dma source(%dma_start3A_298 : memref<320000x128xf32, #tpu.memory_space<hbm>>) target(%arg16 : memref<64x128xf32, #tpu.memory_space<vmem>>) offsets(%dma_start3A_295 : memref<64xi32, #tpu.memory_space<vmem>>) semaphore(%arg21 : memref<!tpu.dma_semaphore, #tpu.memory_space<semaphore_mem>>)
      } else {
      }
      %mul3A_149 = arith.constant 5 : i32
      %mul3A_150 = arith.muli %mul3A_149, %scan3A_61 : i32
      %add3A_151 = arith.constant 2 : i32
      %add3A_152 = arith.addi %mul3A_150, %add3A_151 : i32
      %mul3A_153 = arith.constant 2 : i32
      %mul3A_154 = arith.muli %add3A_152, %mul3A_153 : i32
      %mul3A_155 = arith.constant 64 : i32
      %mul3A_156 = arith.muli %mul3A_154, %mul3A_155 : i32
      %add3A_157 = arith.constant 64 : i32
      %add3A_158 = arith.addi %mul3A_156, %add3A_157 : i32
      %dma_wait3A_159 = tpu.memref_slice %arg6[%mul3A_156] : memref<10240xi32, #tpu.memory_space<vmem>> -> memref<64xi32, #tpu.memory_space<vmem>>
      %dma_wait3A_160 = arith.constant 0 : i32
      %dma_wait3A_161 = arith.constant 0 : i32
      %dma_wait3A_162 = tpu.memref_slice %arg2[%dma_wait3A_160, %dma_wait3A_161] : memref<320000x128xf32, #tpu.memory_space<hbm>> -> memref<320000x128xf32, #tpu.memory_space<hbm>>
      tpu.wait_indirect_dma semaphore(%arg19 : memref<!tpu.dma_semaphore, #tpu.memory_space<semaphore_mem>>) src(%dma_wait3A_162 : memref<320000x128xf32, #tpu.memory_space<hbm>>) dst(%arg9 : memref<64x128xf32, #tpu.memory_space<vmem>>)
      %dma_wait3A_163 = tpu.memref_slice %arg6[%add3A_158] : memref<10240xi32, #tpu.memory_space<vmem>> -> memref<64xi32, #tpu.memory_space<vmem>>
      %dma_wait3A_164 = arith.constant 0 : i32
      %dma_wait3A_165 = arith.constant 0 : i32
      %dma_wait3A_166 = tpu.memref_slice %arg3[%dma_wait3A_164, %dma_wait3A_165] : memref<320000x128xf32, #tpu.memory_space<hbm>> -> memref<320000x128xf32, #tpu.memory_space<hbm>>
      tpu.wait_indirect_dma semaphore(%arg19 : memref<!tpu.dma_semaphore, #tpu.memory_space<semaphore_mem>>) src(%dma_wait3A_166 : memref<320000x128xf32, #tpu.memory_space<hbm>>) dst(%arg14 : memref<64x128xf32, #tpu.memory_space<vmem>>)
      %mul3A_167 = arith.constant 2 : i32
      %mul3A_168 = arith.muli %add3A_152, %mul3A_167 : i32
      %mul3A_169 = arith.constant 64 : i32
      %mul3A_170 = arith.muli %mul3A_168, %mul3A_169 : i32
      %add3A_171 = arith.addi %mul3A_2, %mul3A_170 : i32
      %add3A_172 = arith.constant 64 : i32
      %add3A_173 = arith.addi %add3A_171, %add3A_172 : i32
      %dma_start3A_174 = arith.constant 0 : i32
      %dma_start3A_175 = tpu.memref_slice %arg5[%add3A_171, %dma_start3A_174] : memref<327680x128xf32, #tpu.memory_space<hbm>> -> memref<64x128xf32, #tpu.memory_space<hbm>>
      %dma_start3A_176 = arith.constant 0 : i32
      %dma_start3A_177 = tpu.memref_slice %arg5[%add3A_171, %dma_start3A_176] : memref<327680x128xf32, #tpu.memory_space<hbm>> -> memref<64x128xf32, #tpu.memory_space<hbm>>
      tpu.enqueue_dma source(%arg9 : memref<64x128xf32, #tpu.memory_space<vmem>>) target(%dma_start3A_177 : memref<64x128xf32, #tpu.memory_space<hbm>>) target_semaphore(%arg24 : memref<!tpu.dma_semaphore, #tpu.memory_space<semaphore_mem>>)
      %dma_start3A_178 = arith.constant 0 : i32
      %dma_start3A_179 = tpu.memref_slice %arg5[%add3A_173, %dma_start3A_178] : memref<327680x128xf32, #tpu.memory_space<hbm>> -> memref<64x128xf32, #tpu.memory_space<hbm>>
      %dma_start3A_180 = arith.constant 0 : i32
      %dma_start3A_181 = tpu.memref_slice %arg5[%add3A_173, %dma_start3A_180] : memref<327680x128xf32, #tpu.memory_space<hbm>> -> memref<64x128xf32, #tpu.memory_space<hbm>>
      tpu.enqueue_dma source(%arg14 : memref<64x128xf32, #tpu.memory_space<vmem>>) target(%dma_start3A_181 : memref<64x128xf32, #tpu.memory_space<hbm>>) target_semaphore(%arg24 : memref<!tpu.dma_semaphore, #tpu.memory_space<semaphore_mem>>)
      %add3A_182 = arith.constant 3 : i32
      %add3A_183 = arith.addi %add3A_152, %add3A_182 : i32
      %ge3A_184 = arith.constant 5 : i32
      %ge3A_185 = arith.cmpi sge, %add3A_183, %ge3A_184 : i32
      %convert_element_type3A_186 = arith.extui %ge3A_185 : i1 to i32
      %cond3A_187 = arith.constant 0 : i32
      %cond3A_188 = arith.cmpi ne, %convert_element_type3A_186, %cond3A_187 : i32
      scf.if %cond3A_188 {
        %sub3A = arith.constant 5 : i32
        %sub3A_285 = arith.subi %add3A_183, %sub3A : i32
        %mul3A_286 = arith.constant 2 : i32
        %mul3A_287 = arith.muli %sub3A_285, %mul3A_286 : i32
        %mul3A_288 = arith.constant 64 : i32
        %mul3A_289 = arith.muli %mul3A_287, %mul3A_288 : i32
        %add3A_290 = arith.addi %mul3A_2, %mul3A_289 : i32
        %add3A_291 = arith.constant 64 : i32
        %add3A_292 = arith.addi %add3A_290, %add3A_291 : i32
        %dma_wait3A_293 = arith.constant 0 : i32
        %dma_wait3A_294 = tpu.memref_slice %arg5[%add3A_290, %dma_wait3A_293] : memref<327680x128xf32, #tpu.memory_space<hbm>> -> memref<64x128xf32, #tpu.memory_space<hbm>>
        %dma_wait3A_295 = arith.constant 0 : i32
        %dma_wait3A_296 = tpu.memref_slice %arg5[%add3A_290, %dma_wait3A_295] : memref<327680x128xf32, #tpu.memory_space<hbm>> -> memref<64x128xf32, #tpu.memory_space<hbm>>
        tpu.wait_dma2 semaphore(%arg22 : memref<!tpu.dma_semaphore, #tpu.memory_space<semaphore_mem>>) src(%arg7 : memref<64x128xf32, #tpu.memory_space<vmem>>) dst(%dma_wait3A_296 : memref<64x128xf32, #tpu.memory_space<hbm>>)
        %dma_wait3A_297 = arith.constant 0 : i32
        %dma_wait3A_298 = tpu.memref_slice %arg5[%add3A_292, %dma_wait3A_297] : memref<327680x128xf32, #tpu.memory_space<hbm>> -> memref<64x128xf32, #tpu.memory_space<hbm>>
        %dma_wait3A_299 = arith.constant 0 : i32
        %dma_wait3A_300 = tpu.memref_slice %arg5[%add3A_292, %dma_wait3A_299] : memref<327680x128xf32, #tpu.memory_space<hbm>> -> memref<64x128xf32, #tpu.memory_space<hbm>>
        tpu.wait_dma2 semaphore(%arg22 : memref<!tpu.dma_semaphore, #tpu.memory_space<semaphore_mem>>) src(%arg12 : memref<64x128xf32, #tpu.memory_space<vmem>>) dst(%dma_wait3A_300 : memref<64x128xf32, #tpu.memory_space<hbm>>)
      } else {
      }
      %lt3A_189 = arith.constant 80 : i32
      %lt3A_190 = arith.cmpi slt, %add3A_183, %lt3A_189 : i32
      %convert_element_type3A_191 = arith.extui %lt3A_190 : i1 to i32
      %cond3A_192 = arith.constant 0 : i32
      %cond3A_193 = arith.cmpi ne, %convert_element_type3A_191, %cond3A_192 : i32
      scf.if %cond3A_193 {
        %mul3A_285 = arith.constant 2 : i32
        %mul3A_286 = arith.muli %add3A_183, %mul3A_285 : i32
        %mul3A_287 = arith.constant 64 : i32
        %mul3A_288 = arith.muli %mul3A_286, %mul3A_287 : i32
        %add3A_289 = arith.constant 64 : i32
        %add3A_290 = arith.addi %mul3A_288, %add3A_289 : i32
        %dma_start3A_291 = tpu.memref_slice %arg6[%mul3A_288] : memref<10240xi32, #tpu.memory_space<vmem>> -> memref<64xi32, #tpu.memory_space<vmem>>
        %dma_start3A_292 = arith.constant 0 : i32
        %dma_start3A_293 = arith.constant 0 : i32
        %dma_start3A_294 = tpu.memref_slice %arg2[%dma_start3A_292, %dma_start3A_293] : memref<320000x128xf32, #tpu.memory_space<hbm>> -> memref<320000x128xf32, #tpu.memory_space<hbm>>
        tpu.enqueue_indirect_dma source(%dma_start3A_294 : memref<320000x128xf32, #tpu.memory_space<hbm>>) target(%arg7 : memref<64x128xf32, #tpu.memory_space<vmem>>) offsets(%dma_start3A_291 : memref<64xi32, #tpu.memory_space<vmem>>) semaphore(%arg17 : memref<!tpu.dma_semaphore, #tpu.memory_space<semaphore_mem>>)
        %dma_start3A_295 = tpu.memref_slice %arg6[%add3A_290] : memref<10240xi32, #tpu.memory_space<vmem>> -> memref<64xi32, #tpu.memory_space<vmem>>
        %dma_start3A_296 = arith.constant 0 : i32
        %dma_start3A_297 = arith.constant 0 : i32
        %dma_start3A_298 = tpu.memref_slice %arg3[%dma_start3A_296, %dma_start3A_297] : memref<320000x128xf32, #tpu.memory_space<hbm>> -> memref<320000x128xf32, #tpu.memory_space<hbm>>
        tpu.enqueue_indirect_dma source(%dma_start3A_298 : memref<320000x128xf32, #tpu.memory_space<hbm>>) target(%arg12 : memref<64x128xf32, #tpu.memory_space<vmem>>) offsets(%dma_start3A_295 : memref<64xi32, #tpu.memory_space<vmem>>) semaphore(%arg17 : memref<!tpu.dma_semaphore, #tpu.memory_space<semaphore_mem>>)
      } else {
      }
      %mul3A_194 = arith.constant 5 : i32
      %mul3A_195 = arith.muli %mul3A_194, %scan3A_61 : i32
      %add3A_196 = arith.constant 3 : i32
      %add3A_197 = arith.addi %mul3A_195, %add3A_196 : i32
      %mul3A_198 = arith.constant 2 : i32
      %mul3A_199 = arith.muli %add3A_197, %mul3A_198 : i32
      %mul3A_200 = arith.constant 64 : i32
      %mul3A_201 = arith.muli %mul3A_199, %mul3A_200 : i32
      %add3A_202 = arith.constant 64 : i32
      %add3A_203 = arith.addi %mul3A_201, %add3A_202 : i32
      %dma_wait3A_204 = tpu.memref_slice %arg6[%mul3A_201] : memref<10240xi32, #tpu.memory_space<vmem>> -> memref<64xi32, #tpu.memory_space<vmem>>
      %dma_wait3A_205 = arith.constant 0 : i32
      %dma_wait3A_206 = arith.constant 0 : i32
      %dma_wait3A_207 = tpu.memref_slice %arg2[%dma_wait3A_205, %dma_wait3A_206] : memref<320000x128xf32, #tpu.memory_space<hbm>> -> memref<320000x128xf32, #tpu.memory_space<hbm>>
      tpu.wait_indirect_dma semaphore(%arg20 : memref<!tpu.dma_semaphore, #tpu.memory_space<semaphore_mem>>) src(%dma_wait3A_207 : memref<320000x128xf32, #tpu.memory_space<hbm>>) dst(%arg10 : memref<64x128xf32, #tpu.memory_space<vmem>>)
      %dma_wait3A_208 = tpu.memref_slice %arg6[%add3A_203] : memref<10240xi32, #tpu.memory_space<vmem>> -> memref<64xi32, #tpu.memory_space<vmem>>
      %dma_wait3A_209 = arith.constant 0 : i32
      %dma_wait3A_210 = arith.constant 0 : i32
      %dma_wait3A_211 = tpu.memref_slice %arg3[%dma_wait3A_209, %dma_wait3A_210] : memref<320000x128xf32, #tpu.memory_space<hbm>> -> memref<320000x128xf32, #tpu.memory_space<hbm>>
      tpu.wait_indirect_dma semaphore(%arg20 : memref<!tpu.dma_semaphore, #tpu.memory_space<semaphore_mem>>) src(%dma_wait3A_211 : memref<320000x128xf32, #tpu.memory_space<hbm>>) dst(%arg15 : memref<64x128xf32, #tpu.memory_space<vmem>>)
      %mul3A_212 = arith.constant 2 : i32
      %mul3A_213 = arith.muli %add3A_197, %mul3A_212 : i32
      %mul3A_214 = arith.constant 64 : i32
      %mul3A_215 = arith.muli %mul3A_213, %mul3A_214 : i32
      %add3A_216 = arith.addi %mul3A_2, %mul3A_215 : i32
      %add3A_217 = arith.constant 64 : i32
      %add3A_218 = arith.addi %add3A_216, %add3A_217 : i32
      %dma_start3A_219 = arith.constant 0 : i32
      %dma_start3A_220 = tpu.memref_slice %arg5[%add3A_216, %dma_start3A_219] : memref<327680x128xf32, #tpu.memory_space<hbm>> -> memref<64x128xf32, #tpu.memory_space<hbm>>
      %dma_start3A_221 = arith.constant 0 : i32
      %dma_start3A_222 = tpu.memref_slice %arg5[%add3A_216, %dma_start3A_221] : memref<327680x128xf32, #tpu.memory_space<hbm>> -> memref<64x128xf32, #tpu.memory_space<hbm>>
      tpu.enqueue_dma source(%arg10 : memref<64x128xf32, #tpu.memory_space<vmem>>) target(%dma_start3A_222 : memref<64x128xf32, #tpu.memory_space<hbm>>) target_semaphore(%arg25 : memref<!tpu.dma_semaphore, #tpu.memory_space<semaphore_mem>>)
      %dma_start3A_223 = arith.constant 0 : i32
      %dma_start3A_224 = tpu.memref_slice %arg5[%add3A_218, %dma_start3A_223] : memref<327680x128xf32, #tpu.memory_space<hbm>> -> memref<64x128xf32, #tpu.memory_space<hbm>>
      %dma_start3A_225 = arith.constant 0 : i32
      %dma_start3A_226 = tpu.memref_slice %arg5[%add3A_218, %dma_start3A_225] : memref<327680x128xf32, #tpu.memory_space<hbm>> -> memref<64x128xf32, #tpu.memory_space<hbm>>
      tpu.enqueue_dma source(%arg15 : memref<64x128xf32, #tpu.memory_space<vmem>>) target(%dma_start3A_226 : memref<64x128xf32, #tpu.memory_space<hbm>>) target_semaphore(%arg25 : memref<!tpu.dma_semaphore, #tpu.memory_space<semaphore_mem>>)
      %add3A_227 = arith.constant 3 : i32
      %add3A_228 = arith.addi %add3A_197, %add3A_227 : i32
      %ge3A_229 = arith.constant 5 : i32
      %ge3A_230 = arith.cmpi sge, %add3A_228, %ge3A_229 : i32
      %convert_element_type3A_231 = arith.extui %ge3A_230 : i1 to i32
      %cond3A_232 = arith.constant 0 : i32
      %cond3A_233 = arith.cmpi ne, %convert_element_type3A_231, %cond3A_232 : i32
      scf.if %cond3A_233 {
        %sub3A = arith.constant 5 : i32
        %sub3A_285 = arith.subi %add3A_228, %sub3A : i32
        %mul3A_286 = arith.constant 2 : i32
        %mul3A_287 = arith.muli %sub3A_285, %mul3A_286 : i32
        %mul3A_288 = arith.constant 64 : i32
        %mul3A_289 = arith.muli %mul3A_287, %mul3A_288 : i32
        %add3A_290 = arith.addi %mul3A_2, %mul3A_289 : i32
        %add3A_291 = arith.constant 64 : i32
        %add3A_292 = arith.addi %add3A_290, %add3A_291 : i32
        %dma_wait3A_293 = arith.constant 0 : i32
        %dma_wait3A_294 = tpu.memref_slice %arg5[%add3A_290, %dma_wait3A_293] : memref<327680x128xf32, #tpu.memory_space<hbm>> -> memref<64x128xf32, #tpu.memory_space<hbm>>
        %dma_wait3A_295 = arith.constant 0 : i32
        %dma_wait3A_296 = tpu.memref_slice %arg5[%add3A_290, %dma_wait3A_295] : memref<327680x128xf32, #tpu.memory_space<hbm>> -> memref<64x128xf32, #tpu.memory_space<hbm>>
        tpu.wait_dma2 semaphore(%arg23 : memref<!tpu.dma_semaphore, #tpu.memory_space<semaphore_mem>>) src(%arg8 : memref<64x128xf32, #tpu.memory_space<vmem>>) dst(%dma_wait3A_296 : memref<64x128xf32, #tpu.memory_space<hbm>>)
        %dma_wait3A_297 = arith.constant 0 : i32
        %dma_wait3A_298 = tpu.memref_slice %arg5[%add3A_292, %dma_wait3A_297] : memref<327680x128xf32, #tpu.memory_space<hbm>> -> memref<64x128xf32, #tpu.memory_space<hbm>>
        %dma_wait3A_299 = arith.constant 0 : i32
        %dma_wait3A_300 = tpu.memref_slice %arg5[%add3A_292, %dma_wait3A_299] : memref<327680x128xf32, #tpu.memory_space<hbm>> -> memref<64x128xf32, #tpu.memory_space<hbm>>
        tpu.wait_dma2 semaphore(%arg23 : memref<!tpu.dma_semaphore, #tpu.memory_space<semaphore_mem>>) src(%arg13 : memref<64x128xf32, #tpu.memory_space<vmem>>) dst(%dma_wait3A_300 : memref<64x128xf32, #tpu.memory_space<hbm>>)
      } else {
      }
      %lt3A_234 = arith.constant 80 : i32
      %lt3A_235 = arith.cmpi slt, %add3A_228, %lt3A_234 : i32
      %convert_element_type3A_236 = arith.extui %lt3A_235 : i1 to i32
      %cond3A_237 = arith.constant 0 : i32
      %cond3A_238 = arith.cmpi ne, %convert_element_type3A_236, %cond3A_237 : i32
      scf.if %cond3A_238 {
        %mul3A_285 = arith.constant 2 : i32
        %mul3A_286 = arith.muli %add3A_228, %mul3A_285 : i32
        %mul3A_287 = arith.constant 64 : i32
        %mul3A_288 = arith.muli %mul3A_286, %mul3A_287 : i32
        %add3A_289 = arith.constant 64 : i32
        %add3A_290 = arith.addi %mul3A_288, %add3A_289 : i32
        %dma_start3A_291 = tpu.memref_slice %arg6[%mul3A_288] : memref<10240xi32, #tpu.memory_space<vmem>> -> memref<64xi32, #tpu.memory_space<vmem>>
        %dma_start3A_292 = arith.constant 0 : i32
        %dma_start3A_293 = arith.constant 0 : i32
        %dma_start3A_294 = tpu.memref_slice %arg2[%dma_start3A_292, %dma_start3A_293] : memref<320000x128xf32, #tpu.memory_space<hbm>> -> memref<320000x128xf32, #tpu.memory_space<hbm>>
        tpu.enqueue_indirect_dma source(%dma_start3A_294 : memref<320000x128xf32, #tpu.memory_space<hbm>>) target(%arg8 : memref<64x128xf32, #tpu.memory_space<vmem>>) offsets(%dma_start3A_291 : memref<64xi32, #tpu.memory_space<vmem>>) semaphore(%arg18 : memref<!tpu.dma_semaphore, #tpu.memory_space<semaphore_mem>>)
        %dma_start3A_295 = tpu.memref_slice %arg6[%add3A_290] : memref<10240xi32, #tpu.memory_space<vmem>> -> memref<64xi32, #tpu.memory_space<vmem>>
        %dma_start3A_296 = arith.constant 0 : i32
        %dma_start3A_297 = arith.constant 0 : i32
        %dma_start3A_298 = tpu.memref_slice %arg3[%dma_start3A_296, %dma_start3A_297] : memref<320000x128xf32, #tpu.memory_space<hbm>> -> memref<320000x128xf32, #tpu.memory_space<hbm>>
        tpu.enqueue_indirect_dma source(%dma_start3A_298 : memref<320000x128xf32, #tpu.memory_space<hbm>>) target(%arg13 : memref<64x128xf32, #tpu.memory_space<vmem>>) offsets(%dma_start3A_295 : memref<64xi32, #tpu.memory_space<vmem>>) semaphore(%arg18 : memref<!tpu.dma_semaphore, #tpu.memory_space<semaphore_mem>>)
      } else {
      }
      %mul3A_239 = arith.constant 5 : i32
      %mul3A_240 = arith.muli %mul3A_239, %scan3A_61 : i32
      %add3A_241 = arith.constant 4 : i32
      %add3A_242 = arith.addi %mul3A_240, %add3A_241 : i32
      %mul3A_243 = arith.constant 2 : i32
      %mul3A_244 = arith.muli %add3A_242, %mul3A_243 : i32
      %mul3A_245 = arith.constant 64 : i32
      %mul3A_246 = arith.muli %mul3A_244, %mul3A_245 : i32
      %add3A_247 = arith.constant 64 : i32
      %add3A_248 = arith.addi %mul3A_246, %add3A_247 : i32
      %dma_wait3A_249 = tpu.memref_slice %arg6[%mul3A_246] : memref<10240xi32, #tpu.memory_space<vmem>> -> memref<64xi32, #tpu.memory_space<vmem>>
      %dma_wait3A_250 = arith.constant 0 : i32
      %dma_wait3A_251 = arith.constant 0 : i32
      %dma_wait3A_252 = tpu.memref_slice %arg2[%dma_wait3A_250, %dma_wait3A_251] : memref<320000x128xf32, #tpu.memory_space<hbm>> -> memref<320000x128xf32, #tpu.memory_space<hbm>>
      tpu.wait_indirect_dma semaphore(%arg21 : memref<!tpu.dma_semaphore, #tpu.memory_space<semaphore_mem>>) src(%dma_wait3A_252 : memref<320000x128xf32, #tpu.memory_space<hbm>>) dst(%arg11 : memref<64x128xf32, #tpu.memory_space<vmem>>)
      %dma_wait3A_253 = tpu.memref_slice %arg6[%add3A_248] : memref<10240xi32, #tpu.memory_space<vmem>> -> memref<64xi32, #tpu.memory_space<vmem>>
      %dma_wait3A_254 = arith.constant 0 : i32
      %dma_wait3A_255 = arith.constant 0 : i32
      %dma_wait3A_256 = tpu.memref_slice %arg3[%dma_wait3A_254, %dma_wait3A_255] : memref<320000x128xf32, #tpu.memory_space<hbm>> -> memref<320000x128xf32, #tpu.memory_space<hbm>>
      tpu.wait_indirect_dma semaphore(%arg21 : memref<!tpu.dma_semaphore, #tpu.memory_space<semaphore_mem>>) src(%dma_wait3A_256 : memref<320000x128xf32, #tpu.memory_space<hbm>>) dst(%arg16 : memref<64x128xf32, #tpu.memory_space<vmem>>)
      %mul3A_257 = arith.constant 2 : i32
      %mul3A_258 = arith.muli %add3A_242, %mul3A_257 : i32
      %mul3A_259 = arith.constant 64 : i32
      %mul3A_260 = arith.muli %mul3A_258, %mul3A_259 : i32
      %add3A_261 = arith.addi %mul3A_2, %mul3A_260 : i32
      %add3A_262 = arith.constant 64 : i32
      %add3A_263 = arith.addi %add3A_261, %add3A_262 : i32
      %dma_start3A_264 = arith.constant 0 : i32
      %dma_start3A_265 = tpu.memref_slice %arg5[%add3A_261, %dma_start3A_264] : memref<327680x128xf32, #tpu.memory_space<hbm>> -> memref<64x128xf32, #tpu.memory_space<hbm>>
      %dma_start3A_266 = arith.constant 0 : i32
      %dma_start3A_267 = tpu.memref_slice %arg5[%add3A_261, %dma_start3A_266] : memref<327680x128xf32, #tpu.memory_space<hbm>> -> memref<64x128xf32, #tpu.memory_space<hbm>>
      tpu.enqueue_dma source(%arg11 : memref<64x128xf32, #tpu.memory_space<vmem>>) target(%dma_start3A_267 : memref<64x128xf32, #tpu.memory_space<hbm>>) target_semaphore(%arg26 : memref<!tpu.dma_semaphore, #tpu.memory_space<semaphore_mem>>)
      %dma_start3A_268 = arith.constant 0 : i32
      %dma_start3A_269 = tpu.memref_slice %arg5[%add3A_263, %dma_start3A_268] : memref<327680x128xf32, #tpu.memory_space<hbm>> -> memref<64x128xf32, #tpu.memory_space<hbm>>
      %dma_start3A_270 = arith.constant 0 : i32
      %dma_start3A_271 = tpu.memref_slice %arg5[%add3A_263, %dma_start3A_270] : memref<327680x128xf32, #tpu.memory_space<hbm>> -> memref<64x128xf32, #tpu.memory_space<hbm>>
      tpu.enqueue_dma source(%arg16 : memref<64x128xf32, #tpu.memory_space<vmem>>) target(%dma_start3A_271 : memref<64x128xf32, #tpu.memory_space<hbm>>) target_semaphore(%arg26 : memref<!tpu.dma_semaphore, #tpu.memory_space<semaphore_mem>>)
      %add3A_272 = arith.constant 3 : i32
      %add3A_273 = arith.addi %add3A_242, %add3A_272 : i32
      %ge3A_274 = arith.constant 5 : i32
      %ge3A_275 = arith.cmpi sge, %add3A_273, %ge3A_274 : i32
      %convert_element_type3A_276 = arith.extui %ge3A_275 : i1 to i32
      %cond3A_277 = arith.constant 0 : i32
      %cond3A_278 = arith.cmpi ne, %convert_element_type3A_276, %cond3A_277 : i32
      scf.if %cond3A_278 {
        %sub3A = arith.constant 5 : i32
        %sub3A_285 = arith.subi %add3A_273, %sub3A : i32
        %mul3A_286 = arith.constant 2 : i32
        %mul3A_287 = arith.muli %sub3A_285, %mul3A_286 : i32
        %mul3A_288 = arith.constant 64 : i32
        %mul3A_289 = arith.muli %mul3A_287, %mul3A_288 : i32
        %add3A_290 = arith.addi %mul3A_2, %mul3A_289 : i32
        %add3A_291 = arith.constant 64 : i32
        %add3A_292 = arith.addi %add3A_290, %add3A_291 : i32
        %dma_wait3A_293 = arith.constant 0 : i32
        %dma_wait3A_294 = tpu.memref_slice %arg5[%add3A_290, %dma_wait3A_293] : memref<327680x128xf32, #tpu.memory_space<hbm>> -> memref<64x128xf32, #tpu.memory_space<hbm>>
        %dma_wait3A_295 = arith.constant 0 : i32
        %dma_wait3A_296 = tpu.memref_slice %arg5[%add3A_290, %dma_wait3A_295] : memref<327680x128xf32, #tpu.memory_space<hbm>> -> memref<64x128xf32, #tpu.memory_space<hbm>>
        tpu.wait_dma2 semaphore(%arg24 : memref<!tpu.dma_semaphore, #tpu.memory_space<semaphore_mem>>) src(%arg9 : memref<64x128xf32, #tpu.memory_space<vmem>>) dst(%dma_wait3A_296 : memref<64x128xf32, #tpu.memory_space<hbm>>)
        %dma_wait3A_297 = arith.constant 0 : i32
        %dma_wait3A_298 = tpu.memref_slice %arg5[%add3A_292, %dma_wait3A_297] : memref<327680x128xf32, #tpu.memory_space<hbm>> -> memref<64x128xf32, #tpu.memory_space<hbm>>
        %dma_wait3A_299 = arith.constant 0 : i32
        %dma_wait3A_300 = tpu.memref_slice %arg5[%add3A_292, %dma_wait3A_299] : memref<327680x128xf32, #tpu.memory_space<hbm>> -> memref<64x128xf32, #tpu.memory_space<hbm>>
        tpu.wait_dma2 semaphore(%arg24 : memref<!tpu.dma_semaphore, #tpu.memory_space<semaphore_mem>>) src(%arg14 : memref<64x128xf32, #tpu.memory_space<vmem>>) dst(%dma_wait3A_300 : memref<64x128xf32, #tpu.memory_space<hbm>>)
      } else {
      }
      %lt3A_279 = arith.constant 80 : i32
      %lt3A_280 = arith.cmpi slt, %add3A_273, %lt3A_279 : i32
      %convert_element_type3A_281 = arith.extui %lt3A_280 : i1 to i32
      %cond3A_282 = arith.constant 0 : i32
      %cond3A_283 = arith.cmpi ne, %convert_element_type3A_281, %cond3A_282 : i32
      scf.if %cond3A_283 {
        %mul3A_285 = arith.constant 2 : i32
        %mul3A_286 = arith.muli %add3A_273, %mul3A_285 : i32
        %mul3A_287 = arith.constant 64 : i32
        %mul3A_288 = arith.muli %mul3A_286, %mul3A_287 : i32
        %add3A_289 = arith.constant 64 : i32
        %add3A_290 = arith.addi %mul3A_288, %add3A_289 : i32
        %dma_start3A_291 = tpu.memref_slice %arg6[%mul3A_288] : memref<10240xi32, #tpu.memory_space<vmem>> -> memref<64xi32, #tpu.memory_space<vmem>>
        %dma_start3A_292 = arith.constant 0 : i32
        %dma_start3A_293 = arith.constant 0 : i32
        %dma_start3A_294 = tpu.memref_slice %arg2[%dma_start3A_292, %dma_start3A_293] : memref<320000x128xf32, #tpu.memory_space<hbm>> -> memref<320000x128xf32, #tpu.memory_space<hbm>>
        tpu.enqueue_indirect_dma source(%dma_start3A_294 : memref<320000x128xf32, #tpu.memory_space<hbm>>) target(%arg9 : memref<64x128xf32, #tpu.memory_space<vmem>>) offsets(%dma_start3A_291 : memref<64xi32, #tpu.memory_space<vmem>>) semaphore(%arg19 : memref<!tpu.dma_semaphore, #tpu.memory_space<semaphore_mem>>)
        %dma_start3A_295 = tpu.memref_slice %arg6[%add3A_290] : memref<10240xi32, #tpu.memory_space<vmem>> -> memref<64xi32, #tpu.memory_space<vmem>>
        %dma_start3A_296 = arith.constant 0 : i32
        %dma_start3A_297 = arith.constant 0 : i32
        %dma_start3A_298 = tpu.memref_slice %arg3[%dma_start3A_296, %dma_start3A_297] : memref<320000x128xf32, #tpu.memory_space<hbm>> -> memref<320000x128xf32, #tpu.memory_space<hbm>>
        tpu.enqueue_indirect_dma source(%dma_start3A_298 : memref<320000x128xf32, #tpu.memory_space<hbm>>) target(%arg14 : memref<64x128xf32, #tpu.memory_space<vmem>>) offsets(%dma_start3A_295 : memref<64xi32, #tpu.memory_space<vmem>>) semaphore(%arg19 : memref<!tpu.dma_semaphore, #tpu.memory_space<semaphore_mem>>)
      } else {
      }
      %scan3A_284 = arith.constant 0 : i32
      scf.yield %scan3A_284 : i32
    }
    %scan3A_37 = arith.constant 16 : i32
    %add3A_38 = arith.constant 9984 : i32
    %add3A_39 = arith.addi %mul3A_2, %add3A_38 : i32
    %add3A_40 = arith.constant 64 : i32
    %add3A_41 = arith.addi %add3A_39, %add3A_40 : i32
    %dma_wait3A = arith.constant 0 : i32
    %dma_wait3A_42 = tpu.memref_slice %arg5[%add3A_39, %dma_wait3A] : memref<327680x128xf32, #tpu.memory_space<hbm>> -> memref<64x128xf32, #tpu.memory_space<hbm>>
    %dma_wait3A_43 = arith.constant 0 : i32
    %dma_wait3A_44 = tpu.memref_slice %arg5[%add3A_39, %dma_wait3A_43] : memref<327680x128xf32, #tpu.memory_space<hbm>> -> memref<64x128xf32, #tpu.memory_space<hbm>>
    tpu.wait_dma2 semaphore(%arg25 : memref<!tpu.dma_semaphore, #tpu.memory_space<semaphore_mem>>) src(%arg10 : memref<64x128xf32, #tpu.memory_space<vmem>>) dst(%dma_wait3A_44 : memref<64x128xf32, #tpu.memory_space<hbm>>)
    %dma_wait3A_45 = arith.constant 0 : i32
    %dma_wait3A_46 = tpu.memref_slice %arg5[%add3A_41, %dma_wait3A_45] : memref<327680x128xf32, #tpu.memory_space<hbm>> -> memref<64x128xf32, #tpu.memory_space<hbm>>
    %dma_wait3A_47 = arith.constant 0 : i32
    %dma_wait3A_48 = tpu.memref_slice %arg5[%add3A_41, %dma_wait3A_47] : memref<327680x128xf32, #tpu.memory_space<hbm>> -> memref<64x128xf32, #tpu.memory_space<hbm>>
    tpu.wait_dma2 semaphore(%arg25 : memref<!tpu.dma_semaphore, #tpu.memory_space<semaphore_mem>>) src(%arg15 : memref<64x128xf32, #tpu.memory_space<vmem>>) dst(%dma_wait3A_48 : memref<64x128xf32, #tpu.memory_space<hbm>>)
    %add3A_49 = arith.constant 10112 : i32
    %add3A_50 = arith.addi %mul3A_2, %add3A_49 : i32
    %add3A_51 = arith.constant 64 : i32
    %add3A_52 = arith.addi %add3A_50, %add3A_51 : i32
    %dma_wait3A_53 = arith.constant 0 : i32
    %dma_wait3A_54 = tpu.memref_slice %arg5[%add3A_50, %dma_wait3A_53] : memref<327680x128xf32, #tpu.memory_space<hbm>> -> memref<64x128xf32, #tpu.memory_space<hbm>>
    %dma_wait3A_55 = arith.constant 0 : i32
    %dma_wait3A_56 = tpu.memref_slice %arg5[%add3A_50, %dma_wait3A_55] : memref<327680x128xf32, #tpu.memory_space<hbm>> -> memref<64x128xf32, #tpu.memory_space<hbm>>
    tpu.wait_dma2 semaphore(%arg26 : memref<!tpu.dma_semaphore, #tpu.memory_space<semaphore_mem>>) src(%arg11 : memref<64x128xf32, #tpu.memory_space<vmem>>) dst(%dma_wait3A_56 : memref<64x128xf32, #tpu.memory_space<hbm>>)
    %dma_wait3A_57 = arith.constant 0 : i32
    %dma_wait3A_58 = tpu.memref_slice %arg5[%add3A_52, %dma_wait3A_57] : memref<327680x128xf32, #tpu.memory_space<hbm>> -> memref<64x128xf32, #tpu.memory_space<hbm>>
    %dma_wait3A_59 = arith.constant 0 : i32
    %dma_wait3A_60 = tpu.memref_slice %arg5[%add3A_52, %dma_wait3A_59] : memref<327680x128xf32, #tpu.memory_space<hbm>> -> memref<64x128xf32, #tpu.memory_space<hbm>>
    tpu.wait_dma2 semaphore(%arg26 : memref<!tpu.dma_semaphore, #tpu.memory_space<semaphore_mem>>) src(%arg16 : memref<64x128xf32, #tpu.memory_space<vmem>>) dst(%dma_wait3A_60 : memref<64x128xf32, #tpu.memory_space<hbm>>)
    return
  }
}

#map = affine_map<(d0, d1) -> (0, 0)>
#map1 = affine_map<(d0, d1) -> (0)>
module attributes {stable_mosaic.version = 14 : i64} {
  func.func @_dual_gather_body(%arg0: i32, %arg1: i32, %arg2: memref<10240x128xf32, #tpu.memory_space<hbm>>, %arg3: memref<320000xi32, #tpu.memory_space<hbm>>, %arg4: memref<320000x128xf32, #tpu.memory_space<hbm>>, %arg5: memref<320000xi32, #tpu.memory_space<hbm>>, %arg6: memref<320000x128xf32, #tpu.memory_space<hbm>>, %arg7: memref<320000x128xf32, #tpu.memory_space<hbm>>, %arg8: memref<10000xi32, #tpu.memory_space<vmem>>, %arg9: memref<10000xi32, #tpu.memory_space<vmem>>, %arg10: memref<64x128xf32, #tpu.memory_space<vmem>>, %arg11: memref<64x128xf32, #tpu.memory_space<vmem>>, %arg12: memref<64x128xf32, #tpu.memory_space<vmem>>, %arg13: memref<64x128xf32, #tpu.memory_space<vmem>>, %arg14: memref<64x128xf32, #tpu.memory_space<vmem>>, %arg15: memref<64x128xf32, #tpu.memory_space<vmem>>, %arg16: memref<64x128xf32, #tpu.memory_space<vmem>>, %arg17: memref<64x128xf32, #tpu.memory_space<vmem>>, %arg18: memref<!tpu.dma_semaphore, #tpu.memory_space<semaphore_mem>>, %arg19: memref<!tpu.dma_semaphore, #tpu.memory_space<semaphore_mem>>, %arg20: memref<!tpu.dma_semaphore, #tpu.memory_space<semaphore_mem>>, %arg21: memref<!tpu.dma_semaphore, #tpu.memory_space<semaphore_mem>>, %arg22: memref<!tpu.dma_semaphore, #tpu.memory_space<semaphore_mem>>, %arg23: memref<!tpu.dma_semaphore, #tpu.memory_space<semaphore_mem>>, %arg24: memref<!tpu.dma_semaphore, #tpu.memory_space<semaphore_mem>>, %arg25: memref<!tpu.dma_semaphore, #tpu.memory_space<semaphore_mem>>) attributes {dimension_semantics = [#tpu.dimension_semantics<core_parallel>, #tpu.dimension_semantics<subcore_parallel>], iteration_bounds = array<i64: 2, 16>, scalar_prefetch = 0 : i64, scratch_operands = 18 : i64, tpu.core_type = #tpu.core_type<sc_vector_subcore>, window_params = [{transform_indices = #map}, {transform_indices = #map1}, {transform_indices = #map}, {transform_indices = #map1}, {transform_indices = #map}, {transform_indices = #map}]} {
    %mul3A = arith.constant 2 : i32
    %mul3A_0 = arith.muli %arg1, %mul3A : i32
    %add3A = arith.addi %mul3A_0, %arg0 : i32
    %mul3A_1 = arith.constant 10000 : i32
    %mul3A_2 = arith.muli %add3A, %mul3A_1 : i32
    "tpu.region"() ({
      %run_scoped3A = tpu.sem_alloc : memref<!tpu.dma_semaphore, #tpu.memory_space<semaphore_mem>>
      %dma_start3A_87 = tpu.memref_slice %arg3[%mul3A_2] : memref<320000xi32, #tpu.memory_space<hbm>> -> memref<10000xi32, #tpu.memory_space<hbm>>
      %dma_start3A_88 = tpu.memref_slice %arg3[%mul3A_2] : memref<320000xi32, #tpu.memory_space<hbm>> -> memref<10000xi32, #tpu.memory_space<hbm>>
      tpu.enqueue_dma source(%dma_start3A_88 : memref<10000xi32, #tpu.memory_space<hbm>>) target(%arg8 : memref<10000xi32, #tpu.memory_space<vmem>>) target_semaphore(%run_scoped3A : memref<!tpu.dma_semaphore, #tpu.memory_space<semaphore_mem>>)
      %dma_wait3A_89 = tpu.memref_slice %arg3[%mul3A_2] : memref<320000xi32, #tpu.memory_space<hbm>> -> memref<10000xi32, #tpu.memory_space<hbm>>
      %dma_wait3A_90 = tpu.memref_slice %arg3[%mul3A_2] : memref<320000xi32, #tpu.memory_space<hbm>> -> memref<10000xi32, #tpu.memory_space<hbm>>
      tpu.wait_dma2 semaphore(%run_scoped3A : memref<!tpu.dma_semaphore, #tpu.memory_space<semaphore_mem>>) src(%dma_wait3A_90 : memref<10000xi32, #tpu.memory_space<hbm>>) dst(%arg8 : memref<10000xi32, #tpu.memory_space<vmem>>)
      tpu.yield
    }) : () -> ()
    "tpu.region"() ({
      %run_scoped3A = tpu.sem_alloc : memref<!tpu.dma_semaphore, #tpu.memory_space<semaphore_mem>>
      %dma_start3A_87 = tpu.memref_slice %arg5[%mul3A_2] : memref<320000xi32, #tpu.memory_space<hbm>> -> memref<10000xi32, #tpu.memory_space<hbm>>
      %dma_start3A_88 = tpu.memref_slice %arg5[%mul3A_2] : memref<320000xi32, #tpu.memory_space<hbm>> -> memref<10000xi32, #tpu.memory_space<hbm>>
      tpu.enqueue_dma source(%dma_start3A_88 : memref<10000xi32, #tpu.memory_space<hbm>>) target(%arg9 : memref<10000xi32, #tpu.memory_space<vmem>>) target_semaphore(%run_scoped3A : memref<!tpu.dma_semaphore, #tpu.memory_space<semaphore_mem>>)
      %dma_wait3A_89 = tpu.memref_slice %arg5[%mul3A_2] : memref<320000xi32, #tpu.memory_space<hbm>> -> memref<10000xi32, #tpu.memory_space<hbm>>
      %dma_wait3A_90 = tpu.memref_slice %arg5[%mul3A_2] : memref<320000xi32, #tpu.memory_space<hbm>> -> memref<10000xi32, #tpu.memory_space<hbm>>
      tpu.wait_dma2 semaphore(%run_scoped3A : memref<!tpu.dma_semaphore, #tpu.memory_space<semaphore_mem>>) src(%dma_wait3A_90 : memref<10000xi32, #tpu.memory_space<hbm>>) dst(%arg9 : memref<10000xi32, #tpu.memory_space<vmem>>)
      tpu.yield
    }) : () -> ()
    %dma_start3A = arith.constant 0 : i32
    %dma_start3A_3 = tpu.memref_slice %arg8[%dma_start3A] : memref<10000xi32, #tpu.memory_space<vmem>> -> memref<64xi32, #tpu.memory_space<vmem>>
    %dma_start3A_4 = arith.constant 0 : i32
    %dma_start3A_5 = arith.constant 0 : i32
    %dma_start3A_6 = tpu.memref_slice %arg2[%dma_start3A_4, %dma_start3A_5] : memref<10240x128xf32, #tpu.memory_space<hbm>> -> memref<10240x128xf32, #tpu.memory_space<hbm>>
    tpu.enqueue_indirect_dma source(%dma_start3A_6 : memref<10240x128xf32, #tpu.memory_space<hbm>>) target(%arg10 : memref<64x128xf32, #tpu.memory_space<vmem>>) offsets(%dma_start3A_3 : memref<64xi32, #tpu.memory_space<vmem>>) semaphore(%arg18 : memref<!tpu.dma_semaphore, #tpu.memory_space<semaphore_mem>>)
    %dma_start3A_7 = arith.constant 0 : i32
    %dma_start3A_8 = tpu.memref_slice %arg9[%dma_start3A_7] : memref<10000xi32, #tpu.memory_space<vmem>> -> memref<64xi32, #tpu.memory_space<vmem>>
    %dma_start3A_9 = arith.constant 0 : i32
    %dma_start3A_10 = arith.constant 0 : i32
    %dma_start3A_11 = tpu.memref_slice %arg4[%dma_start3A_9, %dma_start3A_10] : memref<320000x128xf32, #tpu.memory_space<hbm>> -> memref<320000x128xf32, #tpu.memory_space<hbm>>
    tpu.enqueue_indirect_dma source(%dma_start3A_11 : memref<320000x128xf32, #tpu.memory_space<hbm>>) target(%arg14 : memref<64x128xf32, #tpu.memory_space<vmem>>) offsets(%dma_start3A_8 : memref<64xi32, #tpu.memory_space<vmem>>) semaphore(%arg18 : memref<!tpu.dma_semaphore, #tpu.memory_space<semaphore_mem>>)
    %dma_start3A_12 = arith.constant 64 : i32
    %dma_start3A_13 = tpu.memref_slice %arg8[%dma_start3A_12] : memref<10000xi32, #tpu.memory_space<vmem>> -> memref<64xi32, #tpu.memory_space<vmem>>
    %dma_start3A_14 = arith.constant 0 : i32
    %dma_start3A_15 = arith.constant 0 : i32
    %dma_start3A_16 = tpu.memref_slice %arg2[%dma_start3A_14, %dma_start3A_15] : memref<10240x128xf32, #tpu.memory_space<hbm>> -> memref<10240x128xf32, #tpu.memory_space<hbm>>
    tpu.enqueue_indirect_dma source(%dma_start3A_16 : memref<10240x128xf32, #tpu.memory_space<hbm>>) target(%arg11 : memref<64x128xf32, #tpu.memory_space<vmem>>) offsets(%dma_start3A_13 : memref<64xi32, #tpu.memory_space<vmem>>) semaphore(%arg19 : memref<!tpu.dma_semaphore, #tpu.memory_space<semaphore_mem>>)
    %dma_start3A_17 = arith.constant 64 : i32
    %dma_start3A_18 = tpu.memref_slice %arg9[%dma_start3A_17] : memref<10000xi32, #tpu.memory_space<vmem>> -> memref<64xi32, #tpu.memory_space<vmem>>
    %dma_start3A_19 = arith.constant 0 : i32
    %dma_start3A_20 = arith.constant 0 : i32
    %dma_start3A_21 = tpu.memref_slice %arg4[%dma_start3A_19, %dma_start3A_20] : memref<320000x128xf32, #tpu.memory_space<hbm>> -> memref<320000x128xf32, #tpu.memory_space<hbm>>
    tpu.enqueue_indirect_dma source(%dma_start3A_21 : memref<320000x128xf32, #tpu.memory_space<hbm>>) target(%arg15 : memref<64x128xf32, #tpu.memory_space<vmem>>) offsets(%dma_start3A_18 : memref<64xi32, #tpu.memory_space<vmem>>) semaphore(%arg19 : memref<!tpu.dma_semaphore, #tpu.memory_space<semaphore_mem>>)
    %scan3A = arith.constant 0 : i32
    %scan3A_22 = arith.constant 0 : i32
    %scan3A_23 = arith.constant 39 : i32
    %scan3A_24 = arith.addi %scan3A_22, %scan3A_23 : i32
    %scan3A_25 = arith.constant 1 : i32
    %scan3A_26 = scf.for %scan3A_87 = %scan3A_22 to %scan3A_24 step %scan3A_25 iter_args(%scan3A_88 = %scan3A) -> (i32)  : i32 {
      %mul3A_89 = arith.constant 4 : i32
      %mul3A_90 = arith.muli %mul3A_89, %scan3A_87 : i32
      %add3A_91 = arith.constant 0 : i32
      %add3A_92 = arith.addi %mul3A_90, %add3A_91 : i32
      %mul3A_93 = arith.constant 64 : i32
      %mul3A_94 = arith.muli %add3A_92, %mul3A_93 : i32
      %dma_wait3A_95 = tpu.memref_slice %arg8[%mul3A_94] : memref<10000xi32, #tpu.memory_space<vmem>> -> memref<64xi32, #tpu.memory_space<vmem>>
      %dma_wait3A_96 = arith.constant 0 : i32
      %dma_wait3A_97 = arith.constant 0 : i32
      %dma_wait3A_98 = tpu.memref_slice %arg2[%dma_wait3A_96, %dma_wait3A_97] : memref<10240x128xf32, #tpu.memory_space<hbm>> -> memref<10240x128xf32, #tpu.memory_space<hbm>>
      tpu.wait_indirect_dma semaphore(%arg18 : memref<!tpu.dma_semaphore, #tpu.memory_space<semaphore_mem>>) src(%dma_wait3A_98 : memref<10240x128xf32, #tpu.memory_space<hbm>>) dst(%arg10 : memref<64x128xf32, #tpu.memory_space<vmem>>)
      %dma_wait3A_99 = tpu.memref_slice %arg9[%mul3A_94] : memref<10000xi32, #tpu.memory_space<vmem>> -> memref<64xi32, #tpu.memory_space<vmem>>
      %dma_wait3A_100 = arith.constant 0 : i32
      %dma_wait3A_101 = arith.constant 0 : i32
      %dma_wait3A_102 = tpu.memref_slice %arg4[%dma_wait3A_100, %dma_wait3A_101] : memref<320000x128xf32, #tpu.memory_space<hbm>> -> memref<320000x128xf32, #tpu.memory_space<hbm>>
      tpu.wait_indirect_dma semaphore(%arg18 : memref<!tpu.dma_semaphore, #tpu.memory_space<semaphore_mem>>) src(%dma_wait3A_102 : memref<320000x128xf32, #tpu.memory_space<hbm>>) dst(%arg14 : memref<64x128xf32, #tpu.memory_space<vmem>>)
      %mul3A_103 = arith.constant 64 : i32
      %mul3A_104 = arith.muli %add3A_92, %mul3A_103 : i32
      %add3A_105 = arith.addi %mul3A_2, %mul3A_104 : i32
      %dma_start3A_106 = arith.constant 0 : i32
      %dma_start3A_107 = tpu.memref_slice %arg6[%add3A_105, %dma_start3A_106] : memref<320000x128xf32, #tpu.memory_space<hbm>> -> memref<64x128xf32, #tpu.memory_space<hbm>>
      %dma_start3A_108 = arith.constant 0 : i32
      %dma_start3A_109 = tpu.memref_slice %arg6[%add3A_105, %dma_start3A_108] : memref<320000x128xf32, #tpu.memory_space<hbm>> -> memref<64x128xf32, #tpu.memory_space<hbm>>
      tpu.enqueue_dma source(%arg10 : memref<64x128xf32, #tpu.memory_space<vmem>>) target(%dma_start3A_109 : memref<64x128xf32, #tpu.memory_space<hbm>>) target_semaphore(%arg22 : memref<!tpu.dma_semaphore, #tpu.memory_space<semaphore_mem>>)
      %dma_start3A_110 = arith.constant 0 : i32
      %dma_start3A_111 = tpu.memref_slice %arg7[%add3A_105, %dma_start3A_110] : memref<320000x128xf32, #tpu.memory_space<hbm>> -> memref<64x128xf32, #tpu.memory_space<hbm>>
      %dma_start3A_112 = arith.constant 0 : i32
      %dma_start3A_113 = tpu.memref_slice %arg7[%add3A_105, %dma_start3A_112] : memref<320000x128xf32, #tpu.memory_space<hbm>> -> memref<64x128xf32, #tpu.memory_space<hbm>>
      tpu.enqueue_dma source(%arg14 : memref<64x128xf32, #tpu.memory_space<vmem>>) target(%dma_start3A_113 : memref<64x128xf32, #tpu.memory_space<hbm>>) target_semaphore(%arg22 : memref<!tpu.dma_semaphore, #tpu.memory_space<semaphore_mem>>)
      %add3A_114 = arith.constant 2 : i32
      %add3A_115 = arith.addi %add3A_92, %add3A_114 : i32
      %ge3A = arith.constant 4 : i32
      %ge3A_116 = arith.cmpi sge, %add3A_115, %ge3A : i32
      %convert_element_type3A = arith.extui %ge3A_116 : i1 to i32
      %cond3A = arith.constant 0 : i32
      %cond3A_117 = arith.cmpi ne, %convert_element_type3A, %cond3A : i32
      scf.if %cond3A_117 {
        %sub3A = arith.constant 4 : i32
        %sub3A_234 = arith.subi %add3A_115, %sub3A : i32
        %mul3A_235 = arith.constant 64 : i32
        %mul3A_236 = arith.muli %sub3A_234, %mul3A_235 : i32
        %add3A_237 = arith.addi %mul3A_2, %mul3A_236 : i32
        %dma_wait3A_238 = arith.constant 0 : i32
        %dma_wait3A_239 = tpu.memref_slice %arg6[%add3A_237, %dma_wait3A_238] : memref<320000x128xf32, #tpu.memory_space<hbm>> -> memref<64x128xf32, #tpu.memory_space<hbm>>
        %dma_wait3A_240 = arith.constant 0 : i32
        %dma_wait3A_241 = tpu.memref_slice %arg6[%add3A_237, %dma_wait3A_240] : memref<320000x128xf32, #tpu.memory_space<hbm>> -> memref<64x128xf32, #tpu.memory_space<hbm>>
        tpu.wait_dma2 semaphore(%arg24 : memref<!tpu.dma_semaphore, #tpu.memory_space<semaphore_mem>>) src(%arg12 : memref<64x128xf32, #tpu.memory_space<vmem>>) dst(%dma_wait3A_241 : memref<64x128xf32, #tpu.memory_space<hbm>>)
        %dma_wait3A_242 = arith.constant 0 : i32
        %dma_wait3A_243 = tpu.memref_slice %arg7[%add3A_237, %dma_wait3A_242] : memref<320000x128xf32, #tpu.memory_space<hbm>> -> memref<64x128xf32, #tpu.memory_space<hbm>>
        %dma_wait3A_244 = arith.constant 0 : i32
        %dma_wait3A_245 = tpu.memref_slice %arg7[%add3A_237, %dma_wait3A_244] : memref<320000x128xf32, #tpu.memory_space<hbm>> -> memref<64x128xf32, #tpu.memory_space<hbm>>
        tpu.wait_dma2 semaphore(%arg24 : memref<!tpu.dma_semaphore, #tpu.memory_space<semaphore_mem>>) src(%arg16 : memref<64x128xf32, #tpu.memory_space<vmem>>) dst(%dma_wait3A_245 : memref<64x128xf32, #tpu.memory_space<hbm>>)
      } else {
      }
      %lt3A = arith.constant 156 : i32
      %lt3A_118 = arith.cmpi slt, %add3A_115, %lt3A : i32
      %convert_element_type3A_119 = arith.extui %lt3A_118 : i1 to i32
      %cond3A_120 = arith.constant 0 : i32
      %cond3A_121 = arith.cmpi ne, %convert_element_type3A_119, %cond3A_120 : i32
      scf.if %cond3A_121 {
        %mul3A_234 = arith.constant 64 : i32
        %mul3A_235 = arith.muli %add3A_115, %mul3A_234 : i32
        %dma_start3A_236 = tpu.memref_slice %arg8[%mul3A_235] : memref<10000xi32, #tpu.memory_space<vmem>> -> memref<64xi32, #tpu.memory_space<vmem>>
        %dma_start3A_237 = arith.constant 0 : i32
        %dma_start3A_238 = arith.constant 0 : i32
        %dma_start3A_239 = tpu.memref_slice %arg2[%dma_start3A_237, %dma_start3A_238] : memref<10240x128xf32, #tpu.memory_space<hbm>> -> memref<10240x128xf32, #tpu.memory_space<hbm>>
        tpu.enqueue_indirect_dma source(%dma_start3A_239 : memref<10240x128xf32, #tpu.memory_space<hbm>>) target(%arg12 : memref<64x128xf32, #tpu.memory_space<vmem>>) offsets(%dma_start3A_236 : memref<64xi32, #tpu.memory_space<vmem>>) semaphore(%arg20 : memref<!tpu.dma_semaphore, #tpu.memory_space<semaphore_mem>>)
        %dma_start3A_240 = tpu.memref_slice %arg9[%mul3A_235] : memref<10000xi32, #tpu.memory_space<vmem>> -> memref<64xi32, #tpu.memory_space<vmem>>
        %dma_start3A_241 = arith.constant 0 : i32
        %dma_start3A_242 = arith.constant 0 : i32
        %dma_start3A_243 = tpu.memref_slice %arg4[%dma_start3A_241, %dma_start3A_242] : memref<320000x128xf32, #tpu.memory_space<hbm>> -> memref<320000x128xf32, #tpu.memory_space<hbm>>
        tpu.enqueue_indirect_dma source(%dma_start3A_243 : memref<320000x128xf32, #tpu.memory_space<hbm>>) target(%arg16 : memref<64x128xf32, #tpu.memory_space<vmem>>) offsets(%dma_start3A_240 : memref<64xi32, #tpu.memory_space<vmem>>) semaphore(%arg20 : memref<!tpu.dma_semaphore, #tpu.memory_space<semaphore_mem>>)
      } else {
      }
      %mul3A_122 = arith.constant 4 : i32
      %mul3A_123 = arith.muli %mul3A_122, %scan3A_87 : i32
      %add3A_124 = arith.constant 1 : i32
      %add3A_125 = arith.addi %mul3A_123, %add3A_124 : i32
      %mul3A_126 = arith.constant 64 : i32
      %mul3A_127 = arith.muli %add3A_125, %mul3A_126 : i32
      %dma_wait3A_128 = tpu.memref_slice %arg8[%mul3A_127] : memref<10000xi32, #tpu.memory_space<vmem>> -> memref<64xi32, #tpu.memory_space<vmem>>
      %dma_wait3A_129 = arith.constant 0 : i32
      %dma_wait3A_130 = arith.constant 0 : i32
      %dma_wait3A_131 = tpu.memref_slice %arg2[%dma_wait3A_129, %dma_wait3A_130] : memref<10240x128xf32, #tpu.memory_space<hbm>> -> memref<10240x128xf32, #tpu.memory_space<hbm>>
      tpu.wait_indirect_dma semaphore(%arg19 : memref<!tpu.dma_semaphore, #tpu.memory_space<semaphore_mem>>) src(%dma_wait3A_131 : memref<10240x128xf32, #tpu.memory_space<hbm>>) dst(%arg11 : memref<64x128xf32, #tpu.memory_space<vmem>>)
      %dma_wait3A_132 = tpu.memref_slice %arg9[%mul3A_127] : memref<10000xi32, #tpu.memory_space<vmem>> -> memref<64xi32, #tpu.memory_space<vmem>>
      %dma_wait3A_133 = arith.constant 0 : i32
      %dma_wait3A_134 = arith.constant 0 : i32
      %dma_wait3A_135 = tpu.memref_slice %arg4[%dma_wait3A_133, %dma_wait3A_134] : memref<320000x128xf32, #tpu.memory_space<hbm>> -> memref<320000x128xf32, #tpu.memory_space<hbm>>
      tpu.wait_indirect_dma semaphore(%arg19 : memref<!tpu.dma_semaphore, #tpu.memory_space<semaphore_mem>>) src(%dma_wait3A_135 : memref<320000x128xf32, #tpu.memory_space<hbm>>) dst(%arg15 : memref<64x128xf32, #tpu.memory_space<vmem>>)
      %mul3A_136 = arith.constant 64 : i32
      %mul3A_137 = arith.muli %add3A_125, %mul3A_136 : i32
      %add3A_138 = arith.addi %mul3A_2, %mul3A_137 : i32
      %dma_start3A_139 = arith.constant 0 : i32
      %dma_start3A_140 = tpu.memref_slice %arg6[%add3A_138, %dma_start3A_139] : memref<320000x128xf32, #tpu.memory_space<hbm>> -> memref<64x128xf32, #tpu.memory_space<hbm>>
      %dma_start3A_141 = arith.constant 0 : i32
      %dma_start3A_142 = tpu.memref_slice %arg6[%add3A_138, %dma_start3A_141] : memref<320000x128xf32, #tpu.memory_space<hbm>> -> memref<64x128xf32, #tpu.memory_space<hbm>>
      tpu.enqueue_dma source(%arg11 : memref<64x128xf32, #tpu.memory_space<vmem>>) target(%dma_start3A_142 : memref<64x128xf32, #tpu.memory_space<hbm>>) target_semaphore(%arg23 : memref<!tpu.dma_semaphore, #tpu.memory_space<semaphore_mem>>)
      %dma_start3A_143 = arith.constant 0 : i32
      %dma_start3A_144 = tpu.memref_slice %arg7[%add3A_138, %dma_start3A_143] : memref<320000x128xf32, #tpu.memory_space<hbm>> -> memref<64x128xf32, #tpu.memory_space<hbm>>
      %dma_start3A_145 = arith.constant 0 : i32
      %dma_start3A_146 = tpu.memref_slice %arg7[%add3A_138, %dma_start3A_145] : memref<320000x128xf32, #tpu.memory_space<hbm>> -> memref<64x128xf32, #tpu.memory_space<hbm>>
      tpu.enqueue_dma source(%arg15 : memref<64x128xf32, #tpu.memory_space<vmem>>) target(%dma_start3A_146 : memref<64x128xf32, #tpu.memory_space<hbm>>) target_semaphore(%arg23 : memref<!tpu.dma_semaphore, #tpu.memory_space<semaphore_mem>>)
      %add3A_147 = arith.constant 2 : i32
      %add3A_148 = arith.addi %add3A_125, %add3A_147 : i32
      %ge3A_149 = arith.constant 4 : i32
      %ge3A_150 = arith.cmpi sge, %add3A_148, %ge3A_149 : i32
      %convert_element_type3A_151 = arith.extui %ge3A_150 : i1 to i32
      %cond3A_152 = arith.constant 0 : i32
      %cond3A_153 = arith.cmpi ne, %convert_element_type3A_151, %cond3A_152 : i32
      scf.if %cond3A_153 {
        %sub3A = arith.constant 4 : i32
        %sub3A_234 = arith.subi %add3A_148, %sub3A : i32
        %mul3A_235 = arith.constant 64 : i32
        %mul3A_236 = arith.muli %sub3A_234, %mul3A_235 : i32
        %add3A_237 = arith.addi %mul3A_2, %mul3A_236 : i32
        %dma_wait3A_238 = arith.constant 0 : i32
        %dma_wait3A_239 = tpu.memref_slice %arg6[%add3A_237, %dma_wait3A_238] : memref<320000x128xf32, #tpu.memory_space<hbm>> -> memref<64x128xf32, #tpu.memory_space<hbm>>
        %dma_wait3A_240 = arith.constant 0 : i32
        %dma_wait3A_241 = tpu.memref_slice %arg6[%add3A_237, %dma_wait3A_240] : memref<320000x128xf32, #tpu.memory_space<hbm>> -> memref<64x128xf32, #tpu.memory_space<hbm>>
        tpu.wait_dma2 semaphore(%arg25 : memref<!tpu.dma_semaphore, #tpu.memory_space<semaphore_mem>>) src(%arg13 : memref<64x128xf32, #tpu.memory_space<vmem>>) dst(%dma_wait3A_241 : memref<64x128xf32, #tpu.memory_space<hbm>>)
        %dma_wait3A_242 = arith.constant 0 : i32
        %dma_wait3A_243 = tpu.memref_slice %arg7[%add3A_237, %dma_wait3A_242] : memref<320000x128xf32, #tpu.memory_space<hbm>> -> memref<64x128xf32, #tpu.memory_space<hbm>>
        %dma_wait3A_244 = arith.constant 0 : i32
        %dma_wait3A_245 = tpu.memref_slice %arg7[%add3A_237, %dma_wait3A_244] : memref<320000x128xf32, #tpu.memory_space<hbm>> -> memref<64x128xf32, #tpu.memory_space<hbm>>
        tpu.wait_dma2 semaphore(%arg25 : memref<!tpu.dma_semaphore, #tpu.memory_space<semaphore_mem>>) src(%arg17 : memref<64x128xf32, #tpu.memory_space<vmem>>) dst(%dma_wait3A_245 : memref<64x128xf32, #tpu.memory_space<hbm>>)
      } else {
      }
      %lt3A_154 = arith.constant 156 : i32
      %lt3A_155 = arith.cmpi slt, %add3A_148, %lt3A_154 : i32
      %convert_element_type3A_156 = arith.extui %lt3A_155 : i1 to i32
      %cond3A_157 = arith.constant 0 : i32
      %cond3A_158 = arith.cmpi ne, %convert_element_type3A_156, %cond3A_157 : i32
      scf.if %cond3A_158 {
        %mul3A_234 = arith.constant 64 : i32
        %mul3A_235 = arith.muli %add3A_148, %mul3A_234 : i32
        %dma_start3A_236 = tpu.memref_slice %arg8[%mul3A_235] : memref<10000xi32, #tpu.memory_space<vmem>> -> memref<64xi32, #tpu.memory_space<vmem>>
        %dma_start3A_237 = arith.constant 0 : i32
        %dma_start3A_238 = arith.constant 0 : i32
        %dma_start3A_239 = tpu.memref_slice %arg2[%dma_start3A_237, %dma_start3A_238] : memref<10240x128xf32, #tpu.memory_space<hbm>> -> memref<10240x128xf32, #tpu.memory_space<hbm>>
        tpu.enqueue_indirect_dma source(%dma_start3A_239 : memref<10240x128xf32, #tpu.memory_space<hbm>>) target(%arg13 : memref<64x128xf32, #tpu.memory_space<vmem>>) offsets(%dma_start3A_236 : memref<64xi32, #tpu.memory_space<vmem>>) semaphore(%arg21 : memref<!tpu.dma_semaphore, #tpu.memory_space<semaphore_mem>>)
        %dma_start3A_240 = tpu.memref_slice %arg9[%mul3A_235] : memref<10000xi32, #tpu.memory_space<vmem>> -> memref<64xi32, #tpu.memory_space<vmem>>
        %dma_start3A_241 = arith.constant 0 : i32
        %dma_start3A_242 = arith.constant 0 : i32
        %dma_start3A_243 = tpu.memref_slice %arg4[%dma_start3A_241, %dma_start3A_242] : memref<320000x128xf32, #tpu.memory_space<hbm>> -> memref<320000x128xf32, #tpu.memory_space<hbm>>
        tpu.enqueue_indirect_dma source(%dma_start3A_243 : memref<320000x128xf32, #tpu.memory_space<hbm>>) target(%arg17 : memref<64x128xf32, #tpu.memory_space<vmem>>) offsets(%dma_start3A_240 : memref<64xi32, #tpu.memory_space<vmem>>) semaphore(%arg21 : memref<!tpu.dma_semaphore, #tpu.memory_space<semaphore_mem>>)
      } else {
      }
      %mul3A_159 = arith.constant 4 : i32
      %mul3A_160 = arith.muli %mul3A_159, %scan3A_87 : i32
      %add3A_161 = arith.constant 2 : i32
      %add3A_162 = arith.addi %mul3A_160, %add3A_161 : i32
      %mul3A_163 = arith.constant 64 : i32
      %mul3A_164 = arith.muli %add3A_162, %mul3A_163 : i32
      %dma_wait3A_165 = tpu.memref_slice %arg8[%mul3A_164] : memref<10000xi32, #tpu.memory_space<vmem>> -> memref<64xi32, #tpu.memory_space<vmem>>
      %dma_wait3A_166 = arith.constant 0 : i32
      %dma_wait3A_167 = arith.constant 0 : i32
      %dma_wait3A_168 = tpu.memref_slice %arg2[%dma_wait3A_166, %dma_wait3A_167] : memref<10240x128xf32, #tpu.memory_space<hbm>> -> memref<10240x128xf32, #tpu.memory_space<hbm>>
      tpu.wait_indirect_dma semaphore(%arg20 : memref<!tpu.dma_semaphore, #tpu.memory_space<semaphore_mem>>) src(%dma_wait3A_168 : memref<10240x128xf32, #tpu.memory_space<hbm>>) dst(%arg12 : memref<64x128xf32, #tpu.memory_space<vmem>>)
      %dma_wait3A_169 = tpu.memref_slice %arg9[%mul3A_164] : memref<10000xi32, #tpu.memory_space<vmem>> -> memref<64xi32, #tpu.memory_space<vmem>>
      %dma_wait3A_170 = arith.constant 0 : i32
      %dma_wait3A_171 = arith.constant 0 : i32
      %dma_wait3A_172 = tpu.memref_slice %arg4[%dma_wait3A_170, %dma_wait3A_171] : memref<320000x128xf32, #tpu.memory_space<hbm>> -> memref<320000x128xf32, #tpu.memory_space<hbm>>
      tpu.wait_indirect_dma semaphore(%arg20 : memref<!tpu.dma_semaphore, #tpu.memory_space<semaphore_mem>>) src(%dma_wait3A_172 : memref<320000x128xf32, #tpu.memory_space<hbm>>) dst(%arg16 : memref<64x128xf32, #tpu.memory_space<vmem>>)
      %mul3A_173 = arith.constant 64 : i32
      %mul3A_174 = arith.muli %add3A_162, %mul3A_173 : i32
      %add3A_175 = arith.addi %mul3A_2, %mul3A_174 : i32
      %dma_start3A_176 = arith.constant 0 : i32
      %dma_start3A_177 = tpu.memref_slice %arg6[%add3A_175, %dma_start3A_176] : memref<320000x128xf32, #tpu.memory_space<hbm>> -> memref<64x128xf32, #tpu.memory_space<hbm>>
      %dma_start3A_178 = arith.constant 0 : i32
      %dma_start3A_179 = tpu.memref_slice %arg6[%add3A_175, %dma_start3A_178] : memref<320000x128xf32, #tpu.memory_space<hbm>> -> memref<64x128xf32, #tpu.memory_space<hbm>>
      tpu.enqueue_dma source(%arg12 : memref<64x128xf32, #tpu.memory_space<vmem>>) target(%dma_start3A_179 : memref<64x128xf32, #tpu.memory_space<hbm>>) target_semaphore(%arg24 : memref<!tpu.dma_semaphore, #tpu.memory_space<semaphore_mem>>)
      %dma_start3A_180 = arith.constant 0 : i32
      %dma_start3A_181 = tpu.memref_slice %arg7[%add3A_175, %dma_start3A_180] : memref<320000x128xf32, #tpu.memory_space<hbm>> -> memref<64x128xf32, #tpu.memory_space<hbm>>
      %dma_start3A_182 = arith.constant 0 : i32
      %dma_start3A_183 = tpu.memref_slice %arg7[%add3A_175, %dma_start3A_182] : memref<320000x128xf32, #tpu.memory_space<hbm>> -> memref<64x128xf32, #tpu.memory_space<hbm>>
      tpu.enqueue_dma source(%arg16 : memref<64x128xf32, #tpu.memory_space<vmem>>) target(%dma_start3A_183 : memref<64x128xf32, #tpu.memory_space<hbm>>) target_semaphore(%arg24 : memref<!tpu.dma_semaphore, #tpu.memory_space<semaphore_mem>>)
      %add3A_184 = arith.constant 2 : i32
      %add3A_185 = arith.addi %add3A_162, %add3A_184 : i32
      %ge3A_186 = arith.constant 4 : i32
      %ge3A_187 = arith.cmpi sge, %add3A_185, %ge3A_186 : i32
      %convert_element_type3A_188 = arith.extui %ge3A_187 : i1 to i32
      %cond3A_189 = arith.constant 0 : i32
      %cond3A_190 = arith.cmpi ne, %convert_element_type3A_188, %cond3A_189 : i32
      scf.if %cond3A_190 {
        %sub3A = arith.constant 4 : i32
        %sub3A_234 = arith.subi %add3A_185, %sub3A : i32
        %mul3A_235 = arith.constant 64 : i32
        %mul3A_236 = arith.muli %sub3A_234, %mul3A_235 : i32
        %add3A_237 = arith.addi %mul3A_2, %mul3A_236 : i32
        %dma_wait3A_238 = arith.constant 0 : i32
        %dma_wait3A_239 = tpu.memref_slice %arg6[%add3A_237, %dma_wait3A_238] : memref<320000x128xf32, #tpu.memory_space<hbm>> -> memref<64x128xf32, #tpu.memory_space<hbm>>
        %dma_wait3A_240 = arith.constant 0 : i32
        %dma_wait3A_241 = tpu.memref_slice %arg6[%add3A_237, %dma_wait3A_240] : memref<320000x128xf32, #tpu.memory_space<hbm>> -> memref<64x128xf32, #tpu.memory_space<hbm>>
        tpu.wait_dma2 semaphore(%arg22 : memref<!tpu.dma_semaphore, #tpu.memory_space<semaphore_mem>>) src(%arg10 : memref<64x128xf32, #tpu.memory_space<vmem>>) dst(%dma_wait3A_241 : memref<64x128xf32, #tpu.memory_space<hbm>>)
        %dma_wait3A_242 = arith.constant 0 : i32
        %dma_wait3A_243 = tpu.memref_slice %arg7[%add3A_237, %dma_wait3A_242] : memref<320000x128xf32, #tpu.memory_space<hbm>> -> memref<64x128xf32, #tpu.memory_space<hbm>>
        %dma_wait3A_244 = arith.constant 0 : i32
        %dma_wait3A_245 = tpu.memref_slice %arg7[%add3A_237, %dma_wait3A_244] : memref<320000x128xf32, #tpu.memory_space<hbm>> -> memref<64x128xf32, #tpu.memory_space<hbm>>
        tpu.wait_dma2 semaphore(%arg22 : memref<!tpu.dma_semaphore, #tpu.memory_space<semaphore_mem>>) src(%arg14 : memref<64x128xf32, #tpu.memory_space<vmem>>) dst(%dma_wait3A_245 : memref<64x128xf32, #tpu.memory_space<hbm>>)
      } else {
      }
      %lt3A_191 = arith.constant 156 : i32
      %lt3A_192 = arith.cmpi slt, %add3A_185, %lt3A_191 : i32
      %convert_element_type3A_193 = arith.extui %lt3A_192 : i1 to i32
      %cond3A_194 = arith.constant 0 : i32
      %cond3A_195 = arith.cmpi ne, %convert_element_type3A_193, %cond3A_194 : i32
      scf.if %cond3A_195 {
        %mul3A_234 = arith.constant 64 : i32
        %mul3A_235 = arith.muli %add3A_185, %mul3A_234 : i32
        %dma_start3A_236 = tpu.memref_slice %arg8[%mul3A_235] : memref<10000xi32, #tpu.memory_space<vmem>> -> memref<64xi32, #tpu.memory_space<vmem>>
        %dma_start3A_237 = arith.constant 0 : i32
        %dma_start3A_238 = arith.constant 0 : i32
        %dma_start3A_239 = tpu.memref_slice %arg2[%dma_start3A_237, %dma_start3A_238] : memref<10240x128xf32, #tpu.memory_space<hbm>> -> memref<10240x128xf32, #tpu.memory_space<hbm>>
        tpu.enqueue_indirect_dma source(%dma_start3A_239 : memref<10240x128xf32, #tpu.memory_space<hbm>>) target(%arg10 : memref<64x128xf32, #tpu.memory_space<vmem>>) offsets(%dma_start3A_236 : memref<64xi32, #tpu.memory_space<vmem>>) semaphore(%arg18 : memref<!tpu.dma_semaphore, #tpu.memory_space<semaphore_mem>>)
        %dma_start3A_240 = tpu.memref_slice %arg9[%mul3A_235] : memref<10000xi32, #tpu.memory_space<vmem>> -> memref<64xi32, #tpu.memory_space<vmem>>
        %dma_start3A_241 = arith.constant 0 : i32
        %dma_start3A_242 = arith.constant 0 : i32
        %dma_start3A_243 = tpu.memref_slice %arg4[%dma_start3A_241, %dma_start3A_242] : memref<320000x128xf32, #tpu.memory_space<hbm>> -> memref<320000x128xf32, #tpu.memory_space<hbm>>
        tpu.enqueue_indirect_dma source(%dma_start3A_243 : memref<320000x128xf32, #tpu.memory_space<hbm>>) target(%arg14 : memref<64x128xf32, #tpu.memory_space<vmem>>) offsets(%dma_start3A_240 : memref<64xi32, #tpu.memory_space<vmem>>) semaphore(%arg18 : memref<!tpu.dma_semaphore, #tpu.memory_space<semaphore_mem>>)
      } else {
      }
      %mul3A_196 = arith.constant 4 : i32
      %mul3A_197 = arith.muli %mul3A_196, %scan3A_87 : i32
      %add3A_198 = arith.constant 3 : i32
      %add3A_199 = arith.addi %mul3A_197, %add3A_198 : i32
      %mul3A_200 = arith.constant 64 : i32
      %mul3A_201 = arith.muli %add3A_199, %mul3A_200 : i32
      %dma_wait3A_202 = tpu.memref_slice %arg8[%mul3A_201] : memref<10000xi32, #tpu.memory_space<vmem>> -> memref<64xi32, #tpu.memory_space<vmem>>
      %dma_wait3A_203 = arith.constant 0 : i32
      %dma_wait3A_204 = arith.constant 0 : i32
      %dma_wait3A_205 = tpu.memref_slice %arg2[%dma_wait3A_203, %dma_wait3A_204] : memref<10240x128xf32, #tpu.memory_space<hbm>> -> memref<10240x128xf32, #tpu.memory_space<hbm>>
      tpu.wait_indirect_dma semaphore(%arg21 : memref<!tpu.dma_semaphore, #tpu.memory_space<semaphore_mem>>) src(%dma_wait3A_205 : memref<10240x128xf32, #tpu.memory_space<hbm>>) dst(%arg13 : memref<64x128xf32, #tpu.memory_space<vmem>>)
      %dma_wait3A_206 = tpu.memref_slice %arg9[%mul3A_201] : memref<10000xi32, #tpu.memory_space<vmem>> -> memref<64xi32, #tpu.memory_space<vmem>>
      %dma_wait3A_207 = arith.constant 0 : i32
      %dma_wait3A_208 = arith.constant 0 : i32
      %dma_wait3A_209 = tpu.memref_slice %arg4[%dma_wait3A_207, %dma_wait3A_208] : memref<320000x128xf32, #tpu.memory_space<hbm>> -> memref<320000x128xf32, #tpu.memory_space<hbm>>
      tpu.wait_indirect_dma semaphore(%arg21 : memref<!tpu.dma_semaphore, #tpu.memory_space<semaphore_mem>>) src(%dma_wait3A_209 : memref<320000x128xf32, #tpu.memory_space<hbm>>) dst(%arg17 : memref<64x128xf32, #tpu.memory_space<vmem>>)
      %mul3A_210 = arith.constant 64 : i32
      %mul3A_211 = arith.muli %add3A_199, %mul3A_210 : i32
      %add3A_212 = arith.addi %mul3A_2, %mul3A_211 : i32
      %dma_start3A_213 = arith.constant 0 : i32
      %dma_start3A_214 = tpu.memref_slice %arg6[%add3A_212, %dma_start3A_213] : memref<320000x128xf32, #tpu.memory_space<hbm>> -> memref<64x128xf32, #tpu.memory_space<hbm>>
      %dma_start3A_215 = arith.constant 0 : i32
      %dma_start3A_216 = tpu.memref_slice %arg6[%add3A_212, %dma_start3A_215] : memref<320000x128xf32, #tpu.memory_space<hbm>> -> memref<64x128xf32, #tpu.memory_space<hbm>>
      tpu.enqueue_dma source(%arg13 : memref<64x128xf32, #tpu.memory_space<vmem>>) target(%dma_start3A_216 : memref<64x128xf32, #tpu.memory_space<hbm>>) target_semaphore(%arg25 : memref<!tpu.dma_semaphore, #tpu.memory_space<semaphore_mem>>)
      %dma_start3A_217 = arith.constant 0 : i32
      %dma_start3A_218 = tpu.memref_slice %arg7[%add3A_212, %dma_start3A_217] : memref<320000x128xf32, #tpu.memory_space<hbm>> -> memref<64x128xf32, #tpu.memory_space<hbm>>
      %dma_start3A_219 = arith.constant 0 : i32
      %dma_start3A_220 = tpu.memref_slice %arg7[%add3A_212, %dma_start3A_219] : memref<320000x128xf32, #tpu.memory_space<hbm>> -> memref<64x128xf32, #tpu.memory_space<hbm>>
      tpu.enqueue_dma source(%arg17 : memref<64x128xf32, #tpu.memory_space<vmem>>) target(%dma_start3A_220 : memref<64x128xf32, #tpu.memory_space<hbm>>) target_semaphore(%arg25 : memref<!tpu.dma_semaphore, #tpu.memory_space<semaphore_mem>>)
      %add3A_221 = arith.constant 2 : i32
      %add3A_222 = arith.addi %add3A_199, %add3A_221 : i32
      %ge3A_223 = arith.constant 4 : i32
      %ge3A_224 = arith.cmpi sge, %add3A_222, %ge3A_223 : i32
      %convert_element_type3A_225 = arith.extui %ge3A_224 : i1 to i32
      %cond3A_226 = arith.constant 0 : i32
      %cond3A_227 = arith.cmpi ne, %convert_element_type3A_225, %cond3A_226 : i32
      scf.if %cond3A_227 {
        %sub3A = arith.constant 4 : i32
        %sub3A_234 = arith.subi %add3A_222, %sub3A : i32
        %mul3A_235 = arith.constant 64 : i32
        %mul3A_236 = arith.muli %sub3A_234, %mul3A_235 : i32
        %add3A_237 = arith.addi %mul3A_2, %mul3A_236 : i32
        %dma_wait3A_238 = arith.constant 0 : i32
        %dma_wait3A_239 = tpu.memref_slice %arg6[%add3A_237, %dma_wait3A_238] : memref<320000x128xf32, #tpu.memory_space<hbm>> -> memref<64x128xf32, #tpu.memory_space<hbm>>
        %dma_wait3A_240 = arith.constant 0 : i32
        %dma_wait3A_241 = tpu.memref_slice %arg6[%add3A_237, %dma_wait3A_240] : memref<320000x128xf32, #tpu.memory_space<hbm>> -> memref<64x128xf32, #tpu.memory_space<hbm>>
        tpu.wait_dma2 semaphore(%arg23 : memref<!tpu.dma_semaphore, #tpu.memory_space<semaphore_mem>>) src(%arg11 : memref<64x128xf32, #tpu.memory_space<vmem>>) dst(%dma_wait3A_241 : memref<64x128xf32, #tpu.memory_space<hbm>>)
        %dma_wait3A_242 = arith.constant 0 : i32
        %dma_wait3A_243 = tpu.memref_slice %arg7[%add3A_237, %dma_wait3A_242] : memref<320000x128xf32, #tpu.memory_space<hbm>> -> memref<64x128xf32, #tpu.memory_space<hbm>>
        %dma_wait3A_244 = arith.constant 0 : i32
        %dma_wait3A_245 = tpu.memref_slice %arg7[%add3A_237, %dma_wait3A_244] : memref<320000x128xf32, #tpu.memory_space<hbm>> -> memref<64x128xf32, #tpu.memory_space<hbm>>
        tpu.wait_dma2 semaphore(%arg23 : memref<!tpu.dma_semaphore, #tpu.memory_space<semaphore_mem>>) src(%arg15 : memref<64x128xf32, #tpu.memory_space<vmem>>) dst(%dma_wait3A_245 : memref<64x128xf32, #tpu.memory_space<hbm>>)
      } else {
      }
      %lt3A_228 = arith.constant 156 : i32
      %lt3A_229 = arith.cmpi slt, %add3A_222, %lt3A_228 : i32
      %convert_element_type3A_230 = arith.extui %lt3A_229 : i1 to i32
      %cond3A_231 = arith.constant 0 : i32
      %cond3A_232 = arith.cmpi ne, %convert_element_type3A_230, %cond3A_231 : i32
      scf.if %cond3A_232 {
        %mul3A_234 = arith.constant 64 : i32
        %mul3A_235 = arith.muli %add3A_222, %mul3A_234 : i32
        %dma_start3A_236 = tpu.memref_slice %arg8[%mul3A_235] : memref<10000xi32, #tpu.memory_space<vmem>> -> memref<64xi32, #tpu.memory_space<vmem>>
        %dma_start3A_237 = arith.constant 0 : i32
        %dma_start3A_238 = arith.constant 0 : i32
        %dma_start3A_239 = tpu.memref_slice %arg2[%dma_start3A_237, %dma_start3A_238] : memref<10240x128xf32, #tpu.memory_space<hbm>> -> memref<10240x128xf32, #tpu.memory_space<hbm>>
        tpu.enqueue_indirect_dma source(%dma_start3A_239 : memref<10240x128xf32, #tpu.memory_space<hbm>>) target(%arg11 : memref<64x128xf32, #tpu.memory_space<vmem>>) offsets(%dma_start3A_236 : memref<64xi32, #tpu.memory_space<vmem>>) semaphore(%arg19 : memref<!tpu.dma_semaphore, #tpu.memory_space<semaphore_mem>>)
        %dma_start3A_240 = tpu.memref_slice %arg9[%mul3A_235] : memref<10000xi32, #tpu.memory_space<vmem>> -> memref<64xi32, #tpu.memory_space<vmem>>
        %dma_start3A_241 = arith.constant 0 : i32
        %dma_start3A_242 = arith.constant 0 : i32
        %dma_start3A_243 = tpu.memref_slice %arg4[%dma_start3A_241, %dma_start3A_242] : memref<320000x128xf32, #tpu.memory_space<hbm>> -> memref<320000x128xf32, #tpu.memory_space<hbm>>
        tpu.enqueue_indirect_dma source(%dma_start3A_243 : memref<320000x128xf32, #tpu.memory_space<hbm>>) target(%arg15 : memref<64x128xf32, #tpu.memory_space<vmem>>) offsets(%dma_start3A_240 : memref<64xi32, #tpu.memory_space<vmem>>) semaphore(%arg19 : memref<!tpu.dma_semaphore, #tpu.memory_space<semaphore_mem>>)
      } else {
      }
      %scan3A_233 = arith.constant 0 : i32
      scf.yield %scan3A_233 : i32
    }
    %scan3A_27 = arith.constant 39 : i32
    %add3A_28 = arith.constant 9856 : i32
    %add3A_29 = arith.addi %mul3A_2, %add3A_28 : i32
    %dma_wait3A = arith.constant 0 : i32
    %dma_wait3A_30 = tpu.memref_slice %arg6[%add3A_29, %dma_wait3A] : memref<320000x128xf32, #tpu.memory_space<hbm>> -> memref<64x128xf32, #tpu.memory_space<hbm>>
    %dma_wait3A_31 = arith.constant 0 : i32
    %dma_wait3A_32 = tpu.memref_slice %arg6[%add3A_29, %dma_wait3A_31] : memref<320000x128xf32, #tpu.memory_space<hbm>> -> memref<64x128xf32, #tpu.memory_space<hbm>>
    tpu.wait_dma2 semaphore(%arg24 : memref<!tpu.dma_semaphore, #tpu.memory_space<semaphore_mem>>) src(%arg12 : memref<64x128xf32, #tpu.memory_space<vmem>>) dst(%dma_wait3A_32 : memref<64x128xf32, #tpu.memory_space<hbm>>)
    %dma_wait3A_33 = arith.constant 0 : i32
    %dma_wait3A_34 = tpu.memref_slice %arg7[%add3A_29, %dma_wait3A_33] : memref<320000x128xf32, #tpu.memory_space<hbm>> -> memref<64x128xf32, #tpu.memory_space<hbm>>
    %dma_wait3A_35 = arith.constant 0 : i32
    %dma_wait3A_36 = tpu.memref_slice %arg7[%add3A_29, %dma_wait3A_35] : memref<320000x128xf32, #tpu.memory_space<hbm>> -> memref<64x128xf32, #tpu.memory_space<hbm>>
    tpu.wait_dma2 semaphore(%arg24 : memref<!tpu.dma_semaphore, #tpu.memory_space<semaphore_mem>>) src(%arg16 : memref<64x128xf32, #tpu.memory_space<vmem>>) dst(%dma_wait3A_36 : memref<64x128xf32, #tpu.memory_space<hbm>>)
    %add3A_37 = arith.constant 9920 : i32
    %add3A_38 = arith.addi %mul3A_2, %add3A_37 : i32
    %dma_wait3A_39 = arith.constant 0 : i32
    %dma_wait3A_40 = tpu.memref_slice %arg6[%add3A_38, %dma_wait3A_39] : memref<320000x128xf32, #tpu.memory_space<hbm>> -> memref<64x128xf32, #tpu.memory_space<hbm>>
    %dma_wait3A_41 = arith.constant 0 : i32
    %dma_wait3A_42 = tpu.memref_slice %arg6[%add3A_38, %dma_wait3A_41] : memref<320000x128xf32, #tpu.memory_space<hbm>> -> memref<64x128xf32, #tpu.memory_space<hbm>>
    tpu.wait_dma2 semaphore(%arg25 : memref<!tpu.dma_semaphore, #tpu.memory_space<semaphore_mem>>) src(%arg13 : memref<64x128xf32, #tpu.memory_space<vmem>>) dst(%dma_wait3A_42 : memref<64x128xf32, #tpu.memory_space<hbm>>)
    %dma_wait3A_43 = arith.constant 0 : i32
    %dma_wait3A_44 = tpu.memref_slice %arg7[%add3A_38, %dma_wait3A_43] : memref<320000x128xf32, #tpu.memory_space<hbm>> -> memref<64x128xf32, #tpu.memory_space<hbm>>
    %dma_wait3A_45 = arith.constant 0 : i32
    %dma_wait3A_46 = tpu.memref_slice %arg7[%add3A_38, %dma_wait3A_45] : memref<320000x128xf32, #tpu.memory_space<hbm>> -> memref<64x128xf32, #tpu.memory_space<hbm>>
    tpu.wait_dma2 semaphore(%arg25 : memref<!tpu.dma_semaphore, #tpu.memory_space<semaphore_mem>>) src(%arg17 : memref<64x128xf32, #tpu.memory_space<vmem>>) dst(%dma_wait3A_46 : memref<64x128xf32, #tpu.memory_space<hbm>>)
    %dma_start3A_47 = arith.constant 9936 : i32
    %dma_start3A_48 = tpu.memref_slice %arg8[%dma_start3A_47] : memref<10000xi32, #tpu.memory_space<vmem>> -> memref<64xi32, #tpu.memory_space<vmem>>
    %dma_start3A_49 = arith.constant 0 : i32
    %dma_start3A_50 = arith.constant 0 : i32
    %dma_start3A_51 = tpu.memref_slice %arg2[%dma_start3A_49, %dma_start3A_50] : memref<10240x128xf32, #tpu.memory_space<hbm>> -> memref<10240x128xf32, #tpu.memory_space<hbm>>
    tpu.enqueue_indirect_dma source(%dma_start3A_51 : memref<10240x128xf32, #tpu.memory_space<hbm>>) target(%arg10 : memref<64x128xf32, #tpu.memory_space<vmem>>) offsets(%dma_start3A_48 : memref<64xi32, #tpu.memory_space<vmem>>) semaphore(%arg18 : memref<!tpu.dma_semaphore, #tpu.memory_space<semaphore_mem>>)
    %dma_start3A_52 = arith.constant 9936 : i32
    %dma_start3A_53 = tpu.memref_slice %arg9[%dma_start3A_52] : memref<10000xi32, #tpu.memory_space<vmem>> -> memref<64xi32, #tpu.memory_space<vmem>>
    %dma_start3A_54 = arith.constant 0 : i32
    %dma_start3A_55 = arith.constant 0 : i32
    %dma_start3A_56 = tpu.memref_slice %arg4[%dma_start3A_54, %dma_start3A_55] : memref<320000x128xf32, #tpu.memory_space<hbm>> -> memref<320000x128xf32, #tpu.memory_space<hbm>>
    tpu.enqueue_indirect_dma source(%dma_start3A_56 : memref<320000x128xf32, #tpu.memory_space<hbm>>) target(%arg14 : memref<64x128xf32, #tpu.memory_space<vmem>>) offsets(%dma_start3A_53 : memref<64xi32, #tpu.memory_space<vmem>>) semaphore(%arg18 : memref<!tpu.dma_semaphore, #tpu.memory_space<semaphore_mem>>)
    %dma_wait3A_57 = arith.constant 9936 : i32
    %dma_wait3A_58 = tpu.memref_slice %arg8[%dma_wait3A_57] : memref<10000xi32, #tpu.memory_space<vmem>> -> memref<64xi32, #tpu.memory_space<vmem>>
    %dma_wait3A_59 = arith.constant 0 : i32
    %dma_wait3A_60 = arith.constant 0 : i32
    %dma_wait3A_61 = tpu.memref_slice %arg2[%dma_wait3A_59, %dma_wait3A_60] : memref<10240x128xf32, #tpu.memory_space<hbm>> -> memref<10240x128xf32, #tpu.memory_space<hbm>>
    tpu.wait_indirect_dma semaphore(%arg18 : memref<!tpu.dma_semaphore, #tpu.memory_space<semaphore_mem>>) src(%dma_wait3A_61 : memref<10240x128xf32, #tpu.memory_space<hbm>>) dst(%arg10 : memref<64x128xf32, #tpu.memory_space<vmem>>)
    %dma_wait3A_62 = arith.constant 9936 : i32
    %dma_wait3A_63 = tpu.memref_slice %arg9[%dma_wait3A_62] : memref<10000xi32, #tpu.memory_space<vmem>> -> memref<64xi32, #tpu.memory_space<vmem>>
    %dma_wait3A_64 = arith.constant 0 : i32
    %dma_wait3A_65 = arith.constant 0 : i32
    %dma_wait3A_66 = tpu.memref_slice %arg4[%dma_wait3A_64, %dma_wait3A_65] : memref<320000x128xf32, #tpu.memory_space<hbm>> -> memref<320000x128xf32, #tpu.memory_space<hbm>>
    tpu.wait_indirect_dma semaphore(%arg18 : memref<!tpu.dma_semaphore, #tpu.memory_space<semaphore_mem>>) src(%dma_wait3A_66 : memref<320000x128xf32, #tpu.memory_space<hbm>>) dst(%arg14 : memref<64x128xf32, #tpu.memory_space<vmem>>)
    %add3A_67 = arith.constant 9936 : i32
    %add3A_68 = arith.addi %mul3A_2, %add3A_67 : i32
    %dma_start3A_69 = arith.constant 0 : i32
    %dma_start3A_70 = tpu.memref_slice %arg6[%add3A_68, %dma_start3A_69] : memref<320000x128xf32, #tpu.memory_space<hbm>> -> memref<64x128xf32, #tpu.memory_space<hbm>>
    %dma_start3A_71 = arith.constant 0 : i32
    %dma_start3A_72 = tpu.memref_slice %arg6[%add3A_68, %dma_start3A_71] : memref<320000x128xf32, #tpu.memory_space<hbm>> -> memref<64x128xf32, #tpu.memory_space<hbm>>
    tpu.enqueue_dma source(%arg10 : memref<64x128xf32, #tpu.memory_space<vmem>>) target(%dma_start3A_72 : memref<64x128xf32, #tpu.memory_space<hbm>>) target_semaphore(%arg22 : memref<!tpu.dma_semaphore, #tpu.memory_space<semaphore_mem>>)
    %dma_start3A_73 = arith.constant 0 : i32
    %dma_start3A_74 = tpu.memref_slice %arg7[%add3A_68, %dma_start3A_73] : memref<320000x128xf32, #tpu.memory_space<hbm>> -> memref<64x128xf32, #tpu.memory_space<hbm>>
    %dma_start3A_75 = arith.constant 0 : i32
    %dma_start3A_76 = tpu.memref_slice %arg7[%add3A_68, %dma_start3A_75] : memref<320000x128xf32, #tpu.memory_space<hbm>> -> memref<64x128xf32, #tpu.memory_space<hbm>>
    tpu.enqueue_dma source(%arg14 : memref<64x128xf32, #tpu.memory_space<vmem>>) target(%dma_start3A_76 : memref<64x128xf32, #tpu.memory_space<hbm>>) target_semaphore(%arg22 : memref<!tpu.dma_semaphore, #tpu.memory_space<semaphore_mem>>)
    %add3A_77 = arith.constant 9936 : i32
    %add3A_78 = arith.addi %mul3A_2, %add3A_77 : i32
    %dma_wait3A_79 = arith.constant 0 : i32
    %dma_wait3A_80 = tpu.memref_slice %arg6[%add3A_78, %dma_wait3A_79] : memref<320000x128xf32, #tpu.memory_space<hbm>> -> memref<64x128xf32, #tpu.memory_space<hbm>>
    %dma_wait3A_81 = arith.constant 0 : i32
    %dma_wait3A_82 = tpu.memref_slice %arg6[%add3A_78, %dma_wait3A_81] : memref<320000x128xf32, #tpu.memory_space<hbm>> -> memref<64x128xf32, #tpu.memory_space<hbm>>
    tpu.wait_dma2 semaphore(%arg22 : memref<!tpu.dma_semaphore, #tpu.memory_space<semaphore_mem>>) src(%arg10 : memref<64x128xf32, #tpu.memory_space<vmem>>) dst(%dma_wait3A_82 : memref<64x128xf32, #tpu.memory_space<hbm>>)
    %dma_wait3A_83 = arith.constant 0 : i32
    %dma_wait3A_84 = tpu.memref_slice %arg7[%add3A_78, %dma_wait3A_83] : memref<320000x128xf32, #tpu.memory_space<hbm>> -> memref<64x128xf32, #tpu.memory_space<hbm>>
    %dma_wait3A_85 = arith.constant 0 : i32
    %dma_wait3A_86 = tpu.memref_slice %arg7[%add3A_78, %dma_wait3A_85] : memref<320000x128xf32, #tpu.memory_space<hbm>> -> memref<64x128xf32, #tpu.memory_space<hbm>>
    tpu.wait_dma2 semaphore(%arg22 : memref<!tpu.dma_semaphore, #tpu.memory_space<semaphore_mem>>) src(%arg14 : memref<64x128xf32, #tpu.memory_space<vmem>>) dst(%dma_wait3A_86 : memref<64x128xf32, #tpu.memory_space<hbm>>)
    return
  }
}

#map = affine_map<(d0, d1) -> (0, 0)>
#map1 = affine_map<(d0, d1) -> (0)>
module attributes {stable_mosaic.version = 14 : i64} {
  func.func @_dual_gather_body(%arg0: i32, %arg1: i32, %arg2: memref<10240x128xf32, #tpu.memory_space<hbm>>, %arg3: memref<320000xi32, #tpu.memory_space<hbm>>, %arg4: memref<320000x128xf32, #tpu.memory_space<hbm>>, %arg5: memref<320000xi32, #tpu.memory_space<hbm>>, %arg6: memref<320000x128xf32, #tpu.memory_space<hbm>>, %arg7: memref<320000x128xf32, #tpu.memory_space<hbm>>, %arg8: memref<10000xi32, #tpu.memory_space<vmem>>, %arg9: memref<10000xi32, #tpu.memory_space<vmem>>, %arg10: memref<64x128xf32, #tpu.memory_space<vmem>>, %arg11: memref<64x128xf32, #tpu.memory_space<vmem>>, %arg12: memref<64x128xf32, #tpu.memory_space<vmem>>, %arg13: memref<64x128xf32, #tpu.memory_space<vmem>>, %arg14: memref<64x128xf32, #tpu.memory_space<vmem>>, %arg15: memref<64x128xf32, #tpu.memory_space<vmem>>, %arg16: memref<64x128xf32, #tpu.memory_space<vmem>>, %arg17: memref<64x128xf32, #tpu.memory_space<vmem>>, %arg18: memref<!tpu.dma_semaphore, #tpu.memory_space<semaphore_mem>>, %arg19: memref<!tpu.dma_semaphore, #tpu.memory_space<semaphore_mem>>, %arg20: memref<!tpu.dma_semaphore, #tpu.memory_space<semaphore_mem>>, %arg21: memref<!tpu.dma_semaphore, #tpu.memory_space<semaphore_mem>>, %arg22: memref<!tpu.dma_semaphore, #tpu.memory_space<semaphore_mem>>, %arg23: memref<!tpu.dma_semaphore, #tpu.memory_space<semaphore_mem>>, %arg24: memref<!tpu.dma_semaphore, #tpu.memory_space<semaphore_mem>>, %arg25: memref<!tpu.dma_semaphore, #tpu.memory_space<semaphore_mem>>) attributes {dimension_semantics = [#tpu.dimension_semantics<core_parallel>, #tpu.dimension_semantics<subcore_parallel>], iteration_bounds = array<i64: 2, 16>, scalar_prefetch = 0 : i64, scratch_operands = 18 : i64, tpu.core_type = #tpu.core_type<sc_vector_subcore>, window_params = [{transform_indices = #map}, {transform_indices = #map1}, {transform_indices = #map}, {transform_indices = #map1}, {transform_indices = #map}, {transform_indices = #map}]} {
    %mul3A = arith.constant 2 : i32
    %mul3A_0 = arith.muli %arg1, %mul3A : i32
    %add3A = arith.addi %mul3A_0, %arg0 : i32
    %mul3A_1 = arith.constant 10000 : i32
    %mul3A_2 = arith.muli %add3A, %mul3A_1 : i32
    "tpu.region"() ({
      %run_scoped3A = tpu.sem_alloc : memref<!tpu.dma_semaphore, #tpu.memory_space<semaphore_mem>>
      %dma_start3A_87 = tpu.memref_slice %arg3[%mul3A_2] : memref<320000xi32, #tpu.memory_space<hbm>> -> memref<10000xi32, #tpu.memory_space<hbm>>
      %dma_start3A_88 = tpu.memref_slice %arg3[%mul3A_2] : memref<320000xi32, #tpu.memory_space<hbm>> -> memref<10000xi32, #tpu.memory_space<hbm>>
      tpu.enqueue_dma source(%dma_start3A_88 : memref<10000xi32, #tpu.memory_space<hbm>>) target(%arg8 : memref<10000xi32, #tpu.memory_space<vmem>>) target_semaphore(%run_scoped3A : memref<!tpu.dma_semaphore, #tpu.memory_space<semaphore_mem>>)
      %dma_wait3A_89 = tpu.memref_slice %arg3[%mul3A_2] : memref<320000xi32, #tpu.memory_space<hbm>> -> memref<10000xi32, #tpu.memory_space<hbm>>
      %dma_wait3A_90 = tpu.memref_slice %arg3[%mul3A_2] : memref<320000xi32, #tpu.memory_space<hbm>> -> memref<10000xi32, #tpu.memory_space<hbm>>
      tpu.wait_dma2 semaphore(%run_scoped3A : memref<!tpu.dma_semaphore, #tpu.memory_space<semaphore_mem>>) src(%dma_wait3A_90 : memref<10000xi32, #tpu.memory_space<hbm>>) dst(%arg8 : memref<10000xi32, #tpu.memory_space<vmem>>)
      tpu.yield
    }) : () -> ()
    "tpu.region"() ({
      %run_scoped3A = tpu.sem_alloc : memref<!tpu.dma_semaphore, #tpu.memory_space<semaphore_mem>>
      %dma_start3A_87 = tpu.memref_slice %arg5[%mul3A_2] : memref<320000xi32, #tpu.memory_space<hbm>> -> memref<10000xi32, #tpu.memory_space<hbm>>
      %dma_start3A_88 = tpu.memref_slice %arg5[%mul3A_2] : memref<320000xi32, #tpu.memory_space<hbm>> -> memref<10000xi32, #tpu.memory_space<hbm>>
      tpu.enqueue_dma source(%dma_start3A_88 : memref<10000xi32, #tpu.memory_space<hbm>>) target(%arg9 : memref<10000xi32, #tpu.memory_space<vmem>>) target_semaphore(%run_scoped3A : memref<!tpu.dma_semaphore, #tpu.memory_space<semaphore_mem>>)
      %dma_wait3A_89 = tpu.memref_slice %arg5[%mul3A_2] : memref<320000xi32, #tpu.memory_space<hbm>> -> memref<10000xi32, #tpu.memory_space<hbm>>
      %dma_wait3A_90 = tpu.memref_slice %arg5[%mul3A_2] : memref<320000xi32, #tpu.memory_space<hbm>> -> memref<10000xi32, #tpu.memory_space<hbm>>
      tpu.wait_dma2 semaphore(%run_scoped3A : memref<!tpu.dma_semaphore, #tpu.memory_space<semaphore_mem>>) src(%dma_wait3A_90 : memref<10000xi32, #tpu.memory_space<hbm>>) dst(%arg9 : memref<10000xi32, #tpu.memory_space<vmem>>)
      tpu.yield
    }) : () -> ()
    %dma_start3A = arith.constant 0 : i32
    %dma_start3A_3 = tpu.memref_slice %arg8[%dma_start3A] : memref<10000xi32, #tpu.memory_space<vmem>> -> memref<64xi32, #tpu.memory_space<vmem>>
    %dma_start3A_4 = arith.constant 0 : i32
    %dma_start3A_5 = arith.constant 0 : i32
    %dma_start3A_6 = tpu.memref_slice %arg2[%dma_start3A_4, %dma_start3A_5] : memref<10240x128xf32, #tpu.memory_space<hbm>> -> memref<10240x128xf32, #tpu.memory_space<hbm>>
    tpu.enqueue_indirect_dma source(%dma_start3A_6 : memref<10240x128xf32, #tpu.memory_space<hbm>>) target(%arg10 : memref<64x128xf32, #tpu.memory_space<vmem>>) offsets(%dma_start3A_3 : memref<64xi32, #tpu.memory_space<vmem>>) semaphore(%arg18 : memref<!tpu.dma_semaphore, #tpu.memory_space<semaphore_mem>>)
    %dma_start3A_7 = arith.constant 0 : i32
    %dma_start3A_8 = tpu.memref_slice %arg9[%dma_start3A_7] : memref<10000xi32, #tpu.memory_space<vmem>> -> memref<64xi32, #tpu.memory_space<vmem>>
    %dma_start3A_9 = arith.constant 0 : i32
    %dma_start3A_10 = arith.constant 0 : i32
    %dma_start3A_11 = tpu.memref_slice %arg4[%dma_start3A_9, %dma_start3A_10] : memref<320000x128xf32, #tpu.memory_space<hbm>> -> memref<320000x128xf32, #tpu.memory_space<hbm>>
    tpu.enqueue_indirect_dma source(%dma_start3A_11 : memref<320000x128xf32, #tpu.memory_space<hbm>>) target(%arg14 : memref<64x128xf32, #tpu.memory_space<vmem>>) offsets(%dma_start3A_8 : memref<64xi32, #tpu.memory_space<vmem>>) semaphore(%arg18 : memref<!tpu.dma_semaphore, #tpu.memory_space<semaphore_mem>>)
    %dma_start3A_12 = arith.constant 64 : i32
    %dma_start3A_13 = tpu.memref_slice %arg8[%dma_start3A_12] : memref<10000xi32, #tpu.memory_space<vmem>> -> memref<64xi32, #tpu.memory_space<vmem>>
    %dma_start3A_14 = arith.constant 0 : i32
    %dma_start3A_15 = arith.constant 0 : i32
    %dma_start3A_16 = tpu.memref_slice %arg2[%dma_start3A_14, %dma_start3A_15] : memref<10240x128xf32, #tpu.memory_space<hbm>> -> memref<10240x128xf32, #tpu.memory_space<hbm>>
    tpu.enqueue_indirect_dma source(%dma_start3A_16 : memref<10240x128xf32, #tpu.memory_space<hbm>>) target(%arg11 : memref<64x128xf32, #tpu.memory_space<vmem>>) offsets(%dma_start3A_13 : memref<64xi32, #tpu.memory_space<vmem>>) semaphore(%arg19 : memref<!tpu.dma_semaphore, #tpu.memory_space<semaphore_mem>>)
    %dma_start3A_17 = arith.constant 64 : i32
    %dma_start3A_18 = tpu.memref_slice %arg9[%dma_start3A_17] : memref<10000xi32, #tpu.memory_space<vmem>> -> memref<64xi32, #tpu.memory_space<vmem>>
    %dma_start3A_19 = arith.constant 0 : i32
    %dma_start3A_20 = arith.constant 0 : i32
    %dma_start3A_21 = tpu.memref_slice %arg4[%dma_start3A_19, %dma_start3A_20] : memref<320000x128xf32, #tpu.memory_space<hbm>> -> memref<320000x128xf32, #tpu.memory_space<hbm>>
    tpu.enqueue_indirect_dma source(%dma_start3A_21 : memref<320000x128xf32, #tpu.memory_space<hbm>>) target(%arg15 : memref<64x128xf32, #tpu.memory_space<vmem>>) offsets(%dma_start3A_18 : memref<64xi32, #tpu.memory_space<vmem>>) semaphore(%arg19 : memref<!tpu.dma_semaphore, #tpu.memory_space<semaphore_mem>>)
    %scan3A = arith.constant 0 : i32
    %scan3A_22 = arith.constant 0 : i32
    %scan3A_23 = arith.constant 39 : i32
    %scan3A_24 = arith.addi %scan3A_22, %scan3A_23 : i32
    %scan3A_25 = arith.constant 1 : i32
    %scan3A_26 = scf.for %scan3A_87 = %scan3A_22 to %scan3A_24 step %scan3A_25 iter_args(%scan3A_88 = %scan3A) -> (i32)  : i32 {
      %mul3A_89 = arith.constant 4 : i32
      %mul3A_90 = arith.muli %mul3A_89, %scan3A_87 : i32
      %add3A_91 = arith.constant 0 : i32
      %add3A_92 = arith.addi %mul3A_90, %add3A_91 : i32
      %mul3A_93 = arith.constant 64 : i32
      %mul3A_94 = arith.muli %add3A_92, %mul3A_93 : i32
      %dma_wait3A_95 = tpu.memref_slice %arg8[%mul3A_94] : memref<10000xi32, #tpu.memory_space<vmem>> -> memref<64xi32, #tpu.memory_space<vmem>>
      %dma_wait3A_96 = arith.constant 0 : i32
      %dma_wait3A_97 = arith.constant 0 : i32
      %dma_wait3A_98 = tpu.memref_slice %arg2[%dma_wait3A_96, %dma_wait3A_97] : memref<10240x128xf32, #tpu.memory_space<hbm>> -> memref<10240x128xf32, #tpu.memory_space<hbm>>
      tpu.wait_indirect_dma semaphore(%arg18 : memref<!tpu.dma_semaphore, #tpu.memory_space<semaphore_mem>>) src(%dma_wait3A_98 : memref<10240x128xf32, #tpu.memory_space<hbm>>) dst(%arg10 : memref<64x128xf32, #tpu.memory_space<vmem>>)
      %dma_wait3A_99 = tpu.memref_slice %arg9[%mul3A_94] : memref<10000xi32, #tpu.memory_space<vmem>> -> memref<64xi32, #tpu.memory_space<vmem>>
      %dma_wait3A_100 = arith.constant 0 : i32
      %dma_wait3A_101 = arith.constant 0 : i32
      %dma_wait3A_102 = tpu.memref_slice %arg4[%dma_wait3A_100, %dma_wait3A_101] : memref<320000x128xf32, #tpu.memory_space<hbm>> -> memref<320000x128xf32, #tpu.memory_space<hbm>>
      tpu.wait_indirect_dma semaphore(%arg18 : memref<!tpu.dma_semaphore, #tpu.memory_space<semaphore_mem>>) src(%dma_wait3A_102 : memref<320000x128xf32, #tpu.memory_space<hbm>>) dst(%arg14 : memref<64x128xf32, #tpu.memory_space<vmem>>)
      %mul3A_103 = arith.constant 64 : i32
      %mul3A_104 = arith.muli %add3A_92, %mul3A_103 : i32
      %add3A_105 = arith.addi %mul3A_2, %mul3A_104 : i32
      %dma_start3A_106 = arith.constant 0 : i32
      %dma_start3A_107 = tpu.memref_slice %arg6[%add3A_105, %dma_start3A_106] : memref<320000x128xf32, #tpu.memory_space<hbm>> -> memref<64x128xf32, #tpu.memory_space<hbm>>
      %dma_start3A_108 = arith.constant 0 : i32
      %dma_start3A_109 = tpu.memref_slice %arg6[%add3A_105, %dma_start3A_108] : memref<320000x128xf32, #tpu.memory_space<hbm>> -> memref<64x128xf32, #tpu.memory_space<hbm>>
      tpu.enqueue_dma source(%arg10 : memref<64x128xf32, #tpu.memory_space<vmem>>) target(%dma_start3A_109 : memref<64x128xf32, #tpu.memory_space<hbm>>) target_semaphore(%arg22 : memref<!tpu.dma_semaphore, #tpu.memory_space<semaphore_mem>>)
      %dma_start3A_110 = arith.constant 0 : i32
      %dma_start3A_111 = tpu.memref_slice %arg7[%add3A_105, %dma_start3A_110] : memref<320000x128xf32, #tpu.memory_space<hbm>> -> memref<64x128xf32, #tpu.memory_space<hbm>>
      %dma_start3A_112 = arith.constant 0 : i32
      %dma_start3A_113 = tpu.memref_slice %arg7[%add3A_105, %dma_start3A_112] : memref<320000x128xf32, #tpu.memory_space<hbm>> -> memref<64x128xf32, #tpu.memory_space<hbm>>
      tpu.enqueue_dma source(%arg14 : memref<64x128xf32, #tpu.memory_space<vmem>>) target(%dma_start3A_113 : memref<64x128xf32, #tpu.memory_space<hbm>>) target_semaphore(%arg22 : memref<!tpu.dma_semaphore, #tpu.memory_space<semaphore_mem>>)
      %add3A_114 = arith.constant 2 : i32
      %add3A_115 = arith.addi %add3A_92, %add3A_114 : i32
      %ge3A = arith.constant 4 : i32
      %ge3A_116 = arith.cmpi sge, %add3A_115, %ge3A : i32
      %convert_element_type3A = arith.extui %ge3A_116 : i1 to i32
      %cond3A = arith.constant 0 : i32
      %cond3A_117 = arith.cmpi ne, %convert_element_type3A, %cond3A : i32
      scf.if %cond3A_117 {
        %sub3A = arith.constant 4 : i32
        %sub3A_234 = arith.subi %add3A_115, %sub3A : i32
        %mul3A_235 = arith.constant 64 : i32
        %mul3A_236 = arith.muli %sub3A_234, %mul3A_235 : i32
        %add3A_237 = arith.addi %mul3A_2, %mul3A_236 : i32
        %dma_wait3A_238 = arith.constant 0 : i32
        %dma_wait3A_239 = tpu.memref_slice %arg6[%add3A_237, %dma_wait3A_238] : memref<320000x128xf32, #tpu.memory_space<hbm>> -> memref<64x128xf32, #tpu.memory_space<hbm>>
        %dma_wait3A_240 = arith.constant 0 : i32
        %dma_wait3A_241 = tpu.memref_slice %arg6[%add3A_237, %dma_wait3A_240] : memref<320000x128xf32, #tpu.memory_space<hbm>> -> memref<64x128xf32, #tpu.memory_space<hbm>>
        tpu.wait_dma2 semaphore(%arg24 : memref<!tpu.dma_semaphore, #tpu.memory_space<semaphore_mem>>) src(%arg12 : memref<64x128xf32, #tpu.memory_space<vmem>>) dst(%dma_wait3A_241 : memref<64x128xf32, #tpu.memory_space<hbm>>)
        %dma_wait3A_242 = arith.constant 0 : i32
        %dma_wait3A_243 = tpu.memref_slice %arg7[%add3A_237, %dma_wait3A_242] : memref<320000x128xf32, #tpu.memory_space<hbm>> -> memref<64x128xf32, #tpu.memory_space<hbm>>
        %dma_wait3A_244 = arith.constant 0 : i32
        %dma_wait3A_245 = tpu.memref_slice %arg7[%add3A_237, %dma_wait3A_244] : memref<320000x128xf32, #tpu.memory_space<hbm>> -> memref<64x128xf32, #tpu.memory_space<hbm>>
        tpu.wait_dma2 semaphore(%arg24 : memref<!tpu.dma_semaphore, #tpu.memory_space<semaphore_mem>>) src(%arg16 : memref<64x128xf32, #tpu.memory_space<vmem>>) dst(%dma_wait3A_245 : memref<64x128xf32, #tpu.memory_space<hbm>>)
      } else {
      }
      %lt3A = arith.constant 156 : i32
      %lt3A_118 = arith.cmpi slt, %add3A_115, %lt3A : i32
      %convert_element_type3A_119 = arith.extui %lt3A_118 : i1 to i32
      %cond3A_120 = arith.constant 0 : i32
      %cond3A_121 = arith.cmpi ne, %convert_element_type3A_119, %cond3A_120 : i32
      scf.if %cond3A_121 {
        %mul3A_234 = arith.constant 64 : i32
        %mul3A_235 = arith.muli %add3A_115, %mul3A_234 : i32
        %dma_start3A_236 = tpu.memref_slice %arg8[%mul3A_235] : memref<10000xi32, #tpu.memory_space<vmem>> -> memref<64xi32, #tpu.memory_space<vmem>>
        %dma_start3A_237 = arith.constant 0 : i32
        %dma_start3A_238 = arith.constant 0 : i32
        %dma_start3A_239 = tpu.memref_slice %arg2[%dma_start3A_237, %dma_start3A_238] : memref<10240x128xf32, #tpu.memory_space<hbm>> -> memref<10240x128xf32, #tpu.memory_space<hbm>>
        tpu.enqueue_indirect_dma source(%dma_start3A_239 : memref<10240x128xf32, #tpu.memory_space<hbm>>) target(%arg12 : memref<64x128xf32, #tpu.memory_space<vmem>>) offsets(%dma_start3A_236 : memref<64xi32, #tpu.memory_space<vmem>>) semaphore(%arg20 : memref<!tpu.dma_semaphore, #tpu.memory_space<semaphore_mem>>)
        %dma_start3A_240 = tpu.memref_slice %arg9[%mul3A_235] : memref<10000xi32, #tpu.memory_space<vmem>> -> memref<64xi32, #tpu.memory_space<vmem>>
        %dma_start3A_241 = arith.constant 0 : i32
        %dma_start3A_242 = arith.constant 0 : i32
        %dma_start3A_243 = tpu.memref_slice %arg4[%dma_start3A_241, %dma_start3A_242] : memref<320000x128xf32, #tpu.memory_space<hbm>> -> memref<320000x128xf32, #tpu.memory_space<hbm>>
        tpu.enqueue_indirect_dma source(%dma_start3A_243 : memref<320000x128xf32, #tpu.memory_space<hbm>>) target(%arg16 : memref<64x128xf32, #tpu.memory_space<vmem>>) offsets(%dma_start3A_240 : memref<64xi32, #tpu.memory_space<vmem>>) semaphore(%arg20 : memref<!tpu.dma_semaphore, #tpu.memory_space<semaphore_mem>>)
      } else {
      }
      %mul3A_122 = arith.constant 4 : i32
      %mul3A_123 = arith.muli %mul3A_122, %scan3A_87 : i32
      %add3A_124 = arith.constant 1 : i32
      %add3A_125 = arith.addi %mul3A_123, %add3A_124 : i32
      %mul3A_126 = arith.constant 64 : i32
      %mul3A_127 = arith.muli %add3A_125, %mul3A_126 : i32
      %dma_wait3A_128 = tpu.memref_slice %arg8[%mul3A_127] : memref<10000xi32, #tpu.memory_space<vmem>> -> memref<64xi32, #tpu.memory_space<vmem>>
      %dma_wait3A_129 = arith.constant 0 : i32
      %dma_wait3A_130 = arith.constant 0 : i32
      %dma_wait3A_131 = tpu.memref_slice %arg2[%dma_wait3A_129, %dma_wait3A_130] : memref<10240x128xf32, #tpu.memory_space<hbm>> -> memref<10240x128xf32, #tpu.memory_space<hbm>>
      tpu.wait_indirect_dma semaphore(%arg19 : memref<!tpu.dma_semaphore, #tpu.memory_space<semaphore_mem>>) src(%dma_wait3A_131 : memref<10240x128xf32, #tpu.memory_space<hbm>>) dst(%arg11 : memref<64x128xf32, #tpu.memory_space<vmem>>)
      %dma_wait3A_132 = tpu.memref_slice %arg9[%mul3A_127] : memref<10000xi32, #tpu.memory_space<vmem>> -> memref<64xi32, #tpu.memory_space<vmem>>
      %dma_wait3A_133 = arith.constant 0 : i32
      %dma_wait3A_134 = arith.constant 0 : i32
      %dma_wait3A_135 = tpu.memref_slice %arg4[%dma_wait3A_133, %dma_wait3A_134] : memref<320000x128xf32, #tpu.memory_space<hbm>> -> memref<320000x128xf32, #tpu.memory_space<hbm>>
      tpu.wait_indirect_dma semaphore(%arg19 : memref<!tpu.dma_semaphore, #tpu.memory_space<semaphore_mem>>) src(%dma_wait3A_135 : memref<320000x128xf32, #tpu.memory_space<hbm>>) dst(%arg15 : memref<64x128xf32, #tpu.memory_space<vmem>>)
      %mul3A_136 = arith.constant 64 : i32
      %mul3A_137 = arith.muli %add3A_125, %mul3A_136 : i32
      %add3A_138 = arith.addi %mul3A_2, %mul3A_137 : i32
      %dma_start3A_139 = arith.constant 0 : i32
      %dma_start3A_140 = tpu.memref_slice %arg6[%add3A_138, %dma_start3A_139] : memref<320000x128xf32, #tpu.memory_space<hbm>> -> memref<64x128xf32, #tpu.memory_space<hbm>>
      %dma_start3A_141 = arith.constant 0 : i32
      %dma_start3A_142 = tpu.memref_slice %arg6[%add3A_138, %dma_start3A_141] : memref<320000x128xf32, #tpu.memory_space<hbm>> -> memref<64x128xf32, #tpu.memory_space<hbm>>
      tpu.enqueue_dma source(%arg11 : memref<64x128xf32, #tpu.memory_space<vmem>>) target(%dma_start3A_142 : memref<64x128xf32, #tpu.memory_space<hbm>>) target_semaphore(%arg23 : memref<!tpu.dma_semaphore, #tpu.memory_space<semaphore_mem>>)
      %dma_start3A_143 = arith.constant 0 : i32
      %dma_start3A_144 = tpu.memref_slice %arg7[%add3A_138, %dma_start3A_143] : memref<320000x128xf32, #tpu.memory_space<hbm>> -> memref<64x128xf32, #tpu.memory_space<hbm>>
      %dma_start3A_145 = arith.constant 0 : i32
      %dma_start3A_146 = tpu.memref_slice %arg7[%add3A_138, %dma_start3A_145] : memref<320000x128xf32, #tpu.memory_space<hbm>> -> memref<64x128xf32, #tpu.memory_space<hbm>>
      tpu.enqueue_dma source(%arg15 : memref<64x128xf32, #tpu.memory_space<vmem>>) target(%dma_start3A_146 : memref<64x128xf32, #tpu.memory_space<hbm>>) target_semaphore(%arg23 : memref<!tpu.dma_semaphore, #tpu.memory_space<semaphore_mem>>)
      %add3A_147 = arith.constant 2 : i32
      %add3A_148 = arith.addi %add3A_125, %add3A_147 : i32
      %ge3A_149 = arith.constant 4 : i32
      %ge3A_150 = arith.cmpi sge, %add3A_148, %ge3A_149 : i32
      %convert_element_type3A_151 = arith.extui %ge3A_150 : i1 to i32
      %cond3A_152 = arith.constant 0 : i32
      %cond3A_153 = arith.cmpi ne, %convert_element_type3A_151, %cond3A_152 : i32
      scf.if %cond3A_153 {
        %sub3A = arith.constant 4 : i32
        %sub3A_234 = arith.subi %add3A_148, %sub3A : i32
        %mul3A_235 = arith.constant 64 : i32
        %mul3A_236 = arith.muli %sub3A_234, %mul3A_235 : i32
        %add3A_237 = arith.addi %mul3A_2, %mul3A_236 : i32
        %dma_wait3A_238 = arith.constant 0 : i32
        %dma_wait3A_239 = tpu.memref_slice %arg6[%add3A_237, %dma_wait3A_238] : memref<320000x128xf32, #tpu.memory_space<hbm>> -> memref<64x128xf32, #tpu.memory_space<hbm>>
        %dma_wait3A_240 = arith.constant 0 : i32
        %dma_wait3A_241 = tpu.memref_slice %arg6[%add3A_237, %dma_wait3A_240] : memref<320000x128xf32, #tpu.memory_space<hbm>> -> memref<64x128xf32, #tpu.memory_space<hbm>>
        tpu.wait_dma2 semaphore(%arg25 : memref<!tpu.dma_semaphore, #tpu.memory_space<semaphore_mem>>) src(%arg13 : memref<64x128xf32, #tpu.memory_space<vmem>>) dst(%dma_wait3A_241 : memref<64x128xf32, #tpu.memory_space<hbm>>)
        %dma_wait3A_242 = arith.constant 0 : i32
        %dma_wait3A_243 = tpu.memref_slice %arg7[%add3A_237, %dma_wait3A_242] : memref<320000x128xf32, #tpu.memory_space<hbm>> -> memref<64x128xf32, #tpu.memory_space<hbm>>
        %dma_wait3A_244 = arith.constant 0 : i32
        %dma_wait3A_245 = tpu.memref_slice %arg7[%add3A_237, %dma_wait3A_244] : memref<320000x128xf32, #tpu.memory_space<hbm>> -> memref<64x128xf32, #tpu.memory_space<hbm>>
        tpu.wait_dma2 semaphore(%arg25 : memref<!tpu.dma_semaphore, #tpu.memory_space<semaphore_mem>>) src(%arg17 : memref<64x128xf32, #tpu.memory_space<vmem>>) dst(%dma_wait3A_245 : memref<64x128xf32, #tpu.memory_space<hbm>>)
      } else {
      }
      %lt3A_154 = arith.constant 156 : i32
      %lt3A_155 = arith.cmpi slt, %add3A_148, %lt3A_154 : i32
      %convert_element_type3A_156 = arith.extui %lt3A_155 : i1 to i32
      %cond3A_157 = arith.constant 0 : i32
      %cond3A_158 = arith.cmpi ne, %convert_element_type3A_156, %cond3A_157 : i32
      scf.if %cond3A_158 {
        %mul3A_234 = arith.constant 64 : i32
        %mul3A_235 = arith.muli %add3A_148, %mul3A_234 : i32
        %dma_start3A_236 = tpu.memref_slice %arg8[%mul3A_235] : memref<10000xi32, #tpu.memory_space<vmem>> -> memref<64xi32, #tpu.memory_space<vmem>>
        %dma_start3A_237 = arith.constant 0 : i32
        %dma_start3A_238 = arith.constant 0 : i32
        %dma_start3A_239 = tpu.memref_slice %arg2[%dma_start3A_237, %dma_start3A_238] : memref<10240x128xf32, #tpu.memory_space<hbm>> -> memref<10240x128xf32, #tpu.memory_space<hbm>>
        tpu.enqueue_indirect_dma source(%dma_start3A_239 : memref<10240x128xf32, #tpu.memory_space<hbm>>) target(%arg13 : memref<64x128xf32, #tpu.memory_space<vmem>>) offsets(%dma_start3A_236 : memref<64xi32, #tpu.memory_space<vmem>>) semaphore(%arg21 : memref<!tpu.dma_semaphore, #tpu.memory_space<semaphore_mem>>)
        %dma_start3A_240 = tpu.memref_slice %arg9[%mul3A_235] : memref<10000xi32, #tpu.memory_space<vmem>> -> memref<64xi32, #tpu.memory_space<vmem>>
        %dma_start3A_241 = arith.constant 0 : i32
        %dma_start3A_242 = arith.constant 0 : i32
        %dma_start3A_243 = tpu.memref_slice %arg4[%dma_start3A_241, %dma_start3A_242] : memref<320000x128xf32, #tpu.memory_space<hbm>> -> memref<320000x128xf32, #tpu.memory_space<hbm>>
        tpu.enqueue_indirect_dma source(%dma_start3A_243 : memref<320000x128xf32, #tpu.memory_space<hbm>>) target(%arg17 : memref<64x128xf32, #tpu.memory_space<vmem>>) offsets(%dma_start3A_240 : memref<64xi32, #tpu.memory_space<vmem>>) semaphore(%arg21 : memref<!tpu.dma_semaphore, #tpu.memory_space<semaphore_mem>>)
      } else {
      }
      %mul3A_159 = arith.constant 4 : i32
      %mul3A_160 = arith.muli %mul3A_159, %scan3A_87 : i32
      %add3A_161 = arith.constant 2 : i32
      %add3A_162 = arith.addi %mul3A_160, %add3A_161 : i32
      %mul3A_163 = arith.constant 64 : i32
      %mul3A_164 = arith.muli %add3A_162, %mul3A_163 : i32
      %dma_wait3A_165 = tpu.memref_slice %arg8[%mul3A_164] : memref<10000xi32, #tpu.memory_space<vmem>> -> memref<64xi32, #tpu.memory_space<vmem>>
      %dma_wait3A_166 = arith.constant 0 : i32
      %dma_wait3A_167 = arith.constant 0 : i32
      %dma_wait3A_168 = tpu.memref_slice %arg2[%dma_wait3A_166, %dma_wait3A_167] : memref<10240x128xf32, #tpu.memory_space<hbm>> -> memref<10240x128xf32, #tpu.memory_space<hbm>>
      tpu.wait_indirect_dma semaphore(%arg20 : memref<!tpu.dma_semaphore, #tpu.memory_space<semaphore_mem>>) src(%dma_wait3A_168 : memref<10240x128xf32, #tpu.memory_space<hbm>>) dst(%arg12 : memref<64x128xf32, #tpu.memory_space<vmem>>)
      %dma_wait3A_169 = tpu.memref_slice %arg9[%mul3A_164] : memref<10000xi32, #tpu.memory_space<vmem>> -> memref<64xi32, #tpu.memory_space<vmem>>
      %dma_wait3A_170 = arith.constant 0 : i32
      %dma_wait3A_171 = arith.constant 0 : i32
      %dma_wait3A_172 = tpu.memref_slice %arg4[%dma_wait3A_170, %dma_wait3A_171] : memref<320000x128xf32, #tpu.memory_space<hbm>> -> memref<320000x128xf32, #tpu.memory_space<hbm>>
      tpu.wait_indirect_dma semaphore(%arg20 : memref<!tpu.dma_semaphore, #tpu.memory_space<semaphore_mem>>) src(%dma_wait3A_172 : memref<320000x128xf32, #tpu.memory_space<hbm>>) dst(%arg16 : memref<64x128xf32, #tpu.memory_space<vmem>>)
      %mul3A_173 = arith.constant 64 : i32
      %mul3A_174 = arith.muli %add3A_162, %mul3A_173 : i32
      %add3A_175 = arith.addi %mul3A_2, %mul3A_174 : i32
      %dma_start3A_176 = arith.constant 0 : i32
      %dma_start3A_177 = tpu.memref_slice %arg6[%add3A_175, %dma_start3A_176] : memref<320000x128xf32, #tpu.memory_space<hbm>> -> memref<64x128xf32, #tpu.memory_space<hbm>>
      %dma_start3A_178 = arith.constant 0 : i32
      %dma_start3A_179 = tpu.memref_slice %arg6[%add3A_175, %dma_start3A_178] : memref<320000x128xf32, #tpu.memory_space<hbm>> -> memref<64x128xf32, #tpu.memory_space<hbm>>
      tpu.enqueue_dma source(%arg12 : memref<64x128xf32, #tpu.memory_space<vmem>>) target(%dma_start3A_179 : memref<64x128xf32, #tpu.memory_space<hbm>>) target_semaphore(%arg24 : memref<!tpu.dma_semaphore, #tpu.memory_space<semaphore_mem>>)
      %dma_start3A_180 = arith.constant 0 : i32
      %dma_start3A_181 = tpu.memref_slice %arg7[%add3A_175, %dma_start3A_180] : memref<320000x128xf32, #tpu.memory_space<hbm>> -> memref<64x128xf32, #tpu.memory_space<hbm>>
      %dma_start3A_182 = arith.constant 0 : i32
      %dma_start3A_183 = tpu.memref_slice %arg7[%add3A_175, %dma_start3A_182] : memref<320000x128xf32, #tpu.memory_space<hbm>> -> memref<64x128xf32, #tpu.memory_space<hbm>>
      tpu.enqueue_dma source(%arg16 : memref<64x128xf32, #tpu.memory_space<vmem>>) target(%dma_start3A_183 : memref<64x128xf32, #tpu.memory_space<hbm>>) target_semaphore(%arg24 : memref<!tpu.dma_semaphore, #tpu.memory_space<semaphore_mem>>)
      %add3A_184 = arith.constant 2 : i32
      %add3A_185 = arith.addi %add3A_162, %add3A_184 : i32
      %ge3A_186 = arith.constant 4 : i32
      %ge3A_187 = arith.cmpi sge, %add3A_185, %ge3A_186 : i32
      %convert_element_type3A_188 = arith.extui %ge3A_187 : i1 to i32
      %cond3A_189 = arith.constant 0 : i32
      %cond3A_190 = arith.cmpi ne, %convert_element_type3A_188, %cond3A_189 : i32
      scf.if %cond3A_190 {
        %sub3A = arith.constant 4 : i32
        %sub3A_234 = arith.subi %add3A_185, %sub3A : i32
        %mul3A_235 = arith.constant 64 : i32
        %mul3A_236 = arith.muli %sub3A_234, %mul3A_235 : i32
        %add3A_237 = arith.addi %mul3A_2, %mul3A_236 : i32
        %dma_wait3A_238 = arith.constant 0 : i32
        %dma_wait3A_239 = tpu.memref_slice %arg6[%add3A_237, %dma_wait3A_238] : memref<320000x128xf32, #tpu.memory_space<hbm>> -> memref<64x128xf32, #tpu.memory_space<hbm>>
        %dma_wait3A_240 = arith.constant 0 : i32
        %dma_wait3A_241 = tpu.memref_slice %arg6[%add3A_237, %dma_wait3A_240] : memref<320000x128xf32, #tpu.memory_space<hbm>> -> memref<64x128xf32, #tpu.memory_space<hbm>>
        tpu.wait_dma2 semaphore(%arg22 : memref<!tpu.dma_semaphore, #tpu.memory_space<semaphore_mem>>) src(%arg10 : memref<64x128xf32, #tpu.memory_space<vmem>>) dst(%dma_wait3A_241 : memref<64x128xf32, #tpu.memory_space<hbm>>)
        %dma_wait3A_242 = arith.constant 0 : i32
        %dma_wait3A_243 = tpu.memref_slice %arg7[%add3A_237, %dma_wait3A_242] : memref<320000x128xf32, #tpu.memory_space<hbm>> -> memref<64x128xf32, #tpu.memory_space<hbm>>
        %dma_wait3A_244 = arith.constant 0 : i32
        %dma_wait3A_245 = tpu.memref_slice %arg7[%add3A_237, %dma_wait3A_244] : memref<320000x128xf32, #tpu.memory_space<hbm>> -> memref<64x128xf32, #tpu.memory_space<hbm>>
        tpu.wait_dma2 semaphore(%arg22 : memref<!tpu.dma_semaphore, #tpu.memory_space<semaphore_mem>>) src(%arg14 : memref<64x128xf32, #tpu.memory_space<vmem>>) dst(%dma_wait3A_245 : memref<64x128xf32, #tpu.memory_space<hbm>>)
      } else {
      }
      %lt3A_191 = arith.constant 156 : i32
      %lt3A_192 = arith.cmpi slt, %add3A_185, %lt3A_191 : i32
      %convert_element_type3A_193 = arith.extui %lt3A_192 : i1 to i32
      %cond3A_194 = arith.constant 0 : i32
      %cond3A_195 = arith.cmpi ne, %convert_element_type3A_193, %cond3A_194 : i32
      scf.if %cond3A_195 {
        %mul3A_234 = arith.constant 64 : i32
        %mul3A_235 = arith.muli %add3A_185, %mul3A_234 : i32
        %dma_start3A_236 = tpu.memref_slice %arg8[%mul3A_235] : memref<10000xi32, #tpu.memory_space<vmem>> -> memref<64xi32, #tpu.memory_space<vmem>>
        %dma_start3A_237 = arith.constant 0 : i32
        %dma_start3A_238 = arith.constant 0 : i32
        %dma_start3A_239 = tpu.memref_slice %arg2[%dma_start3A_237, %dma_start3A_238] : memref<10240x128xf32, #tpu.memory_space<hbm>> -> memref<10240x128xf32, #tpu.memory_space<hbm>>
        tpu.enqueue_indirect_dma source(%dma_start3A_239 : memref<10240x128xf32, #tpu.memory_space<hbm>>) target(%arg10 : memref<64x128xf32, #tpu.memory_space<vmem>>) offsets(%dma_start3A_236 : memref<64xi32, #tpu.memory_space<vmem>>) semaphore(%arg18 : memref<!tpu.dma_semaphore, #tpu.memory_space<semaphore_mem>>)
        %dma_start3A_240 = tpu.memref_slice %arg9[%mul3A_235] : memref<10000xi32, #tpu.memory_space<vmem>> -> memref<64xi32, #tpu.memory_space<vmem>>
        %dma_start3A_241 = arith.constant 0 : i32
        %dma_start3A_242 = arith.constant 0 : i32
        %dma_start3A_243 = tpu.memref_slice %arg4[%dma_start3A_241, %dma_start3A_242] : memref<320000x128xf32, #tpu.memory_space<hbm>> -> memref<320000x128xf32, #tpu.memory_space<hbm>>
        tpu.enqueue_indirect_dma source(%dma_start3A_243 : memref<320000x128xf32, #tpu.memory_space<hbm>>) target(%arg14 : memref<64x128xf32, #tpu.memory_space<vmem>>) offsets(%dma_start3A_240 : memref<64xi32, #tpu.memory_space<vmem>>) semaphore(%arg18 : memref<!tpu.dma_semaphore, #tpu.memory_space<semaphore_mem>>)
      } else {
      }
      %mul3A_196 = arith.constant 4 : i32
      %mul3A_197 = arith.muli %mul3A_196, %scan3A_87 : i32
      %add3A_198 = arith.constant 3 : i32
      %add3A_199 = arith.addi %mul3A_197, %add3A_198 : i32
      %mul3A_200 = arith.constant 64 : i32
      %mul3A_201 = arith.muli %add3A_199, %mul3A_200 : i32
      %dma_wait3A_202 = tpu.memref_slice %arg8[%mul3A_201] : memref<10000xi32, #tpu.memory_space<vmem>> -> memref<64xi32, #tpu.memory_space<vmem>>
      %dma_wait3A_203 = arith.constant 0 : i32
      %dma_wait3A_204 = arith.constant 0 : i32
      %dma_wait3A_205 = tpu.memref_slice %arg2[%dma_wait3A_203, %dma_wait3A_204] : memref<10240x128xf32, #tpu.memory_space<hbm>> -> memref<10240x128xf32, #tpu.memory_space<hbm>>
      tpu.wait_indirect_dma semaphore(%arg21 : memref<!tpu.dma_semaphore, #tpu.memory_space<semaphore_mem>>) src(%dma_wait3A_205 : memref<10240x128xf32, #tpu.memory_space<hbm>>) dst(%arg13 : memref<64x128xf32, #tpu.memory_space<vmem>>)
      %dma_wait3A_206 = tpu.memref_slice %arg9[%mul3A_201] : memref<10000xi32, #tpu.memory_space<vmem>> -> memref<64xi32, #tpu.memory_space<vmem>>
      %dma_wait3A_207 = arith.constant 0 : i32
      %dma_wait3A_208 = arith.constant 0 : i32
      %dma_wait3A_209 = tpu.memref_slice %arg4[%dma_wait3A_207, %dma_wait3A_208] : memref<320000x128xf32, #tpu.memory_space<hbm>> -> memref<320000x128xf32, #tpu.memory_space<hbm>>
      tpu.wait_indirect_dma semaphore(%arg21 : memref<!tpu.dma_semaphore, #tpu.memory_space<semaphore_mem>>) src(%dma_wait3A_209 : memref<320000x128xf32, #tpu.memory_space<hbm>>) dst(%arg17 : memref<64x128xf32, #tpu.memory_space<vmem>>)
      %mul3A_210 = arith.constant 64 : i32
      %mul3A_211 = arith.muli %add3A_199, %mul3A_210 : i32
      %add3A_212 = arith.addi %mul3A_2, %mul3A_211 : i32
      %dma_start3A_213 = arith.constant 0 : i32
      %dma_start3A_214 = tpu.memref_slice %arg6[%add3A_212, %dma_start3A_213] : memref<320000x128xf32, #tpu.memory_space<hbm>> -> memref<64x128xf32, #tpu.memory_space<hbm>>
      %dma_start3A_215 = arith.constant 0 : i32
      %dma_start3A_216 = tpu.memref_slice %arg6[%add3A_212, %dma_start3A_215] : memref<320000x128xf32, #tpu.memory_space<hbm>> -> memref<64x128xf32, #tpu.memory_space<hbm>>
      tpu.enqueue_dma source(%arg13 : memref<64x128xf32, #tpu.memory_space<vmem>>) target(%dma_start3A_216 : memref<64x128xf32, #tpu.memory_space<hbm>>) target_semaphore(%arg25 : memref<!tpu.dma_semaphore, #tpu.memory_space<semaphore_mem>>)
      %dma_start3A_217 = arith.constant 0 : i32
      %dma_start3A_218 = tpu.memref_slice %arg7[%add3A_212, %dma_start3A_217] : memref<320000x128xf32, #tpu.memory_space<hbm>> -> memref<64x128xf32, #tpu.memory_space<hbm>>
      %dma_start3A_219 = arith.constant 0 : i32
      %dma_start3A_220 = tpu.memref_slice %arg7[%add3A_212, %dma_start3A_219] : memref<320000x128xf32, #tpu.memory_space<hbm>> -> memref<64x128xf32, #tpu.memory_space<hbm>>
      tpu.enqueue_dma source(%arg17 : memref<64x128xf32, #tpu.memory_space<vmem>>) target(%dma_start3A_220 : memref<64x128xf32, #tpu.memory_space<hbm>>) target_semaphore(%arg25 : memref<!tpu.dma_semaphore, #tpu.memory_space<semaphore_mem>>)
      %add3A_221 = arith.constant 2 : i32
      %add3A_222 = arith.addi %add3A_199, %add3A_221 : i32
      %ge3A_223 = arith.constant 4 : i32
      %ge3A_224 = arith.cmpi sge, %add3A_222, %ge3A_223 : i32
      %convert_element_type3A_225 = arith.extui %ge3A_224 : i1 to i32
      %cond3A_226 = arith.constant 0 : i32
      %cond3A_227 = arith.cmpi ne, %convert_element_type3A_225, %cond3A_226 : i32
      scf.if %cond3A_227 {
        %sub3A = arith.constant 4 : i32
        %sub3A_234 = arith.subi %add3A_222, %sub3A : i32
        %mul3A_235 = arith.constant 64 : i32
        %mul3A_236 = arith.muli %sub3A_234, %mul3A_235 : i32
        %add3A_237 = arith.addi %mul3A_2, %mul3A_236 : i32
        %dma_wait3A_238 = arith.constant 0 : i32
        %dma_wait3A_239 = tpu.memref_slice %arg6[%add3A_237, %dma_wait3A_238] : memref<320000x128xf32, #tpu.memory_space<hbm>> -> memref<64x128xf32, #tpu.memory_space<hbm>>
        %dma_wait3A_240 = arith.constant 0 : i32
        %dma_wait3A_241 = tpu.memref_slice %arg6[%add3A_237, %dma_wait3A_240] : memref<320000x128xf32, #tpu.memory_space<hbm>> -> memref<64x128xf32, #tpu.memory_space<hbm>>
        tpu.wait_dma2 semaphore(%arg23 : memref<!tpu.dma_semaphore, #tpu.memory_space<semaphore_mem>>) src(%arg11 : memref<64x128xf32, #tpu.memory_space<vmem>>) dst(%dma_wait3A_241 : memref<64x128xf32, #tpu.memory_space<hbm>>)
        %dma_wait3A_242 = arith.constant 0 : i32
        %dma_wait3A_243 = tpu.memref_slice %arg7[%add3A_237, %dma_wait3A_242] : memref<320000x128xf32, #tpu.memory_space<hbm>> -> memref<64x128xf32, #tpu.memory_space<hbm>>
        %dma_wait3A_244 = arith.constant 0 : i32
        %dma_wait3A_245 = tpu.memref_slice %arg7[%add3A_237, %dma_wait3A_244] : memref<320000x128xf32, #tpu.memory_space<hbm>> -> memref<64x128xf32, #tpu.memory_space<hbm>>
        tpu.wait_dma2 semaphore(%arg23 : memref<!tpu.dma_semaphore, #tpu.memory_space<semaphore_mem>>) src(%arg15 : memref<64x128xf32, #tpu.memory_space<vmem>>) dst(%dma_wait3A_245 : memref<64x128xf32, #tpu.memory_space<hbm>>)
      } else {
      }
      %lt3A_228 = arith.constant 156 : i32
      %lt3A_229 = arith.cmpi slt, %add3A_222, %lt3A_228 : i32
      %convert_element_type3A_230 = arith.extui %lt3A_229 : i1 to i32
      %cond3A_231 = arith.constant 0 : i32
      %cond3A_232 = arith.cmpi ne, %convert_element_type3A_230, %cond3A_231 : i32
      scf.if %cond3A_232 {
        %mul3A_234 = arith.constant 64 : i32
        %mul3A_235 = arith.muli %add3A_222, %mul3A_234 : i32
        %dma_start3A_236 = tpu.memref_slice %arg8[%mul3A_235] : memref<10000xi32, #tpu.memory_space<vmem>> -> memref<64xi32, #tpu.memory_space<vmem>>
        %dma_start3A_237 = arith.constant 0 : i32
        %dma_start3A_238 = arith.constant 0 : i32
        %dma_start3A_239 = tpu.memref_slice %arg2[%dma_start3A_237, %dma_start3A_238] : memref<10240x128xf32, #tpu.memory_space<hbm>> -> memref<10240x128xf32, #tpu.memory_space<hbm>>
        tpu.enqueue_indirect_dma source(%dma_start3A_239 : memref<10240x128xf32, #tpu.memory_space<hbm>>) target(%arg11 : memref<64x128xf32, #tpu.memory_space<vmem>>) offsets(%dma_start3A_236 : memref<64xi32, #tpu.memory_space<vmem>>) semaphore(%arg19 : memref<!tpu.dma_semaphore, #tpu.memory_space<semaphore_mem>>)
        %dma_start3A_240 = tpu.memref_slice %arg9[%mul3A_235] : memref<10000xi32, #tpu.memory_space<vmem>> -> memref<64xi32, #tpu.memory_space<vmem>>
        %dma_start3A_241 = arith.constant 0 : i32
        %dma_start3A_242 = arith.constant 0 : i32
        %dma_start3A_243 = tpu.memref_slice %arg4[%dma_start3A_241, %dma_start3A_242] : memref<320000x128xf32, #tpu.memory_space<hbm>> -> memref<320000x128xf32, #tpu.memory_space<hbm>>
        tpu.enqueue_indirect_dma source(%dma_start3A_243 : memref<320000x128xf32, #tpu.memory_space<hbm>>) target(%arg15 : memref<64x128xf32, #tpu.memory_space<vmem>>) offsets(%dma_start3A_240 : memref<64xi32, #tpu.memory_space<vmem>>) semaphore(%arg19 : memref<!tpu.dma_semaphore, #tpu.memory_space<semaphore_mem>>)
      } else {
      }
      %scan3A_233 = arith.constant 0 : i32
      scf.yield %scan3A_233 : i32
    }
    %scan3A_27 = arith.constant 39 : i32
    %add3A_28 = arith.constant 9856 : i32
    %add3A_29 = arith.addi %mul3A_2, %add3A_28 : i32
    %dma_wait3A = arith.constant 0 : i32
    %dma_wait3A_30 = tpu.memref_slice %arg6[%add3A_29, %dma_wait3A] : memref<320000x128xf32, #tpu.memory_space<hbm>> -> memref<64x128xf32, #tpu.memory_space<hbm>>
    %dma_wait3A_31 = arith.constant 0 : i32
    %dma_wait3A_32 = tpu.memref_slice %arg6[%add3A_29, %dma_wait3A_31] : memref<320000x128xf32, #tpu.memory_space<hbm>> -> memref<64x128xf32, #tpu.memory_space<hbm>>
    tpu.wait_dma2 semaphore(%arg24 : memref<!tpu.dma_semaphore, #tpu.memory_space<semaphore_mem>>) src(%arg12 : memref<64x128xf32, #tpu.memory_space<vmem>>) dst(%dma_wait3A_32 : memref<64x128xf32, #tpu.memory_space<hbm>>)
    %dma_wait3A_33 = arith.constant 0 : i32
    %dma_wait3A_34 = tpu.memref_slice %arg7[%add3A_29, %dma_wait3A_33] : memref<320000x128xf32, #tpu.memory_space<hbm>> -> memref<64x128xf32, #tpu.memory_space<hbm>>
    %dma_wait3A_35 = arith.constant 0 : i32
    %dma_wait3A_36 = tpu.memref_slice %arg7[%add3A_29, %dma_wait3A_35] : memref<320000x128xf32, #tpu.memory_space<hbm>> -> memref<64x128xf32, #tpu.memory_space<hbm>>
    tpu.wait_dma2 semaphore(%arg24 : memref<!tpu.dma_semaphore, #tpu.memory_space<semaphore_mem>>) src(%arg16 : memref<64x128xf32, #tpu.memory_space<vmem>>) dst(%dma_wait3A_36 : memref<64x128xf32, #tpu.memory_space<hbm>>)
    %add3A_37 = arith.constant 9920 : i32
    %add3A_38 = arith.addi %mul3A_2, %add3A_37 : i32
    %dma_wait3A_39 = arith.constant 0 : i32
    %dma_wait3A_40 = tpu.memref_slice %arg6[%add3A_38, %dma_wait3A_39] : memref<320000x128xf32, #tpu.memory_space<hbm>> -> memref<64x128xf32, #tpu.memory_space<hbm>>
    %dma_wait3A_41 = arith.constant 0 : i32
    %dma_wait3A_42 = tpu.memref_slice %arg6[%add3A_38, %dma_wait3A_41] : memref<320000x128xf32, #tpu.memory_space<hbm>> -> memref<64x128xf32, #tpu.memory_space<hbm>>
    tpu.wait_dma2 semaphore(%arg25 : memref<!tpu.dma_semaphore, #tpu.memory_space<semaphore_mem>>) src(%arg13 : memref<64x128xf32, #tpu.memory_space<vmem>>) dst(%dma_wait3A_42 : memref<64x128xf32, #tpu.memory_space<hbm>>)
    %dma_wait3A_43 = arith.constant 0 : i32
    %dma_wait3A_44 = tpu.memref_slice %arg7[%add3A_38, %dma_wait3A_43] : memref<320000x128xf32, #tpu.memory_space<hbm>> -> memref<64x128xf32, #tpu.memory_space<hbm>>
    %dma_wait3A_45 = arith.constant 0 : i32
    %dma_wait3A_46 = tpu.memref_slice %arg7[%add3A_38, %dma_wait3A_45] : memref<320000x128xf32, #tpu.memory_space<hbm>> -> memref<64x128xf32, #tpu.memory_space<hbm>>
    tpu.wait_dma2 semaphore(%arg25 : memref<!tpu.dma_semaphore, #tpu.memory_space<semaphore_mem>>) src(%arg17 : memref<64x128xf32, #tpu.memory_space<vmem>>) dst(%dma_wait3A_46 : memref<64x128xf32, #tpu.memory_space<hbm>>)
    %dma_start3A_47 = arith.constant 9936 : i32
    %dma_start3A_48 = tpu.memref_slice %arg8[%dma_start3A_47] : memref<10000xi32, #tpu.memory_space<vmem>> -> memref<64xi32, #tpu.memory_space<vmem>>
    %dma_start3A_49 = arith.constant 0 : i32
    %dma_start3A_50 = arith.constant 0 : i32
    %dma_start3A_51 = tpu.memref_slice %arg2[%dma_start3A_49, %dma_start3A_50] : memref<10240x128xf32, #tpu.memory_space<hbm>> -> memref<10240x128xf32, #tpu.memory_space<hbm>>
    tpu.enqueue_indirect_dma source(%dma_start3A_51 : memref<10240x128xf32, #tpu.memory_space<hbm>>) target(%arg10 : memref<64x128xf32, #tpu.memory_space<vmem>>) offsets(%dma_start3A_48 : memref<64xi32, #tpu.memory_space<vmem>>) semaphore(%arg18 : memref<!tpu.dma_semaphore, #tpu.memory_space<semaphore_mem>>)
    %dma_start3A_52 = arith.constant 9936 : i32
    %dma_start3A_53 = tpu.memref_slice %arg9[%dma_start3A_52] : memref<10000xi32, #tpu.memory_space<vmem>> -> memref<64xi32, #tpu.memory_space<vmem>>
    %dma_start3A_54 = arith.constant 0 : i32
    %dma_start3A_55 = arith.constant 0 : i32
    %dma_start3A_56 = tpu.memref_slice %arg4[%dma_start3A_54, %dma_start3A_55] : memref<320000x128xf32, #tpu.memory_space<hbm>> -> memref<320000x128xf32, #tpu.memory_space<hbm>>
    tpu.enqueue_indirect_dma source(%dma_start3A_56 : memref<320000x128xf32, #tpu.memory_space<hbm>>) target(%arg14 : memref<64x128xf32, #tpu.memory_space<vmem>>) offsets(%dma_start3A_53 : memref<64xi32, #tpu.memory_space<vmem>>) semaphore(%arg18 : memref<!tpu.dma_semaphore, #tpu.memory_space<semaphore_mem>>)
    %dma_wait3A_57 = arith.constant 9936 : i32
    %dma_wait3A_58 = tpu.memref_slice %arg8[%dma_wait3A_57] : memref<10000xi32, #tpu.memory_space<vmem>> -> memref<64xi32, #tpu.memory_space<vmem>>
    %dma_wait3A_59 = arith.constant 0 : i32
    %dma_wait3A_60 = arith.constant 0 : i32
    %dma_wait3A_61 = tpu.memref_slice %arg2[%dma_wait3A_59, %dma_wait3A_60] : memref<10240x128xf32, #tpu.memory_space<hbm>> -> memref<10240x128xf32, #tpu.memory_space<hbm>>
    tpu.wait_indirect_dma semaphore(%arg18 : memref<!tpu.dma_semaphore, #tpu.memory_space<semaphore_mem>>) src(%dma_wait3A_61 : memref<10240x128xf32, #tpu.memory_space<hbm>>) dst(%arg10 : memref<64x128xf32, #tpu.memory_space<vmem>>)
    %dma_wait3A_62 = arith.constant 9936 : i32
    %dma_wait3A_63 = tpu.memref_slice %arg9[%dma_wait3A_62] : memref<10000xi32, #tpu.memory_space<vmem>> -> memref<64xi32, #tpu.memory_space<vmem>>
    %dma_wait3A_64 = arith.constant 0 : i32
    %dma_wait3A_65 = arith.constant 0 : i32
    %dma_wait3A_66 = tpu.memref_slice %arg4[%dma_wait3A_64, %dma_wait3A_65] : memref<320000x128xf32, #tpu.memory_space<hbm>> -> memref<320000x128xf32, #tpu.memory_space<hbm>>
    tpu.wait_indirect_dma semaphore(%arg18 : memref<!tpu.dma_semaphore, #tpu.memory_space<semaphore_mem>>) src(%dma_wait3A_66 : memref<320000x128xf32, #tpu.memory_space<hbm>>) dst(%arg14 : memref<64x128xf32, #tpu.memory_space<vmem>>)
    %add3A_67 = arith.constant 9936 : i32
    %add3A_68 = arith.addi %mul3A_2, %add3A_67 : i32
    %dma_start3A_69 = arith.constant 0 : i32
    %dma_start3A_70 = tpu.memref_slice %arg6[%add3A_68, %dma_start3A_69] : memref<320000x128xf32, #tpu.memory_space<hbm>> -> memref<64x128xf32, #tpu.memory_space<hbm>>
    %dma_start3A_71 = arith.constant 0 : i32
    %dma_start3A_72 = tpu.memref_slice %arg6[%add3A_68, %dma_start3A_71] : memref<320000x128xf32, #tpu.memory_space<hbm>> -> memref<64x128xf32, #tpu.memory_space<hbm>>
    tpu.enqueue_dma source(%arg10 : memref<64x128xf32, #tpu.memory_space<vmem>>) target(%dma_start3A_72 : memref<64x128xf32, #tpu.memory_space<hbm>>) target_semaphore(%arg22 : memref<!tpu.dma_semaphore, #tpu.memory_space<semaphore_mem>>)
    %dma_start3A_73 = arith.constant 0 : i32
    %dma_start3A_74 = tpu.memref_slice %arg7[%add3A_68, %dma_start3A_73] : memref<320000x128xf32, #tpu.memory_space<hbm>> -> memref<64x128xf32, #tpu.memory_space<hbm>>
    %dma_start3A_75 = arith.constant 0 : i32
    %dma_start3A_76 = tpu.memref_slice %arg7[%add3A_68, %dma_start3A_75] : memref<320000x128xf32, #tpu.memory_space<hbm>> -> memref<64x128xf32, #tpu.memory_space<hbm>>
    tpu.enqueue_dma source(%arg14 : memref<64x128xf32, #tpu.memory_space<vmem>>) target(%dma_start3A_76 : memref<64x128xf32, #tpu.memory_space<hbm>>) target_semaphore(%arg22 : memref<!tpu.dma_semaphore, #tpu.memory_space<semaphore_mem>>)
    %add3A_77 = arith.constant 9936 : i32
    %add3A_78 = arith.addi %mul3A_2, %add3A_77 : i32
    %dma_wait3A_79 = arith.constant 0 : i32
    %dma_wait3A_80 = tpu.memref_slice %arg6[%add3A_78, %dma_wait3A_79] : memref<320000x128xf32, #tpu.memory_space<hbm>> -> memref<64x128xf32, #tpu.memory_space<hbm>>
    %dma_wait3A_81 = arith.constant 0 : i32
    %dma_wait3A_82 = tpu.memref_slice %arg6[%add3A_78, %dma_wait3A_81] : memref<320000x128xf32, #tpu.memory_space<hbm>> -> memref<64x128xf32, #tpu.memory_space<hbm>>
    tpu.wait_dma2 semaphore(%arg22 : memref<!tpu.dma_semaphore, #tpu.memory_space<semaphore_mem>>) src(%arg10 : memref<64x128xf32, #tpu.memory_space<vmem>>) dst(%dma_wait3A_82 : memref<64x128xf32, #tpu.memory_space<hbm>>)
    %dma_wait3A_83 = arith.constant 0 : i32
    %dma_wait3A_84 = tpu.memref_slice %arg7[%add3A_78, %dma_wait3A_83] : memref<320000x128xf32, #tpu.memory_space<hbm>> -> memref<64x128xf32, #tpu.memory_space<hbm>>
    %dma_wait3A_85 = arith.constant 0 : i32
    %dma_wait3A_86 = tpu.memref_slice %arg7[%add3A_78, %dma_wait3A_85] : memref<320000x128xf32, #tpu.memory_space<hbm>> -> memref<64x128xf32, #tpu.memory_space<hbm>>
    tpu.wait_dma2 semaphore(%arg22 : memref<!tpu.dma_semaphore, #tpu.memory_space<semaphore_mem>>) src(%arg14 : memref<64x128xf32, #tpu.memory_space<vmem>>) dst(%dma_wait3A_86 : memref<64x128xf32, #tpu.memory_space<hbm>>)
    return
  }
}

#map = affine_map<(d0, d1) -> (0, 0)>
#map1 = affine_map<(d0, d1) -> (0)>
module attributes {stable_mosaic.version = 14 : i64} {
  func.func @_gather_raw_body(%arg0: i32, %arg1: i32, %arg2: memref<320000x128xf32, #tpu.memory_space<hbm>>, %arg3: memref<320000x128xf32, #tpu.memory_space<hbm>>, %arg4: memref<327680xi32, #tpu.memory_space<hbm>>, %arg5: memref<327680x128xf32, #tpu.memory_space<hbm>>, %arg6: memref<10240xi32, #tpu.memory_space<vmem>>, %arg7: memref<64x128xf32, #tpu.memory_space<vmem>>, %arg8: memref<64x128xf32, #tpu.memory_space<vmem>>, %arg9: memref<64x128xf32, #tpu.memory_space<vmem>>, %arg10: memref<64x128xf32, #tpu.memory_space<vmem>>, %arg11: memref<64x128xf32, #tpu.memory_space<vmem>>, %arg12: memref<64x128xf32, #tpu.memory_space<vmem>>, %arg13: memref<64x128xf32, #tpu.memory_space<vmem>>, %arg14: memref<64x128xf32, #tpu.memory_space<vmem>>, %arg15: memref<64x128xf32, #tpu.memory_space<vmem>>, %arg16: memref<64x128xf32, #tpu.memory_space<vmem>>, %arg17: memref<!tpu.dma_semaphore, #tpu.memory_space<semaphore_mem>>, %arg18: memref<!tpu.dma_semaphore, #tpu.memory_space<semaphore_mem>>, %arg19: memref<!tpu.dma_semaphore, #tpu.memory_space<semaphore_mem>>, %arg20: memref<!tpu.dma_semaphore, #tpu.memory_space<semaphore_mem>>, %arg21: memref<!tpu.dma_semaphore, #tpu.memory_space<semaphore_mem>>, %arg22: memref<!tpu.dma_semaphore, #tpu.memory_space<semaphore_mem>>, %arg23: memref<!tpu.dma_semaphore, #tpu.memory_space<semaphore_mem>>, %arg24: memref<!tpu.dma_semaphore, #tpu.memory_space<semaphore_mem>>, %arg25: memref<!tpu.dma_semaphore, #tpu.memory_space<semaphore_mem>>, %arg26: memref<!tpu.dma_semaphore, #tpu.memory_space<semaphore_mem>>) attributes {dimension_semantics = [#tpu.dimension_semantics<core_parallel>, #tpu.dimension_semantics<subcore_parallel>], iteration_bounds = array<i64: 2, 16>, scalar_prefetch = 0 : i64, scratch_operands = 21 : i64, tpu.core_type = #tpu.core_type<sc_vector_subcore>, window_params = [{transform_indices = #map}, {transform_indices = #map}, {transform_indices = #map1}, {transform_indices = #map}]} {
    %mul3A = arith.constant 2 : i32
    %mul3A_0 = arith.muli %arg1, %mul3A : i32
    %add3A = arith.addi %mul3A_0, %arg0 : i32
    %mul3A_1 = arith.constant 10240 : i32
    %mul3A_2 = arith.muli %add3A, %mul3A_1 : i32
    "tpu.region"() ({
      %run_scoped3A = tpu.sem_alloc : memref<!tpu.dma_semaphore, #tpu.memory_space<semaphore_mem>>
      %dma_start3A_61 = tpu.memref_slice %arg4[%mul3A_2] : memref<327680xi32, #tpu.memory_space<hbm>> -> memref<10240xi32, #tpu.memory_space<hbm>>
      %dma_start3A_62 = tpu.memref_slice %arg4[%mul3A_2] : memref<327680xi32, #tpu.memory_space<hbm>> -> memref<10240xi32, #tpu.memory_space<hbm>>
      tpu.enqueue_dma source(%dma_start3A_62 : memref<10240xi32, #tpu.memory_space<hbm>>) target(%arg6 : memref<10240xi32, #tpu.memory_space<vmem>>) target_semaphore(%run_scoped3A : memref<!tpu.dma_semaphore, #tpu.memory_space<semaphore_mem>>)
      %dma_wait3A_63 = tpu.memref_slice %arg4[%mul3A_2] : memref<327680xi32, #tpu.memory_space<hbm>> -> memref<10240xi32, #tpu.memory_space<hbm>>
      %dma_wait3A_64 = tpu.memref_slice %arg4[%mul3A_2] : memref<327680xi32, #tpu.memory_space<hbm>> -> memref<10240xi32, #tpu.memory_space<hbm>>
      tpu.wait_dma2 semaphore(%run_scoped3A : memref<!tpu.dma_semaphore, #tpu.memory_space<semaphore_mem>>) src(%dma_wait3A_64 : memref<10240xi32, #tpu.memory_space<hbm>>) dst(%arg6 : memref<10240xi32, #tpu.memory_space<vmem>>)
      tpu.yield
    }) : () -> ()
    %dma_start3A = arith.constant 0 : i32
    %dma_start3A_3 = tpu.memref_slice %arg6[%dma_start3A] : memref<10240xi32, #tpu.memory_space<vmem>> -> memref<64xi32, #tpu.memory_space<vmem>>
    %dma_start3A_4 = arith.constant 0 : i32
    %dma_start3A_5 = arith.constant 0 : i32
    %dma_start3A_6 = tpu.memref_slice %arg2[%dma_start3A_4, %dma_start3A_5] : memref<320000x128xf32, #tpu.memory_space<hbm>> -> memref<320000x128xf32, #tpu.memory_space<hbm>>
    tpu.enqueue_indirect_dma source(%dma_start3A_6 : memref<320000x128xf32, #tpu.memory_space<hbm>>) target(%arg7 : memref<64x128xf32, #tpu.memory_space<vmem>>) offsets(%dma_start3A_3 : memref<64xi32, #tpu.memory_space<vmem>>) semaphore(%arg17 : memref<!tpu.dma_semaphore, #tpu.memory_space<semaphore_mem>>)
    %dma_start3A_7 = arith.constant 64 : i32
    %dma_start3A_8 = tpu.memref_slice %arg6[%dma_start3A_7] : memref<10240xi32, #tpu.memory_space<vmem>> -> memref<64xi32, #tpu.memory_space<vmem>>
    %dma_start3A_9 = arith.constant 0 : i32
    %dma_start3A_10 = arith.constant 0 : i32
    %dma_start3A_11 = tpu.memref_slice %arg3[%dma_start3A_9, %dma_start3A_10] : memref<320000x128xf32, #tpu.memory_space<hbm>> -> memref<320000x128xf32, #tpu.memory_space<hbm>>
    tpu.enqueue_indirect_dma source(%dma_start3A_11 : memref<320000x128xf32, #tpu.memory_space<hbm>>) target(%arg12 : memref<64x128xf32, #tpu.memory_space<vmem>>) offsets(%dma_start3A_8 : memref<64xi32, #tpu.memory_space<vmem>>) semaphore(%arg17 : memref<!tpu.dma_semaphore, #tpu.memory_space<semaphore_mem>>)
    %dma_start3A_12 = arith.constant 128 : i32
    %dma_start3A_13 = tpu.memref_slice %arg6[%dma_start3A_12] : memref<10240xi32, #tpu.memory_space<vmem>> -> memref<64xi32, #tpu.memory_space<vmem>>
    %dma_start3A_14 = arith.constant 0 : i32
    %dma_start3A_15 = arith.constant 0 : i32
    %dma_start3A_16 = tpu.memref_slice %arg2[%dma_start3A_14, %dma_start3A_15] : memref<320000x128xf32, #tpu.memory_space<hbm>> -> memref<320000x128xf32, #tpu.memory_space<hbm>>
    tpu.enqueue_indirect_dma source(%dma_start3A_16 : memref<320000x128xf32, #tpu.memory_space<hbm>>) target(%arg8 : memref<64x128xf32, #tpu.memory_space<vmem>>) offsets(%dma_start3A_13 : memref<64xi32, #tpu.memory_space<vmem>>) semaphore(%arg18 : memref<!tpu.dma_semaphore, #tpu.memory_space<semaphore_mem>>)
    %dma_start3A_17 = arith.constant 192 : i32
    %dma_start3A_18 = tpu.memref_slice %arg6[%dma_start3A_17] : memref<10240xi32, #tpu.memory_space<vmem>> -> memref<64xi32, #tpu.memory_space<vmem>>
    %dma_start3A_19 = arith.constant 0 : i32
    %dma_start3A_20 = arith.constant 0 : i32
    %dma_start3A_21 = tpu.memref_slice %arg3[%dma_start3A_19, %dma_start3A_20] : memref<320000x128xf32, #tpu.memory_space<hbm>> -> memref<320000x128xf32, #tpu.memory_space<hbm>>
    tpu.enqueue_indirect_dma source(%dma_start3A_21 : memref<320000x128xf32, #tpu.memory_space<hbm>>) target(%arg13 : memref<64x128xf32, #tpu.memory_space<vmem>>) offsets(%dma_start3A_18 : memref<64xi32, #tpu.memory_space<vmem>>) semaphore(%arg18 : memref<!tpu.dma_semaphore, #tpu.memory_space<semaphore_mem>>)
    %dma_start3A_22 = arith.constant 256 : i32
    %dma_start3A_23 = tpu.memref_slice %arg6[%dma_start3A_22] : memref<10240xi32, #tpu.memory_space<vmem>> -> memref<64xi32, #tpu.memory_space<vmem>>
    %dma_start3A_24 = arith.constant 0 : i32
    %dma_start3A_25 = arith.constant 0 : i32
    %dma_start3A_26 = tpu.memref_slice %arg2[%dma_start3A_24, %dma_start3A_25] : memref<320000x128xf32, #tpu.memory_space<hbm>> -> memref<320000x128xf32, #tpu.memory_space<hbm>>
    tpu.enqueue_indirect_dma source(%dma_start3A_26 : memref<320000x128xf32, #tpu.memory_space<hbm>>) target(%arg9 : memref<64x128xf32, #tpu.memory_space<vmem>>) offsets(%dma_start3A_23 : memref<64xi32, #tpu.memory_space<vmem>>) semaphore(%arg19 : memref<!tpu.dma_semaphore, #tpu.memory_space<semaphore_mem>>)
    %dma_start3A_27 = arith.constant 320 : i32
    %dma_start3A_28 = tpu.memref_slice %arg6[%dma_start3A_27] : memref<10240xi32, #tpu.memory_space<vmem>> -> memref<64xi32, #tpu.memory_space<vmem>>
    %dma_start3A_29 = arith.constant 0 : i32
    %dma_start3A_30 = arith.constant 0 : i32
    %dma_start3A_31 = tpu.memref_slice %arg3[%dma_start3A_29, %dma_start3A_30] : memref<320000x128xf32, #tpu.memory_space<hbm>> -> memref<320000x128xf32, #tpu.memory_space<hbm>>
    tpu.enqueue_indirect_dma source(%dma_start3A_31 : memref<320000x128xf32, #tpu.memory_space<hbm>>) target(%arg14 : memref<64x128xf32, #tpu.memory_space<vmem>>) offsets(%dma_start3A_28 : memref<64xi32, #tpu.memory_space<vmem>>) semaphore(%arg19 : memref<!tpu.dma_semaphore, #tpu.memory_space<semaphore_mem>>)
    %scan3A = arith.constant 0 : i32
    %scan3A_32 = arith.constant 0 : i32
    %scan3A_33 = arith.constant 16 : i32
    %scan3A_34 = arith.addi %scan3A_32, %scan3A_33 : i32
    %scan3A_35 = arith.constant 1 : i32
    %scan3A_36 = scf.for %scan3A_61 = %scan3A_32 to %scan3A_34 step %scan3A_35 iter_args(%scan3A_62 = %scan3A) -> (i32)  : i32 {
      %mul3A_63 = arith.constant 5 : i32
      %mul3A_64 = arith.muli %mul3A_63, %scan3A_61 : i32
      %add3A_65 = arith.constant 0 : i32
      %add3A_66 = arith.addi %mul3A_64, %add3A_65 : i32
      %mul3A_67 = arith.constant 2 : i32
      %mul3A_68 = arith.muli %add3A_66, %mul3A_67 : i32
      %mul3A_69 = arith.constant 64 : i32
      %mul3A_70 = arith.muli %mul3A_68, %mul3A_69 : i32
      %add3A_71 = arith.constant 64 : i32
      %add3A_72 = arith.addi %mul3A_70, %add3A_71 : i32
      %dma_wait3A_73 = tpu.memref_slice %arg6[%mul3A_70] : memref<10240xi32, #tpu.memory_space<vmem>> -> memref<64xi32, #tpu.memory_space<vmem>>
      %dma_wait3A_74 = arith.constant 0 : i32
      %dma_wait3A_75 = arith.constant 0 : i32
      %dma_wait3A_76 = tpu.memref_slice %arg2[%dma_wait3A_74, %dma_wait3A_75] : memref<320000x128xf32, #tpu.memory_space<hbm>> -> memref<320000x128xf32, #tpu.memory_space<hbm>>
      tpu.wait_indirect_dma semaphore(%arg17 : memref<!tpu.dma_semaphore, #tpu.memory_space<semaphore_mem>>) src(%dma_wait3A_76 : memref<320000x128xf32, #tpu.memory_space<hbm>>) dst(%arg7 : memref<64x128xf32, #tpu.memory_space<vmem>>)
      %dma_wait3A_77 = tpu.memref_slice %arg6[%add3A_72] : memref<10240xi32, #tpu.memory_space<vmem>> -> memref<64xi32, #tpu.memory_space<vmem>>
      %dma_wait3A_78 = arith.constant 0 : i32
      %dma_wait3A_79 = arith.constant 0 : i32
      %dma_wait3A_80 = tpu.memref_slice %arg3[%dma_wait3A_78, %dma_wait3A_79] : memref<320000x128xf32, #tpu.memory_space<hbm>> -> memref<320000x128xf32, #tpu.memory_space<hbm>>
      tpu.wait_indirect_dma semaphore(%arg17 : memref<!tpu.dma_semaphore, #tpu.memory_space<semaphore_mem>>) src(%dma_wait3A_80 : memref<320000x128xf32, #tpu.memory_space<hbm>>) dst(%arg12 : memref<64x128xf32, #tpu.memory_space<vmem>>)
      %mul3A_81 = arith.constant 2 : i32
      %mul3A_82 = arith.muli %add3A_66, %mul3A_81 : i32
      %mul3A_83 = arith.constant 64 : i32
      %mul3A_84 = arith.muli %mul3A_82, %mul3A_83 : i32
      %add3A_85 = arith.addi %mul3A_2, %mul3A_84 : i32
      %add3A_86 = arith.constant 64 : i32
      %add3A_87 = arith.addi %add3A_85, %add3A_86 : i32
      %dma_start3A_88 = arith.constant 0 : i32
      %dma_start3A_89 = tpu.memref_slice %arg5[%add3A_85, %dma_start3A_88] : memref<327680x128xf32, #tpu.memory_space<hbm>> -> memref<64x128xf32, #tpu.memory_space<hbm>>
      %dma_start3A_90 = arith.constant 0 : i32
      %dma_start3A_91 = tpu.memref_slice %arg5[%add3A_85, %dma_start3A_90] : memref<327680x128xf32, #tpu.memory_space<hbm>> -> memref<64x128xf32, #tpu.memory_space<hbm>>
      tpu.enqueue_dma source(%arg7 : memref<64x128xf32, #tpu.memory_space<vmem>>) target(%dma_start3A_91 : memref<64x128xf32, #tpu.memory_space<hbm>>) target_semaphore(%arg22 : memref<!tpu.dma_semaphore, #tpu.memory_space<semaphore_mem>>)
      %dma_start3A_92 = arith.constant 0 : i32
      %dma_start3A_93 = tpu.memref_slice %arg5[%add3A_87, %dma_start3A_92] : memref<327680x128xf32, #tpu.memory_space<hbm>> -> memref<64x128xf32, #tpu.memory_space<hbm>>
      %dma_start3A_94 = arith.constant 0 : i32
      %dma_start3A_95 = tpu.memref_slice %arg5[%add3A_87, %dma_start3A_94] : memref<327680x128xf32, #tpu.memory_space<hbm>> -> memref<64x128xf32, #tpu.memory_space<hbm>>
      tpu.enqueue_dma source(%arg12 : memref<64x128xf32, #tpu.memory_space<vmem>>) target(%dma_start3A_95 : memref<64x128xf32, #tpu.memory_space<hbm>>) target_semaphore(%arg22 : memref<!tpu.dma_semaphore, #tpu.memory_space<semaphore_mem>>)
      %add3A_96 = arith.constant 3 : i32
      %add3A_97 = arith.addi %add3A_66, %add3A_96 : i32
      %ge3A = arith.constant 5 : i32
      %ge3A_98 = arith.cmpi sge, %add3A_97, %ge3A : i32
      %convert_element_type3A = arith.extui %ge3A_98 : i1 to i32
      %cond3A = arith.constant 0 : i32
      %cond3A_99 = arith.cmpi ne, %convert_element_type3A, %cond3A : i32
      scf.if %cond3A_99 {
        %sub3A = arith.constant 5 : i32
        %sub3A_285 = arith.subi %add3A_97, %sub3A : i32
        %mul3A_286 = arith.constant 2 : i32
        %mul3A_287 = arith.muli %sub3A_285, %mul3A_286 : i32
        %mul3A_288 = arith.constant 64 : i32
        %mul3A_289 = arith.muli %mul3A_287, %mul3A_288 : i32
        %add3A_290 = arith.addi %mul3A_2, %mul3A_289 : i32
        %add3A_291 = arith.constant 64 : i32
        %add3A_292 = arith.addi %add3A_290, %add3A_291 : i32
        %dma_wait3A_293 = arith.constant 0 : i32
        %dma_wait3A_294 = tpu.memref_slice %arg5[%add3A_290, %dma_wait3A_293] : memref<327680x128xf32, #tpu.memory_space<hbm>> -> memref<64x128xf32, #tpu.memory_space<hbm>>
        %dma_wait3A_295 = arith.constant 0 : i32
        %dma_wait3A_296 = tpu.memref_slice %arg5[%add3A_290, %dma_wait3A_295] : memref<327680x128xf32, #tpu.memory_space<hbm>> -> memref<64x128xf32, #tpu.memory_space<hbm>>
        tpu.wait_dma2 semaphore(%arg25 : memref<!tpu.dma_semaphore, #tpu.memory_space<semaphore_mem>>) src(%arg10 : memref<64x128xf32, #tpu.memory_space<vmem>>) dst(%dma_wait3A_296 : memref<64x128xf32, #tpu.memory_space<hbm>>)
        %dma_wait3A_297 = arith.constant 0 : i32
        %dma_wait3A_298 = tpu.memref_slice %arg5[%add3A_292, %dma_wait3A_297] : memref<327680x128xf32, #tpu.memory_space<hbm>> -> memref<64x128xf32, #tpu.memory_space<hbm>>
        %dma_wait3A_299 = arith.constant 0 : i32
        %dma_wait3A_300 = tpu.memref_slice %arg5[%add3A_292, %dma_wait3A_299] : memref<327680x128xf32, #tpu.memory_space<hbm>> -> memref<64x128xf32, #tpu.memory_space<hbm>>
        tpu.wait_dma2 semaphore(%arg25 : memref<!tpu.dma_semaphore, #tpu.memory_space<semaphore_mem>>) src(%arg15 : memref<64x128xf32, #tpu.memory_space<vmem>>) dst(%dma_wait3A_300 : memref<64x128xf32, #tpu.memory_space<hbm>>)
      } else {
      }
      %lt3A = arith.constant 80 : i32
      %lt3A_100 = arith.cmpi slt, %add3A_97, %lt3A : i32
      %convert_element_type3A_101 = arith.extui %lt3A_100 : i1 to i32
      %cond3A_102 = arith.constant 0 : i32
      %cond3A_103 = arith.cmpi ne, %convert_element_type3A_101, %cond3A_102 : i32
      scf.if %cond3A_103 {
        %mul3A_285 = arith.constant 2 : i32
        %mul3A_286 = arith.muli %add3A_97, %mul3A_285 : i32
        %mul3A_287 = arith.constant 64 : i32
        %mul3A_288 = arith.muli %mul3A_286, %mul3A_287 : i32
        %add3A_289 = arith.constant 64 : i32
        %add3A_290 = arith.addi %mul3A_288, %add3A_289 : i32
        %dma_start3A_291 = tpu.memref_slice %arg6[%mul3A_288] : memref<10240xi32, #tpu.memory_space<vmem>> -> memref<64xi32, #tpu.memory_space<vmem>>
        %dma_start3A_292 = arith.constant 0 : i32
        %dma_start3A_293 = arith.constant 0 : i32
        %dma_start3A_294 = tpu.memref_slice %arg2[%dma_start3A_292, %dma_start3A_293] : memref<320000x128xf32, #tpu.memory_space<hbm>> -> memref<320000x128xf32, #tpu.memory_space<hbm>>
        tpu.enqueue_indirect_dma source(%dma_start3A_294 : memref<320000x128xf32, #tpu.memory_space<hbm>>) target(%arg10 : memref<64x128xf32, #tpu.memory_space<vmem>>) offsets(%dma_start3A_291 : memref<64xi32, #tpu.memory_space<vmem>>) semaphore(%arg20 : memref<!tpu.dma_semaphore, #tpu.memory_space<semaphore_mem>>)
        %dma_start3A_295 = tpu.memref_slice %arg6[%add3A_290] : memref<10240xi32, #tpu.memory_space<vmem>> -> memref<64xi32, #tpu.memory_space<vmem>>
        %dma_start3A_296 = arith.constant 0 : i32
        %dma_start3A_297 = arith.constant 0 : i32
        %dma_start3A_298 = tpu.memref_slice %arg3[%dma_start3A_296, %dma_start3A_297] : memref<320000x128xf32, #tpu.memory_space<hbm>> -> memref<320000x128xf32, #tpu.memory_space<hbm>>
        tpu.enqueue_indirect_dma source(%dma_start3A_298 : memref<320000x128xf32, #tpu.memory_space<hbm>>) target(%arg15 : memref<64x128xf32, #tpu.memory_space<vmem>>) offsets(%dma_start3A_295 : memref<64xi32, #tpu.memory_space<vmem>>) semaphore(%arg20 : memref<!tpu.dma_semaphore, #tpu.memory_space<semaphore_mem>>)
      } else {
      }
      %mul3A_104 = arith.constant 5 : i32
      %mul3A_105 = arith.muli %mul3A_104, %scan3A_61 : i32
      %add3A_106 = arith.constant 1 : i32
      %add3A_107 = arith.addi %mul3A_105, %add3A_106 : i32
      %mul3A_108 = arith.constant 2 : i32
      %mul3A_109 = arith.muli %add3A_107, %mul3A_108 : i32
      %mul3A_110 = arith.constant 64 : i32
      %mul3A_111 = arith.muli %mul3A_109, %mul3A_110 : i32
      %add3A_112 = arith.constant 64 : i32
      %add3A_113 = arith.addi %mul3A_111, %add3A_112 : i32
      %dma_wait3A_114 = tpu.memref_slice %arg6[%mul3A_111] : memref<10240xi32, #tpu.memory_space<vmem>> -> memref<64xi32, #tpu.memory_space<vmem>>
      %dma_wait3A_115 = arith.constant 0 : i32
      %dma_wait3A_116 = arith.constant 0 : i32
      %dma_wait3A_117 = tpu.memref_slice %arg2[%dma_wait3A_115, %dma_wait3A_116] : memref<320000x128xf32, #tpu.memory_space<hbm>> -> memref<320000x128xf32, #tpu.memory_space<hbm>>
      tpu.wait_indirect_dma semaphore(%arg18 : memref<!tpu.dma_semaphore, #tpu.memory_space<semaphore_mem>>) src(%dma_wait3A_117 : memref<320000x128xf32, #tpu.memory_space<hbm>>) dst(%arg8 : memref<64x128xf32, #tpu.memory_space<vmem>>)
      %dma_wait3A_118 = tpu.memref_slice %arg6[%add3A_113] : memref<10240xi32, #tpu.memory_space<vmem>> -> memref<64xi32, #tpu.memory_space<vmem>>
      %dma_wait3A_119 = arith.constant 0 : i32
      %dma_wait3A_120 = arith.constant 0 : i32
      %dma_wait3A_121 = tpu.memref_slice %arg3[%dma_wait3A_119, %dma_wait3A_120] : memref<320000x128xf32, #tpu.memory_space<hbm>> -> memref<320000x128xf32, #tpu.memory_space<hbm>>
      tpu.wait_indirect_dma semaphore(%arg18 : memref<!tpu.dma_semaphore, #tpu.memory_space<semaphore_mem>>) src(%dma_wait3A_121 : memref<320000x128xf32, #tpu.memory_space<hbm>>) dst(%arg13 : memref<64x128xf32, #tpu.memory_space<vmem>>)
      %mul3A_122 = arith.constant 2 : i32
      %mul3A_123 = arith.muli %add3A_107, %mul3A_122 : i32
      %mul3A_124 = arith.constant 64 : i32
      %mul3A_125 = arith.muli %mul3A_123, %mul3A_124 : i32
      %add3A_126 = arith.addi %mul3A_2, %mul3A_125 : i32
      %add3A_127 = arith.constant 64 : i32
      %add3A_128 = arith.addi %add3A_126, %add3A_127 : i32
      %dma_start3A_129 = arith.constant 0 : i32
      %dma_start3A_130 = tpu.memref_slice %arg5[%add3A_126, %dma_start3A_129] : memref<327680x128xf32, #tpu.memory_space<hbm>> -> memref<64x128xf32, #tpu.memory_space<hbm>>
      %dma_start3A_131 = arith.constant 0 : i32
      %dma_start3A_132 = tpu.memref_slice %arg5[%add3A_126, %dma_start3A_131] : memref<327680x128xf32, #tpu.memory_space<hbm>> -> memref<64x128xf32, #tpu.memory_space<hbm>>
      tpu.enqueue_dma source(%arg8 : memref<64x128xf32, #tpu.memory_space<vmem>>) target(%dma_start3A_132 : memref<64x128xf32, #tpu.memory_space<hbm>>) target_semaphore(%arg23 : memref<!tpu.dma_semaphore, #tpu.memory_space<semaphore_mem>>)
      %dma_start3A_133 = arith.constant 0 : i32
      %dma_start3A_134 = tpu.memref_slice %arg5[%add3A_128, %dma_start3A_133] : memref<327680x128xf32, #tpu.memory_space<hbm>> -> memref<64x128xf32, #tpu.memory_space<hbm>>
      %dma_start3A_135 = arith.constant 0 : i32
      %dma_start3A_136 = tpu.memref_slice %arg5[%add3A_128, %dma_start3A_135] : memref<327680x128xf32, #tpu.memory_space<hbm>> -> memref<64x128xf32, #tpu.memory_space<hbm>>
      tpu.enqueue_dma source(%arg13 : memref<64x128xf32, #tpu.memory_space<vmem>>) target(%dma_start3A_136 : memref<64x128xf32, #tpu.memory_space<hbm>>) target_semaphore(%arg23 : memref<!tpu.dma_semaphore, #tpu.memory_space<semaphore_mem>>)
      %add3A_137 = arith.constant 3 : i32
      %add3A_138 = arith.addi %add3A_107, %add3A_137 : i32
      %ge3A_139 = arith.constant 5 : i32
      %ge3A_140 = arith.cmpi sge, %add3A_138, %ge3A_139 : i32
      %convert_element_type3A_141 = arith.extui %ge3A_140 : i1 to i32
      %cond3A_142 = arith.constant 0 : i32
      %cond3A_143 = arith.cmpi ne, %convert_element_type3A_141, %cond3A_142 : i32
      scf.if %cond3A_143 {
        %sub3A = arith.constant 5 : i32
        %sub3A_285 = arith.subi %add3A_138, %sub3A : i32
        %mul3A_286 = arith.constant 2 : i32
        %mul3A_287 = arith.muli %sub3A_285, %mul3A_286 : i32
        %mul3A_288 = arith.constant 64 : i32
        %mul3A_289 = arith.muli %mul3A_287, %mul3A_288 : i32
        %add3A_290 = arith.addi %mul3A_2, %mul3A_289 : i32
        %add3A_291 = arith.constant 64 : i32
        %add3A_292 = arith.addi %add3A_290, %add3A_291 : i32
        %dma_wait3A_293 = arith.constant 0 : i32
        %dma_wait3A_294 = tpu.memref_slice %arg5[%add3A_290, %dma_wait3A_293] : memref<327680x128xf32, #tpu.memory_space<hbm>> -> memref<64x128xf32, #tpu.memory_space<hbm>>
        %dma_wait3A_295 = arith.constant 0 : i32
        %dma_wait3A_296 = tpu.memref_slice %arg5[%add3A_290, %dma_wait3A_295] : memref<327680x128xf32, #tpu.memory_space<hbm>> -> memref<64x128xf32, #tpu.memory_space<hbm>>
        tpu.wait_dma2 semaphore(%arg26 : memref<!tpu.dma_semaphore, #tpu.memory_space<semaphore_mem>>) src(%arg11 : memref<64x128xf32, #tpu.memory_space<vmem>>) dst(%dma_wait3A_296 : memref<64x128xf32, #tpu.memory_space<hbm>>)
        %dma_wait3A_297 = arith.constant 0 : i32
        %dma_wait3A_298 = tpu.memref_slice %arg5[%add3A_292, %dma_wait3A_297] : memref<327680x128xf32, #tpu.memory_space<hbm>> -> memref<64x128xf32, #tpu.memory_space<hbm>>
        %dma_wait3A_299 = arith.constant 0 : i32
        %dma_wait3A_300 = tpu.memref_slice %arg5[%add3A_292, %dma_wait3A_299] : memref<327680x128xf32, #tpu.memory_space<hbm>> -> memref<64x128xf32, #tpu.memory_space<hbm>>
        tpu.wait_dma2 semaphore(%arg26 : memref<!tpu.dma_semaphore, #tpu.memory_space<semaphore_mem>>) src(%arg16 : memref<64x128xf32, #tpu.memory_space<vmem>>) dst(%dma_wait3A_300 : memref<64x128xf32, #tpu.memory_space<hbm>>)
      } else {
      }
      %lt3A_144 = arith.constant 80 : i32
      %lt3A_145 = arith.cmpi slt, %add3A_138, %lt3A_144 : i32
      %convert_element_type3A_146 = arith.extui %lt3A_145 : i1 to i32
      %cond3A_147 = arith.constant 0 : i32
      %cond3A_148 = arith.cmpi ne, %convert_element_type3A_146, %cond3A_147 : i32
      scf.if %cond3A_148 {
        %mul3A_285 = arith.constant 2 : i32
        %mul3A_286 = arith.muli %add3A_138, %mul3A_285 : i32
        %mul3A_287 = arith.constant 64 : i32
        %mul3A_288 = arith.muli %mul3A_286, %mul3A_287 : i32
        %add3A_289 = arith.constant 64 : i32
        %add3A_290 = arith.addi %mul3A_288, %add3A_289 : i32
        %dma_start3A_291 = tpu.memref_slice %arg6[%mul3A_288] : memref<10240xi32, #tpu.memory_space<vmem>> -> memref<64xi32, #tpu.memory_space<vmem>>
        %dma_start3A_292 = arith.constant 0 : i32
        %dma_start3A_293 = arith.constant 0 : i32
        %dma_start3A_294 = tpu.memref_slice %arg2[%dma_start3A_292, %dma_start3A_293] : memref<320000x128xf32, #tpu.memory_space<hbm>> -> memref<320000x128xf32, #tpu.memory_space<hbm>>
        tpu.enqueue_indirect_dma source(%dma_start3A_294 : memref<320000x128xf32, #tpu.memory_space<hbm>>) target(%arg11 : memref<64x128xf32, #tpu.memory_space<vmem>>) offsets(%dma_start3A_291 : memref<64xi32, #tpu.memory_space<vmem>>) semaphore(%arg21 : memref<!tpu.dma_semaphore, #tpu.memory_space<semaphore_mem>>)
        %dma_start3A_295 = tpu.memref_slice %arg6[%add3A_290] : memref<10240xi32, #tpu.memory_space<vmem>> -> memref<64xi32, #tpu.memory_space<vmem>>
        %dma_start3A_296 = arith.constant 0 : i32
        %dma_start3A_297 = arith.constant 0 : i32
        %dma_start3A_298 = tpu.memref_slice %arg3[%dma_start3A_296, %dma_start3A_297] : memref<320000x128xf32, #tpu.memory_space<hbm>> -> memref<320000x128xf32, #tpu.memory_space<hbm>>
        tpu.enqueue_indirect_dma source(%dma_start3A_298 : memref<320000x128xf32, #tpu.memory_space<hbm>>) target(%arg16 : memref<64x128xf32, #tpu.memory_space<vmem>>) offsets(%dma_start3A_295 : memref<64xi32, #tpu.memory_space<vmem>>) semaphore(%arg21 : memref<!tpu.dma_semaphore, #tpu.memory_space<semaphore_mem>>)
      } else {
      }
      %mul3A_149 = arith.constant 5 : i32
      %mul3A_150 = arith.muli %mul3A_149, %scan3A_61 : i32
      %add3A_151 = arith.constant 2 : i32
      %add3A_152 = arith.addi %mul3A_150, %add3A_151 : i32
      %mul3A_153 = arith.constant 2 : i32
      %mul3A_154 = arith.muli %add3A_152, %mul3A_153 : i32
      %mul3A_155 = arith.constant 64 : i32
      %mul3A_156 = arith.muli %mul3A_154, %mul3A_155 : i32
      %add3A_157 = arith.constant 64 : i32
      %add3A_158 = arith.addi %mul3A_156, %add3A_157 : i32
      %dma_wait3A_159 = tpu.memref_slice %arg6[%mul3A_156] : memref<10240xi32, #tpu.memory_space<vmem>> -> memref<64xi32, #tpu.memory_space<vmem>>
      %dma_wait3A_160 = arith.constant 0 : i32
      %dma_wait3A_161 = arith.constant 0 : i32
      %dma_wait3A_162 = tpu.memref_slice %arg2[%dma_wait3A_160, %dma_wait3A_161] : memref<320000x128xf32, #tpu.memory_space<hbm>> -> memref<320000x128xf32, #tpu.memory_space<hbm>>
      tpu.wait_indirect_dma semaphore(%arg19 : memref<!tpu.dma_semaphore, #tpu.memory_space<semaphore_mem>>) src(%dma_wait3A_162 : memref<320000x128xf32, #tpu.memory_space<hbm>>) dst(%arg9 : memref<64x128xf32, #tpu.memory_space<vmem>>)
      %dma_wait3A_163 = tpu.memref_slice %arg6[%add3A_158] : memref<10240xi32, #tpu.memory_space<vmem>> -> memref<64xi32, #tpu.memory_space<vmem>>
      %dma_wait3A_164 = arith.constant 0 : i32
      %dma_wait3A_165 = arith.constant 0 : i32
      %dma_wait3A_166 = tpu.memref_slice %arg3[%dma_wait3A_164, %dma_wait3A_165] : memref<320000x128xf32, #tpu.memory_space<hbm>> -> memref<320000x128xf32, #tpu.memory_space<hbm>>
      tpu.wait_indirect_dma semaphore(%arg19 : memref<!tpu.dma_semaphore, #tpu.memory_space<semaphore_mem>>) src(%dma_wait3A_166 : memref<320000x128xf32, #tpu.memory_space<hbm>>) dst(%arg14 : memref<64x128xf32, #tpu.memory_space<vmem>>)
      %mul3A_167 = arith.constant 2 : i32
      %mul3A_168 = arith.muli %add3A_152, %mul3A_167 : i32
      %mul3A_169 = arith.constant 64 : i32
      %mul3A_170 = arith.muli %mul3A_168, %mul3A_169 : i32
      %add3A_171 = arith.addi %mul3A_2, %mul3A_170 : i32
      %add3A_172 = arith.constant 64 : i32
      %add3A_173 = arith.addi %add3A_171, %add3A_172 : i32
      %dma_start3A_174 = arith.constant 0 : i32
      %dma_start3A_175 = tpu.memref_slice %arg5[%add3A_171, %dma_start3A_174] : memref<327680x128xf32, #tpu.memory_space<hbm>> -> memref<64x128xf32, #tpu.memory_space<hbm>>
      %dma_start3A_176 = arith.constant 0 : i32
      %dma_start3A_177 = tpu.memref_slice %arg5[%add3A_171, %dma_start3A_176] : memref<327680x128xf32, #tpu.memory_space<hbm>> -> memref<64x128xf32, #tpu.memory_space<hbm>>
      tpu.enqueue_dma source(%arg9 : memref<64x128xf32, #tpu.memory_space<vmem>>) target(%dma_start3A_177 : memref<64x128xf32, #tpu.memory_space<hbm>>) target_semaphore(%arg24 : memref<!tpu.dma_semaphore, #tpu.memory_space<semaphore_mem>>)
      %dma_start3A_178 = arith.constant 0 : i32
      %dma_start3A_179 = tpu.memref_slice %arg5[%add3A_173, %dma_start3A_178] : memref<327680x128xf32, #tpu.memory_space<hbm>> -> memref<64x128xf32, #tpu.memory_space<hbm>>
      %dma_start3A_180 = arith.constant 0 : i32
      %dma_start3A_181 = tpu.memref_slice %arg5[%add3A_173, %dma_start3A_180] : memref<327680x128xf32, #tpu.memory_space<hbm>> -> memref<64x128xf32, #tpu.memory_space<hbm>>
      tpu.enqueue_dma source(%arg14 : memref<64x128xf32, #tpu.memory_space<vmem>>) target(%dma_start3A_181 : memref<64x128xf32, #tpu.memory_space<hbm>>) target_semaphore(%arg24 : memref<!tpu.dma_semaphore, #tpu.memory_space<semaphore_mem>>)
      %add3A_182 = arith.constant 3 : i32
      %add3A_183 = arith.addi %add3A_152, %add3A_182 : i32
      %ge3A_184 = arith.constant 5 : i32
      %ge3A_185 = arith.cmpi sge, %add3A_183, %ge3A_184 : i32
      %convert_element_type3A_186 = arith.extui %ge3A_185 : i1 to i32
      %cond3A_187 = arith.constant 0 : i32
      %cond3A_188 = arith.cmpi ne, %convert_element_type3A_186, %cond3A_187 : i32
      scf.if %cond3A_188 {
        %sub3A = arith.constant 5 : i32
        %sub3A_285 = arith.subi %add3A_183, %sub3A : i32
        %mul3A_286 = arith.constant 2 : i32
        %mul3A_287 = arith.muli %sub3A_285, %mul3A_286 : i32
        %mul3A_288 = arith.constant 64 : i32
        %mul3A_289 = arith.muli %mul3A_287, %mul3A_288 : i32
        %add3A_290 = arith.addi %mul3A_2, %mul3A_289 : i32
        %add3A_291 = arith.constant 64 : i32
        %add3A_292 = arith.addi %add3A_290, %add3A_291 : i32
        %dma_wait3A_293 = arith.constant 0 : i32
        %dma_wait3A_294 = tpu.memref_slice %arg5[%add3A_290, %dma_wait3A_293] : memref<327680x128xf32, #tpu.memory_space<hbm>> -> memref<64x128xf32, #tpu.memory_space<hbm>>
        %dma_wait3A_295 = arith.constant 0 : i32
        %dma_wait3A_296 = tpu.memref_slice %arg5[%add3A_290, %dma_wait3A_295] : memref<327680x128xf32, #tpu.memory_space<hbm>> -> memref<64x128xf32, #tpu.memory_space<hbm>>
        tpu.wait_dma2 semaphore(%arg22 : memref<!tpu.dma_semaphore, #tpu.memory_space<semaphore_mem>>) src(%arg7 : memref<64x128xf32, #tpu.memory_space<vmem>>) dst(%dma_wait3A_296 : memref<64x128xf32, #tpu.memory_space<hbm>>)
        %dma_wait3A_297 = arith.constant 0 : i32
        %dma_wait3A_298 = tpu.memref_slice %arg5[%add3A_292, %dma_wait3A_297] : memref<327680x128xf32, #tpu.memory_space<hbm>> -> memref<64x128xf32, #tpu.memory_space<hbm>>
        %dma_wait3A_299 = arith.constant 0 : i32
        %dma_wait3A_300 = tpu.memref_slice %arg5[%add3A_292, %dma_wait3A_299] : memref<327680x128xf32, #tpu.memory_space<hbm>> -> memref<64x128xf32, #tpu.memory_space<hbm>>
        tpu.wait_dma2 semaphore(%arg22 : memref<!tpu.dma_semaphore, #tpu.memory_space<semaphore_mem>>) src(%arg12 : memref<64x128xf32, #tpu.memory_space<vmem>>) dst(%dma_wait3A_300 : memref<64x128xf32, #tpu.memory_space<hbm>>)
      } else {
      }
      %lt3A_189 = arith.constant 80 : i32
      %lt3A_190 = arith.cmpi slt, %add3A_183, %lt3A_189 : i32
      %convert_element_type3A_191 = arith.extui %lt3A_190 : i1 to i32
      %cond3A_192 = arith.constant 0 : i32
      %cond3A_193 = arith.cmpi ne, %convert_element_type3A_191, %cond3A_192 : i32
      scf.if %cond3A_193 {
        %mul3A_285 = arith.constant 2 : i32
        %mul3A_286 = arith.muli %add3A_183, %mul3A_285 : i32
        %mul3A_287 = arith.constant 64 : i32
        %mul3A_288 = arith.muli %mul3A_286, %mul3A_287 : i32
        %add3A_289 = arith.constant 64 : i32
        %add3A_290 = arith.addi %mul3A_288, %add3A_289 : i32
        %dma_start3A_291 = tpu.memref_slice %arg6[%mul3A_288] : memref<10240xi32, #tpu.memory_space<vmem>> -> memref<64xi32, #tpu.memory_space<vmem>>
        %dma_start3A_292 = arith.constant 0 : i32
        %dma_start3A_293 = arith.constant 0 : i32
        %dma_start3A_294 = tpu.memref_slice %arg2[%dma_start3A_292, %dma_start3A_293] : memref<320000x128xf32, #tpu.memory_space<hbm>> -> memref<320000x128xf32, #tpu.memory_space<hbm>>
        tpu.enqueue_indirect_dma source(%dma_start3A_294 : memref<320000x128xf32, #tpu.memory_space<hbm>>) target(%arg7 : memref<64x128xf32, #tpu.memory_space<vmem>>) offsets(%dma_start3A_291 : memref<64xi32, #tpu.memory_space<vmem>>) semaphore(%arg17 : memref<!tpu.dma_semaphore, #tpu.memory_space<semaphore_mem>>)
        %dma_start3A_295 = tpu.memref_slice %arg6[%add3A_290] : memref<10240xi32, #tpu.memory_space<vmem>> -> memref<64xi32, #tpu.memory_space<vmem>>
        %dma_start3A_296 = arith.constant 0 : i32
        %dma_start3A_297 = arith.constant 0 : i32
        %dma_start3A_298 = tpu.memref_slice %arg3[%dma_start3A_296, %dma_start3A_297] : memref<320000x128xf32, #tpu.memory_space<hbm>> -> memref<320000x128xf32, #tpu.memory_space<hbm>>
        tpu.enqueue_indirect_dma source(%dma_start3A_298 : memref<320000x128xf32, #tpu.memory_space<hbm>>) target(%arg12 : memref<64x128xf32, #tpu.memory_space<vmem>>) offsets(%dma_start3A_295 : memref<64xi32, #tpu.memory_space<vmem>>) semaphore(%arg17 : memref<!tpu.dma_semaphore, #tpu.memory_space<semaphore_mem>>)
      } else {
      }
      %mul3A_194 = arith.constant 5 : i32
      %mul3A_195 = arith.muli %mul3A_194, %scan3A_61 : i32
      %add3A_196 = arith.constant 3 : i32
      %add3A_197 = arith.addi %mul3A_195, %add3A_196 : i32
      %mul3A_198 = arith.constant 2 : i32
      %mul3A_199 = arith.muli %add3A_197, %mul3A_198 : i32
      %mul3A_200 = arith.constant 64 : i32
      %mul3A_201 = arith.muli %mul3A_199, %mul3A_200 : i32
      %add3A_202 = arith.constant 64 : i32
      %add3A_203 = arith.addi %mul3A_201, %add3A_202 : i32
      %dma_wait3A_204 = tpu.memref_slice %arg6[%mul3A_201] : memref<10240xi32, #tpu.memory_space<vmem>> -> memref<64xi32, #tpu.memory_space<vmem>>
      %dma_wait3A_205 = arith.constant 0 : i32
      %dma_wait3A_206 = arith.constant 0 : i32
      %dma_wait3A_207 = tpu.memref_slice %arg2[%dma_wait3A_205, %dma_wait3A_206] : memref<320000x128xf32, #tpu.memory_space<hbm>> -> memref<320000x128xf32, #tpu.memory_space<hbm>>
      tpu.wait_indirect_dma semaphore(%arg20 : memref<!tpu.dma_semaphore, #tpu.memory_space<semaphore_mem>>) src(%dma_wait3A_207 : memref<320000x128xf32, #tpu.memory_space<hbm>>) dst(%arg10 : memref<64x128xf32, #tpu.memory_space<vmem>>)
      %dma_wait3A_208 = tpu.memref_slice %arg6[%add3A_203] : memref<10240xi32, #tpu.memory_space<vmem>> -> memref<64xi32, #tpu.memory_space<vmem>>
      %dma_wait3A_209 = arith.constant 0 : i32
      %dma_wait3A_210 = arith.constant 0 : i32
      %dma_wait3A_211 = tpu.memref_slice %arg3[%dma_wait3A_209, %dma_wait3A_210] : memref<320000x128xf32, #tpu.memory_space<hbm>> -> memref<320000x128xf32, #tpu.memory_space<hbm>>
      tpu.wait_indirect_dma semaphore(%arg20 : memref<!tpu.dma_semaphore, #tpu.memory_space<semaphore_mem>>) src(%dma_wait3A_211 : memref<320000x128xf32, #tpu.memory_space<hbm>>) dst(%arg15 : memref<64x128xf32, #tpu.memory_space<vmem>>)
      %mul3A_212 = arith.constant 2 : i32
      %mul3A_213 = arith.muli %add3A_197, %mul3A_212 : i32
      %mul3A_214 = arith.constant 64 : i32
      %mul3A_215 = arith.muli %mul3A_213, %mul3A_214 : i32
      %add3A_216 = arith.addi %mul3A_2, %mul3A_215 : i32
      %add3A_217 = arith.constant 64 : i32
      %add3A_218 = arith.addi %add3A_216, %add3A_217 : i32
      %dma_start3A_219 = arith.constant 0 : i32
      %dma_start3A_220 = tpu.memref_slice %arg5[%add3A_216, %dma_start3A_219] : memref<327680x128xf32, #tpu.memory_space<hbm>> -> memref<64x128xf32, #tpu.memory_space<hbm>>
      %dma_start3A_221 = arith.constant 0 : i32
      %dma_start3A_222 = tpu.memref_slice %arg5[%add3A_216, %dma_start3A_221] : memref<327680x128xf32, #tpu.memory_space<hbm>> -> memref<64x128xf32, #tpu.memory_space<hbm>>
      tpu.enqueue_dma source(%arg10 : memref<64x128xf32, #tpu.memory_space<vmem>>) target(%dma_start3A_222 : memref<64x128xf32, #tpu.memory_space<hbm>>) target_semaphore(%arg25 : memref<!tpu.dma_semaphore, #tpu.memory_space<semaphore_mem>>)
      %dma_start3A_223 = arith.constant 0 : i32
      %dma_start3A_224 = tpu.memref_slice %arg5[%add3A_218, %dma_start3A_223] : memref<327680x128xf32, #tpu.memory_space<hbm>> -> memref<64x128xf32, #tpu.memory_space<hbm>>
      %dma_start3A_225 = arith.constant 0 : i32
      %dma_start3A_226 = tpu.memref_slice %arg5[%add3A_218, %dma_start3A_225] : memref<327680x128xf32, #tpu.memory_space<hbm>> -> memref<64x128xf32, #tpu.memory_space<hbm>>
      tpu.enqueue_dma source(%arg15 : memref<64x128xf32, #tpu.memory_space<vmem>>) target(%dma_start3A_226 : memref<64x128xf32, #tpu.memory_space<hbm>>) target_semaphore(%arg25 : memref<!tpu.dma_semaphore, #tpu.memory_space<semaphore_mem>>)
      %add3A_227 = arith.constant 3 : i32
      %add3A_228 = arith.addi %add3A_197, %add3A_227 : i32
      %ge3A_229 = arith.constant 5 : i32
      %ge3A_230 = arith.cmpi sge, %add3A_228, %ge3A_229 : i32
      %convert_element_type3A_231 = arith.extui %ge3A_230 : i1 to i32
      %cond3A_232 = arith.constant 0 : i32
      %cond3A_233 = arith.cmpi ne, %convert_element_type3A_231, %cond3A_232 : i32
      scf.if %cond3A_233 {
        %sub3A = arith.constant 5 : i32
        %sub3A_285 = arith.subi %add3A_228, %sub3A : i32
        %mul3A_286 = arith.constant 2 : i32
        %mul3A_287 = arith.muli %sub3A_285, %mul3A_286 : i32
        %mul3A_288 = arith.constant 64 : i32
        %mul3A_289 = arith.muli %mul3A_287, %mul3A_288 : i32
        %add3A_290 = arith.addi %mul3A_2, %mul3A_289 : i32
        %add3A_291 = arith.constant 64 : i32
        %add3A_292 = arith.addi %add3A_290, %add3A_291 : i32
        %dma_wait3A_293 = arith.constant 0 : i32
        %dma_wait3A_294 = tpu.memref_slice %arg5[%add3A_290, %dma_wait3A_293] : memref<327680x128xf32, #tpu.memory_space<hbm>> -> memref<64x128xf32, #tpu.memory_space<hbm>>
        %dma_wait3A_295 = arith.constant 0 : i32
        %dma_wait3A_296 = tpu.memref_slice %arg5[%add3A_290, %dma_wait3A_295] : memref<327680x128xf32, #tpu.memory_space<hbm>> -> memref<64x128xf32, #tpu.memory_space<hbm>>
        tpu.wait_dma2 semaphore(%arg23 : memref<!tpu.dma_semaphore, #tpu.memory_space<semaphore_mem>>) src(%arg8 : memref<64x128xf32, #tpu.memory_space<vmem>>) dst(%dma_wait3A_296 : memref<64x128xf32, #tpu.memory_space<hbm>>)
        %dma_wait3A_297 = arith.constant 0 : i32
        %dma_wait3A_298 = tpu.memref_slice %arg5[%add3A_292, %dma_wait3A_297] : memref<327680x128xf32, #tpu.memory_space<hbm>> -> memref<64x128xf32, #tpu.memory_space<hbm>>
        %dma_wait3A_299 = arith.constant 0 : i32
        %dma_wait3A_300 = tpu.memref_slice %arg5[%add3A_292, %dma_wait3A_299] : memref<327680x128xf32, #tpu.memory_space<hbm>> -> memref<64x128xf32, #tpu.memory_space<hbm>>
        tpu.wait_dma2 semaphore(%arg23 : memref<!tpu.dma_semaphore, #tpu.memory_space<semaphore_mem>>) src(%arg13 : memref<64x128xf32, #tpu.memory_space<vmem>>) dst(%dma_wait3A_300 : memref<64x128xf32, #tpu.memory_space<hbm>>)
      } else {
      }
      %lt3A_234 = arith.constant 80 : i32
      %lt3A_235 = arith.cmpi slt, %add3A_228, %lt3A_234 : i32
      %convert_element_type3A_236 = arith.extui %lt3A_235 : i1 to i32
      %cond3A_237 = arith.constant 0 : i32
      %cond3A_238 = arith.cmpi ne, %convert_element_type3A_236, %cond3A_237 : i32
      scf.if %cond3A_238 {
        %mul3A_285 = arith.constant 2 : i32
        %mul3A_286 = arith.muli %add3A_228, %mul3A_285 : i32
        %mul3A_287 = arith.constant 64 : i32
        %mul3A_288 = arith.muli %mul3A_286, %mul3A_287 : i32
        %add3A_289 = arith.constant 64 : i32
        %add3A_290 = arith.addi %mul3A_288, %add3A_289 : i32
        %dma_start3A_291 = tpu.memref_slice %arg6[%mul3A_288] : memref<10240xi32, #tpu.memory_space<vmem>> -> memref<64xi32, #tpu.memory_space<vmem>>
        %dma_start3A_292 = arith.constant 0 : i32
        %dma_start3A_293 = arith.constant 0 : i32
        %dma_start3A_294 = tpu.memref_slice %arg2[%dma_start3A_292, %dma_start3A_293] : memref<320000x128xf32, #tpu.memory_space<hbm>> -> memref<320000x128xf32, #tpu.memory_space<hbm>>
        tpu.enqueue_indirect_dma source(%dma_start3A_294 : memref<320000x128xf32, #tpu.memory_space<hbm>>) target(%arg8 : memref<64x128xf32, #tpu.memory_space<vmem>>) offsets(%dma_start3A_291 : memref<64xi32, #tpu.memory_space<vmem>>) semaphore(%arg18 : memref<!tpu.dma_semaphore, #tpu.memory_space<semaphore_mem>>)
        %dma_start3A_295 = tpu.memref_slice %arg6[%add3A_290] : memref<10240xi32, #tpu.memory_space<vmem>> -> memref<64xi32, #tpu.memory_space<vmem>>
        %dma_start3A_296 = arith.constant 0 : i32
        %dma_start3A_297 = arith.constant 0 : i32
        %dma_start3A_298 = tpu.memref_slice %arg3[%dma_start3A_296, %dma_start3A_297] : memref<320000x128xf32, #tpu.memory_space<hbm>> -> memref<320000x128xf32, #tpu.memory_space<hbm>>
        tpu.enqueue_indirect_dma source(%dma_start3A_298 : memref<320000x128xf32, #tpu.memory_space<hbm>>) target(%arg13 : memref<64x128xf32, #tpu.memory_space<vmem>>) offsets(%dma_start3A_295 : memref<64xi32, #tpu.memory_space<vmem>>) semaphore(%arg18 : memref<!tpu.dma_semaphore, #tpu.memory_space<semaphore_mem>>)
      } else {
      }
      %mul3A_239 = arith.constant 5 : i32
      %mul3A_240 = arith.muli %mul3A_239, %scan3A_61 : i32
      %add3A_241 = arith.constant 4 : i32
      %add3A_242 = arith.addi %mul3A_240, %add3A_241 : i32
      %mul3A_243 = arith.constant 2 : i32
      %mul3A_244 = arith.muli %add3A_242, %mul3A_243 : i32
      %mul3A_245 = arith.constant 64 : i32
      %mul3A_246 = arith.muli %mul3A_244, %mul3A_245 : i32
      %add3A_247 = arith.constant 64 : i32
      %add3A_248 = arith.addi %mul3A_246, %add3A_247 : i32
      %dma_wait3A_249 = tpu.memref_slice %arg6[%mul3A_246] : memref<10240xi32, #tpu.memory_space<vmem>> -> memref<64xi32, #tpu.memory_space<vmem>>
      %dma_wait3A_250 = arith.constant 0 : i32
      %dma_wait3A_251 = arith.constant 0 : i32
      %dma_wait3A_252 = tpu.memref_slice %arg2[%dma_wait3A_250, %dma_wait3A_251] : memref<320000x128xf32, #tpu.memory_space<hbm>> -> memref<320000x128xf32, #tpu.memory_space<hbm>>
      tpu.wait_indirect_dma semaphore(%arg21 : memref<!tpu.dma_semaphore, #tpu.memory_space<semaphore_mem>>) src(%dma_wait3A_252 : memref<320000x128xf32, #tpu.memory_space<hbm>>) dst(%arg11 : memref<64x128xf32, #tpu.memory_space<vmem>>)
      %dma_wait3A_253 = tpu.memref_slice %arg6[%add3A_248] : memref<10240xi32, #tpu.memory_space<vmem>> -> memref<64xi32, #tpu.memory_space<vmem>>
      %dma_wait3A_254 = arith.constant 0 : i32
      %dma_wait3A_255 = arith.constant 0 : i32
      %dma_wait3A_256 = tpu.memref_slice %arg3[%dma_wait3A_254, %dma_wait3A_255] : memref<320000x128xf32, #tpu.memory_space<hbm>> -> memref<320000x128xf32, #tpu.memory_space<hbm>>
      tpu.wait_indirect_dma semaphore(%arg21 : memref<!tpu.dma_semaphore, #tpu.memory_space<semaphore_mem>>) src(%dma_wait3A_256 : memref<320000x128xf32, #tpu.memory_space<hbm>>) dst(%arg16 : memref<64x128xf32, #tpu.memory_space<vmem>>)
      %mul3A_257 = arith.constant 2 : i32
      %mul3A_258 = arith.muli %add3A_242, %mul3A_257 : i32
      %mul3A_259 = arith.constant 64 : i32
      %mul3A_260 = arith.muli %mul3A_258, %mul3A_259 : i32
      %add3A_261 = arith.addi %mul3A_2, %mul3A_260 : i32
      %add3A_262 = arith.constant 64 : i32
      %add3A_263 = arith.addi %add3A_261, %add3A_262 : i32
      %dma_start3A_264 = arith.constant 0 : i32
      %dma_start3A_265 = tpu.memref_slice %arg5[%add3A_261, %dma_start3A_264] : memref<327680x128xf32, #tpu.memory_space<hbm>> -> memref<64x128xf32, #tpu.memory_space<hbm>>
      %dma_start3A_266 = arith.constant 0 : i32
      %dma_start3A_267 = tpu.memref_slice %arg5[%add3A_261, %dma_start3A_266] : memref<327680x128xf32, #tpu.memory_space<hbm>> -> memref<64x128xf32, #tpu.memory_space<hbm>>
      tpu.enqueue_dma source(%arg11 : memref<64x128xf32, #tpu.memory_space<vmem>>) target(%dma_start3A_267 : memref<64x128xf32, #tpu.memory_space<hbm>>) target_semaphore(%arg26 : memref<!tpu.dma_semaphore, #tpu.memory_space<semaphore_mem>>)
      %dma_start3A_268 = arith.constant 0 : i32
      %dma_start3A_269 = tpu.memref_slice %arg5[%add3A_263, %dma_start3A_268] : memref<327680x128xf32, #tpu.memory_space<hbm>> -> memref<64x128xf32, #tpu.memory_space<hbm>>
      %dma_start3A_270 = arith.constant 0 : i32
      %dma_start3A_271 = tpu.memref_slice %arg5[%add3A_263, %dma_start3A_270] : memref<327680x128xf32, #tpu.memory_space<hbm>> -> memref<64x128xf32, #tpu.memory_space<hbm>>
      tpu.enqueue_dma source(%arg16 : memref<64x128xf32, #tpu.memory_space<vmem>>) target(%dma_start3A_271 : memref<64x128xf32, #tpu.memory_space<hbm>>) target_semaphore(%arg26 : memref<!tpu.dma_semaphore, #tpu.memory_space<semaphore_mem>>)
      %add3A_272 = arith.constant 3 : i32
      %add3A_273 = arith.addi %add3A_242, %add3A_272 : i32
      %ge3A_274 = arith.constant 5 : i32
      %ge3A_275 = arith.cmpi sge, %add3A_273, %ge3A_274 : i32
      %convert_element_type3A_276 = arith.extui %ge3A_275 : i1 to i32
      %cond3A_277 = arith.constant 0 : i32
      %cond3A_278 = arith.cmpi ne, %convert_element_type3A_276, %cond3A_277 : i32
      scf.if %cond3A_278 {
        %sub3A = arith.constant 5 : i32
        %sub3A_285 = arith.subi %add3A_273, %sub3A : i32
        %mul3A_286 = arith.constant 2 : i32
        %mul3A_287 = arith.muli %sub3A_285, %mul3A_286 : i32
        %mul3A_288 = arith.constant 64 : i32
        %mul3A_289 = arith.muli %mul3A_287, %mul3A_288 : i32
        %add3A_290 = arith.addi %mul3A_2, %mul3A_289 : i32
        %add3A_291 = arith.constant 64 : i32
        %add3A_292 = arith.addi %add3A_290, %add3A_291 : i32
        %dma_wait3A_293 = arith.constant 0 : i32
        %dma_wait3A_294 = tpu.memref_slice %arg5[%add3A_290, %dma_wait3A_293] : memref<327680x128xf32, #tpu.memory_space<hbm>> -> memref<64x128xf32, #tpu.memory_space<hbm>>
        %dma_wait3A_295 = arith.constant 0 : i32
        %dma_wait3A_296 = tpu.memref_slice %arg5[%add3A_290, %dma_wait3A_295] : memref<327680x128xf32, #tpu.memory_space<hbm>> -> memref<64x128xf32, #tpu.memory_space<hbm>>
        tpu.wait_dma2 semaphore(%arg24 : memref<!tpu.dma_semaphore, #tpu.memory_space<semaphore_mem>>) src(%arg9 : memref<64x128xf32, #tpu.memory_space<vmem>>) dst(%dma_wait3A_296 : memref<64x128xf32, #tpu.memory_space<hbm>>)
        %dma_wait3A_297 = arith.constant 0 : i32
        %dma_wait3A_298 = tpu.memref_slice %arg5[%add3A_292, %dma_wait3A_297] : memref<327680x128xf32, #tpu.memory_space<hbm>> -> memref<64x128xf32, #tpu.memory_space<hbm>>
        %dma_wait3A_299 = arith.constant 0 : i32
        %dma_wait3A_300 = tpu.memref_slice %arg5[%add3A_292, %dma_wait3A_299] : memref<327680x128xf32, #tpu.memory_space<hbm>> -> memref<64x128xf32, #tpu.memory_space<hbm>>
        tpu.wait_dma2 semaphore(%arg24 : memref<!tpu.dma_semaphore, #tpu.memory_space<semaphore_mem>>) src(%arg14 : memref<64x128xf32, #tpu.memory_space<vmem>>) dst(%dma_wait3A_300 : memref<64x128xf32, #tpu.memory_space<hbm>>)
      } else {
      }
      %lt3A_279 = arith.constant 80 : i32
      %lt3A_280 = arith.cmpi slt, %add3A_273, %lt3A_279 : i32
      %convert_element_type3A_281 = arith.extui %lt3A_280 : i1 to i32
      %cond3A_282 = arith.constant 0 : i32
      %cond3A_283 = arith.cmpi ne, %convert_element_type3A_281, %cond3A_282 : i32
      scf.if %cond3A_283 {
        %mul3A_285 = arith.constant 2 : i32
        %mul3A_286 = arith.muli %add3A_273, %mul3A_285 : i32
        %mul3A_287 = arith.constant 64 : i32
        %mul3A_288 = arith.muli %mul3A_286, %mul3A_287 : i32
        %add3A_289 = arith.constant 64 : i32
        %add3A_290 = arith.addi %mul3A_288, %add3A_289 : i32
        %dma_start3A_291 = tpu.memref_slice %arg6[%mul3A_288] : memref<10240xi32, #tpu.memory_space<vmem>> -> memref<64xi32, #tpu.memory_space<vmem>>
        %dma_start3A_292 = arith.constant 0 : i32
        %dma_start3A_293 = arith.constant 0 : i32
        %dma_start3A_294 = tpu.memref_slice %arg2[%dma_start3A_292, %dma_start3A_293] : memref<320000x128xf32, #tpu.memory_space<hbm>> -> memref<320000x128xf32, #tpu.memory_space<hbm>>
        tpu.enqueue_indirect_dma source(%dma_start3A_294 : memref<320000x128xf32, #tpu.memory_space<hbm>>) target(%arg9 : memref<64x128xf32, #tpu.memory_space<vmem>>) offsets(%dma_start3A_291 : memref<64xi32, #tpu.memory_space<vmem>>) semaphore(%arg19 : memref<!tpu.dma_semaphore, #tpu.memory_space<semaphore_mem>>)
        %dma_start3A_295 = tpu.memref_slice %arg6[%add3A_290] : memref<10240xi32, #tpu.memory_space<vmem>> -> memref<64xi32, #tpu.memory_space<vmem>>
        %dma_start3A_296 = arith.constant 0 : i32
        %dma_start3A_297 = arith.constant 0 : i32
        %dma_start3A_298 = tpu.memref_slice %arg3[%dma_start3A_296, %dma_start3A_297] : memref<320000x128xf32, #tpu.memory_space<hbm>> -> memref<320000x128xf32, #tpu.memory_space<hbm>>
        tpu.enqueue_indirect_dma source(%dma_start3A_298 : memref<320000x128xf32, #tpu.memory_space<hbm>>) target(%arg14 : memref<64x128xf32, #tpu.memory_space<vmem>>) offsets(%dma_start3A_295 : memref<64xi32, #tpu.memory_space<vmem>>) semaphore(%arg19 : memref<!tpu.dma_semaphore, #tpu.memory_space<semaphore_mem>>)
      } else {
      }
      %scan3A_284 = arith.constant 0 : i32
      scf.yield %scan3A_284 : i32
    }
    %scan3A_37 = arith.constant 16 : i32
    %add3A_38 = arith.constant 9984 : i32
    %add3A_39 = arith.addi %mul3A_2, %add3A_38 : i32
    %add3A_40 = arith.constant 64 : i32
    %add3A_41 = arith.addi %add3A_39, %add3A_40 : i32
    %dma_wait3A = arith.constant 0 : i32
    %dma_wait3A_42 = tpu.memref_slice %arg5[%add3A_39, %dma_wait3A] : memref<327680x128xf32, #tpu.memory_space<hbm>> -> memref<64x128xf32, #tpu.memory_space<hbm>>
    %dma_wait3A_43 = arith.constant 0 : i32
    %dma_wait3A_44 = tpu.memref_slice %arg5[%add3A_39, %dma_wait3A_43] : memref<327680x128xf32, #tpu.memory_space<hbm>> -> memref<64x128xf32, #tpu.memory_space<hbm>>
    tpu.wait_dma2 semaphore(%arg25 : memref<!tpu.dma_semaphore, #tpu.memory_space<semaphore_mem>>) src(%arg10 : memref<64x128xf32, #tpu.memory_space<vmem>>) dst(%dma_wait3A_44 : memref<64x128xf32, #tpu.memory_space<hbm>>)
    %dma_wait3A_45 = arith.constant 0 : i32
    %dma_wait3A_46 = tpu.memref_slice %arg5[%add3A_41, %dma_wait3A_45] : memref<327680x128xf32, #tpu.memory_space<hbm>> -> memref<64x128xf32, #tpu.memory_space<hbm>>
    %dma_wait3A_47 = arith.constant 0 : i32
    %dma_wait3A_48 = tpu.memref_slice %arg5[%add3A_41, %dma_wait3A_47] : memref<327680x128xf32, #tpu.memory_space<hbm>> -> memref<64x128xf32, #tpu.memory_space<hbm>>
    tpu.wait_dma2 semaphore(%arg25 : memref<!tpu.dma_semaphore, #tpu.memory_space<semaphore_mem>>) src(%arg15 : memref<64x128xf32, #tpu.memory_space<vmem>>) dst(%dma_wait3A_48 : memref<64x128xf32, #tpu.memory_space<hbm>>)
    %add3A_49 = arith.constant 10112 : i32
    %add3A_50 = arith.addi %mul3A_2, %add3A_49 : i32
    %add3A_51 = arith.constant 64 : i32
    %add3A_52 = arith.addi %add3A_50, %add3A_51 : i32
    %dma_wait3A_53 = arith.constant 0 : i32
    %dma_wait3A_54 = tpu.memref_slice %arg5[%add3A_50, %dma_wait3A_53] : memref<327680x128xf32, #tpu.memory_space<hbm>> -> memref<64x128xf32, #tpu.memory_space<hbm>>
    %dma_wait3A_55 = arith.constant 0 : i32
    %dma_wait3A_56 = tpu.memref_slice %arg5[%add3A_50, %dma_wait3A_55] : memref<327680x128xf32, #tpu.memory_space<hbm>> -> memref<64x128xf32, #tpu.memory_space<hbm>>
    tpu.wait_dma2 semaphore(%arg26 : memref<!tpu.dma_semaphore, #tpu.memory_space<semaphore_mem>>) src(%arg11 : memref<64x128xf32, #tpu.memory_space<vmem>>) dst(%dma_wait3A_56 : memref<64x128xf32, #tpu.memory_space<hbm>>)
    %dma_wait3A_57 = arith.constant 0 : i32
    %dma_wait3A_58 = tpu.memref_slice %arg5[%add3A_52, %dma_wait3A_57] : memref<327680x128xf32, #tpu.memory_space<hbm>> -> memref<64x128xf32, #tpu.memory_space<hbm>>
    %dma_wait3A_59 = arith.constant 0 : i32
    %dma_wait3A_60 = tpu.memref_slice %arg5[%add3A_52, %dma_wait3A_59] : memref<327680x128xf32, #tpu.memory_space<hbm>> -> memref<64x128xf32, #tpu.memory_space<hbm>>
    tpu.wait_dma2 semaphore(%arg26 : memref<!tpu.dma_semaphore, #tpu.memory_space<semaphore_mem>>) src(%arg16 : memref<64x128xf32, #tpu.memory_space<vmem>>) dst(%dma_wait3A_60 : memref<64x128xf32, #tpu.memory_space<hbm>>)
    return
  }
}

#map = affine_map<(d0, d1) -> (0, 0)>
#map1 = affine_map<(d0, d1) -> (0)>
module attributes {stable_mosaic.version = 14 : i64} {
  func.func @_gather_raw_body(%arg0: i32, %arg1: i32, %arg2: memref<320000x128xf32, #tpu.memory_space<hbm>>, %arg3: memref<320000x128xf32, #tpu.memory_space<hbm>>, %arg4: memref<327680xi32, #tpu.memory_space<hbm>>, %arg5: memref<327680x128xf32, #tpu.memory_space<hbm>>, %arg6: memref<10240xi32, #tpu.memory_space<vmem>>, %arg7: memref<64x128xf32, #tpu.memory_space<vmem>>, %arg8: memref<64x128xf32, #tpu.memory_space<vmem>>, %arg9: memref<64x128xf32, #tpu.memory_space<vmem>>, %arg10: memref<64x128xf32, #tpu.memory_space<vmem>>, %arg11: memref<64x128xf32, #tpu.memory_space<vmem>>, %arg12: memref<64x128xf32, #tpu.memory_space<vmem>>, %arg13: memref<64x128xf32, #tpu.memory_space<vmem>>, %arg14: memref<64x128xf32, #tpu.memory_space<vmem>>, %arg15: memref<64x128xf32, #tpu.memory_space<vmem>>, %arg16: memref<64x128xf32, #tpu.memory_space<vmem>>, %arg17: memref<!tpu.dma_semaphore, #tpu.memory_space<semaphore_mem>>, %arg18: memref<!tpu.dma_semaphore, #tpu.memory_space<semaphore_mem>>, %arg19: memref<!tpu.dma_semaphore, #tpu.memory_space<semaphore_mem>>, %arg20: memref<!tpu.dma_semaphore, #tpu.memory_space<semaphore_mem>>, %arg21: memref<!tpu.dma_semaphore, #tpu.memory_space<semaphore_mem>>, %arg22: memref<!tpu.dma_semaphore, #tpu.memory_space<semaphore_mem>>, %arg23: memref<!tpu.dma_semaphore, #tpu.memory_space<semaphore_mem>>, %arg24: memref<!tpu.dma_semaphore, #tpu.memory_space<semaphore_mem>>, %arg25: memref<!tpu.dma_semaphore, #tpu.memory_space<semaphore_mem>>, %arg26: memref<!tpu.dma_semaphore, #tpu.memory_space<semaphore_mem>>) attributes {dimension_semantics = [#tpu.dimension_semantics<core_parallel>, #tpu.dimension_semantics<subcore_parallel>], iteration_bounds = array<i64: 2, 16>, scalar_prefetch = 0 : i64, scratch_operands = 21 : i64, tpu.core_type = #tpu.core_type<sc_vector_subcore>, window_params = [{transform_indices = #map}, {transform_indices = #map}, {transform_indices = #map1}, {transform_indices = #map}]} {
    %mul3A = arith.constant 2 : i32
    %mul3A_0 = arith.muli %arg1, %mul3A : i32
    %add3A = arith.addi %mul3A_0, %arg0 : i32
    %mul3A_1 = arith.constant 10240 : i32
    %mul3A_2 = arith.muli %add3A, %mul3A_1 : i32
    "tpu.region"() ({
      %run_scoped3A = tpu.sem_alloc : memref<!tpu.dma_semaphore, #tpu.memory_space<semaphore_mem>>
      %dma_start3A_61 = tpu.memref_slice %arg4[%mul3A_2] : memref<327680xi32, #tpu.memory_space<hbm>> -> memref<10240xi32, #tpu.memory_space<hbm>>
      %dma_start3A_62 = tpu.memref_slice %arg4[%mul3A_2] : memref<327680xi32, #tpu.memory_space<hbm>> -> memref<10240xi32, #tpu.memory_space<hbm>>
      tpu.enqueue_dma source(%dma_start3A_62 : memref<10240xi32, #tpu.memory_space<hbm>>) target(%arg6 : memref<10240xi32, #tpu.memory_space<vmem>>) target_semaphore(%run_scoped3A : memref<!tpu.dma_semaphore, #tpu.memory_space<semaphore_mem>>)
      %dma_wait3A_63 = tpu.memref_slice %arg4[%mul3A_2] : memref<327680xi32, #tpu.memory_space<hbm>> -> memref<10240xi32, #tpu.memory_space<hbm>>
      %dma_wait3A_64 = tpu.memref_slice %arg4[%mul3A_2] : memref<327680xi32, #tpu.memory_space<hbm>> -> memref<10240xi32, #tpu.memory_space<hbm>>
      tpu.wait_dma2 semaphore(%run_scoped3A : memref<!tpu.dma_semaphore, #tpu.memory_space<semaphore_mem>>) src(%dma_wait3A_64 : memref<10240xi32, #tpu.memory_space<hbm>>) dst(%arg6 : memref<10240xi32, #tpu.memory_space<vmem>>)
      tpu.yield
    }) : () -> ()
    %dma_start3A = arith.constant 0 : i32
    %dma_start3A_3 = tpu.memref_slice %arg6[%dma_start3A] : memref<10240xi32, #tpu.memory_space<vmem>> -> memref<64xi32, #tpu.memory_space<vmem>>
    %dma_start3A_4 = arith.constant 0 : i32
    %dma_start3A_5 = arith.constant 0 : i32
    %dma_start3A_6 = tpu.memref_slice %arg2[%dma_start3A_4, %dma_start3A_5] : memref<320000x128xf32, #tpu.memory_space<hbm>> -> memref<320000x128xf32, #tpu.memory_space<hbm>>
    tpu.enqueue_indirect_dma source(%dma_start3A_6 : memref<320000x128xf32, #tpu.memory_space<hbm>>) target(%arg7 : memref<64x128xf32, #tpu.memory_space<vmem>>) offsets(%dma_start3A_3 : memref<64xi32, #tpu.memory_space<vmem>>) semaphore(%arg17 : memref<!tpu.dma_semaphore, #tpu.memory_space<semaphore_mem>>)
    %dma_start3A_7 = arith.constant 64 : i32
    %dma_start3A_8 = tpu.memref_slice %arg6[%dma_start3A_7] : memref<10240xi32, #tpu.memory_space<vmem>> -> memref<64xi32, #tpu.memory_space<vmem>>
    %dma_start3A_9 = arith.constant 0 : i32
    %dma_start3A_10 = arith.constant 0 : i32
    %dma_start3A_11 = tpu.memref_slice %arg3[%dma_start3A_9, %dma_start3A_10] : memref<320000x128xf32, #tpu.memory_space<hbm>> -> memref<320000x128xf32, #tpu.memory_space<hbm>>
    tpu.enqueue_indirect_dma source(%dma_start3A_11 : memref<320000x128xf32, #tpu.memory_space<hbm>>) target(%arg12 : memref<64x128xf32, #tpu.memory_space<vmem>>) offsets(%dma_start3A_8 : memref<64xi32, #tpu.memory_space<vmem>>) semaphore(%arg17 : memref<!tpu.dma_semaphore, #tpu.memory_space<semaphore_mem>>)
    %dma_start3A_12 = arith.constant 128 : i32
    %dma_start3A_13 = tpu.memref_slice %arg6[%dma_start3A_12] : memref<10240xi32, #tpu.memory_space<vmem>> -> memref<64xi32, #tpu.memory_space<vmem>>
    %dma_start3A_14 = arith.constant 0 : i32
    %dma_start3A_15 = arith.constant 0 : i32
    %dma_start3A_16 = tpu.memref_slice %arg2[%dma_start3A_14, %dma_start3A_15] : memref<320000x128xf32, #tpu.memory_space<hbm>> -> memref<320000x128xf32, #tpu.memory_space<hbm>>
    tpu.enqueue_indirect_dma source(%dma_start3A_16 : memref<320000x128xf32, #tpu.memory_space<hbm>>) target(%arg8 : memref<64x128xf32, #tpu.memory_space<vmem>>) offsets(%dma_start3A_13 : memref<64xi32, #tpu.memory_space<vmem>>) semaphore(%arg18 : memref<!tpu.dma_semaphore, #tpu.memory_space<semaphore_mem>>)
    %dma_start3A_17 = arith.constant 192 : i32
    %dma_start3A_18 = tpu.memref_slice %arg6[%dma_start3A_17] : memref<10240xi32, #tpu.memory_space<vmem>> -> memref<64xi32, #tpu.memory_space<vmem>>
    %dma_start3A_19 = arith.constant 0 : i32
    %dma_start3A_20 = arith.constant 0 : i32
    %dma_start3A_21 = tpu.memref_slice %arg3[%dma_start3A_19, %dma_start3A_20] : memref<320000x128xf32, #tpu.memory_space<hbm>> -> memref<320000x128xf32, #tpu.memory_space<hbm>>
    tpu.enqueue_indirect_dma source(%dma_start3A_21 : memref<320000x128xf32, #tpu.memory_space<hbm>>) target(%arg13 : memref<64x128xf32, #tpu.memory_space<vmem>>) offsets(%dma_start3A_18 : memref<64xi32, #tpu.memory_space<vmem>>) semaphore(%arg18 : memref<!tpu.dma_semaphore, #tpu.memory_space<semaphore_mem>>)
    %dma_start3A_22 = arith.constant 256 : i32
    %dma_start3A_23 = tpu.memref_slice %arg6[%dma_start3A_22] : memref<10240xi32, #tpu.memory_space<vmem>> -> memref<64xi32, #tpu.memory_space<vmem>>
    %dma_start3A_24 = arith.constant 0 : i32
    %dma_start3A_25 = arith.constant 0 : i32
    %dma_start3A_26 = tpu.memref_slice %arg2[%dma_start3A_24, %dma_start3A_25] : memref<320000x128xf32, #tpu.memory_space<hbm>> -> memref<320000x128xf32, #tpu.memory_space<hbm>>
    tpu.enqueue_indirect_dma source(%dma_start3A_26 : memref<320000x128xf32, #tpu.memory_space<hbm>>) target(%arg9 : memref<64x128xf32, #tpu.memory_space<vmem>>) offsets(%dma_start3A_23 : memref<64xi32, #tpu.memory_space<vmem>>) semaphore(%arg19 : memref<!tpu.dma_semaphore, #tpu.memory_space<semaphore_mem>>)
    %dma_start3A_27 = arith.constant 320 : i32
    %dma_start3A_28 = tpu.memref_slice %arg6[%dma_start3A_27] : memref<10240xi32, #tpu.memory_space<vmem>> -> memref<64xi32, #tpu.memory_space<vmem>>
    %dma_start3A_29 = arith.constant 0 : i32
    %dma_start3A_30 = arith.constant 0 : i32
    %dma_start3A_31 = tpu.memref_slice %arg3[%dma_start3A_29, %dma_start3A_30] : memref<320000x128xf32, #tpu.memory_space<hbm>> -> memref<320000x128xf32, #tpu.memory_space<hbm>>
    tpu.enqueue_indirect_dma source(%dma_start3A_31 : memref<320000x128xf32, #tpu.memory_space<hbm>>) target(%arg14 : memref<64x128xf32, #tpu.memory_space<vmem>>) offsets(%dma_start3A_28 : memref<64xi32, #tpu.memory_space<vmem>>) semaphore(%arg19 : memref<!tpu.dma_semaphore, #tpu.memory_space<semaphore_mem>>)
    %scan3A = arith.constant 0 : i32
    %scan3A_32 = arith.constant 0 : i32
    %scan3A_33 = arith.constant 16 : i32
    %scan3A_34 = arith.addi %scan3A_32, %scan3A_33 : i32
    %scan3A_35 = arith.constant 1 : i32
    %scan3A_36 = scf.for %scan3A_61 = %scan3A_32 to %scan3A_34 step %scan3A_35 iter_args(%scan3A_62 = %scan3A) -> (i32)  : i32 {
      %mul3A_63 = arith.constant 5 : i32
      %mul3A_64 = arith.muli %mul3A_63, %scan3A_61 : i32
      %add3A_65 = arith.constant 0 : i32
      %add3A_66 = arith.addi %mul3A_64, %add3A_65 : i32
      %mul3A_67 = arith.constant 2 : i32
      %mul3A_68 = arith.muli %add3A_66, %mul3A_67 : i32
      %mul3A_69 = arith.constant 64 : i32
      %mul3A_70 = arith.muli %mul3A_68, %mul3A_69 : i32
      %add3A_71 = arith.constant 64 : i32
      %add3A_72 = arith.addi %mul3A_70, %add3A_71 : i32
      %dma_wait3A_73 = tpu.memref_slice %arg6[%mul3A_70] : memref<10240xi32, #tpu.memory_space<vmem>> -> memref<64xi32, #tpu.memory_space<vmem>>
      %dma_wait3A_74 = arith.constant 0 : i32
      %dma_wait3A_75 = arith.constant 0 : i32
      %dma_wait3A_76 = tpu.memref_slice %arg2[%dma_wait3A_74, %dma_wait3A_75] : memref<320000x128xf32, #tpu.memory_space<hbm>> -> memref<320000x128xf32, #tpu.memory_space<hbm>>
      tpu.wait_indirect_dma semaphore(%arg17 : memref<!tpu.dma_semaphore, #tpu.memory_space<semaphore_mem>>) src(%dma_wait3A_76 : memref<320000x128xf32, #tpu.memory_space<hbm>>) dst(%arg7 : memref<64x128xf32, #tpu.memory_space<vmem>>)
      %dma_wait3A_77 = tpu.memref_slice %arg6[%add3A_72] : memref<10240xi32, #tpu.memory_space<vmem>> -> memref<64xi32, #tpu.memory_space<vmem>>
      %dma_wait3A_78 = arith.constant 0 : i32
      %dma_wait3A_79 = arith.constant 0 : i32
      %dma_wait3A_80 = tpu.memref_slice %arg3[%dma_wait3A_78, %dma_wait3A_79] : memref<320000x128xf32, #tpu.memory_space<hbm>> -> memref<320000x128xf32, #tpu.memory_space<hbm>>
      tpu.wait_indirect_dma semaphore(%arg17 : memref<!tpu.dma_semaphore, #tpu.memory_space<semaphore_mem>>) src(%dma_wait3A_80 : memref<320000x128xf32, #tpu.memory_space<hbm>>) dst(%arg12 : memref<64x128xf32, #tpu.memory_space<vmem>>)
      %mul3A_81 = arith.constant 2 : i32
      %mul3A_82 = arith.muli %add3A_66, %mul3A_81 : i32
      %mul3A_83 = arith.constant 64 : i32
      %mul3A_84 = arith.muli %mul3A_82, %mul3A_83 : i32
      %add3A_85 = arith.addi %mul3A_2, %mul3A_84 : i32
      %add3A_86 = arith.constant 64 : i32
      %add3A_87 = arith.addi %add3A_85, %add3A_86 : i32
      %dma_start3A_88 = arith.constant 0 : i32
      %dma_start3A_89 = tpu.memref_slice %arg5[%add3A_85, %dma_start3A_88] : memref<327680x128xf32, #tpu.memory_space<hbm>> -> memref<64x128xf32, #tpu.memory_space<hbm>>
      %dma_start3A_90 = arith.constant 0 : i32
      %dma_start3A_91 = tpu.memref_slice %arg5[%add3A_85, %dma_start3A_90] : memref<327680x128xf32, #tpu.memory_space<hbm>> -> memref<64x128xf32, #tpu.memory_space<hbm>>
      tpu.enqueue_dma source(%arg7 : memref<64x128xf32, #tpu.memory_space<vmem>>) target(%dma_start3A_91 : memref<64x128xf32, #tpu.memory_space<hbm>>) target_semaphore(%arg22 : memref<!tpu.dma_semaphore, #tpu.memory_space<semaphore_mem>>)
      %dma_start3A_92 = arith.constant 0 : i32
      %dma_start3A_93 = tpu.memref_slice %arg5[%add3A_87, %dma_start3A_92] : memref<327680x128xf32, #tpu.memory_space<hbm>> -> memref<64x128xf32, #tpu.memory_space<hbm>>
      %dma_start3A_94 = arith.constant 0 : i32
      %dma_start3A_95 = tpu.memref_slice %arg5[%add3A_87, %dma_start3A_94] : memref<327680x128xf32, #tpu.memory_space<hbm>> -> memref<64x128xf32, #tpu.memory_space<hbm>>
      tpu.enqueue_dma source(%arg12 : memref<64x128xf32, #tpu.memory_space<vmem>>) target(%dma_start3A_95 : memref<64x128xf32, #tpu.memory_space<hbm>>) target_semaphore(%arg22 : memref<!tpu.dma_semaphore, #tpu.memory_space<semaphore_mem>>)
      %add3A_96 = arith.constant 3 : i32
      %add3A_97 = arith.addi %add3A_66, %add3A_96 : i32
      %ge3A = arith.constant 5 : i32
      %ge3A_98 = arith.cmpi sge, %add3A_97, %ge3A : i32
      %convert_element_type3A = arith.extui %ge3A_98 : i1 to i32
      %cond3A = arith.constant 0 : i32
      %cond3A_99 = arith.cmpi ne, %convert_element_type3A, %cond3A : i32
      scf.if %cond3A_99 {
        %sub3A = arith.constant 5 : i32
        %sub3A_285 = arith.subi %add3A_97, %sub3A : i32
        %mul3A_286 = arith.constant 2 : i32
        %mul3A_287 = arith.muli %sub3A_285, %mul3A_286 : i32
        %mul3A_288 = arith.constant 64 : i32
        %mul3A_289 = arith.muli %mul3A_287, %mul3A_288 : i32
        %add3A_290 = arith.addi %mul3A_2, %mul3A_289 : i32
        %add3A_291 = arith.constant 64 : i32
        %add3A_292 = arith.addi %add3A_290, %add3A_291 : i32
        %dma_wait3A_293 = arith.constant 0 : i32
        %dma_wait3A_294 = tpu.memref_slice %arg5[%add3A_290, %dma_wait3A_293] : memref<327680x128xf32, #tpu.memory_space<hbm>> -> memref<64x128xf32, #tpu.memory_space<hbm>>
        %dma_wait3A_295 = arith.constant 0 : i32
        %dma_wait3A_296 = tpu.memref_slice %arg5[%add3A_290, %dma_wait3A_295] : memref<327680x128xf32, #tpu.memory_space<hbm>> -> memref<64x128xf32, #tpu.memory_space<hbm>>
        tpu.wait_dma2 semaphore(%arg25 : memref<!tpu.dma_semaphore, #tpu.memory_space<semaphore_mem>>) src(%arg10 : memref<64x128xf32, #tpu.memory_space<vmem>>) dst(%dma_wait3A_296 : memref<64x128xf32, #tpu.memory_space<hbm>>)
        %dma_wait3A_297 = arith.constant 0 : i32
        %dma_wait3A_298 = tpu.memref_slice %arg5[%add3A_292, %dma_wait3A_297] : memref<327680x128xf32, #tpu.memory_space<hbm>> -> memref<64x128xf32, #tpu.memory_space<hbm>>
        %dma_wait3A_299 = arith.constant 0 : i32
        %dma_wait3A_300 = tpu.memref_slice %arg5[%add3A_292, %dma_wait3A_299] : memref<327680x128xf32, #tpu.memory_space<hbm>> -> memref<64x128xf32, #tpu.memory_space<hbm>>
        tpu.wait_dma2 semaphore(%arg25 : memref<!tpu.dma_semaphore, #tpu.memory_space<semaphore_mem>>) src(%arg15 : memref<64x128xf32, #tpu.memory_space<vmem>>) dst(%dma_wait3A_300 : memref<64x128xf32, #tpu.memory_space<hbm>>)
      } else {
      }
      %lt3A = arith.constant 80 : i32
      %lt3A_100 = arith.cmpi slt, %add3A_97, %lt3A : i32
      %convert_element_type3A_101 = arith.extui %lt3A_100 : i1 to i32
      %cond3A_102 = arith.constant 0 : i32
      %cond3A_103 = arith.cmpi ne, %convert_element_type3A_101, %cond3A_102 : i32
      scf.if %cond3A_103 {
        %mul3A_285 = arith.constant 2 : i32
        %mul3A_286 = arith.muli %add3A_97, %mul3A_285 : i32
        %mul3A_287 = arith.constant 64 : i32
        %mul3A_288 = arith.muli %mul3A_286, %mul3A_287 : i32
        %add3A_289 = arith.constant 64 : i32
        %add3A_290 = arith.addi %mul3A_288, %add3A_289 : i32
        %dma_start3A_291 = tpu.memref_slice %arg6[%mul3A_288] : memref<10240xi32, #tpu.memory_space<vmem>> -> memref<64xi32, #tpu.memory_space<vmem>>
        %dma_start3A_292 = arith.constant 0 : i32
        %dma_start3A_293 = arith.constant 0 : i32
        %dma_start3A_294 = tpu.memref_slice %arg2[%dma_start3A_292, %dma_start3A_293] : memref<320000x128xf32, #tpu.memory_space<hbm>> -> memref<320000x128xf32, #tpu.memory_space<hbm>>
        tpu.enqueue_indirect_dma source(%dma_start3A_294 : memref<320000x128xf32, #tpu.memory_space<hbm>>) target(%arg10 : memref<64x128xf32, #tpu.memory_space<vmem>>) offsets(%dma_start3A_291 : memref<64xi32, #tpu.memory_space<vmem>>) semaphore(%arg20 : memref<!tpu.dma_semaphore, #tpu.memory_space<semaphore_mem>>)
        %dma_start3A_295 = tpu.memref_slice %arg6[%add3A_290] : memref<10240xi32, #tpu.memory_space<vmem>> -> memref<64xi32, #tpu.memory_space<vmem>>
        %dma_start3A_296 = arith.constant 0 : i32
        %dma_start3A_297 = arith.constant 0 : i32
        %dma_start3A_298 = tpu.memref_slice %arg3[%dma_start3A_296, %dma_start3A_297] : memref<320000x128xf32, #tpu.memory_space<hbm>> -> memref<320000x128xf32, #tpu.memory_space<hbm>>
        tpu.enqueue_indirect_dma source(%dma_start3A_298 : memref<320000x128xf32, #tpu.memory_space<hbm>>) target(%arg15 : memref<64x128xf32, #tpu.memory_space<vmem>>) offsets(%dma_start3A_295 : memref<64xi32, #tpu.memory_space<vmem>>) semaphore(%arg20 : memref<!tpu.dma_semaphore, #tpu.memory_space<semaphore_mem>>)
      } else {
      }
      %mul3A_104 = arith.constant 5 : i32
      %mul3A_105 = arith.muli %mul3A_104, %scan3A_61 : i32
      %add3A_106 = arith.constant 1 : i32
      %add3A_107 = arith.addi %mul3A_105, %add3A_106 : i32
      %mul3A_108 = arith.constant 2 : i32
      %mul3A_109 = arith.muli %add3A_107, %mul3A_108 : i32
      %mul3A_110 = arith.constant 64 : i32
      %mul3A_111 = arith.muli %mul3A_109, %mul3A_110 : i32
      %add3A_112 = arith.constant 64 : i32
      %add3A_113 = arith.addi %mul3A_111, %add3A_112 : i32
      %dma_wait3A_114 = tpu.memref_slice %arg6[%mul3A_111] : memref<10240xi32, #tpu.memory_space<vmem>> -> memref<64xi32, #tpu.memory_space<vmem>>
      %dma_wait3A_115 = arith.constant 0 : i32
      %dma_wait3A_116 = arith.constant 0 : i32
      %dma_wait3A_117 = tpu.memref_slice %arg2[%dma_wait3A_115, %dma_wait3A_116] : memref<320000x128xf32, #tpu.memory_space<hbm>> -> memref<320000x128xf32, #tpu.memory_space<hbm>>
      tpu.wait_indirect_dma semaphore(%arg18 : memref<!tpu.dma_semaphore, #tpu.memory_space<semaphore_mem>>) src(%dma_wait3A_117 : memref<320000x128xf32, #tpu.memory_space<hbm>>) dst(%arg8 : memref<64x128xf32, #tpu.memory_space<vmem>>)
      %dma_wait3A_118 = tpu.memref_slice %arg6[%add3A_113] : memref<10240xi32, #tpu.memory_space<vmem>> -> memref<64xi32, #tpu.memory_space<vmem>>
      %dma_wait3A_119 = arith.constant 0 : i32
      %dma_wait3A_120 = arith.constant 0 : i32
      %dma_wait3A_121 = tpu.memref_slice %arg3[%dma_wait3A_119, %dma_wait3A_120] : memref<320000x128xf32, #tpu.memory_space<hbm>> -> memref<320000x128xf32, #tpu.memory_space<hbm>>
      tpu.wait_indirect_dma semaphore(%arg18 : memref<!tpu.dma_semaphore, #tpu.memory_space<semaphore_mem>>) src(%dma_wait3A_121 : memref<320000x128xf32, #tpu.memory_space<hbm>>) dst(%arg13 : memref<64x128xf32, #tpu.memory_space<vmem>>)
      %mul3A_122 = arith.constant 2 : i32
      %mul3A_123 = arith.muli %add3A_107, %mul3A_122 : i32
      %mul3A_124 = arith.constant 64 : i32
      %mul3A_125 = arith.muli %mul3A_123, %mul3A_124 : i32
      %add3A_126 = arith.addi %mul3A_2, %mul3A_125 : i32
      %add3A_127 = arith.constant 64 : i32
      %add3A_128 = arith.addi %add3A_126, %add3A_127 : i32
      %dma_start3A_129 = arith.constant 0 : i32
      %dma_start3A_130 = tpu.memref_slice %arg5[%add3A_126, %dma_start3A_129] : memref<327680x128xf32, #tpu.memory_space<hbm>> -> memref<64x128xf32, #tpu.memory_space<hbm>>
      %dma_start3A_131 = arith.constant 0 : i32
      %dma_start3A_132 = tpu.memref_slice %arg5[%add3A_126, %dma_start3A_131] : memref<327680x128xf32, #tpu.memory_space<hbm>> -> memref<64x128xf32, #tpu.memory_space<hbm>>
      tpu.enqueue_dma source(%arg8 : memref<64x128xf32, #tpu.memory_space<vmem>>) target(%dma_start3A_132 : memref<64x128xf32, #tpu.memory_space<hbm>>) target_semaphore(%arg23 : memref<!tpu.dma_semaphore, #tpu.memory_space<semaphore_mem>>)
      %dma_start3A_133 = arith.constant 0 : i32
      %dma_start3A_134 = tpu.memref_slice %arg5[%add3A_128, %dma_start3A_133] : memref<327680x128xf32, #tpu.memory_space<hbm>> -> memref<64x128xf32, #tpu.memory_space<hbm>>
      %dma_start3A_135 = arith.constant 0 : i32
      %dma_start3A_136 = tpu.memref_slice %arg5[%add3A_128, %dma_start3A_135] : memref<327680x128xf32, #tpu.memory_space<hbm>> -> memref<64x128xf32, #tpu.memory_space<hbm>>
      tpu.enqueue_dma source(%arg13 : memref<64x128xf32, #tpu.memory_space<vmem>>) target(%dma_start3A_136 : memref<64x128xf32, #tpu.memory_space<hbm>>) target_semaphore(%arg23 : memref<!tpu.dma_semaphore, #tpu.memory_space<semaphore_mem>>)
      %add3A_137 = arith.constant 3 : i32
      %add3A_138 = arith.addi %add3A_107, %add3A_137 : i32
      %ge3A_139 = arith.constant 5 : i32
      %ge3A_140 = arith.cmpi sge, %add3A_138, %ge3A_139 : i32
      %convert_element_type3A_141 = arith.extui %ge3A_140 : i1 to i32
      %cond3A_142 = arith.constant 0 : i32
      %cond3A_143 = arith.cmpi ne, %convert_element_type3A_141, %cond3A_142 : i32
      scf.if %cond3A_143 {
        %sub3A = arith.constant 5 : i32
        %sub3A_285 = arith.subi %add3A_138, %sub3A : i32
        %mul3A_286 = arith.constant 2 : i32
        %mul3A_287 = arith.muli %sub3A_285, %mul3A_286 : i32
        %mul3A_288 = arith.constant 64 : i32
        %mul3A_289 = arith.muli %mul3A_287, %mul3A_288 : i32
        %add3A_290 = arith.addi %mul3A_2, %mul3A_289 : i32
        %add3A_291 = arith.constant 64 : i32
        %add3A_292 = arith.addi %add3A_290, %add3A_291 : i32
        %dma_wait3A_293 = arith.constant 0 : i32
        %dma_wait3A_294 = tpu.memref_slice %arg5[%add3A_290, %dma_wait3A_293] : memref<327680x128xf32, #tpu.memory_space<hbm>> -> memref<64x128xf32, #tpu.memory_space<hbm>>
        %dma_wait3A_295 = arith.constant 0 : i32
        %dma_wait3A_296 = tpu.memref_slice %arg5[%add3A_290, %dma_wait3A_295] : memref<327680x128xf32, #tpu.memory_space<hbm>> -> memref<64x128xf32, #tpu.memory_space<hbm>>
        tpu.wait_dma2 semaphore(%arg26 : memref<!tpu.dma_semaphore, #tpu.memory_space<semaphore_mem>>) src(%arg11 : memref<64x128xf32, #tpu.memory_space<vmem>>) dst(%dma_wait3A_296 : memref<64x128xf32, #tpu.memory_space<hbm>>)
        %dma_wait3A_297 = arith.constant 0 : i32
        %dma_wait3A_298 = tpu.memref_slice %arg5[%add3A_292, %dma_wait3A_297] : memref<327680x128xf32, #tpu.memory_space<hbm>> -> memref<64x128xf32, #tpu.memory_space<hbm>>
        %dma_wait3A_299 = arith.constant 0 : i32
        %dma_wait3A_300 = tpu.memref_slice %arg5[%add3A_292, %dma_wait3A_299] : memref<327680x128xf32, #tpu.memory_space<hbm>> -> memref<64x128xf32, #tpu.memory_space<hbm>>
        tpu.wait_dma2 semaphore(%arg26 : memref<!tpu.dma_semaphore, #tpu.memory_space<semaphore_mem>>) src(%arg16 : memref<64x128xf32, #tpu.memory_space<vmem>>) dst(%dma_wait3A_300 : memref<64x128xf32, #tpu.memory_space<hbm>>)
      } else {
      }
      %lt3A_144 = arith.constant 80 : i32
      %lt3A_145 = arith.cmpi slt, %add3A_138, %lt3A_144 : i32
      %convert_element_type3A_146 = arith.extui %lt3A_145 : i1 to i32
      %cond3A_147 = arith.constant 0 : i32
      %cond3A_148 = arith.cmpi ne, %convert_element_type3A_146, %cond3A_147 : i32
      scf.if %cond3A_148 {
        %mul3A_285 = arith.constant 2 : i32
        %mul3A_286 = arith.muli %add3A_138, %mul3A_285 : i32
        %mul3A_287 = arith.constant 64 : i32
        %mul3A_288 = arith.muli %mul3A_286, %mul3A_287 : i32
        %add3A_289 = arith.constant 64 : i32
        %add3A_290 = arith.addi %mul3A_288, %add3A_289 : i32
        %dma_start3A_291 = tpu.memref_slice %arg6[%mul3A_288] : memref<10240xi32, #tpu.memory_space<vmem>> -> memref<64xi32, #tpu.memory_space<vmem>>
        %dma_start3A_292 = arith.constant 0 : i32
        %dma_start3A_293 = arith.constant 0 : i32
        %dma_start3A_294 = tpu.memref_slice %arg2[%dma_start3A_292, %dma_start3A_293] : memref<320000x128xf32, #tpu.memory_space<hbm>> -> memref<320000x128xf32, #tpu.memory_space<hbm>>
        tpu.enqueue_indirect_dma source(%dma_start3A_294 : memref<320000x128xf32, #tpu.memory_space<hbm>>) target(%arg11 : memref<64x128xf32, #tpu.memory_space<vmem>>) offsets(%dma_start3A_291 : memref<64xi32, #tpu.memory_space<vmem>>) semaphore(%arg21 : memref<!tpu.dma_semaphore, #tpu.memory_space<semaphore_mem>>)
        %dma_start3A_295 = tpu.memref_slice %arg6[%add3A_290] : memref<10240xi32, #tpu.memory_space<vmem>> -> memref<64xi32, #tpu.memory_space<vmem>>
        %dma_start3A_296 = arith.constant 0 : i32
        %dma_start3A_297 = arith.constant 0 : i32
        %dma_start3A_298 = tpu.memref_slice %arg3[%dma_start3A_296, %dma_start3A_297] : memref<320000x128xf32, #tpu.memory_space<hbm>> -> memref<320000x128xf32, #tpu.memory_space<hbm>>
        tpu.enqueue_indirect_dma source(%dma_start3A_298 : memref<320000x128xf32, #tpu.memory_space<hbm>>) target(%arg16 : memref<64x128xf32, #tpu.memory_space<vmem>>) offsets(%dma_start3A_295 : memref<64xi32, #tpu.memory_space<vmem>>) semaphore(%arg21 : memref<!tpu.dma_semaphore, #tpu.memory_space<semaphore_mem>>)
      } else {
      }
      %mul3A_149 = arith.constant 5 : i32
      %mul3A_150 = arith.muli %mul3A_149, %scan3A_61 : i32
      %add3A_151 = arith.constant 2 : i32
      %add3A_152 = arith.addi %mul3A_150, %add3A_151 : i32
      %mul3A_153 = arith.constant 2 : i32
      %mul3A_154 = arith.muli %add3A_152, %mul3A_153 : i32
      %mul3A_155 = arith.constant 64 : i32
      %mul3A_156 = arith.muli %mul3A_154, %mul3A_155 : i32
      %add3A_157 = arith.constant 64 : i32
      %add3A_158 = arith.addi %mul3A_156, %add3A_157 : i32
      %dma_wait3A_159 = tpu.memref_slice %arg6[%mul3A_156] : memref<10240xi32, #tpu.memory_space<vmem>> -> memref<64xi32, #tpu.memory_space<vmem>>
      %dma_wait3A_160 = arith.constant 0 : i32
      %dma_wait3A_161 = arith.constant 0 : i32
      %dma_wait3A_162 = tpu.memref_slice %arg2[%dma_wait3A_160, %dma_wait3A_161] : memref<320000x128xf32, #tpu.memory_space<hbm>> -> memref<320000x128xf32, #tpu.memory_space<hbm>>
      tpu.wait_indirect_dma semaphore(%arg19 : memref<!tpu.dma_semaphore, #tpu.memory_space<semaphore_mem>>) src(%dma_wait3A_162 : memref<320000x128xf32, #tpu.memory_space<hbm>>) dst(%arg9 : memref<64x128xf32, #tpu.memory_space<vmem>>)
      %dma_wait3A_163 = tpu.memref_slice %arg6[%add3A_158] : memref<10240xi32, #tpu.memory_space<vmem>> -> memref<64xi32, #tpu.memory_space<vmem>>
      %dma_wait3A_164 = arith.constant 0 : i32
      %dma_wait3A_165 = arith.constant 0 : i32
      %dma_wait3A_166 = tpu.memref_slice %arg3[%dma_wait3A_164, %dma_wait3A_165] : memref<320000x128xf32, #tpu.memory_space<hbm>> -> memref<320000x128xf32, #tpu.memory_space<hbm>>
      tpu.wait_indirect_dma semaphore(%arg19 : memref<!tpu.dma_semaphore, #tpu.memory_space<semaphore_mem>>) src(%dma_wait3A_166 : memref<320000x128xf32, #tpu.memory_space<hbm>>) dst(%arg14 : memref<64x128xf32, #tpu.memory_space<vmem>>)
      %mul3A_167 = arith.constant 2 : i32
      %mul3A_168 = arith.muli %add3A_152, %mul3A_167 : i32
      %mul3A_169 = arith.constant 64 : i32
      %mul3A_170 = arith.muli %mul3A_168, %mul3A_169 : i32
      %add3A_171 = arith.addi %mul3A_2, %mul3A_170 : i32
      %add3A_172 = arith.constant 64 : i32
      %add3A_173 = arith.addi %add3A_171, %add3A_172 : i32
      %dma_start3A_174 = arith.constant 0 : i32
      %dma_start3A_175 = tpu.memref_slice %arg5[%add3A_171, %dma_start3A_174] : memref<327680x128xf32, #tpu.memory_space<hbm>> -> memref<64x128xf32, #tpu.memory_space<hbm>>
      %dma_start3A_176 = arith.constant 0 : i32
      %dma_start3A_177 = tpu.memref_slice %arg5[%add3A_171, %dma_start3A_176] : memref<327680x128xf32, #tpu.memory_space<hbm>> -> memref<64x128xf32, #tpu.memory_space<hbm>>
      tpu.enqueue_dma source(%arg9 : memref<64x128xf32, #tpu.memory_space<vmem>>) target(%dma_start3A_177 : memref<64x128xf32, #tpu.memory_space<hbm>>) target_semaphore(%arg24 : memref<!tpu.dma_semaphore, #tpu.memory_space<semaphore_mem>>)
      %dma_start3A_178 = arith.constant 0 : i32
      %dma_start3A_179 = tpu.memref_slice %arg5[%add3A_173, %dma_start3A_178] : memref<327680x128xf32, #tpu.memory_space<hbm>> -> memref<64x128xf32, #tpu.memory_space<hbm>>
      %dma_start3A_180 = arith.constant 0 : i32
      %dma_start3A_181 = tpu.memref_slice %arg5[%add3A_173, %dma_start3A_180] : memref<327680x128xf32, #tpu.memory_space<hbm>> -> memref<64x128xf32, #tpu.memory_space<hbm>>
      tpu.enqueue_dma source(%arg14 : memref<64x128xf32, #tpu.memory_space<vmem>>) target(%dma_start3A_181 : memref<64x128xf32, #tpu.memory_space<hbm>>) target_semaphore(%arg24 : memref<!tpu.dma_semaphore, #tpu.memory_space<semaphore_mem>>)
      %add3A_182 = arith.constant 3 : i32
      %add3A_183 = arith.addi %add3A_152, %add3A_182 : i32
      %ge3A_184 = arith.constant 5 : i32
      %ge3A_185 = arith.cmpi sge, %add3A_183, %ge3A_184 : i32
      %convert_element_type3A_186 = arith.extui %ge3A_185 : i1 to i32
      %cond3A_187 = arith.constant 0 : i32
      %cond3A_188 = arith.cmpi ne, %convert_element_type3A_186, %cond3A_187 : i32
      scf.if %cond3A_188 {
        %sub3A = arith.constant 5 : i32
        %sub3A_285 = arith.subi %add3A_183, %sub3A : i32
        %mul3A_286 = arith.constant 2 : i32
        %mul3A_287 = arith.muli %sub3A_285, %mul3A_286 : i32
        %mul3A_288 = arith.constant 64 : i32
        %mul3A_289 = arith.muli %mul3A_287, %mul3A_288 : i32
        %add3A_290 = arith.addi %mul3A_2, %mul3A_289 : i32
        %add3A_291 = arith.constant 64 : i32
        %add3A_292 = arith.addi %add3A_290, %add3A_291 : i32
        %dma_wait3A_293 = arith.constant 0 : i32
        %dma_wait3A_294 = tpu.memref_slice %arg5[%add3A_290, %dma_wait3A_293] : memref<327680x128xf32, #tpu.memory_space<hbm>> -> memref<64x128xf32, #tpu.memory_space<hbm>>
        %dma_wait3A_295 = arith.constant 0 : i32
        %dma_wait3A_296 = tpu.memref_slice %arg5[%add3A_290, %dma_wait3A_295] : memref<327680x128xf32, #tpu.memory_space<hbm>> -> memref<64x128xf32, #tpu.memory_space<hbm>>
        tpu.wait_dma2 semaphore(%arg22 : memref<!tpu.dma_semaphore, #tpu.memory_space<semaphore_mem>>) src(%arg7 : memref<64x128xf32, #tpu.memory_space<vmem>>) dst(%dma_wait3A_296 : memref<64x128xf32, #tpu.memory_space<hbm>>)
        %dma_wait3A_297 = arith.constant 0 : i32
        %dma_wait3A_298 = tpu.memref_slice %arg5[%add3A_292, %dma_wait3A_297] : memref<327680x128xf32, #tpu.memory_space<hbm>> -> memref<64x128xf32, #tpu.memory_space<hbm>>
        %dma_wait3A_299 = arith.constant 0 : i32
        %dma_wait3A_300 = tpu.memref_slice %arg5[%add3A_292, %dma_wait3A_299] : memref<327680x128xf32, #tpu.memory_space<hbm>> -> memref<64x128xf32, #tpu.memory_space<hbm>>
        tpu.wait_dma2 semaphore(%arg22 : memref<!tpu.dma_semaphore, #tpu.memory_space<semaphore_mem>>) src(%arg12 : memref<64x128xf32, #tpu.memory_space<vmem>>) dst(%dma_wait3A_300 : memref<64x128xf32, #tpu.memory_space<hbm>>)
      } else {
      }
      %lt3A_189 = arith.constant 80 : i32
      %lt3A_190 = arith.cmpi slt, %add3A_183, %lt3A_189 : i32
      %convert_element_type3A_191 = arith.extui %lt3A_190 : i1 to i32
      %cond3A_192 = arith.constant 0 : i32
      %cond3A_193 = arith.cmpi ne, %convert_element_type3A_191, %cond3A_192 : i32
      scf.if %cond3A_193 {
        %mul3A_285 = arith.constant 2 : i32
        %mul3A_286 = arith.muli %add3A_183, %mul3A_285 : i32
        %mul3A_287 = arith.constant 64 : i32
        %mul3A_288 = arith.muli %mul3A_286, %mul3A_287 : i32
        %add3A_289 = arith.constant 64 : i32
        %add3A_290 = arith.addi %mul3A_288, %add3A_289 : i32
        %dma_start3A_291 = tpu.memref_slice %arg6[%mul3A_288] : memref<10240xi32, #tpu.memory_space<vmem>> -> memref<64xi32, #tpu.memory_space<vmem>>
        %dma_start3A_292 = arith.constant 0 : i32
        %dma_start3A_293 = arith.constant 0 : i32
        %dma_start3A_294 = tpu.memref_slice %arg2[%dma_start3A_292, %dma_start3A_293] : memref<320000x128xf32, #tpu.memory_space<hbm>> -> memref<320000x128xf32, #tpu.memory_space<hbm>>
        tpu.enqueue_indirect_dma source(%dma_start3A_294 : memref<320000x128xf32, #tpu.memory_space<hbm>>) target(%arg7 : memref<64x128xf32, #tpu.memory_space<vmem>>) offsets(%dma_start3A_291 : memref<64xi32, #tpu.memory_space<vmem>>) semaphore(%arg17 : memref<!tpu.dma_semaphore, #tpu.memory_space<semaphore_mem>>)
        %dma_start3A_295 = tpu.memref_slice %arg6[%add3A_290] : memref<10240xi32, #tpu.memory_space<vmem>> -> memref<64xi32, #tpu.memory_space<vmem>>
        %dma_start3A_296 = arith.constant 0 : i32
        %dma_start3A_297 = arith.constant 0 : i32
        %dma_start3A_298 = tpu.memref_slice %arg3[%dma_start3A_296, %dma_start3A_297] : memref<320000x128xf32, #tpu.memory_space<hbm>> -> memref<320000x128xf32, #tpu.memory_space<hbm>>
        tpu.enqueue_indirect_dma source(%dma_start3A_298 : memref<320000x128xf32, #tpu.memory_space<hbm>>) target(%arg12 : memref<64x128xf32, #tpu.memory_space<vmem>>) offsets(%dma_start3A_295 : memref<64xi32, #tpu.memory_space<vmem>>) semaphore(%arg17 : memref<!tpu.dma_semaphore, #tpu.memory_space<semaphore_mem>>)
      } else {
      }
      %mul3A_194 = arith.constant 5 : i32
      %mul3A_195 = arith.muli %mul3A_194, %scan3A_61 : i32
      %add3A_196 = arith.constant 3 : i32
      %add3A_197 = arith.addi %mul3A_195, %add3A_196 : i32
      %mul3A_198 = arith.constant 2 : i32
      %mul3A_199 = arith.muli %add3A_197, %mul3A_198 : i32
      %mul3A_200 = arith.constant 64 : i32
      %mul3A_201 = arith.muli %mul3A_199, %mul3A_200 : i32
      %add3A_202 = arith.constant 64 : i32
      %add3A_203 = arith.addi %mul3A_201, %add3A_202 : i32
      %dma_wait3A_204 = tpu.memref_slice %arg6[%mul3A_201] : memref<10240xi32, #tpu.memory_space<vmem>> -> memref<64xi32, #tpu.memory_space<vmem>>
      %dma_wait3A_205 = arith.constant 0 : i32
      %dma_wait3A_206 = arith.constant 0 : i32
      %dma_wait3A_207 = tpu.memref_slice %arg2[%dma_wait3A_205, %dma_wait3A_206] : memref<320000x128xf32, #tpu.memory_space<hbm>> -> memref<320000x128xf32, #tpu.memory_space<hbm>>
      tpu.wait_indirect_dma semaphore(%arg20 : memref<!tpu.dma_semaphore, #tpu.memory_space<semaphore_mem>>) src(%dma_wait3A_207 : memref<320000x128xf32, #tpu.memory_space<hbm>>) dst(%arg10 : memref<64x128xf32, #tpu.memory_space<vmem>>)
      %dma_wait3A_208 = tpu.memref_slice %arg6[%add3A_203] : memref<10240xi32, #tpu.memory_space<vmem>> -> memref<64xi32, #tpu.memory_space<vmem>>
      %dma_wait3A_209 = arith.constant 0 : i32
      %dma_wait3A_210 = arith.constant 0 : i32
      %dma_wait3A_211 = tpu.memref_slice %arg3[%dma_wait3A_209, %dma_wait3A_210] : memref<320000x128xf32, #tpu.memory_space<hbm>> -> memref<320000x128xf32, #tpu.memory_space<hbm>>
      tpu.wait_indirect_dma semaphore(%arg20 : memref<!tpu.dma_semaphore, #tpu.memory_space<semaphore_mem>>) src(%dma_wait3A_211 : memref<320000x128xf32, #tpu.memory_space<hbm>>) dst(%arg15 : memref<64x128xf32, #tpu.memory_space<vmem>>)
      %mul3A_212 = arith.constant 2 : i32
      %mul3A_213 = arith.muli %add3A_197, %mul3A_212 : i32
      %mul3A_214 = arith.constant 64 : i32
      %mul3A_215 = arith.muli %mul3A_213, %mul3A_214 : i32
      %add3A_216 = arith.addi %mul3A_2, %mul3A_215 : i32
      %add3A_217 = arith.constant 64 : i32
      %add3A_218 = arith.addi %add3A_216, %add3A_217 : i32
      %dma_start3A_219 = arith.constant 0 : i32
      %dma_start3A_220 = tpu.memref_slice %arg5[%add3A_216, %dma_start3A_219] : memref<327680x128xf32, #tpu.memory_space<hbm>> -> memref<64x128xf32, #tpu.memory_space<hbm>>
      %dma_start3A_221 = arith.constant 0 : i32
      %dma_start3A_222 = tpu.memref_slice %arg5[%add3A_216, %dma_start3A_221] : memref<327680x128xf32, #tpu.memory_space<hbm>> -> memref<64x128xf32, #tpu.memory_space<hbm>>
      tpu.enqueue_dma source(%arg10 : memref<64x128xf32, #tpu.memory_space<vmem>>) target(%dma_start3A_222 : memref<64x128xf32, #tpu.memory_space<hbm>>) target_semaphore(%arg25 : memref<!tpu.dma_semaphore, #tpu.memory_space<semaphore_mem>>)
      %dma_start3A_223 = arith.constant 0 : i32
      %dma_start3A_224 = tpu.memref_slice %arg5[%add3A_218, %dma_start3A_223] : memref<327680x128xf32, #tpu.memory_space<hbm>> -> memref<64x128xf32, #tpu.memory_space<hbm>>
      %dma_start3A_225 = arith.constant 0 : i32
      %dma_start3A_226 = tpu.memref_slice %arg5[%add3A_218, %dma_start3A_225] : memref<327680x128xf32, #tpu.memory_space<hbm>> -> memref<64x128xf32, #tpu.memory_space<hbm>>
      tpu.enqueue_dma source(%arg15 : memref<64x128xf32, #tpu.memory_space<vmem>>) target(%dma_start3A_226 : memref<64x128xf32, #tpu.memory_space<hbm>>) target_semaphore(%arg25 : memref<!tpu.dma_semaphore, #tpu.memory_space<semaphore_mem>>)
      %add3A_227 = arith.constant 3 : i32
      %add3A_228 = arith.addi %add3A_197, %add3A_227 : i32
      %ge3A_229 = arith.constant 5 : i32
      %ge3A_230 = arith.cmpi sge, %add3A_228, %ge3A_229 : i32
      %convert_element_type3A_231 = arith.extui %ge3A_230 : i1 to i32
      %cond3A_232 = arith.constant 0 : i32
      %cond3A_233 = arith.cmpi ne, %convert_element_type3A_231, %cond3A_232 : i32
      scf.if %cond3A_233 {
        %sub3A = arith.constant 5 : i32
        %sub3A_285 = arith.subi %add3A_228, %sub3A : i32
        %mul3A_286 = arith.constant 2 : i32
        %mul3A_287 = arith.muli %sub3A_285, %mul3A_286 : i32
        %mul3A_288 = arith.constant 64 : i32
        %mul3A_289 = arith.muli %mul3A_287, %mul3A_288 : i32
        %add3A_290 = arith.addi %mul3A_2, %mul3A_289 : i32
        %add3A_291 = arith.constant 64 : i32
        %add3A_292 = arith.addi %add3A_290, %add3A_291 : i32
        %dma_wait3A_293 = arith.constant 0 : i32
        %dma_wait3A_294 = tpu.memref_slice %arg5[%add3A_290, %dma_wait3A_293] : memref<327680x128xf32, #tpu.memory_space<hbm>> -> memref<64x128xf32, #tpu.memory_space<hbm>>
        %dma_wait3A_295 = arith.constant 0 : i32
        %dma_wait3A_296 = tpu.memref_slice %arg5[%add3A_290, %dma_wait3A_295] : memref<327680x128xf32, #tpu.memory_space<hbm>> -> memref<64x128xf32, #tpu.memory_space<hbm>>
        tpu.wait_dma2 semaphore(%arg23 : memref<!tpu.dma_semaphore, #tpu.memory_space<semaphore_mem>>) src(%arg8 : memref<64x128xf32, #tpu.memory_space<vmem>>) dst(%dma_wait3A_296 : memref<64x128xf32, #tpu.memory_space<hbm>>)
        %dma_wait3A_297 = arith.constant 0 : i32
        %dma_wait3A_298 = tpu.memref_slice %arg5[%add3A_292, %dma_wait3A_297] : memref<327680x128xf32, #tpu.memory_space<hbm>> -> memref<64x128xf32, #tpu.memory_space<hbm>>
        %dma_wait3A_299 = arith.constant 0 : i32
        %dma_wait3A_300 = tpu.memref_slice %arg5[%add3A_292, %dma_wait3A_299] : memref<327680x128xf32, #tpu.memory_space<hbm>> -> memref<64x128xf32, #tpu.memory_space<hbm>>
        tpu.wait_dma2 semaphore(%arg23 : memref<!tpu.dma_semaphore, #tpu.memory_space<semaphore_mem>>) src(%arg13 : memref<64x128xf32, #tpu.memory_space<vmem>>) dst(%dma_wait3A_300 : memref<64x128xf32, #tpu.memory_space<hbm>>)
      } else {
      }
      %lt3A_234 = arith.constant 80 : i32
      %lt3A_235 = arith.cmpi slt, %add3A_228, %lt3A_234 : i32
      %convert_element_type3A_236 = arith.extui %lt3A_235 : i1 to i32
      %cond3A_237 = arith.constant 0 : i32
      %cond3A_238 = arith.cmpi ne, %convert_element_type3A_236, %cond3A_237 : i32
      scf.if %cond3A_238 {
        %mul3A_285 = arith.constant 2 : i32
        %mul3A_286 = arith.muli %add3A_228, %mul3A_285 : i32
        %mul3A_287 = arith.constant 64 : i32
        %mul3A_288 = arith.muli %mul3A_286, %mul3A_287 : i32
        %add3A_289 = arith.constant 64 : i32
        %add3A_290 = arith.addi %mul3A_288, %add3A_289 : i32
        %dma_start3A_291 = tpu.memref_slice %arg6[%mul3A_288] : memref<10240xi32, #tpu.memory_space<vmem>> -> memref<64xi32, #tpu.memory_space<vmem>>
        %dma_start3A_292 = arith.constant 0 : i32
        %dma_start3A_293 = arith.constant 0 : i32
        %dma_start3A_294 = tpu.memref_slice %arg2[%dma_start3A_292, %dma_start3A_293] : memref<320000x128xf32, #tpu.memory_space<hbm>> -> memref<320000x128xf32, #tpu.memory_space<hbm>>
        tpu.enqueue_indirect_dma source(%dma_start3A_294 : memref<320000x128xf32, #tpu.memory_space<hbm>>) target(%arg8 : memref<64x128xf32, #tpu.memory_space<vmem>>) offsets(%dma_start3A_291 : memref<64xi32, #tpu.memory_space<vmem>>) semaphore(%arg18 : memref<!tpu.dma_semaphore, #tpu.memory_space<semaphore_mem>>)
        %dma_start3A_295 = tpu.memref_slice %arg6[%add3A_290] : memref<10240xi32, #tpu.memory_space<vmem>> -> memref<64xi32, #tpu.memory_space<vmem>>
        %dma_start3A_296 = arith.constant 0 : i32
        %dma_start3A_297 = arith.constant 0 : i32
        %dma_start3A_298 = tpu.memref_slice %arg3[%dma_start3A_296, %dma_start3A_297] : memref<320000x128xf32, #tpu.memory_space<hbm>> -> memref<320000x128xf32, #tpu.memory_space<hbm>>
        tpu.enqueue_indirect_dma source(%dma_start3A_298 : memref<320000x128xf32, #tpu.memory_space<hbm>>) target(%arg13 : memref<64x128xf32, #tpu.memory_space<vmem>>) offsets(%dma_start3A_295 : memref<64xi32, #tpu.memory_space<vmem>>) semaphore(%arg18 : memref<!tpu.dma_semaphore, #tpu.memory_space<semaphore_mem>>)
      } else {
      }
      %mul3A_239 = arith.constant 5 : i32
      %mul3A_240 = arith.muli %mul3A_239, %scan3A_61 : i32
      %add3A_241 = arith.constant 4 : i32
      %add3A_242 = arith.addi %mul3A_240, %add3A_241 : i32
      %mul3A_243 = arith.constant 2 : i32
      %mul3A_244 = arith.muli %add3A_242, %mul3A_243 : i32
      %mul3A_245 = arith.constant 64 : i32
      %mul3A_246 = arith.muli %mul3A_244, %mul3A_245 : i32
      %add3A_247 = arith.constant 64 : i32
      %add3A_248 = arith.addi %mul3A_246, %add3A_247 : i32
      %dma_wait3A_249 = tpu.memref_slice %arg6[%mul3A_246] : memref<10240xi32, #tpu.memory_space<vmem>> -> memref<64xi32, #tpu.memory_space<vmem>>
      %dma_wait3A_250 = arith.constant 0 : i32
      %dma_wait3A_251 = arith.constant 0 : i32
      %dma_wait3A_252 = tpu.memref_slice %arg2[%dma_wait3A_250, %dma_wait3A_251] : memref<320000x128xf32, #tpu.memory_space<hbm>> -> memref<320000x128xf32, #tpu.memory_space<hbm>>
      tpu.wait_indirect_dma semaphore(%arg21 : memref<!tpu.dma_semaphore, #tpu.memory_space<semaphore_mem>>) src(%dma_wait3A_252 : memref<320000x128xf32, #tpu.memory_space<hbm>>) dst(%arg11 : memref<64x128xf32, #tpu.memory_space<vmem>>)
      %dma_wait3A_253 = tpu.memref_slice %arg6[%add3A_248] : memref<10240xi32, #tpu.memory_space<vmem>> -> memref<64xi32, #tpu.memory_space<vmem>>
      %dma_wait3A_254 = arith.constant 0 : i32
      %dma_wait3A_255 = arith.constant 0 : i32
      %dma_wait3A_256 = tpu.memref_slice %arg3[%dma_wait3A_254, %dma_wait3A_255] : memref<320000x128xf32, #tpu.memory_space<hbm>> -> memref<320000x128xf32, #tpu.memory_space<hbm>>
      tpu.wait_indirect_dma semaphore(%arg21 : memref<!tpu.dma_semaphore, #tpu.memory_space<semaphore_mem>>) src(%dma_wait3A_256 : memref<320000x128xf32, #tpu.memory_space<hbm>>) dst(%arg16 : memref<64x128xf32, #tpu.memory_space<vmem>>)
      %mul3A_257 = arith.constant 2 : i32
      %mul3A_258 = arith.muli %add3A_242, %mul3A_257 : i32
      %mul3A_259 = arith.constant 64 : i32
      %mul3A_260 = arith.muli %mul3A_258, %mul3A_259 : i32
      %add3A_261 = arith.addi %mul3A_2, %mul3A_260 : i32
      %add3A_262 = arith.constant 64 : i32
      %add3A_263 = arith.addi %add3A_261, %add3A_262 : i32
      %dma_start3A_264 = arith.constant 0 : i32
      %dma_start3A_265 = tpu.memref_slice %arg5[%add3A_261, %dma_start3A_264] : memref<327680x128xf32, #tpu.memory_space<hbm>> -> memref<64x128xf32, #tpu.memory_space<hbm>>
      %dma_start3A_266 = arith.constant 0 : i32
      %dma_start3A_267 = tpu.memref_slice %arg5[%add3A_261, %dma_start3A_266] : memref<327680x128xf32, #tpu.memory_space<hbm>> -> memref<64x128xf32, #tpu.memory_space<hbm>>
      tpu.enqueue_dma source(%arg11 : memref<64x128xf32, #tpu.memory_space<vmem>>) target(%dma_start3A_267 : memref<64x128xf32, #tpu.memory_space<hbm>>) target_semaphore(%arg26 : memref<!tpu.dma_semaphore, #tpu.memory_space<semaphore_mem>>)
      %dma_start3A_268 = arith.constant 0 : i32
      %dma_start3A_269 = tpu.memref_slice %arg5[%add3A_263, %dma_start3A_268] : memref<327680x128xf32, #tpu.memory_space<hbm>> -> memref<64x128xf32, #tpu.memory_space<hbm>>
      %dma_start3A_270 = arith.constant 0 : i32
      %dma_start3A_271 = tpu.memref_slice %arg5[%add3A_263, %dma_start3A_270] : memref<327680x128xf32, #tpu.memory_space<hbm>> -> memref<64x128xf32, #tpu.memory_space<hbm>>
      tpu.enqueue_dma source(%arg16 : memref<64x128xf32, #tpu.memory_space<vmem>>) target(%dma_start3A_271 : memref<64x128xf32, #tpu.memory_space<hbm>>) target_semaphore(%arg26 : memref<!tpu.dma_semaphore, #tpu.memory_space<semaphore_mem>>)
      %add3A_272 = arith.constant 3 : i32
      %add3A_273 = arith.addi %add3A_242, %add3A_272 : i32
      %ge3A_274 = arith.constant 5 : i32
      %ge3A_275 = arith.cmpi sge, %add3A_273, %ge3A_274 : i32
      %convert_element_type3A_276 = arith.extui %ge3A_275 : i1 to i32
      %cond3A_277 = arith.constant 0 : i32
      %cond3A_278 = arith.cmpi ne, %convert_element_type3A_276, %cond3A_277 : i32
      scf.if %cond3A_278 {
        %sub3A = arith.constant 5 : i32
        %sub3A_285 = arith.subi %add3A_273, %sub3A : i32
        %mul3A_286 = arith.constant 2 : i32
        %mul3A_287 = arith.muli %sub3A_285, %mul3A_286 : i32
        %mul3A_288 = arith.constant 64 : i32
        %mul3A_289 = arith.muli %mul3A_287, %mul3A_288 : i32
        %add3A_290 = arith.addi %mul3A_2, %mul3A_289 : i32
        %add3A_291 = arith.constant 64 : i32
        %add3A_292 = arith.addi %add3A_290, %add3A_291 : i32
        %dma_wait3A_293 = arith.constant 0 : i32
        %dma_wait3A_294 = tpu.memref_slice %arg5[%add3A_290, %dma_wait3A_293] : memref<327680x128xf32, #tpu.memory_space<hbm>> -> memref<64x128xf32, #tpu.memory_space<hbm>>
        %dma_wait3A_295 = arith.constant 0 : i32
        %dma_wait3A_296 = tpu.memref_slice %arg5[%add3A_290, %dma_wait3A_295] : memref<327680x128xf32, #tpu.memory_space<hbm>> -> memref<64x128xf32, #tpu.memory_space<hbm>>
        tpu.wait_dma2 semaphore(%arg24 : memref<!tpu.dma_semaphore, #tpu.memory_space<semaphore_mem>>) src(%arg9 : memref<64x128xf32, #tpu.memory_space<vmem>>) dst(%dma_wait3A_296 : memref<64x128xf32, #tpu.memory_space<hbm>>)
        %dma_wait3A_297 = arith.constant 0 : i32
        %dma_wait3A_298 = tpu.memref_slice %arg5[%add3A_292, %dma_wait3A_297] : memref<327680x128xf32, #tpu.memory_space<hbm>> -> memref<64x128xf32, #tpu.memory_space<hbm>>
        %dma_wait3A_299 = arith.constant 0 : i32
        %dma_wait3A_300 = tpu.memref_slice %arg5[%add3A_292, %dma_wait3A_299] : memref<327680x128xf32, #tpu.memory_space<hbm>> -> memref<64x128xf32, #tpu.memory_space<hbm>>
        tpu.wait_dma2 semaphore(%arg24 : memref<!tpu.dma_semaphore, #tpu.memory_space<semaphore_mem>>) src(%arg14 : memref<64x128xf32, #tpu.memory_space<vmem>>) dst(%dma_wait3A_300 : memref<64x128xf32, #tpu.memory_space<hbm>>)
      } else {
      }
      %lt3A_279 = arith.constant 80 : i32
      %lt3A_280 = arith.cmpi slt, %add3A_273, %lt3A_279 : i32
      %convert_element_type3A_281 = arith.extui %lt3A_280 : i1 to i32
      %cond3A_282 = arith.constant 0 : i32
      %cond3A_283 = arith.cmpi ne, %convert_element_type3A_281, %cond3A_282 : i32
      scf.if %cond3A_283 {
        %mul3A_285 = arith.constant 2 : i32
        %mul3A_286 = arith.muli %add3A_273, %mul3A_285 : i32
        %mul3A_287 = arith.constant 64 : i32
        %mul3A_288 = arith.muli %mul3A_286, %mul3A_287 : i32
        %add3A_289 = arith.constant 64 : i32
        %add3A_290 = arith.addi %mul3A_288, %add3A_289 : i32
        %dma_start3A_291 = tpu.memref_slice %arg6[%mul3A_288] : memref<10240xi32, #tpu.memory_space<vmem>> -> memref<64xi32, #tpu.memory_space<vmem>>
        %dma_start3A_292 = arith.constant 0 : i32
        %dma_start3A_293 = arith.constant 0 : i32
        %dma_start3A_294 = tpu.memref_slice %arg2[%dma_start3A_292, %dma_start3A_293] : memref<320000x128xf32, #tpu.memory_space<hbm>> -> memref<320000x128xf32, #tpu.memory_space<hbm>>
        tpu.enqueue_indirect_dma source(%dma_start3A_294 : memref<320000x128xf32, #tpu.memory_space<hbm>>) target(%arg9 : memref<64x128xf32, #tpu.memory_space<vmem>>) offsets(%dma_start3A_291 : memref<64xi32, #tpu.memory_space<vmem>>) semaphore(%arg19 : memref<!tpu.dma_semaphore, #tpu.memory_space<semaphore_mem>>)
        %dma_start3A_295 = tpu.memref_slice %arg6[%add3A_290] : memref<10240xi32, #tpu.memory_space<vmem>> -> memref<64xi32, #tpu.memory_space<vmem>>
        %dma_start3A_296 = arith.constant 0 : i32
        %dma_start3A_297 = arith.constant 0 : i32
        %dma_start3A_298 = tpu.memref_slice %arg3[%dma_start3A_296, %dma_start3A_297] : memref<320000x128xf32, #tpu.memory_space<hbm>> -> memref<320000x128xf32, #tpu.memory_space<hbm>>
        tpu.enqueue_indirect_dma source(%dma_start3A_298 : memref<320000x128xf32, #tpu.memory_space<hbm>>) target(%arg14 : memref<64x128xf32, #tpu.memory_space<vmem>>) offsets(%dma_start3A_295 : memref<64xi32, #tpu.memory_space<vmem>>) semaphore(%arg19 : memref<!tpu.dma_semaphore, #tpu.memory_space<semaphore_mem>>)
      } else {
      }
      %scan3A_284 = arith.constant 0 : i32
      scf.yield %scan3A_284 : i32
    }
    %scan3A_37 = arith.constant 16 : i32
    %add3A_38 = arith.constant 9984 : i32
    %add3A_39 = arith.addi %mul3A_2, %add3A_38 : i32
    %add3A_40 = arith.constant 64 : i32
    %add3A_41 = arith.addi %add3A_39, %add3A_40 : i32
    %dma_wait3A = arith.constant 0 : i32
    %dma_wait3A_42 = tpu.memref_slice %arg5[%add3A_39, %dma_wait3A] : memref<327680x128xf32, #tpu.memory_space<hbm>> -> memref<64x128xf32, #tpu.memory_space<hbm>>
    %dma_wait3A_43 = arith.constant 0 : i32
    %dma_wait3A_44 = tpu.memref_slice %arg5[%add3A_39, %dma_wait3A_43] : memref<327680x128xf32, #tpu.memory_space<hbm>> -> memref<64x128xf32, #tpu.memory_space<hbm>>
    tpu.wait_dma2 semaphore(%arg25 : memref<!tpu.dma_semaphore, #tpu.memory_space<semaphore_mem>>) src(%arg10 : memref<64x128xf32, #tpu.memory_space<vmem>>) dst(%dma_wait3A_44 : memref<64x128xf32, #tpu.memory_space<hbm>>)
    %dma_wait3A_45 = arith.constant 0 : i32
    %dma_wait3A_46 = tpu.memref_slice %arg5[%add3A_41, %dma_wait3A_45] : memref<327680x128xf32, #tpu.memory_space<hbm>> -> memref<64x128xf32, #tpu.memory_space<hbm>>
    %dma_wait3A_47 = arith.constant 0 : i32
    %dma_wait3A_48 = tpu.memref_slice %arg5[%add3A_41, %dma_wait3A_47] : memref<327680x128xf32, #tpu.memory_space<hbm>> -> memref<64x128xf32, #tpu.memory_space<hbm>>
    tpu.wait_dma2 semaphore(%arg25 : memref<!tpu.dma_semaphore, #tpu.memory_space<semaphore_mem>>) src(%arg15 : memref<64x128xf32, #tpu.memory_space<vmem>>) dst(%dma_wait3A_48 : memref<64x128xf32, #tpu.memory_space<hbm>>)
    %add3A_49 = arith.constant 10112 : i32
    %add3A_50 = arith.addi %mul3A_2, %add3A_49 : i32
    %add3A_51 = arith.constant 64 : i32
    %add3A_52 = arith.addi %add3A_50, %add3A_51 : i32
    %dma_wait3A_53 = arith.constant 0 : i32
    %dma_wait3A_54 = tpu.memref_slice %arg5[%add3A_50, %dma_wait3A_53] : memref<327680x128xf32, #tpu.memory_space<hbm>> -> memref<64x128xf32, #tpu.memory_space<hbm>>
    %dma_wait3A_55 = arith.constant 0 : i32
    %dma_wait3A_56 = tpu.memref_slice %arg5[%add3A_50, %dma_wait3A_55] : memref<327680x128xf32, #tpu.memory_space<hbm>> -> memref<64x128xf32, #tpu.memory_space<hbm>>
    tpu.wait_dma2 semaphore(%arg26 : memref<!tpu.dma_semaphore, #tpu.memory_space<semaphore_mem>>) src(%arg11 : memref<64x128xf32, #tpu.memory_space<vmem>>) dst(%dma_wait3A_56 : memref<64x128xf32, #tpu.memory_space<hbm>>)
    %dma_wait3A_57 = arith.constant 0 : i32
    %dma_wait3A_58 = tpu.memref_slice %arg5[%add3A_52, %dma_wait3A_57] : memref<327680x128xf32, #tpu.memory_space<hbm>> -> memref<64x128xf32, #tpu.memory_space<hbm>>
    %dma_wait3A_59 = arith.constant 0 : i32
    %dma_wait3A_60 = tpu.memref_slice %arg5[%add3A_52, %dma_wait3A_59] : memref<327680x128xf32, #tpu.memory_space<hbm>> -> memref<64x128xf32, #tpu.memory_space<hbm>>
    tpu.wait_dma2 semaphore(%arg26 : memref<!tpu.dma_semaphore, #tpu.memory_space<semaphore_mem>>) src(%arg16 : memref<64x128xf32, #tpu.memory_space<vmem>>) dst(%dma_wait3A_60 : memref<64x128xf32, #tpu.memory_space<hbm>>)
    return
  }
}

module attributes {stable_mosaic.version = 14 : i64} {
  func.func @_tc1_body(%arg0: i32, %arg1: memref<2000x144xf32, #tpu.memory_space<vmem>>, %arg2: memref<144x128xf32, #tpu.memory_space<vmem>>, %arg3: memref<128x128xf32, #tpu.memory_space<vmem>>, %arg4: memref<2000x128xf32, #tpu.memory_space<vmem>>, %arg5: memref<2000x128xf32, #tpu.memory_space<vmem>>, %arg6: memref<2000x128xf32, #tpu.memory_space<vmem>>, %arg7: memref<2000x128xf32, #tpu.memory_space<vmem>>) attributes {dimension_semantics = [#tpu.dimension_semantics<arbitrary>], iteration_bounds = array<i64: 160>, scalar_prefetch = 0 : i64, scratch_operands = 0 : i64, tpu.core_type = #tpu.core_type<tc>, window_params = [{transform_indices = @transform_0, window_bounds = array<i64: 2000, 144>}, {pipeline_mode = #tpu.pipeline_mode<synchronous>, transform_indices = @transform_1, window_bounds = array<i64: 144, 128>}, {pipeline_mode = #tpu.pipeline_mode<synchronous>, transform_indices = @transform_2, window_bounds = array<i64: 128, 128>}, {transform_indices = @transform_3, window_bounds = array<i64: 2000, 128>}, {transform_indices = @transform_4, window_bounds = array<i64: 2000, 128>}, {transform_indices = @transform_5, window_bounds = array<i64: 2000, 128>}, {transform_indices = @transform_6, window_bounds = array<i64: 2000, 128>}]} {
    %get3A = arith.constant 0 : index
    %get3A_0 = arith.constant 0 : index
    %get3A_1 = vector.load %arg1[%get3A, %get3A_0] : memref<2000x144xf32, #tpu.memory_space<vmem>>, vector<2000x144xf32>
    %get3A_2 = arith.constant 0 : index
    %get3A_3 = arith.constant 0 : index
    %get3A_4 = vector.load %arg2[%get3A_2, %get3A_3] : memref<144x128xf32, #tpu.memory_space<vmem>>, vector<144x128xf32>
    %dot_general3A = arith.constant dense<0.000000e+00> : vector<2000x128xf32>
    %dot_general3A_5 = tpu.matmul %get3A_1, %get3A_4, %dot_general3A {dimension_numbers = #tpu.dot_dimension_numbers<[1], [0], [0], [1], [0, 0, 1, 1], [], []>, transpose_lhs_hint = false} : vector<2000x144xf32>, vector<144x128xf32>, vector<2000x128xf32> -> vector<2000x128xf32>
    %max3A = arith.constant 0.000000e+00 : f32
    %max3A_6 = vector.broadcast %max3A : f32 to vector<2000x128xf32>
    %max3A_7 = arith.maximumf %dot_general3A_5, %max3A_6 : vector<2000x128xf32>
    %swap3A = arith.constant 0 : index
    %swap3A_8 = arith.constant 0 : index
    %swap3A_9 = vector.load %arg4[%swap3A, %swap3A_8] : memref<2000x128xf32, #tpu.memory_space<vmem>>, vector<2000x128xf32>
    tpu.vector_store %arg4[%swap3A, %swap3A_8], %dot_general3A_5 {strides = array<i32>} : memref<2000x128xf32, #tpu.memory_space<vmem>>, vector<2000x128xf32>,
    %swap3A_10 = arith.constant 0 : index
    %swap3A_11 = arith.constant 0 : index
    %swap3A_12 = vector.load %arg5[%swap3A_10, %swap3A_11] : memref<2000x128xf32, #tpu.memory_space<vmem>>, vector<2000x128xf32>
    tpu.vector_store %arg5[%swap3A_10, %swap3A_11], %max3A_7 {strides = array<i32>} : memref<2000x128xf32, #tpu.memory_space<vmem>>, vector<2000x128xf32>,
    %get3A_13 = arith.constant 0 : index
    %get3A_14 = arith.constant 0 : index
    %get3A_15 = vector.load %arg3[%get3A_13, %get3A_14] : memref<128x128xf32, #tpu.memory_space<vmem>>, vector<128x128xf32>
    %dot_general3A_16 = arith.constant dense<0.000000e+00> : vector<2000x128xf32>
    %dot_general3A_17 = tpu.matmul %max3A_7, %get3A_15, %dot_general3A_16 {dimension_numbers = #tpu.dot_dimension_numbers<[1], [0], [0], [1], [0, 0, 1, 1], [], []>, transpose_lhs_hint = false} : vector<2000x128xf32>, vector<128x128xf32>, vector<2000x128xf32> -> vector<2000x128xf32>
    %neg3A = arith.constant 0.000000e+00 : f32
    %neg3A_18 = vector.broadcast %neg3A : f32 to vector<2000x128xf32>
    %neg3A_19 = arith.subf %neg3A_18, %dot_general3A_17 : vector<2000x128xf32>
    %swap3A_20 = arith.constant 0 : index
    %swap3A_21 = arith.constant 0 : index
    %swap3A_22 = vector.load %arg6[%swap3A_20, %swap3A_21] : memref<2000x128xf32, #tpu.memory_space<vmem>>, vector<2000x128xf32>
    tpu.vector_store %arg6[%swap3A_20, %swap3A_21], %neg3A_19 {strides = array<i32>} : memref<2000x128xf32, #tpu.memory_space<vmem>>, vector<2000x128xf32>,
    %swap3A_23 = arith.constant 0 : index
    %swap3A_24 = arith.constant 0 : index
    %swap3A_25 = vector.load %arg7[%swap3A_23, %swap3A_24] : memref<2000x128xf32, #tpu.memory_space<vmem>>, vector<2000x128xf32>
    tpu.vector_store %arg7[%swap3A_23, %swap3A_24], %neg3A_19 {strides = array<i32>} : memref<2000x128xf32, #tpu.memory_space<vmem>>, vector<2000x128xf32>,
    return
  }
  func.func @transform_0(%arg0: i32) -> (i32, i32) {
    %c0_i32 = arith.constant 0 : i32
    %c0_i32_0 = arith.constant 0 : i32
    return %arg0, %c0_i32 : i32, i32
  }
  func.func @transform_1(%arg0: i32) -> (i32, i32) {
    %c0_i32 = arith.constant 0 : i32
    %c0_i32_0 = arith.constant 0 : i32
    %c0_i32_1 = arith.constant 0 : i32
    return %c0_i32, %c0_i32_0 : i32, i32
  }
  func.func @transform_2(%arg0: i32) -> (i32, i32) {
    %c0_i32 = arith.constant 0 : i32
    %c0_i32_0 = arith.constant 0 : i32
    %c0_i32_1 = arith.constant 0 : i32
    return %c0_i32, %c0_i32_0 : i32, i32
  }
  func.func @transform_3(%arg0: i32) -> (i32, i32) {
    %c0_i32 = arith.constant 0 : i32
    %c0_i32_0 = arith.constant 0 : i32
    return %arg0, %c0_i32 : i32, i32
  }
  func.func @transform_4(%arg0: i32) -> (i32, i32) {
    %c0_i32 = arith.constant 0 : i32
    %c0_i32_0 = arith.constant 0 : i32
    return %arg0, %c0_i32 : i32, i32
  }
  func.func @transform_5(%arg0: i32) -> (i32, i32) {
    %c0_i32 = arith.constant 0 : i32
    %c0_i32_0 = arith.constant 0 : i32
    return %arg0, %c0_i32 : i32, i32
  }
  func.func @transform_6(%arg0: i32) -> (i32, i32) {
    %c0_i32 = arith.constant 0 : i32
    %c0_i32_0 = arith.constant 0 : i32
    return %arg0, %c0_i32 : i32, i32
  }
}

module attributes {stable_mosaic.version = 14 : i64} {
  func.func @_tc_reduce_body(%arg0: i32, %arg1: memref<256x32x128xf32, #tpu.memory_space<vmem>>, %arg2: memref<256x128xf32, #tpu.memory_space<vmem>>) attributes {dimension_semantics = [#tpu.dimension_semantics<arbitrary>], iteration_bounds = array<i64: 40>, scalar_prefetch = 0 : i64, scratch_operands = 0 : i64, tpu.core_type = #tpu.core_type<tc>, window_params = [{transform_indices = @transform_0, window_bounds = array<i64: 256, 32, 128>}, {transform_indices = @transform_1, window_bounds = array<i64: 256, 128>}]} {
    %get3A = arith.constant 0 : index
    %get3A_0 = arith.constant 0 : index
    %get3A_1 = arith.constant 0 : index
    %get3A_2 = vector.load %arg1[%get3A, %get3A_0, %get3A_1] : memref<256x32x128xf32, #tpu.memory_space<vmem>>, vector<256x32x128xf32>
    %reduce_sum3A = arith.constant dense<0.000000e+00> : vector<256x128xf32>
    %reduce_sum3A_3 = vector.multi_reduction <add>, %get3A_2, %reduce_sum3A [1] : vector<256x32x128xf32> to vector<256x128xf32>
    %swap3A = arith.constant 0 : index
    %swap3A_4 = arith.constant 0 : index
    %swap3A_5 = vector.load %arg2[%swap3A, %swap3A_4] : memref<256x128xf32, #tpu.memory_space<vmem>>, vector<256x128xf32>
    tpu.vector_store %arg2[%swap3A, %swap3A_4], %reduce_sum3A_3 {strides = array<i32>} : memref<256x128xf32, #tpu.memory_space<vmem>>, vector<256x128xf32>,
    return
  }
  func.func @transform_0(%arg0: i32) -> (i32, i32, i32) {
    %c0_i32 = arith.constant 0 : i32
    %c0_i32_0 = arith.constant 0 : i32
    %c0_i32_1 = arith.constant 0 : i32
    return %arg0, %c0_i32, %c0_i32_0 : i32, i32, i32
  }
  func.func @transform_1(%arg0: i32) -> (i32, i32) {
    %c0_i32 = arith.constant 0 : i32
    %c0_i32_0 = arith.constant 0 : i32
    return %arg0, %c0_i32 : i32, i32
  }
}

module attributes {stable_mosaic.version = 14 : i64} {
  func.func @_tc_iter_body(%arg0: i32, %arg1: memref<2000x128xf32, #tpu.memory_space<vmem>>, %arg2: memref<2000x128xf32, #tpu.memory_space<vmem>>, %arg3: memref<2000x128xf32, #tpu.memory_space<vmem>>, %arg4: memref<128x128xf32, #tpu.memory_space<vmem>>, %arg5: memref<2000x128xf32, #tpu.memory_space<vmem>>, %arg6: memref<2000x128xf32, #tpu.memory_space<vmem>>) attributes {dimension_semantics = [#tpu.dimension_semantics<arbitrary>], iteration_bounds = array<i64: 160>, scalar_prefetch = 0 : i64, scratch_operands = 0 : i64, tpu.core_type = #tpu.core_type<tc>, window_params = [{transform_indices = @transform_0, window_bounds = array<i64: 2000, 128>}, {transform_indices = @transform_1, window_bounds = array<i64: 2000, 128>}, {transform_indices = @transform_2, window_bounds = array<i64: 2000, 128>}, {pipeline_mode = #tpu.pipeline_mode<synchronous>, transform_indices = @transform_3, window_bounds = array<i64: 128, 128>}, {transform_indices = @transform_4, window_bounds = array<i64: 2000, 128>}, {transform_indices = @transform_5, window_bounds = array<i64: 2000, 128>}]} {
    %get3A = arith.constant 0 : index
    %get3A_0 = arith.constant 0 : index
    %get3A_1 = vector.load %arg1[%get3A, %get3A_0] : memref<2000x128xf32, #tpu.memory_space<vmem>>, vector<2000x128xf32>
    %get3A_2 = arith.constant 0 : index
    %get3A_3 = arith.constant 0 : index
    %get3A_4 = vector.load %arg2[%get3A_2, %get3A_3] : memref<2000x128xf32, #tpu.memory_space<vmem>>, vector<2000x128xf32>
    %sub3A = arith.subf %get3A_1, %get3A_4 : vector<2000x128xf32>
    %get3A_5 = arith.constant 0 : index
    %get3A_6 = arith.constant 0 : index
    %get3A_7 = vector.load %arg3[%get3A_5, %get3A_6] : memref<2000x128xf32, #tpu.memory_space<vmem>>, vector<2000x128xf32>
    %add3A = arith.addf %sub3A, %get3A_7 : vector<2000x128xf32>
    %max3A = arith.constant 0.000000e+00 : f32
    %max3A_8 = vector.broadcast %max3A : f32 to vector<2000x128xf32>
    %max3A_9 = arith.maximumf %add3A, %max3A_8 : vector<2000x128xf32>
    %get3A_10 = arith.constant 0 : index
    %get3A_11 = arith.constant 0 : index
    %get3A_12 = vector.load %arg4[%get3A_10, %get3A_11] : memref<128x128xf32, #tpu.memory_space<vmem>>, vector<128x128xf32>
    %dot_general3A = arith.constant dense<0.000000e+00> : vector<2000x128xf32>
    %dot_general3A_13 = tpu.matmul %max3A_9, %get3A_12, %dot_general3A {dimension_numbers = #tpu.dot_dimension_numbers<[1], [0], [0], [1], [0, 0, 1, 1], [], []>, transpose_lhs_hint = false} : vector<2000x128xf32>, vector<128x128xf32>, vector<2000x128xf32> -> vector<2000x128xf32>
    %neg3A = arith.constant 0.000000e+00 : f32
    %neg3A_14 = vector.broadcast %neg3A : f32 to vector<2000x128xf32>
    %neg3A_15 = arith.subf %neg3A_14, %dot_general3A_13 : vector<2000x128xf32>
    %swap3A = arith.constant 0 : index
    %swap3A_16 = arith.constant 0 : index
    %swap3A_17 = vector.load %arg5[%swap3A, %swap3A_16] : memref<2000x128xf32, #tpu.memory_space<vmem>>, vector<2000x128xf32>
    tpu.vector_store %arg5[%swap3A, %swap3A_16], %neg3A_15 {strides = array<i32>} : memref<2000x128xf32, #tpu.memory_space<vmem>>, vector<2000x128xf32>,
    %swap3A_18 = arith.constant 0 : index
    %swap3A_19 = arith.constant 0 : index
    %swap3A_20 = vector.load %arg6[%swap3A_18, %swap3A_19] : memref<2000x128xf32, #tpu.memory_space<vmem>>, vector<2000x128xf32>
    tpu.vector_store %arg6[%swap3A_18, %swap3A_19], %neg3A_15 {strides = array<i32>} : memref<2000x128xf32, #tpu.memory_space<vmem>>, vector<2000x128xf32>,
    return
  }
  func.func @transform_0(%arg0: i32) -> (i32, i32) {
    %c0_i32 = arith.constant 0 : i32
    %c0_i32_0 = arith.constant 0 : i32
    return %arg0, %c0_i32 : i32, i32
  }
  func.func @transform_1(%arg0: i32) -> (i32, i32) {
    %c0_i32 = arith.constant 0 : i32
    %c0_i32_0 = arith.constant 0 : i32
    return %arg0, %c0_i32 : i32, i32
  }
  func.func @transform_2(%arg0: i32) -> (i32, i32) {
    %c0_i32 = arith.constant 0 : i32
    %c0_i32_0 = arith.constant 0 : i32
    return %arg0, %c0_i32 : i32, i32
  }
  func.func @transform_3(%arg0: i32) -> (i32, i32) {
    %c0_i32 = arith.constant 0 : i32
    %c0_i32_0 = arith.constant 0 : i32
    %c0_i32_1 = arith.constant 0 : i32
    return %c0_i32, %c0_i32_0 : i32, i32
  }
  func.func @transform_4(%arg0: i32) -> (i32, i32) {
    %c0_i32 = arith.constant 0 : i32
    %c0_i32_0 = arith.constant 0 : i32
    return %arg0, %c0_i32 : i32, i32
  }
  func.func @transform_5(%arg0: i32) -> (i32, i32) {
    %c0_i32 = arith.constant 0 : i32
    %c0_i32_0 = arith.constant 0 : i32
    return %arg0, %c0_i32 : i32, i32
  }
}

module attributes {stable_mosaic.version = 14 : i64} {
  func.func @_tc_last_body(%arg0: i32, %arg1: memref<2000x128xf32, #tpu.memory_space<vmem>>, %arg2: memref<2000x128xf32, #tpu.memory_space<vmem>>, %arg3: memref<2000x128xf32, #tpu.memory_space<vmem>>, %arg4: memref<2000x128xf32, #tpu.memory_space<vmem>>, %arg5: memref<2000x128xf32, #tpu.memory_space<vmem>>) attributes {dimension_semantics = [#tpu.dimension_semantics<arbitrary>], iteration_bounds = array<i64: 160>, scalar_prefetch = 0 : i64, scratch_operands = 0 : i64, tpu.core_type = #tpu.core_type<tc>, window_params = [{transform_indices = @transform_0, window_bounds = array<i64: 2000, 128>}, {transform_indices = @transform_1, window_bounds = array<i64: 2000, 128>}, {transform_indices = @transform_2, window_bounds = array<i64: 2000, 128>}, {transform_indices = @transform_3, window_bounds = array<i64: 2000, 128>}, {transform_indices = @transform_4, window_bounds = array<i64: 2000, 128>}]} {
    %get3A = arith.constant 0 : index
    %get3A_0 = arith.constant 0 : index
    %get3A_1 = vector.load %arg1[%get3A, %get3A_0] : memref<2000x128xf32, #tpu.memory_space<vmem>>, vector<2000x128xf32>
    %get3A_2 = arith.constant 0 : index
    %get3A_3 = arith.constant 0 : index
    %get3A_4 = vector.load %arg2[%get3A_2, %get3A_3] : memref<2000x128xf32, #tpu.memory_space<vmem>>, vector<2000x128xf32>
    %sub3A = arith.subf %get3A_1, %get3A_4 : vector<2000x128xf32>
    %get3A_5 = arith.constant 0 : index
    %get3A_6 = arith.constant 0 : index
    %get3A_7 = vector.load %arg3[%get3A_5, %get3A_6] : memref<2000x128xf32, #tpu.memory_space<vmem>>, vector<2000x128xf32>
    %add3A = arith.addf %sub3A, %get3A_7 : vector<2000x128xf32>
    %max3A = arith.constant 0.000000e+00 : f32
    %max3A_8 = vector.broadcast %max3A : f32 to vector<2000x128xf32>
    %max3A_9 = arith.maximumf %add3A, %max3A_8 : vector<2000x128xf32>
    %swap3A = arith.constant 0 : index
    %swap3A_10 = arith.constant 0 : index
    %swap3A_11 = vector.load %arg4[%swap3A, %swap3A_10] : memref<2000x128xf32, #tpu.memory_space<vmem>>, vector<2000x128xf32>
    tpu.vector_store %arg4[%swap3A, %swap3A_10], %max3A_9 {strides = array<i32>} : memref<2000x128xf32, #tpu.memory_space<vmem>>, vector<2000x128xf32>,
    %swap3A_12 = arith.constant 0 : index
    %swap3A_13 = arith.constant 0 : index
    %swap3A_14 = vector.load %arg5[%swap3A_12, %swap3A_13] : memref<2000x128xf32, #tpu.memory_space<vmem>>, vector<2000x128xf32>
    tpu.vector_store %arg5[%swap3A_12, %swap3A_13], %max3A_9 {strides = array<i32>} : memref<2000x128xf32, #tpu.memory_space<vmem>>, vector<2000x128xf32>,
    return
  }
  func.func @transform_0(%arg0: i32) -> (i32, i32) {
    %c0_i32 = arith.constant 0 : i32
    %c0_i32_0 = arith.constant 0 : i32
    return %arg0, %c0_i32 : i32, i32
  }
  func.func @transform_1(%arg0: i32) -> (i32, i32) {
    %c0_i32 = arith.constant 0 : i32
    %c0_i32_0 = arith.constant 0 : i32
    return %arg0, %c0_i32 : i32, i32
  }
  func.func @transform_2(%arg0: i32) -> (i32, i32) {
    %c0_i32 = arith.constant 0 : i32
    %c0_i32_0 = arith.constant 0 : i32
    return %arg0, %c0_i32 : i32, i32
  }
  func.func @transform_3(%arg0: i32) -> (i32, i32) {
    %c0_i32 = arith.constant 0 : i32
    %c0_i32_0 = arith.constant 0 : i32
    return %arg0, %c0_i32 : i32, i32
  }
  func.func @transform_4(%arg0: i32) -> (i32, i32) {
    %c0_i32 = arith.constant 0 : i32
    %c0_i32_0 = arith.constant 0 : i32
    return %arg0, %c0_i32 : i32, i32
  }
}

module attributes {stable_mosaic.version = 14 : i64} {
  func.func @_tc_out_body(%arg0: i32, %arg1: memref<1000x128xf32, #tpu.memory_space<vmem>>, %arg2: memref<1000x128xf32, #tpu.memory_space<vmem>>, %arg3: memref<1x1x1000xi32, #tpu.memory_space<vmem>>, %arg4: memref<128x128xf32, #tpu.memory_space<vmem>>, %arg5: memref<128x128xf32, #tpu.memory_space<vmem>>, %arg6: memref<1x128xf32, #tpu.memory_space<vmem>>, %arg7: memref<512x128xf32, #tpu.memory_space<vmem>>, %arg8: memref<512x128xf32, #tpu.memory_space<vmem>>, %arg9: memref<512x128xf32, #tpu.memory_space<vmem>>) attributes {dimension_semantics = [#tpu.dimension_semantics<arbitrary>], iteration_bounds = array<i64: 10>, scalar_prefetch = 0 : i64, scratch_operands = 2 : i64, tpu.core_type = #tpu.core_type<tc>, window_params = [{transform_indices = @transform_0, window_bounds = array<i64: 1000, 128>}, {transform_indices = @transform_1, window_bounds = array<i64: 1000, 128>}, {transform_indices = @transform_2, window_bounds = array<i64: 1, 1, 1000>}, {pipeline_mode = #tpu.pipeline_mode<synchronous>, transform_indices = @transform_3, window_bounds = array<i64: 128, 128>}, {pipeline_mode = #tpu.pipeline_mode<synchronous>, transform_indices = @transform_4, window_bounds = array<i64: 128, 128>}, {pipeline_mode = #tpu.pipeline_mode<synchronous>, transform_indices = @transform_5, window_bounds = array<i64: 1, 128>}, {pipeline_mode = #tpu.pipeline_mode<synchronous>, transform_indices = @transform_6, window_bounds = array<i64: 512, 128>}]} {
    %eq3A = arith.constant 0 : i32
    %eq3A_0 = arith.cmpi eq, %arg0, %eq3A : i32
    %convert_element_type3A = arith.extui %eq3A_0 : i1 to i32
    %cond3A = arith.constant 0 : i32
    %cond3A_1 = arith.cmpi ne, %convert_element_type3A, %cond3A : i32
    scf.if %cond3A_1 {
      %broadcast_in_dim3A_55 = arith.constant 0.000000e+00 : f32
      %broadcast_in_dim3A_56 = vector.broadcast %broadcast_in_dim3A_55 : f32 to vector<512x128xf32>
      %swap3A_57 = arith.constant 0 : index
      %swap3A_58 = arith.constant 0 : index
      %swap3A_59 = vector.load %arg8[%swap3A_57, %swap3A_58] : memref<512x128xf32, #tpu.memory_space<vmem>>, vector<512x128xf32>
      tpu.vector_store %arg8[%swap3A_57, %swap3A_58], %broadcast_in_dim3A_56 {strides = array<i32>} : memref<512x128xf32, #tpu.memory_space<vmem>>, vector<512x128xf32>,
      %broadcast_in_dim3A_60 = arith.constant 0.000000e+00 : f32
      %broadcast_in_dim3A_61 = vector.broadcast %broadcast_in_dim3A_60 : f32 to vector<512x128xf32>
      %swap3A_62 = arith.constant 0 : index
      %swap3A_63 = arith.constant 0 : index
      %swap3A_64 = vector.load %arg9[%swap3A_62, %swap3A_63] : memref<512x128xf32, #tpu.memory_space<vmem>>, vector<512x128xf32>
      tpu.vector_store %arg9[%swap3A_62, %swap3A_63], %broadcast_in_dim3A_61 {strides = array<i32>} : memref<512x128xf32, #tpu.memory_space<vmem>>, vector<512x128xf32>,
    } else {
    }
    %get3A = arith.constant 0 : index
    %get3A_2 = arith.constant 0 : index
    %get3A_3 = vector.load %arg1[%get3A, %get3A_2] : memref<1000x128xf32, #tpu.memory_space<vmem>>, vector<1000x128xf32>
    %get3A_4 = arith.constant 0 : index
    %get3A_5 = arith.constant 0 : index
    %get3A_6 = vector.load %arg4[%get3A_4, %get3A_5] : memref<128x128xf32, #tpu.memory_space<vmem>>, vector<128x128xf32>
    %dot_general3A = arith.constant dense<0.000000e+00> : vector<1000x128xf32>
    %dot_general3A_7 = tpu.matmul %get3A_3, %get3A_6, %dot_general3A {dimension_numbers = #tpu.dot_dimension_numbers<[1], [0], [0], [1], [0, 0, 1, 1], [], []>, transpose_lhs_hint = false} : vector<1000x128xf32>, vector<128x128xf32>, vector<1000x128xf32> -> vector<1000x128xf32>
    %get3A_8 = arith.constant 0 : index
    %get3A_9 = arith.constant 0 : index
    %get3A_10 = vector.load %arg2[%get3A_8, %get3A_9] : memref<1000x128xf32, #tpu.memory_space<vmem>>, vector<1000x128xf32>
    %get3A_11 = arith.constant 0 : index
    %get3A_12 = arith.constant 0 : index
    %get3A_13 = vector.load %arg5[%get3A_11, %get3A_12] : memref<128x128xf32, #tpu.memory_space<vmem>>, vector<128x128xf32>
    %dot_general3A_14 = arith.constant dense<0.000000e+00> : vector<1000x128xf32>
    %dot_general3A_15 = tpu.matmul %get3A_10, %get3A_13, %dot_general3A_14 {dimension_numbers = #tpu.dot_dimension_numbers<[1], [0], [0], [1], [0, 0, 1, 1], [], []>, transpose_lhs_hint = false} : vector<1000x128xf32>, vector<128x128xf32>, vector<1000x128xf32> -> vector<1000x128xf32>
    %add3A = arith.addf %dot_general3A_7, %dot_general3A_15 : vector<1000x128xf32>
    %get3A_16 = arith.constant 0 : index
    %get3A_17 = arith.constant 0 : index
    %get3A_18 = vector.load %arg6[%get3A_16, %get3A_17] : memref<1x128xf32, #tpu.memory_space<vmem>>, vector<1x128xf32>
    %add3A_19 = vector.broadcast %get3A_18 : vector<1x128xf32> to vector<1000x128xf32>
    %add3A_20 = arith.addf %add3A, %add3A_19 : vector<1000x128xf32>
    %max3A = arith.constant 0.000000e+00 : f32
    %max3A_21 = vector.broadcast %max3A : f32 to vector<1000x128xf32>
    %max3A_22 = arith.maximumf %add3A_20, %max3A_21 : vector<1000x128xf32>
    %get3A_23 = arith.constant 0 : index
    %get3A_24 = arith.constant 0 : index
    %get3A_25 = arith.constant 0 : index
    %get3A_26 = vector.load %arg3[%get3A_23, %get3A_24, %get3A_25] : memref<1x1x1000xi32, #tpu.memory_space<vmem>>, vector<1x1x1000xi32>
    %get3A_27 = vector.shape_cast %get3A_26 : vector<1x1x1000xi32> to vector<1x1000xi32>
    %iota3A = tpu.iota {dimensions = array<i32: 0>} : vector<512x1000xi32>
    %eq3A_28 = vector.broadcast %get3A_27 : vector<1x1000xi32> to vector<512x1000xi32>
    %eq3A_29 = arith.cmpi eq, %iota3A, %eq3A_28 : vector<512x1000xi32>
    %convert_element_type3A_30 = arith.extui %eq3A_29 : vector<512x1000xi1> to vector<512x1000xi32>
    %convert_element_type3A_31 = arith.sitofp %convert_element_type3A_30 : vector<512x1000xi32> to vector<512x1000xf32>
    %get3A_32 = arith.constant 0 : index
    %get3A_33 = arith.constant 0 : index
    %get3A_34 = vector.load %arg8[%get3A_32, %get3A_33] : memref<512x128xf32, #tpu.memory_space<vmem>>, vector<512x128xf32>
    %dot_general3A_35 = arith.constant dense<0.000000e+00> : vector<512x128xf32>
    %dot_general3A_36 = tpu.matmul %convert_element_type3A_31, %max3A_22, %dot_general3A_35 {dimension_numbers = #tpu.dot_dimension_numbers<[1], [0], [0], [1], [0, 0, 1, 1], [], []>, transpose_lhs_hint = false} : vector<512x1000xf32>, vector<1000x128xf32>, vector<512x128xf32> -> vector<512x128xf32>
    %add3A_37 = arith.addf %get3A_34, %dot_general3A_36 : vector<512x128xf32>
    %swap3A = arith.constant 0 : index
    %swap3A_38 = arith.constant 0 : index
    %swap3A_39 = vector.load %arg8[%swap3A, %swap3A_38] : memref<512x128xf32, #tpu.memory_space<vmem>>, vector<512x128xf32>
    tpu.vector_store %arg8[%swap3A, %swap3A_38], %add3A_37 {strides = array<i32>} : memref<512x128xf32, #tpu.memory_space<vmem>>, vector<512x128xf32>,
    %get3A_40 = arith.constant 0 : index
    %get3A_41 = arith.constant 0 : index
    %get3A_42 = vector.load %arg9[%get3A_40, %get3A_41] : memref<512x128xf32, #tpu.memory_space<vmem>>, vector<512x128xf32>
    %broadcast_in_dim3A = arith.constant 1.000000e+00 : f32
    %broadcast_in_dim3A_43 = vector.broadcast %broadcast_in_dim3A : f32 to vector<1000x128xf32>
    %dot_general3A_44 = arith.constant dense<0.000000e+00> : vector<512x128xf32>
    %dot_general3A_45 = tpu.matmul %convert_element_type3A_31, %broadcast_in_dim3A_43, %dot_general3A_44 {dimension_numbers = #tpu.dot_dimension_numbers<[1], [0], [0], [1], [0, 0, 1, 1], [], []>, transpose_lhs_hint = false} : vector<512x1000xf32>, vector<1000x128xf32>, vector<512x128xf32> -> vector<512x128xf32>
    %add3A_46 = arith.addf %get3A_42, %dot_general3A_45 : vector<512x128xf32>
    %swap3A_47 = arith.constant 0 : index
    %swap3A_48 = arith.constant 0 : index
    %swap3A_49 = vector.load %arg9[%swap3A_47, %swap3A_48] : memref<512x128xf32, #tpu.memory_space<vmem>>, vector<512x128xf32>
    tpu.vector_store %arg9[%swap3A_47, %swap3A_48], %add3A_46 {strides = array<i32>} : memref<512x128xf32, #tpu.memory_space<vmem>>, vector<512x128xf32>,
    %eq3A_50 = arith.constant 9 : i32
    %eq3A_51 = arith.cmpi eq, %arg0, %eq3A_50 : i32
    %convert_element_type3A_52 = arith.extui %eq3A_51 : i1 to i32
    %cond3A_53 = arith.constant 0 : i32
    %cond3A_54 = arith.cmpi ne, %convert_element_type3A_52, %cond3A_53 : i32
    scf.if %cond3A_54 {
      %get3A_55 = arith.constant 0 : index
      %get3A_56 = arith.constant 0 : index
      %get3A_57 = vector.load %arg8[%get3A_55, %get3A_56] : memref<512x128xf32, #tpu.memory_space<vmem>>, vector<512x128xf32>
      %get3A_58 = arith.constant 0 : index
      %get3A_59 = arith.constant 0 : index
      %get3A_60 = vector.load %arg9[%get3A_58, %get3A_59] : memref<512x128xf32, #tpu.memory_space<vmem>>, vector<512x128xf32>
      %max3A_61 = arith.constant 1.000000e+00 : f32
      %max3A_62 = vector.broadcast %max3A_61 : f32 to vector<512x128xf32>
      %max3A_63 = arith.maximumf %get3A_60, %max3A_62 : vector<512x128xf32>
      %div3A = arith.divf %get3A_57, %max3A_63 : vector<512x128xf32>
      %swap3A_64 = arith.constant 0 : index
      %swap3A_65 = arith.constant 0 : index
      %swap3A_66 = vector.load %arg7[%swap3A_64, %swap3A_65] : memref<512x128xf32, #tpu.memory_space<vmem>>, vector<512x128xf32>
      tpu.vector_store %arg7[%swap3A_64, %swap3A_65], %div3A {strides = array<i32>} : memref<512x128xf32, #tpu.memory_space<vmem>>, vector<512x128xf32>,
    } else {
    }
    return
  }
  func.func @transform_0(%arg0: i32) -> (i32, i32) {
    %c0_i32 = arith.constant 0 : i32
    %c0_i32_0 = arith.constant 0 : i32
    return %arg0, %c0_i32 : i32, i32
  }
  func.func @transform_1(%arg0: i32) -> (i32, i32) {
    %c0_i32 = arith.constant 0 : i32
    %c0_i32_0 = arith.constant 0 : i32
    return %arg0, %c0_i32 : i32, i32
  }
  func.func @transform_2(%arg0: i32) -> (i32, i32, i32) {
    %c0_i32 = arith.constant 0 : i32
    %c0_i32_0 = arith.constant 0 : i32
    %c0_i32_1 = arith.constant 0 : i32
    return %arg0, %c0_i32, %c0_i32_0 : i32, i32, i32
  }
  func.func @transform_3(%arg0: i32) -> (i32, i32) {
    %c0_i32 = arith.constant 0 : i32
    %c0_i32_0 = arith.constant 0 : i32
    %c0_i32_1 = arith.constant 0 : i32
    return %c0_i32, %c0_i32_0 : i32, i32
  }
  func.func @transform_4(%arg0: i32) -> (i32, i32) {
    %c0_i32 = arith.constant 0 : i32
    %c0_i32_0 = arith.constant 0 : i32
    %c0_i32_1 = arith.constant 0 : i32
    return %c0_i32, %c0_i32_0 : i32, i32
  }
  func.func @transform_5(%arg0: i32) -> (i32, i32) {
    %c0_i32 = arith.constant 0 : i32
    %c0_i32_0 = arith.constant 0 : i32
    %c0_i32_1 = arith.constant 0 : i32
    return %c0_i32, %c0_i32_0 : i32, i32
  }
  func.func @transform_6(%arg0: i32) -> (i32, i32) {
    %c0_i32 = arith.constant 0 : i32
    %c0_i32_0 = arith.constant 0 : i32
    %c0_i32_1 = arith.constant 0 : i32
    return %c0_i32, %c0_i32_0 : i32, i32
  }
}

</mosaic_0001>

<sc_bundles>
// kernel: kernel.14.cloned.1.call-start
scs
__scs_entry_jumppad:
0x0: {  	(pc) =	sbr.rel $0x88, $3  }
0x1: {  	(tag) =	ssettag $0x0;
	lr =	simm.s32 $0x1  }
0x2: {  	[smem:$0x3F97] =	sst lr;
	_ =	strace $0xD0000000  }
0x3: {  	_ = 	snop  }
0x4: {  	_ = 	snop  }
0x5: {  	_ = 	snop  }
0x6: {  	_ = 	snop  }
0x7: {  	_ = 	snop  }
__scs_overlays_trampoline_lowered:
0x8: {  	[smem:$0x3FA6] =	sst s0  }
0x9: {  	[smem:$0x3FA7] =	sst s1  }
0xa: {  	[smem:$0x3FA8] =	sst s2  }
0xb: {  	[smem:$0x3FA9] =	sst s3  }
0xc: {  	[smem:$0x3FAA] =	sst s4  }
0xd: {  	[smem:$0x3FAB] =	sst s5  }
0xe: {  	[smem:$0x3FAC] =	sst s6  }
0xf: {  	[smem:$0x3FAD] =	sst s7  }
0x10: {  	[smem:$0x3FAE] =	sst s8  }
0x11: {  	[smem:$0x3FAF] =	sst s9;
	s0 =	simm.s32 @!p0 $0x0  }
0x12: {  	s1 =	sld [smem:$0x3F95];
	s0 =	simm.s32 @p0 $0x1  }
0x13: {  	[smem:$0x3FB0] =	sst s0;
	s0 =	simm.s32 @!p1 $0x0  }
0x14: {  	s2 =	sld [smem:$0x3F94];
	s0 =	simm.s32 @p1 $0x1  }
0x15: {  	[smem:$0x3FB1] =	sst s0;
	s0 =	simm.s32 @!p2 $0x0  }
0x16: {  	s3 =	sld [smem:$0x3FDB];
	s0 =	simm.s32 @p2 $0x1  }
0x17: {  	s4 =	simm.s32 $0x1BF5;
	[smem:$0x3FB3] =	sst s0  }
0x18: {  	s0 =	sld [smem:$0x3F96];
	_ =	swait.ge [sflag:s4], $0x0  }
0x19: {  	s7 =	sld [smem:$0x3F97]  }
0x1a: {  	s8 =	sadd.s32 $0xFFFFE003, lr  }
0x1b: {  	s9 =	sadd.s32 $0xFFFFFEF7, lr;
	s5 =	simm.s32 $0xFFFFFFFF;
	p2 =	slt.u32 s8, $0xFFFFF086  }
0x1c: {  	p1 =	slt.u32 s9, $0xF7A;
	s5 =	simm.s32 @!p2 $0x0  }
0x1d: {  	s5 =	simm.s32 @p1 $0x1;
	p0 =	seq.s32 s7, s2  }
0x1e: {  	s7 =	smul.u32 @!p0 $0xF7A, s2;
	p2 =	seq.s32 @!p0 s5, $0x0  }
0x1f: {  	s9 =	smul.u32 $0xF7A, s1;
	s8 =	simm.s32 @!p0 $0x1BF5;
	p2 =	por !p2, p0  }
0x20: {  	[sflag:s8] =	ssyncset.s32 @!p0 $0xFFFFF086;
	s6 =	sadd.s32 @!p0 s3, s7;
	s7 =	simm.s32 @!p0 $0x108  }
0x21: {  	s3 =	sadd.s32 s3, s9;
	s6 =	sadd.s32 @!p0 $0x88, s6;
	s7 =	simm.s32 @p2 $0x1082  }
0x22: {  	[simem:s7], [sflag:s8] =	dma.local @!p0 [hbm:s6], $0xF7A  }
0x23: {  	s9 =	sor.u32 $0xD0000000, s2;
	s6 =	simm.s32 $0x108;
	_ =	swait.ge @!p0 [sflag:s8], $0x0  }
0x24: {  	s3 =	sadd.s32 $0x88, s3;
	s6 =	simm.s32 @!p1 $0x1082;
	[sflag:s4] =	ssyncset.s32 $0xFFFFF086  }
0x25: {  	[simem:s6], [sflag:s4] =	dma.local [hbm:s3], $0xF7A  }
0x26: {  	[smem:$0x3F97] =	sst s1;
	(tag) =	ssettag s2;
	_ =	strace s9  }
0x27: {  	s1 =	sld [smem:$0x3FA7]  }
0x28: {  	s2 =	sld [smem:$0x3FA8]  }
0x29: {  	s4 =	sld [smem:$0x3FAA]  }
0x2a: {  	p0 =	seq.s32 s5, $0x0;
	s5 =	sld [smem:$0x3FAB]  }
0x2b: {  	s6 =	sld [smem:$0x3FAC]  }
0x2c: {  	s7 =	sld [smem:$0x3FAD]  }
0x2d: {  	s3 =	simm.s32 $0x108;
	s8 =	sld [smem:$0x3FAE]  }
0x2e: {  	s3 =	simm.s32 @!p0 $0x1082;
	s9 =	sld [smem:$0x3FAF]  }
0x2f: {  	lr =	sadd.s32 s0, s3;
	s0 =	sld [smem:$0x3FA6]  }
0x30: {  	s3 =	sld [smem:$0x3FA9]  }
0x31: {  	[smem:$0x3FB2] =	sst s10  }
0x32: {  	s10 =	sld [smem:$0x3FB0];
	_ =	sdelay $0x3  }
0x33: {  	p0 =	seq.s32 s10, $0x1;
	s10 =	sld [smem:$0x3FB2];
	_ =	sdelay $0x3  }
0x34: {  	[smem:$0x3FB2] =	sst s10  }
0x35: {  	s10 =	sld [smem:$0x3FB1];
	_ =	sdelay $0x3  }
0x36: {  	p1 =	seq.s32 s10, $0x1;
	s10 =	sld [smem:$0x3FB2];
	_ =	sdelay $0x3  }
0x37: {  	[smem:$0x3FB2] =	sst s10  }
0x38: {  	s10 =	sld [smem:$0x3FB3]  }
0x39: {  	_ = 	snop;
	(pc) =	sbr.ind lr, $3  }
0x3a: {  	_ = 	snop  }
0x3b: {  	_ = 	snop  }
0x3c: {  	p2 =	seq.s32 s10, $0x1;
	s10 =	sld [smem:$0x3FB2]  }
0x3d: {  	_ =	shalt  }
0x3e: {  	_ =	shalt  }
0x3f: {  	_ =	shalt  }
0x40: {  	_ =	shalt  }
0x41: {  	_ =	shalt  }
0x42: {  	_ =	shalt  }
0x43: {  	_ =	shalt  }
0x44: {  	_ =	shalt  }
0x45: {  	_ =	shalt  }
0x46: {  	_ =	shalt  }
0x47: {  	_ =	shalt  }
0x48: {  	_ =	shalt  }
0x49: {  	_ =	shalt  }
0x4a: {  	_ =	shalt  }
0x4b: {  	_ =	shalt  }
0x4c: {  	_ =	shalt  }
0x4d: {  	_ =	shalt  }
0x4e: {  	_ =	shalt  }
0x4f: {  	_ =	shalt  }
0x50: {  	_ =	shalt  }
0x51: {  	_ =	shalt  }
0x52: {  	_ =	shalt  }
0x53: {  	_ =	shalt  }
0x54: {  	_ =	shalt  }
0x55: {  	_ =	shalt  }
0x56: {  	_ =	shalt  }
0x57: {  	_ =	shalt  }
0x58: {  	_ =	shalt  }
0x59: {  	_ =	shalt  }
0x5a: {  	_ =	shalt  }
0x5b: {  	_ =	shalt  }
0x5c: {  	_ =	shalt  }
0x5d: {  	_ =	shalt  }
0x5e: {  	_ =	shalt  }
0x5f: {  	_ =	shalt  }
0x60: {  	_ =	shalt  }
0x61: {  	_ =	shalt  }
0x62: {  	_ =	shalt  }
0x63: {  	_ =	shalt  }
0x64: {  	_ =	shalt  }
0x65: {  	_ =	shalt  }
0x66: {  	_ =	shalt  }
0x67: {  	_ =	shalt  }
0x68: {  	_ =	shalt  }
0x69: {  	_ =	shalt  }
0x6a: {  	_ =	shalt  }
0x6b: {  	_ =	shalt  }
0x6c: {  	_ =	shalt  }
0x6d: {  	_ =	shalt  }
0x6e: {  	_ =	shalt  }
0x6f: {  	_ =	shalt  }
0x70: {  	_ =	shalt  }
0x71: {  	_ =	shalt  }
0x72: {  	_ =	shalt  }
0x73: {  	_ =	shalt  }
0x74: {  	_ =	shalt  }
0x75: {  	_ =	shalt  }
0x76: {  	_ =	shalt  }
0x77: {  	_ =	shalt  }
0x78: {  	_ =	shalt  }
0x79: {  	_ =	shalt  }
0x7a: {  	_ =	shalt  }
0x7b: {  	_ =	shalt  }
0x7c: {  	_ =	shalt  }
0x7d: {  	_ =	shalt  }
0x7e: {  	_ =	shalt  }
0x7f: {  	_ =	shalt  }
0x80: {  	_ =	shalt  }
0x81: {  	_ =	shalt  }
0x82: {  	_ =	shalt  }
0x83: {  	_ =	shalt  }
0x84: {  	_ =	shalt  }
0x85: {  	_ =	shalt  }
0x86: {  	_ =	shalt  }
0x87: {  	_ =	shalt  }
.Lfunc_end0:
.L_simem_size_0:
called_computation_lowered:
.L_overlay_start_0:
0x88: {  	s2 =	sld [smem:$0x3FD9]  }
0x89: {  	s3 =	sld [smem:$0x3FFE];
	_ =	sdelay $0x1  }
0x8a: {  	s1 =	srdreg.scid  }
0x8b: {  	s0 =	sand.u32 $0x1, s1  }
0x8c: {  	s16 =	sshll.u32 s0, $0xA;
	s2 =	sadd.s32 s3, s2  }
0x8d: {  	s2 =	sadd.s32 s2, s16  }
0x8e: {  	[smem:$0x3FBE] =	sst s2  }
0x8f: {  	_ = 	snop  }
0x90: {  	(tm) =	ssettm $0x1  }
0x91: {  	s17 =	sld [smem:$0x3FFB];
	_ =	sdelay $0x3  }
0x92: {  	_ =	strace s17  }
0x93: {  	s2 =	sld [smem:$0x3FFC];
	_ =	sdelay $0x3  }
0x94: {  	_ =	strace s2  }
0x95: {  	s2 =	sld [smem:$0x3FFD];
	_ =	sdelay $0x3  }
0x96: {  	_ =	strace s2  }
0x97: {  	_ =	strace $0x8FFFFFFF  }
0x98: {  	s18 =	sld [smem:$0x3FDB];
	_ =	sdelay $0x1  }
0x99: {  	s19 =	simm.s32 $_scs_section_size  }
0x9a: {  	s4 =	simm.s32 $_size__tile_overlayer_lowered;
	s5 =	simm.s32 $_tile_overlayer_lowered  }
0x9b: {  	s22 =	simm.s32 $0x1BFF;
	s21 =	sshll.u32 s5, $0x1;
	s2 =	sadd.s32 s19, s18  }
0x9c: {  	s6 =	simm.s32 $0x0;
	s20 =	sshll.u32 s4, $0x1;
	s4 =	sadd.s32 s21, s2  }
0x9d: {  	[timem:s6], [sflag:s22] =	dma.local [hbm:s4], s20  }
0x9e: {  	_ =	swait.ge [sflag:s22], s20  }
0x9f: {  	s3 =	ssub.s32 $0x0, s20;
	[sflag:s22] =	ssyncset.done $0x0  }
0xa0: {  	[sflag:s22] =	ssyncadd.s32 s3;
	_ =	sdelay $0x1  }
0xa1: {  	s23 =	simm.s32 $0x1B8B  }
0xa2: {  	_ =	swait.ge [sflag:s23], $0x1  }
0xa3: {  	[sflag:s23] =	ssyncset.done $0x0  }
0xa4: {  	s25 =	simm.s32 $0x1B8E;
	s24 =	sld [smem:$0x3FFE];
	[sflag:s23] =	ssyncadd.s32 $0xFFFFFFFF  }
0xa5: {  	s26 =	simm.s32 $execute0_lowered;
	[smem:$0x3FD2] =	sst s25  }
0xa6: {  	s4 =	sshll.u32 s26, $0x1;
	_ =	strace $0x80000046;
	[dreg:$0x1] =	wrdreg $0xFFFFFFFF  }
0xa7: {  	s28 =	simm.s32 $_size_execute0_lowered;
	s2 =	sadd.s32 s2, s4;
	[dreg:$0x0] =	wrdreg $0x0  }
0xa8: {  	s4 =	sshll.u32 s28, $0x1;
	[dreg:$0x2] =	wrdreg s2  }
0xa9: {  	[dreg:$0x3] =	wrdreg s4  }
0xaa: {  	[dreg:$0x4] =	wrdreg $0xC0  }
0xab: {  	_ =	task [dreg:s6], $0x5FFFF  }
0xac: {  	[dreg:$0x1] =	wrdreg $0xFFFFFFFF  }
0xad: {  	[dreg:$0x0] =	wrdreg $0x60  }
0xae: {  	[dreg:$0x2] =	wrdreg s24  }
0xaf: {  	[dreg:$0x3] =	wrdreg $0x9  }
0xb0: {  	_ =	task.clear_ibuf [dreg:s6], $0x4FFFF;
	_ =	strace $0x90000046  }
0xb1: {  	s29 =	simm.s32 $0x9;
	_ =	strace $0x80000048  }
0xb2: {  	_ =	swait.ge [sflag:s29], $0x1  }
0xb3: {  	[sflag:s29] =	ssyncadd.s32 $0xFFFFFFFF  }
0xb4: {  	_ =	strace $0x90000048  }
0xb5: {  	_ =	sfence  }
0xb6: {  	s30 =	sld [smem:$0x0];
	_ =	sdelay $0x2  }
0xb7: {  	s31 =	sshll.u32 s1, $0xD;
	s1 =	sshrl.u32 s1, $0x2  }
0xb8: {  	s3 =	sand.u32 $0x4000, s31;
	s1 =	sadd.s32 s1, s30  }
0xb9: {  	s0 =	sor.u32 s3, s0;
	s1 =	sshll.u32 s1, $0x11  }
0xba: {  	s0 =	sor.u32 s1, s0  }
0xbb: {  	s0 =	sadd.s32 $0x8F2B, s0  }
0xbc: {  	[sflag:s0] =	ssyncadd.remote.s32 $0x1  }
0xbd: {  	_ =	sfence.sel $0xFFFF  }
0xbe: {  	[dreg:$0x0] =	wrdreg $0xFFFFFFFF;
	(pc) =	sbr.abs _section_cstart, $3  }
0xbf: {  	[dreg:$0x1] =	wrdreg $0xFFFFFFFF  }
0xc0: {  	_ =	task.clear_ibuf [dreg:s6], $0x2FFFF;
	_ =	strace $0x9FFFFFFF  }
0xc1: {  	(tm) =	ssettm $0x7FFFFFFF  }
tec
execute0_lowered:
.L_overlay_start_1:
0x0: {  	(tag) =	ssettag $0x1  }
0x1: {  	s0 =	srdreg.scid  }
0x2: {  	s8 =	stileid.u32;
	s1 =	rddreg [dreg:$0x0]  }
0x3: {  	s2 =	simm.s32 $0x0;
	s14 =	simm.s32 $0x40;
	s22 =	simm.s32 $0x6800  }
0x4: {  	s28 =	simm.s32 $0x12800;
	s29 =	simm.s32 $0x2;
	s30 =	simm.s32 $0xA800  }
0x5: {  	s31 =	simm.s32 $0x14800;
	s17 =	simm.s32 $0x4;
	s19 =	simm.s32 $0x7  }
0x6: {  	s21 =	simm.s32 $0x5;
	s23 =	simm.s32 $0x8;
	s6 =	smul.u32 $0x5000, s8  }
0x7: {  	s0 =	sand.u32 $0x1, s0;
	s3 =	sshll.u32 s8, $0x1;
	s9 =	smul.u32 $0x50000, s8  }
0x8: {  	[smem:$0x7FF] =	sst s2;
	s3 =	sor.u32 s0, s3;
	s7 =	smul.u32 $0x2800, s0  }
0x9: {  	_ =	strace $0x80000047;
	s24 =	ssub.s32 $0x2, s0;
	s0 =	smul.u32 $0x28000, s0  }
0xa: {  	s4 =	smul.u32 $0x2800, s3;
	s3 =	sadd.s32 $0x1395E00, s1;
	s25 =	sshrl.u32 s24, $0x1  }
0xb: {  	s6 =	sadd.s32 s7, s6;
	s9 =	sadd.s32 s0, s9;
	s0 =	simm.s32 $0x6  }
0xc: {  	s7 =	simm.s32 $0x0;
	s5 =	sshrl.u32 s4, $0x3;
	s4 =	sadd.s32 $0xEB3E00, s1  }
0xd: {  	s26 =	sshll.u32 s6, $0x4;
	s5 =	sadd.s32 s5, s1;
	s1 =	sadd.s32 $0x3E00, s1  }
.Ltmp0:
0xe: {  	s8 =	sor.u32 $0x2400, s26;
	s10 =	sor.u32 $0x1C00, s26;
	(pc) =	sbr.rel .LBB2_1-.Ltmp0, $4  }
0xf: {  	s11 =	sor.u32 $0x1400, s26;
	s12 =	sor.u32 $0xC00, s26;
	s26 =	simm.s32 $0x8800  }
0x10: {  	[dreg:$0x2] =	wrdreg s1;
	s1 =	ssub.s32 s24, s25;
	s5 =	sadd.s32 $0x9C7E00, s5  }
0x11: {  	s24 =	simm.s32 $0x10800;
	[dreg:$0x3] =	wrdreg s5;
	s1 =	smax.u32 s1, $0x1  }
0x12: {  	s25 =	simm.s32 $0x1;
	[dreg:$0x4] =	wrdreg s1;
	s1 =	simm.s32 $0x3  }
.LBB2_4:
0x13: {  	s5 =	simm.s32 $0x9  }
0x14: {  	_ =	swait.ge [sflag:s5], $0x2000  }
0x15: {  	[sflag:s5] =	ssyncset.done $0x0  }
0x16: {  	[sflag:s5] =	ssyncadd.s32 $0xFFFFE000  }
0x17: {  	_ =	swait.ge [sflag:s5], $0x2000  }
0x18: {  	[sflag:s5] =	ssyncset.done $0x0  }
0x19: {  	s6 =	simm.s32 $0xA;
	[sflag:s5] =	ssyncadd.s32 $0xFFFFE000  }
0x1a: {  	_ =	swait.ge [sflag:s6], $0x2000  }
0x1b: {  	[sflag:s6] =	ssyncset.done $0x0  }
0x1c: {  	[sflag:s6] =	ssyncadd.s32 $0xFFFFE000  }
0x1d: {  	_ =	swait.ge [sflag:s6], $0x2000  }
0x1e: {  	s7 =	rddreg [dreg:$0x5]  }
0x1f: {  	s20 =	rddreg [dreg:$0x4];
	s7 =	sadd.s32 $0x1, s7  }
0x20: {  	p0 =	sne.s32 s7, s20  }
.Ltmp1:
0x21: {  	_ = 	snop;
	(pc) =	sbr.rel @!p0 .LBB2_5-.Ltmp1, $3  }
0x22: {  	_ =	sdelay $0x1  }
0x23: {  	[sflag:s6] =	ssyncset.done $0x0  }
0x24: {  	[sflag:s6] =	ssyncadd.s32 $0xFFFFE000  }
.LBB2_1:
0x25: {  	[dreg:$0x5] =	wrdreg s7  }
0x26: {  	s5 =	rddreg [dreg:$0x3];
	s20 =	simm.s32 $0xB  }
0x27: {  	[tilespmem:s2], [sflag:$0xB] =	stream.linear.gather [hbm4b:s5+s2], $0x2800, $0x38;
	[tilespmem:$0x16800] =	vst v63  }
0x28: {  	_ =	swait.ge [sflag:s20], $0x2800  }
0x29: {  	[sflag:s20] =	ssyncset.done $0x0  }
0x2a: {  	s6 =	simm.s32 $0x2800;
	[sflag:s20] =	ssyncadd.s32 $0xFFFFD800  }
0x2b: {  	[tilespmem:s6], [sflag:$0x1] =	stream.indirect.gather [hbm4b:s3+s14], $0x80, s2, s14, $0xb8;
	[tilespmem:$0x16800] =	vst v63  }
0x2c: {  	s7 =	simm.s32 $0xC800  }
0x2d: {  	[tilespmem:s7], [sflag:$0x1] =	stream.indirect.gather [hbm4b:s4+s14], $0x80, s14, s14, $0xb8;
	[tilespmem:$0x16800] =	vst v63  }
0x2e: {  	s13 =	simm.s32 $0x80;
	s6 =	simm.s32 $0x4800  }
0x2f: {  	[tilespmem:s6], [sflag:$0x2] =	stream.indirect.gather [hbm4b:s3+s14], $0x80, s13, s14, $0xb8;
	[tilespmem:$0x16800] =	vst v63  }
0x30: {  	s15 =	simm.s32 $0xC0;
	s16 =	simm.s32 $0xE800  }
0x31: {  	[tilespmem:s16], [sflag:$0x2] =	stream.indirect.gather [hbm4b:s4+s14], $0x80, s15, s14, $0xb8;
	[tilespmem:$0x16800] =	vst v63  }
0x32: {  	s18 =	simm.s32 $0x100  }
0x33: {  	[tilespmem:s22], [sflag:$0x3] =	stream.indirect.gather [hbm4b:s3+s14], $0x80, s18, s14, $0xb8;
	[tilespmem:$0x16800] =	vst v63  }
0x34: {  	s5 =	simm.s32 $0x0;
	s20 =	simm.s32 $0x140;
	s13 =	rddreg [dreg:$0x2]  }
0x35: {  	[tilespmem:s24], [sflag:$0x3] =	stream.indirect.gather [hbm4b:s4+s14], $0x80, s20, s14, $0xb8;
	[tilespmem:$0x16800] =	vst v63  }
.LBB2_2:
0x36: {  	_ =	swait.ge [sflag:s25], $0x2000  }
0x37: {  	[sflag:s25] =	ssyncset.done $0x0  }
0x38: {  	[sflag:s25] =	ssyncadd.s32 $0xFFFFE000  }
0x39: {  	_ =	swait.ge [sflag:s25], $0x2000  }
0x3a: {  	[sflag:s25] =	ssyncset.done $0x0  }
0x3b: {  	s7 =	sadd.s32 s13, s9;
	s6 =	simm.s32 $0x2800;
	[sflag:s25] =	ssyncadd.s32 $0xFFFFE000  }
0x3c: {  	[hbm4b:s7+s2] =	stream.linear.scatter [tilespmem:s6], [sflag:$0x6], $0x2000, $0x38;
	[tilespmem:$0x16800] =	vst v63  }
0x3d: {  	s15 =	simm.s32 $0xC800;
	p0 =	seq.s32 s5, $0x0;
	s20 =	sadd.s32 $0x400, s7  }
0x3e: {  	[hbm4b:s20+s2] =	stream.linear.scatter [tilespmem:s15], [sflag:$0x6], $0x2000, $0x38;
	[tilespmem:$0x16800] =	vst v63  }
0x3f: {  	s15 =	simm.s32 @!p0 $0x9  }
0x40: {  	_ =	swait.ge @!p0 [sflag:s15], $0x2000  }
0x41: {  	[sflag:s15] =	ssyncset.done @!p0 $0x0  }
0x42: {  	[sflag:s15] =	ssyncadd.s32 @!p0 $0xFFFFE000  }
0x43: {  	_ =	swait.ge @!p0 [sflag:s15], $0x2000  }
0x44: {  	s6 =	sshra.s32 s5, $0x2;
	[sflag:s15] =	ssyncset.done @!p0 $0x0  }
0x45: {  	s16 =	sadd.s32 $0x180, s6;
	[sflag:s15] =	ssyncadd.s32 @!p0 $0xFFFFE000  }
0x46: {  	[tilespmem:s26], [sflag:$0x4] =	stream.indirect.gather [hbm4b:s3+s14], $0x80, s16, s14, $0xb8;
	[tilespmem:$0x16800] =	vst v63  }
0x47: {  	s18 =	sadd.s32 $0x1C0, s6  }
0x48: {  	[tilespmem:s28], [sflag:$0x4] =	stream.indirect.gather [hbm4b:s4+s14], $0x80, s18, s14, $0xb8;
	[tilespmem:$0x16800] =	vst v63  }
0x49: {  	_ =	swait.ge [sflag:s29], $0x2000  }
0x4a: {  	[sflag:s29] =	ssyncset.done $0x0  }
0x4b: {  	[sflag:s29] =	ssyncadd.s32 $0xFFFFE000  }
0x4c: {  	_ =	swait.ge [sflag:s29], $0x2000  }
0x4d: {  	[sflag:s29] =	ssyncset.done $0x0  }
0x4e: {  	s20 =	sadd.s32 $0x800, s7;
	s16 =	simm.s32 $0x4800;
	[sflag:s29] =	ssyncadd.s32 $0xFFFFE000  }
0x4f: {  	[hbm4b:s20+s2] =	stream.linear.scatter [tilespmem:s16], [sflag:$0x7], $0x2000, $0x38;
	[tilespmem:$0x16800] =	vst v63  }
0x50: {  	s15 =	simm.s32 @!p0 $0xA;
	s18 =	sadd.s32 s13, s12;
	s20 =	simm.s32 $0xE800  }
0x51: {  	[hbm4b:s18+s2] =	stream.linear.scatter [tilespmem:s20], [sflag:$0x7], $0x2000, $0x38;
	[tilespmem:$0x16800] =	vst v63  }
0x52: {  	_ =	swait.ge @!p0 [sflag:s15], $0x2000  }
0x53: {  	[sflag:s15] =	ssyncset.done @!p0 $0x0  }
0x54: {  	[sflag:s15] =	ssyncadd.s32 @!p0 $0xFFFFE000  }
0x55: {  	_ =	swait.ge @!p0 [sflag:s15], $0x2000  }
0x56: {  	[sflag:s15] =	ssyncset.done @!p0 $0x0  }
0x57: {  	s18 =	sadd.s32 $0x200, s6;
	[sflag:s15] =	ssyncadd.s32 @!p0 $0xFFFFE000  }
0x58: {  	[tilespmem:s30], [sflag:$0x5] =	stream.indirect.gather [hbm4b:s3+s14], $0x80, s18, s14, $0xb8;
	[tilespmem:$0x16800] =	vst v63  }
0x59: {  	s20 =	sadd.s32 $0x240, s6  }
0x5a: {  	[tilespmem:s31], [sflag:$0x5] =	stream.indirect.gather [hbm4b:s4+s14], $0x80, s20, s14, $0xb8;
	[tilespmem:$0x16800] =	vst v63  }
0x5b: {  	_ =	swait.ge [sflag:s1], $0x2000  }
0x5c: {  	[sflag:s1] =	ssyncset.done $0x0  }
0x5d: {  	[sflag:s1] =	ssyncadd.s32 $0xFFFFE000  }
0x5e: {  	_ =	swait.ge [sflag:s1], $0x2000  }
0x5f: {  	[sflag:s1] =	ssyncset.done $0x0  }
0x60: {  	s16 =	sadd.s32 $0x1000, s7;
	[sflag:s1] =	ssyncadd.s32 $0xFFFFE000  }
0x61: {  	[hbm4b:s16+s2] =	stream.linear.scatter [tilespmem:s22], [sflag:$0x8], $0x2000, $0x38;
	[tilespmem:$0x16800] =	vst v63  }
0x62: {  	s18 =	sadd.s32 s13, s11  }
0x63: {  	[hbm4b:s18+s2] =	stream.linear.scatter [tilespmem:s24], [sflag:$0x8], $0x2000, $0x38;
	[tilespmem:$0x16800] =	vst v63  }
0x64: {  	_ =	swait.ge [sflag:s0], $0x2000  }
0x65: {  	[sflag:s0] =	ssyncset.done $0x0  }
0x66: {  	[sflag:s0] =	ssyncadd.s32 $0xFFFFE000  }
0x67: {  	p0 =	seq.s32 s5, $0x9600;
	_ =	swait.ge [sflag:s0], $0x2000  }
0x68: {  	s15 =	sshra.s32 @!p0 s5, $0x2;
	s20 =	simm.s32 @!p0 $0x2800;
	[sflag:s0] =	ssyncset.done $0x0  }
0x69: {  	s16 =	sadd.s32 @!p0 $0x280, s15;
	s18 =	simm.s32 @!p0 $0x40;
	[sflag:s0] =	ssyncadd.s32 $0xFFFFE000  }
0x6a: {  	[tilespmem:s20], [sflag:$0x1] =	stream.indirect.gather @!p0 [hbm4b:s3+s18], $0x80, s16, s18, $0xb8;
	[tilespmem:$0x16800] =	vst v63  }
0x6b: {  	s16 =	sadd.s32 @!p0 $0x2C0, s15;
	s20 =	simm.s32 @!p0 $0xC800  }
0x6c: {  	[tilespmem:s20], [sflag:$0x1] =	stream.indirect.gather @!p0 [hbm4b:s4+s18], $0x80, s16, s18, $0xb8;
	[tilespmem:$0x16800] =	vst v63  }
0x6d: {  	_ =	swait.ge [sflag:s17], $0x2000  }
0x6e: {  	[sflag:s17] =	ssyncset.done $0x0  }
0x6f: {  	[sflag:s17] =	ssyncadd.s32 $0xFFFFE000  }
0x70: {  	_ =	swait.ge [sflag:s17], $0x2000  }
0x71: {  	[sflag:s17] =	ssyncset.done $0x0  }
0x72: {  	s20 =	sadd.s32 $0x1800, s7;
	[sflag:s17] =	ssyncadd.s32 $0xFFFFE000  }
0x73: {  	[hbm4b:s20+s2] =	stream.linear.scatter [tilespmem:s26], [sflag:$0x9], $0x2000, $0x38;
	[tilespmem:$0x16800] =	vst v63  }
0x74: {  	s20 =	sadd.s32 s13, s10  }
0x75: {  	[hbm4b:s20+s2] =	stream.linear.scatter [tilespmem:s28], [sflag:$0x9], $0x2000, $0x38;
	[tilespmem:$0x16800] =	vst v63  }
0x76: {  	_ =	swait.ge [sflag:s19], $0x2000  }
0x77: {  	[sflag:s19] =	ssyncset.done $0x0  }
0x78: {  	[sflag:s19] =	ssyncadd.s32 $0xFFFFE000  }
0x79: {  	_ =	swait.ge [sflag:s19], $0x2000  }
0x7a: {  	[sflag:s19] =	ssyncset.done $0x0  }
0x7b: {  	s16 =	sadd.s32 @!p0 $0x300, s15;
	s20 =	simm.s32 @!p0 $0x4800;
	[sflag:s19] =	ssyncadd.s32 $0xFFFFE000  }
0x7c: {  	[tilespmem:s20], [sflag:$0x2] =	stream.indirect.gather @!p0 [hbm4b:s3+s18], $0x80, s16, s18, $0xb8;
	[tilespmem:$0x16800] =	vst v63  }
0x7d: {  	s15 =	sadd.s32 @!p0 $0x340, s15;
	s16 =	simm.s32 @!p0 $0xE800  }
0x7e: {  	[tilespmem:s16], [sflag:$0x2] =	stream.indirect.gather @!p0 [hbm4b:s4+s18], $0x80, s15, s18, $0xb8;
	[tilespmem:$0x16800] =	vst v63  }
0x7f: {  	_ =	swait.ge [sflag:s21], $0x2000  }
0x80: {  	[sflag:s21] =	ssyncset.done $0x0  }
0x81: {  	[sflag:s21] =	ssyncadd.s32 $0xFFFFE000  }
0x82: {  	_ =	swait.ge [sflag:s21], $0x2000  }
0x83: {  	[sflag:s21] =	ssyncset.done $0x0  }
0x84: {  	s7 =	sadd.s32 $0x2000, s7;
	[sflag:s21] =	ssyncadd.s32 $0xFFFFE000  }
0x85: {  	[hbm4b:s7+s2] =	stream.linear.scatter [tilespmem:s30], [sflag:$0xA], $0x2000, $0x38;
	[tilespmem:$0x16800] =	vst v63  }
0x86: {  	s20 =	sadd.s32 s13, s8  }
0x87: {  	[hbm4b:s20+s2] =	stream.linear.scatter [tilespmem:s31], [sflag:$0xA], $0x2000, $0x38;
	[tilespmem:$0x16800] =	vst v63  }
0x88: {  	_ =	swait.ge [sflag:s23], $0x2000  }
.Ltmp2:
0x89: {  	[sflag:s23] =	ssyncset.done $0x0;
	(pc) =	sbr.rel @p0 .LBB2_4-.Ltmp2, $4  }
0x8a: {  	[sflag:s23] =	ssyncadd.s32 $0xFFFFE000  }
0x8b: {  	_ =	swait.ge [sflag:s23], $0x2000  }
0x8c: {  	[sflag:s23] =	ssyncset.done $0x0  }
0x8d: {  	[sflag:s23] =	ssyncadd.s32 $0xFFFFE000  }
.Ltmp3:
0x8e: {  	(pc) =	sbr.rel .LBB2_2-.Ltmp3, $4  }
0x8f: {  	s7 =	sadd.s32 $0x380, s6  }
0x90: {  	[tilespmem:s22], [sflag:$0x3] =	stream.indirect.gather [hbm4b:s3+s14], $0x80, s7, s14, $0xb8;
	[tilespmem:$0x16800] =	vst v63  }
0x91: {  	s20 =	sadd.s32 $0x3C0, s6;
	s5 =	sadd.s32 $0xA00, s5;
	s13 =	sadd.s32 $0x2800, s13  }
0x92: {  	[tilespmem:s24], [sflag:$0x3] =	stream.indirect.gather [hbm4b:s4+s14], $0x80, s20, s14, $0xb8;
	[tilespmem:$0x16800] =	vst v63  }
.LBB2_5:
0x93: {  	_ =	sfence.sel $0x180000  }
0x94: {  	[bflag:$0x0] =	sbarrier.arrive $0xFFFF  }
0x95: {  	_ =	strace $0x90000047  }
0x96: {  	s0 =	stileid.u32;
	[bflag:$0x2] =	sbarrier.arrive $0xFFFF  }
0x97: {  	p0 =	sne.s32 s0, $0x0;
	s0 =	rddreg [dreg:$0x1]  }
0x98: {  	s0 =	sadd.s32 @!p0 $0x100000, s0  }
0x99: {  	[sflag:s0] =	ssyncadd.tile.s32 @!p0 $0x1;
	_ =	shalt  }
.Lfunc_end2:
_tile_overlayer_lowered:
.L_overlay_start_2:
0x9a: {  	(tag) =	ssettag $0x2  }
0x9b: {  	s0 =	rddreg [dreg:$0x0];
	s2 =	stileid.u32  }
0x9c: {  	s1 =	rddreg [dreg:$0x1];
	p0 =	sne.s32 s2, $0x0  }
0x9d: {  	s3 =	rddreg [dreg:$0x2];
	[bflag:$0x3] =	sbarrier.arrive $0xFFFF;
	s2 =	simm.s32 @!p0 $0x1C0B  }
0x9e: {  	[timem:s3], [sflag:s2] =	dma.local @!p0 [hbm:s0], s1  }
0x9f: {  	s0 =	simm.s32 @!p0 $0xB  }
0xa0: {  	_ =	swait.ge @!p0 [sflag:s0], s1  }
0xa1: {  	s1 =	ssub.s32 @!p0 $0x0, s1;
	[sflag:s0] =	ssyncset.done @!p0 $0x0  }
0xa2: {  	[sflag:s0] =	ssyncadd.s32 @!p0 s1  }
0xa3: {  	[bflag:$0x3] =	sbarrier.arrive $0xFFFF  }
0xa4: {  	_ =	shalt  }

// kernel: kernel.17.cloned.1.call-start
scs
__scs_entry_jumppad:
0x0: {  	(pc) =	sbr.rel $0x88, $3  }
0x1: {  	(tag) =	ssettag $0x0;
	lr =	simm.s32 $0x1  }
0x2: {  	[smem:$0x3F97] =	sst lr;
	_ =	strace $0xD0000000  }
0x3: {  	_ = 	snop  }
0x4: {  	_ = 	snop  }
0x5: {  	_ = 	snop  }
0x6: {  	_ = 	snop  }
0x7: {  	_ = 	snop  }
__scs_overlays_trampoline_lowered:
0x8: {  	[smem:$0x3FA6] =	sst s0  }
0x9: {  	[smem:$0x3FA7] =	sst s1  }
0xa: {  	[smem:$0x3FA8] =	sst s2  }
0xb: {  	[smem:$0x3FA9] =	sst s3  }
0xc: {  	[smem:$0x3FAA] =	sst s4  }
0xd: {  	[smem:$0x3FAB] =	sst s5  }
0xe: {  	[smem:$0x3FAC] =	sst s6  }
0xf: {  	[smem:$0x3FAD] =	sst s7  }
0x10: {  	[smem:$0x3FAE] =	sst s8  }
0x11: {  	[smem:$0x3FAF] =	sst s9;
	s0 =	simm.s32 @!p0 $0x0  }
0x12: {  	s1 =	sld [smem:$0x3F95];
	s0 =	simm.s32 @p0 $0x1  }
0x13: {  	[smem:$0x3FB0] =	sst s0;
	s0 =	simm.s32 @!p1 $0x0  }
0x14: {  	s2 =	sld [smem:$0x3F94];
	s0 =	simm.s32 @p1 $0x1  }
0x15: {  	[smem:$0x3FB1] =	sst s0;
	s0 =	simm.s32 @!p2 $0x0  }
0x16: {  	s3 =	sld [smem:$0x3FDB];
	s0 =	simm.s32 @p2 $0x1  }
0x17: {  	s4 =	simm.s32 $0x1BF5;
	[smem:$0x3FB3] =	sst s0  }
0x18: {  	s0 =	sld [smem:$0x3F96];
	_ =	swait.ge [sflag:s4], $0x0  }
0x19: {  	s7 =	sld [smem:$0x3F97]  }
0x1a: {  	s8 =	sadd.s32 $0xFFFFE003, lr  }
0x1b: {  	s9 =	sadd.s32 $0xFFFFFEF7, lr;
	s5 =	simm.s32 $0xFFFFFFFF;
	p2 =	slt.u32 s8, $0xFFFFF086  }
0x1c: {  	p1 =	slt.u32 s9, $0xF7A;
	s5 =	simm.s32 @!p2 $0x0  }
0x1d: {  	s5 =	simm.s32 @p1 $0x1;
	p0 =	seq.s32 s7, s2  }
0x1e: {  	s7 =	smul.u32 @!p0 $0xF7A, s2;
	p2 =	seq.s32 @!p0 s5, $0x0  }
0x1f: {  	s9 =	smul.u32 $0xF7A, s1;
	s8 =	simm.s32 @!p0 $0x1BF5;
	p2 =	por !p2, p0  }
0x20: {  	[sflag:s8] =	ssyncset.s32 @!p0 $0xFFFFF086;
	s6 =	sadd.s32 @!p0 s3, s7;
	s7 =	simm.s32 @!p0 $0x108  }
0x21: {  	s3 =	sadd.s32 s3, s9;
	s6 =	sadd.s32 @!p0 $0x88, s6;
	s7 =	simm.s32 @p2 $0x1082  }
0x22: {  	[simem:s7], [sflag:s8] =	dma.local @!p0 [hbm:s6], $0xF7A  }
0x23: {  	s9 =	sor.u32 $0xD0000000, s2;
	s6 =	simm.s32 $0x108;
	_ =	swait.ge @!p0 [sflag:s8], $0x0  }
0x24: {  	s3 =	sadd.s32 $0x88, s3;
	s6 =	simm.s32 @!p1 $0x1082;
	[sflag:s4] =	ssyncset.s32 $0xFFFFF086  }
0x25: {  	[simem:s6], [sflag:s4] =	dma.local [hbm:s3], $0xF7A  }
0x26: {  	[smem:$0x3F97] =	sst s1;
	(tag) =	ssettag s2;
	_ =	strace s9  }
0x27: {  	s1 =	sld [smem:$0x3FA7]  }
0x28: {  	s2 =	sld [smem:$0x3FA8]  }
0x29: {  	s4 =	sld [smem:$0x3FAA]  }
0x2a: {  	p0 =	seq.s32 s5, $0x0;
	s5 =	sld [smem:$0x3FAB]  }
0x2b: {  	s6 =	sld [smem:$0x3FAC]  }
0x2c: {  	s7 =	sld [smem:$0x3FAD]  }
0x2d: {  	s3 =	simm.s32 $0x108;
	s8 =	sld [smem:$0x3FAE]  }
0x2e: {  	s3 =	simm.s32 @!p0 $0x1082;
	s9 =	sld [smem:$0x3FAF]  }
0x2f: {  	lr =	sadd.s32 s0, s3;
	s0 =	sld [smem:$0x3FA6]  }
0x30: {  	s3 =	sld [smem:$0x3FA9]  }
0x31: {  	[smem:$0x3FB2] =	sst s10  }
0x32: {  	s10 =	sld [smem:$0x3FB0];
	_ =	sdelay $0x3  }
0x33: {  	p0 =	seq.s32 s10, $0x1;
	s10 =	sld [smem:$0x3FB2];
	_ =	sdelay $0x3  }
0x34: {  	[smem:$0x3FB2] =	sst s10  }
0x35: {  	s10 =	sld [smem:$0x3FB1];
	_ =	sdelay $0x3  }
0x36: {  	p1 =	seq.s32 s10, $0x1;
	s10 =	sld [smem:$0x3FB2];
	_ =	sdelay $0x3  }
0x37: {  	[smem:$0x3FB2] =	sst s10  }
0x38: {  	s10 =	sld [smem:$0x3FB3]  }
0x39: {  	_ = 	snop;
	(pc) =	sbr.ind lr, $3  }
0x3a: {  	_ = 	snop  }
0x3b: {  	_ = 	snop  }
0x3c: {  	p2 =	seq.s32 s10, $0x1;
	s10 =	sld [smem:$0x3FB2]  }
0x3d: {  	_ =	shalt  }
0x3e: {  	_ =	shalt  }
0x3f: {  	_ =	shalt  }
0x40: {  	_ =	shalt  }
0x41: {  	_ =	shalt  }
0x42: {  	_ =	shalt  }
0x43: {  	_ =	shalt  }
0x44: {  	_ =	shalt  }
0x45: {  	_ =	shalt  }
0x46: {  	_ =	shalt  }
0x47: {  	_ =	shalt  }
0x48: {  	_ =	shalt  }
0x49: {  	_ =	shalt  }
0x4a: {  	_ =	shalt  }
0x4b: {  	_ =	shalt  }
0x4c: {  	_ =	shalt  }
0x4d: {  	_ =	shalt  }
0x4e: {  	_ =	shalt  }
0x4f: {  	_ =	shalt  }
0x50: {  	_ =	shalt  }
0x51: {  	_ =	shalt  }
0x52: {  	_ =	shalt  }
0x53: {  	_ =	shalt  }
0x54: {  	_ =	shalt  }
0x55: {  	_ =	shalt  }
0x56: {  	_ =	shalt  }
0x57: {  	_ =	shalt  }
0x58: {  	_ =	shalt  }
0x59: {  	_ =	shalt  }
0x5a: {  	_ =	shalt  }
0x5b: {  	_ =	shalt  }
0x5c: {  	_ =	shalt  }
0x5d: {  	_ =	shalt  }
0x5e: {  	_ =	shalt  }
0x5f: {  	_ =	shalt  }
0x60: {  	_ =	shalt  }
0x61: {  	_ =	shalt  }
0x62: {  	_ =	shalt  }
0x63: {  	_ =	shalt  }
0x64: {  	_ =	shalt  }
0x65: {  	_ =	shalt  }
0x66: {  	_ =	shalt  }
0x67: {  	_ =	shalt  }
0x68: {  	_ =	shalt  }
0x69: {  	_ =	shalt  }
0x6a: {  	_ =	shalt  }
0x6b: {  	_ =	shalt  }
0x6c: {  	_ =	shalt  }
0x6d: {  	_ =	shalt  }
0x6e: {  	_ =	shalt  }
0x6f: {  	_ =	shalt  }
0x70: {  	_ =	shalt  }
0x71: {  	_ =	shalt  }
0x72: {  	_ =	shalt  }
0x73: {  	_ =	shalt  }
0x74: {  	_ =	shalt  }
0x75: {  	_ =	shalt  }
0x76: {  	_ =	shalt  }
0x77: {  	_ =	shalt  }
0x78: {  	_ =	shalt  }
0x79: {  	_ =	shalt  }
0x7a: {  	_ =	shalt  }
0x7b: {  	_ =	shalt  }
0x7c: {  	_ =	shalt  }
0x7d: {  	_ =	shalt  }
0x7e: {  	_ =	shalt  }
0x7f: {  	_ =	shalt  }
0x80: {  	_ =	shalt  }
0x81: {  	_ =	shalt  }
0x82: {  	_ =	shalt  }
0x83: {  	_ =	shalt  }
0x84: {  	_ =	shalt  }
0x85: {  	_ =	shalt  }
0x86: {  	_ =	shalt  }
0x87: {  	_ =	shalt  }
.Lfunc_end0:
.L_simem_size_0:
called_computation.1_lowered:
.L_overlay_start_0:
0x88: {  	s2 =	sld [smem:$0x3FD9]  }
0x89: {  	s3 =	sld [smem:$0x3FFE];
	_ =	sdelay $0x1  }
0x8a: {  	s1 =	srdreg.scid  }
0x8b: {  	s0 =	sand.u32 $0x1, s1  }
0x8c: {  	s17 =	sshll.u32 s0, $0xA;
	s2 =	sadd.s32 s3, s2  }
0x8d: {  	s2 =	sadd.s32 s2, s17  }
0x8e: {  	[smem:$0x3FBE] =	sst s2  }
0x8f: {  	_ = 	snop  }
0x90: {  	s2 =	sld [smem:$0x3FC6]  }
0x91: {  	s18 =	sld [smem:$0x3FC5];
	(tm) =	ssettm $0x1  }
0x92: {  	s4 =	sld [smem:$0x3FFB];
	_ =	sdelay $0x3  }
0x93: {  	_ =	strace s4  }
0x94: {  	s4 =	sld [smem:$0x3FFC];
	_ =	sdelay $0x3  }
0x95: {  	_ =	strace s4  }
0x96: {  	s4 =	sld [smem:$0x3FFD];
	_ =	sdelay $0x3  }
0x97: {  	_ =	strace s4  }
0x98: {  	_ =	strace $0x8FFFFFFF  }
0x99: {  	s19 =	sld [smem:$0x3FDB];
	_ =	sdelay $0x1  }
0x9a: {  	s5 =	simm.s32 $_scs_section_size  }
0x9b: {  	s6 =	simm.s32 $_size__tile_overlayer_lowered;
	s7 =	simm.s32 $_tile_overlayer_lowered  }
0x9c: {  	s22 =	simm.s32 $0x1BFF;
	s21 =	sshll.u32 s7, $0x1;
	s4 =	sadd.s32 s5, s19  }
0x9d: {  	s8 =	simm.s32 $0x0;
	s20 =	sshll.u32 s6, $0x1;
	s6 =	sadd.s32 s21, s4  }
0x9e: {  	[timem:s8], [sflag:s22] =	dma.local [hbm:s6], s20  }
0x9f: {  	_ =	swait.ge [sflag:s22], s20  }
0xa0: {  	s5 =	ssub.s32 $0x0, s20;
	[sflag:s22] =	ssyncset.done $0x0  }
0xa1: {  	[sflag:s22] =	ssyncadd.s32 s5;
	_ =	sdelay $0x1  }
0xa2: {  	s23 =	simm.s32 $0x1B8B  }
0xa3: {  	_ =	swait.ge [sflag:s23], $0x1  }
0xa4: {  	[sflag:s23] =	ssyncset.done $0x0  }
0xa5: {  	s25 =	simm.s32 $0x1B8E;
	s24 =	sld [smem:$0x3FFE];
	[sflag:s23] =	ssyncadd.s32 $0xFFFFFFFF  }
0xa6: {  	s26 =	simm.s32 $execute0_lowered;
	[smem:$0x3FD2] =	sst s25  }
0xa7: {  	s6 =	sshll.u32 s26, $0x1;
	_ =	strace $0x80000049;
	[dreg:$0x1] =	wrdreg $0xFFFFFFFF  }
0xa8: {  	s28 =	simm.s32 $_size_execute0_lowered;
	s4 =	sadd.s32 s4, s6;
	[dreg:$0x0] =	wrdreg $0x0  }
0xa9: {  	s6 =	sshll.u32 s28, $0x1;
	[dreg:$0x2] =	wrdreg s4  }
0xaa: {  	[dreg:$0x3] =	wrdreg s6  }
0xab: {  	[dreg:$0x4] =	wrdreg $0xC0  }
0xac: {  	_ =	task [dreg:s8], $0x5FFFF  }
0xad: {  	[dreg:$0x1] =	wrdreg $0xFFFFFFFF  }
0xae: {  	[dreg:$0x0] =	wrdreg $0x60  }
0xaf: {  	[dreg:$0x2] =	wrdreg s24  }
0xb0: {  	[dreg:$0x3] =	wrdreg s2  }
0xb1: {  	[dreg:$0x4] =	wrdreg s18  }
0xb2: {  	[dreg:$0x5] =	wrdreg $0x9  }
0xb3: {  	_ =	task.clear_ibuf [dreg:s8], $0x6FFFF;
	_ =	strace $0x90000049  }
0xb4: {  	s29 =	simm.s32 $0x9;
	_ =	strace $0x8000004B  }
0xb5: {  	_ =	swait.ge [sflag:s29], $0x1  }
0xb6: {  	[sflag:s29] =	ssyncadd.s32 $0xFFFFFFFF  }
0xb7: {  	_ =	strace $0x9000004B  }
0xb8: {  	_ =	sfence  }
0xb9: {  	s30 =	sld [smem:$0x0];
	_ =	sdelay $0x2  }
0xba: {  	s31 =	sshll.u32 s1, $0xD;
	s1 =	sshrl.u32 s1, $0x2  }
0xbb: {  	s3 =	sand.u32 $0x4000, s31;
	s1 =	sadd.s32 s1, s30  }
0xbc: {  	s0 =	sor.u32 s3, s0;
	s1 =	sshll.u32 s1, $0x11  }
0xbd: {  	s0 =	sor.u32 s1, s0  }
0xbe: {  	s0 =	sadd.s32 $0x8F2B, s0  }
0xbf: {  	[sflag:s0] =	ssyncadd.remote.s32 $0x1  }
0xc0: {  	_ =	sfence.sel $0xFFFF  }
0xc1: {  	[dreg:$0x0] =	wrdreg $0xFFFFFFFF;
	(pc) =	sbr.abs _section_cstart, $3  }
0xc2: {  	[dreg:$0x1] =	wrdreg $0xFFFFFFFF  }
0xc3: {  	_ =	task.clear_ibuf [dreg:s8], $0x2FFFF;
	_ =	strace $0x9FFFFFFF  }
0xc4: {  	(tm) =	ssettm $0x7FFFFFFF  }
0xc5: {  	_ =	shalt  }
tec
execute0_lowered:
.L_overlay_start_1:
0x0: {  	(tag) =	ssettag $0x1  }
0x1: {  	s0 =	rddreg [dreg:$0x0]  }
0x2: {  	s1 =	rddreg [dreg:$0x1]  }
0x3: {  	s5 =	rddreg [dreg:$0x2]  }
0x4: {  	s2 =	simm.s32 $0x0;
	s3 =	srdreg.scid;
	s12 =	stileid.u32  }
0x5: {  	s28 =	simm.s32 $0x8F00;
	s29 =	simm.s32 $0x10F00;
	s30 =	simm.s32 $0x2  }
0x6: {  	s31 =	simm.s32 $0xAF00;
	[smem:$0x7FF] =	sst s2;
	s14 =	smul.u32 $0x271000, s12  }
0x7: {  	s6 =	sand.u32 $0x1, s3;
	s3 =	sadd.s32 $0x3E00, s0;
	s17 =	smul.u32 $0x4E200, s12  }
0x8: {  	s7 =	sshll.u32 s12, $0x1;
	s4 =	sadd.s32 $0x1395E00, s0;
	s16 =	smul.u32 $0x138800, s6  }
0x9: {  	s7 =	sor.u32 s6, s7;
	s9 =	ssub.s32 $0x2, s6;
	s6 =	smul.u32 $0x27100, s6  }
0xa: {  	s8 =	sadd.s32 $0x2BE00, s0;
	s0 =	sadd.s32 $0x9D1E00, s0;
	s10 =	smul.u32 $0x2710, s7  }
0xb: {  	_ =	strace $0x8000004A;
	s11 =	sshrl.u32 s9, $0x1;
	s7 =	smul.u32 $0x138800, s7  }
0xc: {  	s20 =	sadd.s32 s17, s8;
	s22 =	sadd.s32 s17, s0;
	s9 =	ssub.s32 s9, s11  }
0xd: {  	s21 =	sadd.s32 s6, s20;
	s20 =	simm.s32 $0x40;
	s10 =	sshrl.u32 s10, $0x3  }
0xe: {  	s15 =	sshrl.u32 s7, $0x3;
	s7 =	sadd.s32 s16, s14;
	s9 =	smax.u32 s9, $0x1  }
0xf: {  	s12 =	sadd.s32 $0x400, s21;
	s21 =	simm.s32 $0x4F00;
	s1 =	sadd.s32 s1, s10  }
0x10: {  	s5 =	sadd.s32 s5, s10;
	s19 =	sshrl.u32 s7, $0x3;
	[dreg:$0x8] =	wrdreg s9  }
0x11: {  	s23 =	sadd.s32 $0x6000, s7;
	s24 =	sadd.s32 $0x4000, s7;
	[dreg:$0x4] =	wrdreg s1  }
0x12: {  	[dreg:$0x5] =	wrdreg s5;
	s1 =	sadd.s32 $0x26D00, s15;
	s10 =	sadd.s32 s19, s0  }
0x13: {  	s11 =	sadd.s32 s19, s8;
	s25 =	sshrl.u32 s23, $0x3;
	s26 =	sshrl.u32 s24, $0x3  }
0x14: {  	s23 =	simm.s32 $0x6F00;
	s24 =	simm.s32 $0x5;
	s5 =	simm.s32 $0x4  }
0x15: {  	s18 =	sadd.s32 s8, s1;
	s1 =	sadd.s32 s0, s1;
	s14 =	sadd.s32 s25, s0  }
.Ltmp0:
0x16: {  	s15 =	sadd.s32 s25, s8;
	s16 =	sadd.s32 s26, s0;
	(pc) =	sbr.rel .LBB2_1-.Ltmp0, $4  }
0x17: {  	s17 =	sadd.s32 s26, s8;
	s25 =	simm.s32 $0xEF00;
	s26 =	simm.s32 $0x1  }
0x18: {  	s0 =	simm.s32 $0x12F00;
	s8 =	simm.s32 $0x0;
	[dreg:$0x6] =	wrdreg s18  }
0x19: {  	[dreg:$0x7] =	wrdreg s1;
	s1 =	sadd.s32 s6, s22;
	s22 =	simm.s32 $0xCF00  }
0x1a: {  	s6 =	simm.s32 $0x6;
	s13 =	sadd.s32 $0x400, s1;
	s1 =	simm.s32 $0x3  }
.LBB2_4:
0x1b: {  	s7 =	simm.s32 $0x7  }
0x1c: {  	_ =	swait.ge [sflag:s7], $0x2000  }
0x1d: {  	[sflag:s7] =	ssyncset.done $0x0  }
0x1e: {  	[sflag:s7] =	ssyncadd.s32 $0xFFFFE000  }
0x1f: {  	_ =	swait.ge [sflag:s7], $0x2000  }
0x20: {  	[sflag:s7] =	ssyncset.done $0x0  }
0x21: {  	s21 =	simm.s32 $0x8;
	[sflag:s7] =	ssyncadd.s32 $0xFFFFE000  }
0x22: {  	_ =	swait.ge [sflag:s21], $0x2000  }
0x23: {  	[sflag:s21] =	ssyncset.done $0x0  }
0x24: {  	[sflag:s21] =	ssyncadd.s32 $0xFFFFE000  }
0x25: {  	_ =	swait.ge [sflag:s21], $0x2000  }
0x26: {  	[sflag:s21] =	ssyncset.done $0x0  }
0x27: {  	s22 =	simm.s32 $0x26D0;
	[sflag:s21] =	ssyncadd.s32 $0xFFFFE000;
	s21 =	simm.s32 $0x4F00  }
0x28: {  	[tilespmem:s21], [sflag:$0x1] =	stream.indirect.gather [hbm4b:s3+s20], $0x80, s22, s20, $0xb8;
	[tilespmem:$0x14F00] =	vst v63  }
0x29: {  	s8 =	simm.s32 $0x4E50;
	s22 =	simm.s32 $0xCF00  }
0x2a: {  	[tilespmem:s22], [sflag:$0x1] =	stream.indirect.gather [hbm4b:s4+s20], $0x80, s8, s20, $0xb8;
	[tilespmem:$0x14F00] =	vst v63  }
0x2b: {  	_ =	swait.ge [sflag:s26], $0x2000  }
0x2c: {  	[sflag:s26] =	ssyncset.done $0x0  }
0x2d: {  	[sflag:s26] =	ssyncadd.s32 $0xFFFFE000  }
0x2e: {  	_ =	swait.ge [sflag:s26], $0x2000  }
0x2f: {  	[sflag:s26] =	ssyncset.done $0x0  }
0x30: {  	s9 =	rddreg [dreg:$0x6];
	[sflag:s26] =	ssyncadd.s32 $0xFFFFE000  }
0x31: {  	[hbm4b:s9+s2] =	stream.linear.scatter [tilespmem:s21], [sflag:$0x5], $0x2000, $0x38;
	[tilespmem:$0x14F00] =	vst v63  }
0x32: {  	s18 =	rddreg [dreg:$0x7]  }
0x33: {  	[hbm4b:s18+s2] =	stream.linear.scatter [tilespmem:s22], [sflag:$0x5], $0x2000, $0x38;
	[tilespmem:$0x14F00] =	vst v63  }
0x34: {  	_ =	swait.ge [sflag:s24], $0x2000  }
0x35: {  	[sflag:s24] =	ssyncset.done $0x0  }
0x36: {  	[sflag:s24] =	ssyncadd.s32 $0xFFFFE000  }
0x37: {  	_ =	swait.ge [sflag:s24], $0x2000  }
0x38: {  	s8 =	rddreg [dreg:$0x9]  }
0x39: {  	s19 =	rddreg [dreg:$0x8];
	s8 =	sadd.s32 $0x1, s8  }
0x3a: {  	p0 =	sne.s32 s8, s19  }
.Ltmp1:
0x3b: {  	_ = 	snop;
	(pc) =	sbr.rel @!p0 .LBB2_5-.Ltmp1, $3  }
0x3c: {  	_ =	sdelay $0x1  }
0x3d: {  	[sflag:s24] =	ssyncset.done $0x0  }
0x3e: {  	[sflag:s24] =	ssyncadd.s32 $0xFFFFE000  }
.LBB2_1:
0x3f: {  	[dreg:$0x9] =	wrdreg s8  }
0x40: {  	s7 =	rddreg [dreg:$0x4];
	s19 =	simm.s32 $0x9  }
0x41: {  	[tilespmem:s2], [sflag:$0x9] =	stream.linear.gather [hbm4b:s7+s2], $0x2710, $0x38;
	[tilespmem:$0x14F00] =	vst v63  }
0x42: {  	_ =	swait.ge [sflag:s19], $0x2710  }
0x43: {  	[sflag:s19] =	ssyncset.done $0x0  }
0x44: {  	s9 =	simm.s32 $0x2780;
	s18 =	rddreg [dreg:$0x5];
	[sflag:s19] =	ssyncadd.s32 $0xFFFFD8F0  }
0x45: {  	[tilespmem:s9], [sflag:$0x9] =	stream.linear.gather [hbm4b:s18+s2], $0x2710, $0x38;
	[tilespmem:$0x14F00] =	vst v63  }
0x46: {  	_ =	swait.ge [sflag:s19], $0x2710  }
0x47: {  	[sflag:s19] =	ssyncset.done $0x0  }
0x48: {  	[sflag:s19] =	ssyncadd.s32 $0xFFFFD8F0  }
0x49: {  	[tilespmem:s21], [sflag:$0x1] =	stream.indirect.gather [hbm4b:s3+s20], $0x80, s2, s20, $0xb8;
	[tilespmem:$0x14F00] =	vst v63  }
0x4a: {  	_ = 	snop  }
0x4b: {  	[tilespmem:s22], [sflag:$0x1] =	stream.indirect.gather [hbm4b:s4+s20], $0x80, s9, s20, $0xb8;
	[tilespmem:$0x14F00] =	vst v63  }
0x4c: {  	_ = 	snop  }
0x4d: {  	[tilespmem:s23], [sflag:$0x2] =	stream.indirect.gather [hbm4b:s3+s20], $0x80, s20, s20, $0xb8;
	[tilespmem:$0x14F00] =	vst v63  }
0x4e: {  	s19 =	simm.s32 $0x27C0  }
0x4f: {  	[tilespmem:s25], [sflag:$0x2] =	stream.indirect.gather [hbm4b:s4+s20], $0x80, s19, s20, $0xb8;
	[tilespmem:$0x14F00] =	vst v63  }
0x50: {  	s18 =	simm.s32 $0x0;
	s19 =	simm.s32 $0x0  }
.LBB2_2:
0x51: {  	_ =	swait.ge [sflag:s26], $0x2000  }
0x52: {  	[sflag:s26] =	ssyncset.done $0x0  }
0x53: {  	[sflag:s26] =	ssyncadd.s32 $0xFFFFE000  }
0x54: {  	_ =	swait.ge [sflag:s26], $0x2000  }
0x55: {  	[sflag:s26] =	ssyncset.done $0x0  }
0x56: {  	s7 =	sadd.s32 s18, s11;
	p0 =	seq.s32 s18, $0x0;
	[sflag:s26] =	ssyncadd.s32 $0xFFFFE000  }
0x57: {  	[hbm4b:s7+s2] =	stream.linear.scatter [tilespmem:s21], [sflag:$0x5], $0x2000, $0x38;
	[tilespmem:$0x14F00] =	vst v63  }
0x58: {  	s8 =	simm.s32 @!p0 $0x7;
	s21 =	sadd.s32 s18, s10  }
0x59: {  	[hbm4b:s21+s2] =	stream.linear.scatter [tilespmem:s22], [sflag:$0x5], $0x2000, $0x38;
	[tilespmem:$0x14F00] =	vst v63  }
0x5a: {  	_ =	swait.ge @!p0 [sflag:s8], $0x2000  }
0x5b: {  	[sflag:s8] =	ssyncset.done @!p0 $0x0  }
0x5c: {  	[sflag:s8] =	ssyncadd.s32 @!p0 $0xFFFFE000  }
0x5d: {  	_ =	swait.ge @!p0 [sflag:s8], $0x2000  }
0x5e: {  	s7 =	sshra.s32 s19, $0x2;
	[sflag:s8] =	ssyncset.done @!p0 $0x0  }
0x5f: {  	s22 =	sadd.s32 $0x80, s7;
	[sflag:s8] =	ssyncadd.s32 @!p0 $0xFFFFE000  }
0x60: {  	[tilespmem:s28], [sflag:$0x3] =	stream.indirect.gather [hbm4b:s3+s20], $0x80, s22, s20, $0xb8;
	[tilespmem:$0x14F00] =	vst v63  }
0x61: {  	s9 =	sadd.s32 $0x2800, s7  }
0x62: {  	[tilespmem:s29], [sflag:$0x3] =	stream.indirect.gather [hbm4b:s4+s20], $0x80, s9, s20, $0xb8;
	[tilespmem:$0x14F00] =	vst v63  }
0x63: {  	_ =	swait.ge [sflag:s30], $0x2000  }
0x64: {  	[sflag:s30] =	ssyncset.done $0x0  }
0x65: {  	[sflag:s30] =	ssyncadd.s32 $0xFFFFE000  }
0x66: {  	_ =	swait.ge [sflag:s30], $0x2000  }
0x67: {  	[sflag:s30] =	ssyncset.done $0x0  }
0x68: {  	s21 =	sadd.s32 s18, s12;
	[sflag:s30] =	ssyncadd.s32 $0xFFFFE000  }
0x69: {  	[hbm4b:s21+s2] =	stream.linear.scatter [tilespmem:s23], [sflag:$0x6], $0x2000, $0x38;
	[tilespmem:$0x14F00] =	vst v63  }
0x6a: {  	s8 =	simm.s32 @!p0 $0x8;
	s22 =	sadd.s32 s18, s13  }
0x6b: {  	[hbm4b:s22+s2] =	stream.linear.scatter [tilespmem:s25], [sflag:$0x6], $0x2000, $0x38;
	[tilespmem:$0x14F00] =	vst v63  }
0x6c: {  	_ =	swait.ge @!p0 [sflag:s8], $0x2000  }
0x6d: {  	[sflag:s8] =	ssyncset.done @!p0 $0x0  }
0x6e: {  	[sflag:s8] =	ssyncadd.s32 @!p0 $0xFFFFE000  }
0x6f: {  	_ =	swait.ge @!p0 [sflag:s8], $0x2000  }
0x70: {  	[sflag:s8] =	ssyncset.done @!p0 $0x0  }
0x71: {  	s9 =	sadd.s32 $0xC0, s7;
	[sflag:s8] =	ssyncadd.s32 @!p0 $0xFFFFE000  }
0x72: {  	[tilespmem:s31], [sflag:$0x4] =	stream.indirect.gather [hbm4b:s3+s20], $0x80, s9, s20, $0xb8;
	[tilespmem:$0x14F00] =	vst v63  }
0x73: {  	s21 =	sadd.s32 $0x2840, s7  }
0x74: {  	[tilespmem:s0], [sflag:$0x4] =	stream.indirect.gather [hbm4b:s4+s20], $0x80, s21, s20, $0xb8;
	[tilespmem:$0x14F00] =	vst v63  }
0x75: {  	_ =	swait.ge [sflag:s1], $0x2000  }
0x76: {  	[sflag:s1] =	ssyncset.done $0x0  }
0x77: {  	[sflag:s1] =	ssyncadd.s32 $0xFFFFE000  }
0x78: {  	_ =	swait.ge [sflag:s1], $0x2000  }
0x79: {  	[sflag:s1] =	ssyncset.done $0x0  }
0x7a: {  	s22 =	sadd.s32 s18, s17;
	[sflag:s1] =	ssyncadd.s32 $0xFFFFE000  }
0x7b: {  	[hbm4b:s22+s2] =	stream.linear.scatter [tilespmem:s28], [sflag:$0x7], $0x2000, $0x38;
	[tilespmem:$0x14F00] =	vst v63  }
0x7c: {  	s9 =	sadd.s32 s18, s16  }
0x7d: {  	[hbm4b:s9+s2] =	stream.linear.scatter [tilespmem:s29], [sflag:$0x7], $0x2000, $0x38;
	[tilespmem:$0x14F00] =	vst v63  }
0x7e: {  	_ =	swait.ge [sflag:s24], $0x2000  }
0x7f: {  	[sflag:s24] =	ssyncset.done $0x0  }
0x80: {  	[sflag:s24] =	ssyncadd.s32 $0xFFFFE000  }
0x81: {  	p0 =	seq.s32 s18, $0x26000;
	_ =	swait.ge [sflag:s24], $0x2000  }
0x82: {  	s8 =	sshra.s32 @!p0 s19, $0x2;
	s21 =	simm.s32 @!p0 $0x40;
	[sflag:s24] =	ssyncset.done $0x0  }
0x83: {  	s22 =	simm.s32 @!p0 $0x4F00;
	s9 =	sadd.s32 @!p0 $0x100, s8;
	[sflag:s24] =	ssyncadd.s32 $0xFFFFE000  }
0x84: {  	[tilespmem:s22], [sflag:$0x1] =	stream.indirect.gather @!p0 [hbm4b:s3+s21], $0x80, s9, s21, $0xb8;
	[tilespmem:$0x14F00] =	vst v63  }
0x85: {  	s8 =	sadd.s32 @!p0 $0x2880, s8;
	s9 =	simm.s32 @!p0 $0xCF00  }
0x86: {  	[tilespmem:s9], [sflag:$0x1] =	stream.indirect.gather @!p0 [hbm4b:s4+s21], $0x80, s8, s21, $0xb8;
	[tilespmem:$0x14F00] =	vst v63  }
0x87: {  	_ =	swait.ge [sflag:s5], $0x2000  }
0x88: {  	[sflag:s5] =	ssyncset.done $0x0  }
0x89: {  	[sflag:s5] =	ssyncadd.s32 $0xFFFFE000  }
0x8a: {  	_ =	swait.ge [sflag:s5], $0x2000  }
0x8b: {  	[sflag:s5] =	ssyncset.done $0x0  }
0x8c: {  	s21 =	sadd.s32 s18, s15;
	[sflag:s5] =	ssyncadd.s32 $0xFFFFE000  }
0x8d: {  	[hbm4b:s21+s2] =	stream.linear.scatter [tilespmem:s31], [sflag:$0x8], $0x2000, $0x38;
	[tilespmem:$0x14F00] =	vst v63  }
0x8e: {  	s22 =	sadd.s32 s18, s14  }
0x8f: {  	[hbm4b:s22+s2] =	stream.linear.scatter [tilespmem:s0], [sflag:$0x8], $0x2000, $0x38;
	[tilespmem:$0x14F00] =	vst v63  }
0x90: {  	_ =	swait.ge [sflag:s6], $0x2000  }
.Ltmp2:
0x91: {  	[sflag:s6] =	ssyncset.done $0x0;
	(pc) =	sbr.rel @p0 .LBB2_4-.Ltmp2, $4  }
0x92: {  	[sflag:s6] =	ssyncadd.s32 $0xFFFFE000  }
0x93: {  	_ =	swait.ge [sflag:s6], $0x2000  }
0x94: {  	[sflag:s6] =	ssyncset.done $0x0  }
0x95: {  	[sflag:s6] =	ssyncadd.s32 $0xFFFFE000  }
.Ltmp3:
0x96: {  	s8 =	sadd.s32 $0x140, s7;
	(pc) =	sbr.rel .LBB2_2-.Ltmp3, $4  }
0x97: {  	[tilespmem:s23], [sflag:$0x2] =	stream.indirect.gather [hbm4b:s3+s20], $0x80, s8, s20, $0xb8;
	[tilespmem:$0x14F00] =	vst v63  }
0x98: {  	s22 =	sadd.s32 $0x28C0, s7;
	s18 =	sadd.s32 $0x1000, s18  }
0x99: {  	[tilespmem:s25], [sflag:$0x2] =	stream.indirect.gather [hbm4b:s4+s20], $0x80, s22, s20, $0xb8;
	[tilespmem:$0x14F00] =	vst v63  }
0x9a: {  	s19 =	sadd.s32 $0x400, s19;
	s21 =	simm.s32 $0x4F00;
	s22 =	simm.s32 $0xCF00  }
.LBB2_5:
0x9b: {  	_ =	sfence.sel $0x180000  }
0x9c: {  	[bflag:$0x0] =	sbarrier.arrive $0xFFFF  }
0x9d: {  	_ =	strace $0x9000004A  }
0x9e: {  	s0 =	stileid.u32;
	[bflag:$0x2] =	sbarrier.arrive $0xFFFF  }
0x9f: {  	p0 =	sne.s32 s0, $0x0;
	s0 =	rddreg [dreg:$0x3]  }
0xa0: {  	s0 =	sadd.s32 @!p0 $0x100000, s0  }
0xa1: {  	[sflag:s0] =	ssyncadd.tile.s32 @!p0 $0x1;
	_ =	shalt  }
.Lfunc_end2:
_tile_overlayer_lowered:
.L_overlay_start_2:
0xa2: {  	(tag) =	ssettag $0x2  }
0xa3: {  	s0 =	rddreg [dreg:$0x0];
	s2 =	stileid.u32  }
0xa4: {  	s1 =	rddreg [dreg:$0x1];
	p0 =	sne.s32 s2, $0x0  }
0xa5: {  	s3 =	rddreg [dreg:$0x2];
	[bflag:$0x3] =	sbarrier.arrive $0xFFFF;
	s2 =	simm.s32 @!p0 $0x1C09  }
0xa6: {  	[timem:s3], [sflag:s2] =	dma.local @!p0 [hbm:s0], s1  }
0xa7: {  	s0 =	simm.s32 @!p0 $0x9  }
0xa8: {  	_ =	swait.ge @!p0 [sflag:s0], s1  }
0xa9: {  	s1 =	ssub.s32 @!p0 $0x0, s1;
	[sflag:s0] =	ssyncset.done @!p0 $0x0  }
0xaa: {  	[sflag:s0] =	ssyncadd.s32 @!p0 s1  }
0xab: {  	[bflag:$0x3] =	sbarrier.arrive $0xFFFF  }
0xac: {  	_ =	shalt  }

// kernel: kernel.20.cloned.1.call-start
scs
__scs_entry_jumppad:
0x0: {  	(pc) =	sbr.rel $0x88, $3  }
0x1: {  	(tag) =	ssettag $0x0;
	lr =	simm.s32 $0x1  }
0x2: {  	[smem:$0x3F97] =	sst lr;
	_ =	strace $0xD0000000  }
0x3: {  	_ = 	snop  }
0x4: {  	_ = 	snop  }
0x5: {  	_ = 	snop  }
0x6: {  	_ = 	snop  }
0x7: {  	_ = 	snop  }
__scs_overlays_trampoline_lowered:
0x8: {  	[smem:$0x3FA6] =	sst s0  }
0x9: {  	[smem:$0x3FA7] =	sst s1  }
0xa: {  	[smem:$0x3FA8] =	sst s2  }
0xb: {  	[smem:$0x3FA9] =	sst s3  }
0xc: {  	[smem:$0x3FAA] =	sst s4  }
0xd: {  	[smem:$0x3FAB] =	sst s5  }
0xe: {  	[smem:$0x3FAC] =	sst s6  }
0xf: {  	[smem:$0x3FAD] =	sst s7  }
0x10: {  	[smem:$0x3FAE] =	sst s8  }
0x11: {  	[smem:$0x3FAF] =	sst s9;
	s0 =	simm.s32 @!p0 $0x0  }
0x12: {  	s1 =	sld [smem:$0x3F95];
	s0 =	simm.s32 @p0 $0x1  }
0x13: {  	[smem:$0x3FB0] =	sst s0;
	s0 =	simm.s32 @!p1 $0x0  }
0x14: {  	s2 =	sld [smem:$0x3F94];
	s0 =	simm.s32 @p1 $0x1  }
0x15: {  	[smem:$0x3FB1] =	sst s0;
	s0 =	simm.s32 @!p2 $0x0  }
0x16: {  	s3 =	sld [smem:$0x3FDB];
	s0 =	simm.s32 @p2 $0x1  }
0x17: {  	s4 =	simm.s32 $0x1BF5;
	[smem:$0x3FB3] =	sst s0  }
0x18: {  	s0 =	sld [smem:$0x3F96];
	_ =	swait.ge [sflag:s4], $0x0  }
0x19: {  	s7 =	sld [smem:$0x3F97]  }
0x1a: {  	s8 =	sadd.s32 $0xFFFFE003, lr  }
0x1b: {  	s9 =	sadd.s32 $0xFFFFFEF7, lr;
	s5 =	simm.s32 $0xFFFFFFFF;
	p2 =	slt.u32 s8, $0xFFFFF086  }
0x1c: {  	p1 =	slt.u32 s9, $0xF7A;
	s5 =	simm.s32 @!p2 $0x0  }
0x1d: {  	s5 =	simm.s32 @p1 $0x1;
	p0 =	seq.s32 s7, s2  }
0x1e: {  	s7 =	smul.u32 @!p0 $0xF7A, s2;
	p2 =	seq.s32 @!p0 s5, $0x0  }
0x1f: {  	s9 =	smul.u32 $0xF7A, s1;
	s8 =	simm.s32 @!p0 $0x1BF5;
	p2 =	por !p2, p0  }
0x20: {  	[sflag:s8] =	ssyncset.s32 @!p0 $0xFFFFF086;
	s6 =	sadd.s32 @!p0 s3, s7;
	s7 =	simm.s32 @!p0 $0x108  }
0x21: {  	s3 =	sadd.s32 s3, s9;
	s6 =	sadd.s32 @!p0 $0x88, s6;
	s7 =	simm.s32 @p2 $0x1082  }
0x22: {  	[simem:s7], [sflag:s8] =	dma.local @!p0 [hbm:s6], $0xF7A  }
0x23: {  	s9 =	sor.u32 $0xD0000000, s2;
	s6 =	simm.s32 $0x108;
	_ =	swait.ge @!p0 [sflag:s8], $0x0  }
0x24: {  	s3 =	sadd.s32 $0x88, s3;
	s6 =	simm.s32 @!p1 $0x1082;
	[sflag:s4] =	ssyncset.s32 $0xFFFFF086  }
0x25: {  	[simem:s6], [sflag:s4] =	dma.local [hbm:s3], $0xF7A  }
0x26: {  	[smem:$0x3F97] =	sst s1;
	(tag) =	ssettag s2;
	_ =	strace s9  }
0x27: {  	s1 =	sld [smem:$0x3FA7]  }
0x28: {  	s2 =	sld [smem:$0x3FA8]  }
0x29: {  	s4 =	sld [smem:$0x3FAA]  }
0x2a: {  	p0 =	seq.s32 s5, $0x0;
	s5 =	sld [smem:$0x3FAB]  }
0x2b: {  	s6 =	sld [smem:$0x3FAC]  }
0x2c: {  	s7 =	sld [smem:$0x3FAD]  }
0x2d: {  	s3 =	simm.s32 $0x108;
	s8 =	sld [smem:$0x3FAE]  }
0x2e: {  	s3 =	simm.s32 @!p0 $0x1082;
	s9 =	sld [smem:$0x3FAF]  }
0x2f: {  	lr =	sadd.s32 s0, s3;
	s0 =	sld [smem:$0x3FA6]  }
0x30: {  	s3 =	sld [smem:$0x3FA9]  }
0x31: {  	[smem:$0x3FB2] =	sst s10  }
0x32: {  	s10 =	sld [smem:$0x3FB0];
	_ =	sdelay $0x3  }
0x33: {  	p0 =	seq.s32 s10, $0x1;
	s10 =	sld [smem:$0x3FB2];
	_ =	sdelay $0x3  }
0x34: {  	[smem:$0x3FB2] =	sst s10  }
0x35: {  	s10 =	sld [smem:$0x3FB1];
	_ =	sdelay $0x3  }
0x36: {  	p1 =	seq.s32 s10, $0x1;
	s10 =	sld [smem:$0x3FB2];
	_ =	sdelay $0x3  }
0x37: {  	[smem:$0x3FB2] =	sst s10  }
0x38: {  	s10 =	sld [smem:$0x3FB3]  }
0x39: {  	_ = 	snop;
	(pc) =	sbr.ind lr, $3  }
0x3a: {  	_ = 	snop  }
0x3b: {  	_ = 	snop  }
0x3c: {  	p2 =	seq.s32 s10, $0x1;
	s10 =	sld [smem:$0x3FB2]  }
0x3d: {  	_ =	shalt  }
0x3e: {  	_ =	shalt  }
0x3f: {  	_ =	shalt  }
0x40: {  	_ =	shalt  }
0x41: {  	_ =	shalt  }
0x42: {  	_ =	shalt  }
0x43: {  	_ =	shalt  }
0x44: {  	_ =	shalt  }
0x45: {  	_ =	shalt  }
0x46: {  	_ =	shalt  }
0x47: {  	_ =	shalt  }
0x48: {  	_ =	shalt  }
0x49: {  	_ =	shalt  }
0x4a: {  	_ =	shalt  }
0x4b: {  	_ =	shalt  }
0x4c: {  	_ =	shalt  }
0x4d: {  	_ =	shalt  }
0x4e: {  	_ =	shalt  }
0x4f: {  	_ =	shalt  }
0x50: {  	_ =	shalt  }
0x51: {  	_ =	shalt  }
0x52: {  	_ =	shalt  }
0x53: {  	_ =	shalt  }
0x54: {  	_ =	shalt  }
0x55: {  	_ =	shalt  }
0x56: {  	_ =	shalt  }
0x57: {  	_ =	shalt  }
0x58: {  	_ =	shalt  }
0x59: {  	_ =	shalt  }
0x5a: {  	_ =	shalt  }
0x5b: {  	_ =	shalt  }
0x5c: {  	_ =	shalt  }
0x5d: {  	_ =	shalt  }
0x5e: {  	_ =	shalt  }
0x5f: {  	_ =	shalt  }
0x60: {  	_ =	shalt  }
0x61: {  	_ =	shalt  }
0x62: {  	_ =	shalt  }
0x63: {  	_ =	shalt  }
0x64: {  	_ =	shalt  }
0x65: {  	_ =	shalt  }
0x66: {  	_ =	shalt  }
0x67: {  	_ =	shalt  }
0x68: {  	_ =	shalt  }
0x69: {  	_ =	shalt  }
0x6a: {  	_ =	shalt  }
0x6b: {  	_ =	shalt  }
0x6c: {  	_ =	shalt  }
0x6d: {  	_ =	shalt  }
0x6e: {  	_ =	shalt  }
0x6f: {  	_ =	shalt  }
0x70: {  	_ =	shalt  }
0x71: {  	_ =	shalt  }
0x72: {  	_ =	shalt  }
0x73: {  	_ =	shalt  }
0x74: {  	_ =	shalt  }
0x75: {  	_ =	shalt  }
0x76: {  	_ =	shalt  }
0x77: {  	_ =	shalt  }
0x78: {  	_ =	shalt  }
0x79: {  	_ =	shalt  }
0x7a: {  	_ =	shalt  }
0x7b: {  	_ =	shalt  }
0x7c: {  	_ =	shalt  }
0x7d: {  	_ =	shalt  }
0x7e: {  	_ =	shalt  }
0x7f: {  	_ =	shalt  }
0x80: {  	_ =	shalt  }
0x81: {  	_ =	shalt  }
0x82: {  	_ =	shalt  }
0x83: {  	_ =	shalt  }
0x84: {  	_ =	shalt  }
0x85: {  	_ =	shalt  }
0x86: {  	_ =	shalt  }
0x87: {  	_ =	shalt  }
.Lfunc_end0:
.L_simem_size_0:
called_computation.2_lowered:
.L_overlay_start_0:
0x88: {  	s2 =	sld [smem:$0x3FD9]  }
0x89: {  	s3 =	sld [smem:$0x3FFE];
	_ =	sdelay $0x1  }
0x8a: {  	s1 =	srdreg.scid  }
0x8b: {  	s0 =	sand.u32 $0x1, s1  }
0x8c: {  	s16 =	sshll.u32 s0, $0xA;
	s2 =	sadd.s32 s3, s2  }
0x8d: {  	s2 =	sadd.s32 s2, s16  }
0x8e: {  	[smem:$0x3FBE] =	sst s2  }
0x8f: {  	_ = 	snop  }
0x90: {  	(tm) =	ssettm $0x1  }
0x91: {  	s17 =	sld [smem:$0x3FFB];
	_ =	sdelay $0x3  }
0x92: {  	_ =	strace s17  }
0x93: {  	s2 =	sld [smem:$0x3FFC];
	_ =	sdelay $0x3  }
0x94: {  	_ =	strace s2  }
0x95: {  	s2 =	sld [smem:$0x3FFD];
	_ =	sdelay $0x3  }
0x96: {  	_ =	strace s2  }
0x97: {  	_ =	strace $0x8FFFFFFF  }
0x98: {  	s18 =	sld [smem:$0x3FDB];
	_ =	sdelay $0x1  }
0x99: {  	s19 =	simm.s32 $_scs_section_size  }
0x9a: {  	s4 =	simm.s32 $_size__tile_overlayer_lowered;
	s5 =	simm.s32 $_tile_overlayer_lowered  }
0x9b: {  	s22 =	simm.s32 $0x1BFF;
	s21 =	sshll.u32 s5, $0x1;
	s2 =	sadd.s32 s19, s18  }
0x9c: {  	s6 =	simm.s32 $0x0;
	s20 =	sshll.u32 s4, $0x1;
	s4 =	sadd.s32 s21, s2  }
0x9d: {  	[timem:s6], [sflag:s22] =	dma.local [hbm:s4], s20  }
0x9e: {  	_ =	swait.ge [sflag:s22], s20  }
0x9f: {  	s3 =	ssub.s32 $0x0, s20;
	[sflag:s22] =	ssyncset.done $0x0  }
0xa0: {  	[sflag:s22] =	ssyncadd.s32 s3;
	_ =	sdelay $0x1  }
0xa1: {  	s23 =	simm.s32 $0x1B8B  }
0xa2: {  	_ =	swait.ge [sflag:s23], $0x1  }
0xa3: {  	[sflag:s23] =	ssyncset.done $0x0  }
0xa4: {  	s25 =	simm.s32 $0x1B8E;
	s24 =	sld [smem:$0x3FFE];
	[sflag:s23] =	ssyncadd.s32 $0xFFFFFFFF  }
0xa5: {  	s26 =	simm.s32 $execute0_lowered;
	[smem:$0x3FD2] =	sst s25  }
0xa6: {  	s4 =	sshll.u32 s26, $0x1;
	_ =	strace $0x8000004C;
	[dreg:$0x1] =	wrdreg $0xFFFFFFFF  }
0xa7: {  	s28 =	simm.s32 $_size_execute0_lowered;
	s2 =	sadd.s32 s2, s4;
	[dreg:$0x0] =	wrdreg $0x0  }
0xa8: {  	s4 =	sshll.u32 s28, $0x1;
	[dreg:$0x2] =	wrdreg s2  }
0xa9: {  	[dreg:$0x3] =	wrdreg s4  }
0xaa: {  	[dreg:$0x4] =	wrdreg $0xC0  }
0xab: {  	_ =	task [dreg:s6], $0x5FFFF  }
0xac: {  	[dreg:$0x1] =	wrdreg $0xFFFFFFFF  }
0xad: {  	[dreg:$0x0] =	wrdreg $0x60  }
0xae: {  	[dreg:$0x2] =	wrdreg s24  }
0xaf: {  	[dreg:$0x3] =	wrdreg $0x9  }
0xb0: {  	_ =	task.clear_ibuf [dreg:s6], $0x4FFFF;
	_ =	strace $0x9000004C  }
0xb1: {  	s29 =	simm.s32 $0x9;
	_ =	strace $0x8000004E  }
0xb2: {  	_ =	swait.ge [sflag:s29], $0x1  }
0xb3: {  	[sflag:s29] =	ssyncadd.s32 $0xFFFFFFFF  }
0xb4: {  	_ =	strace $0x9000004E  }
0xb5: {  	_ =	sfence  }
0xb6: {  	s30 =	sld [smem:$0x0];
	_ =	sdelay $0x2  }
0xb7: {  	s31 =	sshll.u32 s1, $0xD;
	s1 =	sshrl.u32 s1, $0x2  }
0xb8: {  	s3 =	sand.u32 $0x4000, s31;
	s1 =	sadd.s32 s1, s30  }
0xb9: {  	s0 =	sor.u32 s3, s0;
	s1 =	sshll.u32 s1, $0x11  }
0xba: {  	s0 =	sor.u32 s1, s0  }
0xbb: {  	s0 =	sadd.s32 $0x8F2B, s0  }
0xbc: {  	[sflag:s0] =	ssyncadd.remote.s32 $0x1  }
0xbd: {  	_ =	sfence.sel $0xFFFF  }
0xbe: {  	[dreg:$0x0] =	wrdreg $0xFFFFFFFF;
	(pc) =	sbr.abs _section_cstart, $3  }
0xbf: {  	[dreg:$0x1] =	wrdreg $0xFFFFFFFF  }
0xc0: {  	_ =	task.clear_ibuf [dreg:s6], $0x2FFFF;
	_ =	strace $0x9FFFFFFF  }
0xc1: {  	(tm) =	ssettm $0x7FFFFFFF  }
tec
execute0_lowered:
.L_overlay_start_1:
0x0: {  	(tag) =	ssettag $0x1  }
0x1: {  	s0 =	srdreg.scid  }
0x2: {  	s8 =	stileid.u32;
	s1 =	rddreg [dreg:$0x0]  }
0x3: {  	s2 =	simm.s32 $0x0;
	s14 =	simm.s32 $0x40;
	s22 =	simm.s32 $0x6800  }
0x4: {  	s28 =	simm.s32 $0x12800;
	s29 =	simm.s32 $0x2;
	s30 =	simm.s32 $0xA800  }
0x5: {  	s31 =	simm.s32 $0x14800;
	s17 =	simm.s32 $0x4;
	s19 =	simm.s32 $0x7  }
0x6: {  	s21 =	simm.s32 $0x5;
	s23 =	simm.s32 $0x8;
	s6 =	smul.u32 $0x5000, s8  }
0x7: {  	s0 =	sand.u32 $0x1, s0;
	s3 =	sshll.u32 s8, $0x1;
	s9 =	smul.u32 $0x50000, s8  }
0x8: {  	[smem:$0x7FF] =	sst s2;
	s3 =	sor.u32 s0, s3;
	s7 =	smul.u32 $0x2800, s0  }
0x9: {  	_ =	strace $0x8000004D;
	s24 =	ssub.s32 $0x2, s0;
	s0 =	smul.u32 $0x28000, s0  }
0xa: {  	s4 =	smul.u32 $0x2800, s3;
	s3 =	sadd.s32 $0x1395E00, s1;
	s25 =	sshrl.u32 s24, $0x1  }
0xb: {  	s6 =	sadd.s32 s7, s6;
	s9 =	sadd.s32 s0, s9;
	s0 =	simm.s32 $0x6  }
0xc: {  	s7 =	simm.s32 $0x0;
	s5 =	sshrl.u32 s4, $0x3;
	s4 =	sadd.s32 $0xEB3E00, s1  }
0xd: {  	s26 =	sshll.u32 s6, $0x4;
	s5 =	sadd.s32 s5, s1;
	s1 =	sadd.s32 $0x3E00, s1  }
.Ltmp0:
0xe: {  	s8 =	sor.u32 $0x2400, s26;
	s10 =	sor.u32 $0x1C00, s26;
	(pc) =	sbr.rel .LBB2_1-.Ltmp0, $4  }
0xf: {  	s11 =	sor.u32 $0x1400, s26;
	s12 =	sor.u32 $0xC00, s26;
	s26 =	simm.s32 $0x8800  }
0x10: {  	[dreg:$0x2] =	wrdreg s1;
	s1 =	ssub.s32 s24, s25;
	s5 =	sadd.s32 $0x9C7E00, s5  }
0x11: {  	s24 =	simm.s32 $0x10800;
	[dreg:$0x3] =	wrdreg s5;
	s1 =	smax.u32 s1, $0x1  }
0x12: {  	s25 =	simm.s32 $0x1;
	[dreg:$0x4] =	wrdreg s1;
	s1 =	simm.s32 $0x3  }
.LBB2_4:
0x13: {  	s5 =	simm.s32 $0x9  }
0x14: {  	_ =	swait.ge [sflag:s5], $0x2000  }
0x15: {  	[sflag:s5] =	ssyncset.done $0x0  }
0x16: {  	[sflag:s5] =	ssyncadd.s32 $0xFFFFE000  }
0x17: {  	_ =	swait.ge [sflag:s5], $0x2000  }
0x18: {  	[sflag:s5] =	ssyncset.done $0x0  }
0x19: {  	s6 =	simm.s32 $0xA;
	[sflag:s5] =	ssyncadd.s32 $0xFFFFE000  }
0x1a: {  	_ =	swait.ge [sflag:s6], $0x2000  }
0x1b: {  	[sflag:s6] =	ssyncset.done $0x0  }
0x1c: {  	[sflag:s6] =	ssyncadd.s32 $0xFFFFE000  }
0x1d: {  	_ =	swait.ge [sflag:s6], $0x2000  }
0x1e: {  	s7 =	rddreg [dreg:$0x5]  }
0x1f: {  	s20 =	rddreg [dreg:$0x4];
	s7 =	sadd.s32 $0x1, s7  }
0x20: {  	p0 =	sne.s32 s7, s20  }
.Ltmp1:
0x21: {  	_ = 	snop;
	(pc) =	sbr.rel @!p0 .LBB2_5-.Ltmp1, $3  }
0x22: {  	_ =	sdelay $0x1  }
0x23: {  	[sflag:s6] =	ssyncset.done $0x0  }
0x24: {  	[sflag:s6] =	ssyncadd.s32 $0xFFFFE000  }
.LBB2_1:
0x25: {  	[dreg:$0x5] =	wrdreg s7  }
0x26: {  	s5 =	rddreg [dreg:$0x3];
	s20 =	simm.s32 $0xB  }
0x27: {  	[tilespmem:s2], [sflag:$0xB] =	stream.linear.gather [hbm4b:s5+s2], $0x2800, $0x38;
	[tilespmem:$0x16800] =	vst v63  }
0x28: {  	_ =	swait.ge [sflag:s20], $0x2800  }
0x29: {  	[sflag:s20] =	ssyncset.done $0x0  }
0x2a: {  	s6 =	simm.s32 $0x2800;
	[sflag:s20] =	ssyncadd.s32 $0xFFFFD800  }
0x2b: {  	[tilespmem:s6], [sflag:$0x1] =	stream.indirect.gather [hbm4b:s3+s14], $0x80, s2, s14, $0xb8;
	[tilespmem:$0x16800] =	vst v63  }
0x2c: {  	s7 =	simm.s32 $0xC800  }
0x2d: {  	[tilespmem:s7], [sflag:$0x1] =	stream.indirect.gather [hbm4b:s4+s14], $0x80, s14, s14, $0xb8;
	[tilespmem:$0x16800] =	vst v63  }
0x2e: {  	s13 =	simm.s32 $0x80;
	s6 =	simm.s32 $0x4800  }
0x2f: {  	[tilespmem:s6], [sflag:$0x2] =	stream.indirect.gather [hbm4b:s3+s14], $0x80, s13, s14, $0xb8;
	[tilespmem:$0x16800] =	vst v63  }
0x30: {  	s15 =	simm.s32 $0xC0;
	s16 =	simm.s32 $0xE800  }
0x31: {  	[tilespmem:s16], [sflag:$0x2] =	stream.indirect.gather [hbm4b:s4+s14], $0x80, s15, s14, $0xb8;
	[tilespmem:$0x16800] =	vst v63  }
0x32: {  	s18 =	simm.s32 $0x100  }
0x33: {  	[tilespmem:s22], [sflag:$0x3] =	stream.indirect.gather [hbm4b:s3+s14], $0x80, s18, s14, $0xb8;
	[tilespmem:$0x16800] =	vst v63  }
0x34: {  	s5 =	simm.s32 $0x0;
	s20 =	simm.s32 $0x140;
	s13 =	rddreg [dreg:$0x2]  }
0x35: {  	[tilespmem:s24], [sflag:$0x3] =	stream.indirect.gather [hbm4b:s4+s14], $0x80, s20, s14, $0xb8;
	[tilespmem:$0x16800] =	vst v63  }
.LBB2_2:
0x36: {  	_ =	swait.ge [sflag:s25], $0x2000  }
0x37: {  	[sflag:s25] =	ssyncset.done $0x0  }
0x38: {  	[sflag:s25] =	ssyncadd.s32 $0xFFFFE000  }
0x39: {  	_ =	swait.ge [sflag:s25], $0x2000  }
0x3a: {  	[sflag:s25] =	ssyncset.done $0x0  }
0x3b: {  	s7 =	sadd.s32 s13, s9;
	s6 =	simm.s32 $0x2800;
	[sflag:s25] =	ssyncadd.s32 $0xFFFFE000  }
0x3c: {  	[hbm4b:s7+s2] =	stream.linear.scatter [tilespmem:s6], [sflag:$0x6], $0x2000, $0x38;
	[tilespmem:$0x16800] =	vst v63  }
0x3d: {  	s15 =	simm.s32 $0xC800;
	p0 =	seq.s32 s5, $0x0;
	s20 =	sadd.s32 $0x400, s7  }
0x3e: {  	[hbm4b:s20+s2] =	stream.linear.scatter [tilespmem:s15], [sflag:$0x6], $0x2000, $0x38;
	[tilespmem:$0x16800] =	vst v63  }
0x3f: {  	s15 =	simm.s32 @!p0 $0x9  }
0x40: {  	_ =	swait.ge @!p0 [sflag:s15], $0x2000  }
0x41: {  	[sflag:s15] =	ssyncset.done @!p0 $0x0  }
0x42: {  	[sflag:s15] =	ssyncadd.s32 @!p0 $0xFFFFE000  }
0x43: {  	_ =	swait.ge @!p0 [sflag:s15], $0x2000  }
0x44: {  	s6 =	sshra.s32 s5, $0x2;
	[sflag:s15] =	ssyncset.done @!p0 $0x0  }
0x45: {  	s16 =	sadd.s32 $0x180, s6;
	[sflag:s15] =	ssyncadd.s32 @!p0 $0xFFFFE000  }
0x46: {  	[tilespmem:s26], [sflag:$0x4] =	stream.indirect.gather [hbm4b:s3+s14], $0x80, s16, s14, $0xb8;
	[tilespmem:$0x16800] =	vst v63  }
0x47: {  	s18 =	sadd.s32 $0x1C0, s6  }
0x48: {  	[tilespmem:s28], [sflag:$0x4] =	stream.indirect.gather [hbm4b:s4+s14], $0x80, s18, s14, $0xb8;
	[tilespmem:$0x16800] =	vst v63  }
0x49: {  	_ =	swait.ge [sflag:s29], $0x2000  }
0x4a: {  	[sflag:s29] =	ssyncset.done $0x0  }
0x4b: {  	[sflag:s29] =	ssyncadd.s32 $0xFFFFE000  }
0x4c: {  	_ =	swait.ge [sflag:s29], $0x2000  }
0x4d: {  	[sflag:s29] =	ssyncset.done $0x0  }
0x4e: {  	s20 =	sadd.s32 $0x800, s7;
	s16 =	simm.s32 $0x4800;
	[sflag:s29] =	ssyncadd.s32 $0xFFFFE000  }
0x4f: {  	[hbm4b:s20+s2] =	stream.linear.scatter [tilespmem:s16], [sflag:$0x7], $0x2000, $0x38;
	[tilespmem:$0x16800] =	vst v63  }
0x50: {  	s15 =	simm.s32 @!p0 $0xA;
	s18 =	sadd.s32 s13, s12;
	s20 =	simm.s32 $0xE800  }
0x51: {  	[hbm4b:s18+s2] =	stream.linear.scatter [tilespmem:s20], [sflag:$0x7], $0x2000, $0x38;
	[tilespmem:$0x16800] =	vst v63  }
0x52: {  	_ =	swait.ge @!p0 [sflag:s15], $0x2000  }
0x53: {  	[sflag:s15] =	ssyncset.done @!p0 $0x0  }
0x54: {  	[sflag:s15] =	ssyncadd.s32 @!p0 $0xFFFFE000  }
0x55: {  	_ =	swait.ge @!p0 [sflag:s15], $0x2000  }
0x56: {  	[sflag:s15] =	ssyncset.done @!p0 $0x0  }
0x57: {  	s18 =	sadd.s32 $0x200, s6;
	[sflag:s15] =	ssyncadd.s32 @!p0 $0xFFFFE000  }
0x58: {  	[tilespmem:s30], [sflag:$0x5] =	stream.indirect.gather [hbm4b:s3+s14], $0x80, s18, s14, $0xb8;
	[tilespmem:$0x16800] =	vst v63  }
0x59: {  	s20 =	sadd.s32 $0x240, s6  }
0x5a: {  	[tilespmem:s31], [sflag:$0x5] =	stream.indirect.gather [hbm4b:s4+s14], $0x80, s20, s14, $0xb8;
	[tilespmem:$0x16800] =	vst v63  }
0x5b: {  	_ =	swait.ge [sflag:s1], $0x2000  }
0x5c: {  	[sflag:s1] =	ssyncset.done $0x0  }
0x5d: {  	[sflag:s1] =	ssyncadd.s32 $0xFFFFE000  }
0x5e: {  	_ =	swait.ge [sflag:s1], $0x2000  }
0x5f: {  	[sflag:s1] =	ssyncset.done $0x0  }
0x60: {  	s16 =	sadd.s32 $0x1000, s7;
	[sflag:s1] =	ssyncadd.s32 $0xFFFFE000  }
0x61: {  	[hbm4b:s16+s2] =	stream.linear.scatter [tilespmem:s22], [sflag:$0x8], $0x2000, $0x38;
	[tilespmem:$0x16800] =	vst v63  }
0x62: {  	s18 =	sadd.s32 s13, s11  }
0x63: {  	[hbm4b:s18+s2] =	stream.linear.scatter [tilespmem:s24], [sflag:$0x8], $0x2000, $0x38;
	[tilespmem:$0x16800] =	vst v63  }
0x64: {  	_ =	swait.ge [sflag:s0], $0x2000  }
0x65: {  	[sflag:s0] =	ssyncset.done $0x0  }
0x66: {  	[sflag:s0] =	ssyncadd.s32 $0xFFFFE000  }
0x67: {  	p0 =	seq.s32 s5, $0x9600;
	_ =	swait.ge [sflag:s0], $0x2000  }
0x68: {  	s15 =	sshra.s32 @!p0 s5, $0x2;
	s20 =	simm.s32 @!p0 $0x2800;
	[sflag:s0] =	ssyncset.done $0x0  }
0x69: {  	s16 =	sadd.s32 @!p0 $0x280, s15;
	s18 =	simm.s32 @!p0 $0x40;
	[sflag:s0] =	ssyncadd.s32 $0xFFFFE000  }
0x6a: {  	[tilespmem:s20], [sflag:$0x1] =	stream.indirect.gather @!p0 [hbm4b:s3+s18], $0x80, s16, s18, $0xb8;
	[tilespmem:$0x16800] =	vst v63  }
0x6b: {  	s16 =	sadd.s32 @!p0 $0x2C0, s15;
	s20 =	simm.s32 @!p0 $0xC800  }
0x6c: {  	[tilespmem:s20], [sflag:$0x1] =	stream.indirect.gather @!p0 [hbm4b:s4+s18], $0x80, s16, s18, $0xb8;
	[tilespmem:$0x16800] =	vst v63  }
0x6d: {  	_ =	swait.ge [sflag:s17], $0x2000  }
0x6e: {  	[sflag:s17] =	ssyncset.done $0x0  }
0x6f: {  	[sflag:s17] =	ssyncadd.s32 $0xFFFFE000  }
0x70: {  	_ =	swait.ge [sflag:s17], $0x2000  }
0x71: {  	[sflag:s17] =	ssyncset.done $0x0  }
0x72: {  	s20 =	sadd.s32 $0x1800, s7;
	[sflag:s17] =	ssyncadd.s32 $0xFFFFE000  }
0x73: {  	[hbm4b:s20+s2] =	stream.linear.scatter [tilespmem:s26], [sflag:$0x9], $0x2000, $0x38;
	[tilespmem:$0x16800] =	vst v63  }
0x74: {  	s20 =	sadd.s32 s13, s10  }
0x75: {  	[hbm4b:s20+s2] =	stream.linear.scatter [tilespmem:s28], [sflag:$0x9], $0x2000, $0x38;
	[tilespmem:$0x16800] =	vst v63  }
0x76: {  	_ =	swait.ge [sflag:s19], $0x2000  }
0x77: {  	[sflag:s19] =	ssyncset.done $0x0  }
0x78: {  	[sflag:s19] =	ssyncadd.s32 $0xFFFFE000  }
0x79: {  	_ =	swait.ge [sflag:s19], $0x2000  }
0x7a: {  	[sflag:s19] =	ssyncset.done $0x0  }
0x7b: {  	s16 =	sadd.s32 @!p0 $0x300, s15;
	s20 =	simm.s32 @!p0 $0x4800;
	[sflag:s19] =	ssyncadd.s32 $0xFFFFE000  }
0x7c: {  	[tilespmem:s20], [sflag:$0x2] =	stream.indirect.gather @!p0 [hbm4b:s3+s18], $0x80, s16, s18, $0xb8;
	[tilespmem:$0x16800] =	vst v63  }
0x7d: {  	s15 =	sadd.s32 @!p0 $0x340, s15;
	s16 =	simm.s32 @!p0 $0xE800  }
0x7e: {  	[tilespmem:s16], [sflag:$0x2] =	stream.indirect.gather @!p0 [hbm4b:s4+s18], $0x80, s15, s18, $0xb8;
	[tilespmem:$0x16800] =	vst v63  }
0x7f: {  	_ =	swait.ge [sflag:s21], $0x2000  }
0x80: {  	[sflag:s21] =	ssyncset.done $0x0  }
0x81: {  	[sflag:s21] =	ssyncadd.s32 $0xFFFFE000  }
0x82: {  	_ =	swait.ge [sflag:s21], $0x2000  }
0x83: {  	[sflag:s21] =	ssyncset.done $0x0  }
0x84: {  	s7 =	sadd.s32 $0x2000, s7;
	[sflag:s21] =	ssyncadd.s32 $0xFFFFE000  }
0x85: {  	[hbm4b:s7+s2] =	stream.linear.scatter [tilespmem:s30], [sflag:$0xA], $0x2000, $0x38;
	[tilespmem:$0x16800] =	vst v63  }
0x86: {  	s20 =	sadd.s32 s13, s8  }
0x87: {  	[hbm4b:s20+s2] =	stream.linear.scatter [tilespmem:s31], [sflag:$0xA], $0x2000, $0x38;
	[tilespmem:$0x16800] =	vst v63  }
0x88: {  	_ =	swait.ge [sflag:s23], $0x2000  }
.Ltmp2:
0x89: {  	[sflag:s23] =	ssyncset.done $0x0;
	(pc) =	sbr.rel @p0 .LBB2_4-.Ltmp2, $4  }
0x8a: {  	[sflag:s23] =	ssyncadd.s32 $0xFFFFE000  }
0x8b: {  	_ =	swait.ge [sflag:s23], $0x2000  }
0x8c: {  	[sflag:s23] =	ssyncset.done $0x0  }
0x8d: {  	[sflag:s23] =	ssyncadd.s32 $0xFFFFE000  }
.Ltmp3:
0x8e: {  	(pc) =	sbr.rel .LBB2_2-.Ltmp3, $4  }
0x8f: {  	s7 =	sadd.s32 $0x380, s6  }
0x90: {  	[tilespmem:s22], [sflag:$0x3] =	stream.indirect.gather [hbm4b:s3+s14], $0x80, s7, s14, $0xb8;
	[tilespmem:$0x16800] =	vst v63  }
0x91: {  	s20 =	sadd.s32 $0x3C0, s6;
	s5 =	sadd.s32 $0xA00, s5;
	s13 =	sadd.s32 $0x2800, s13  }
0x92: {  	[tilespmem:s24], [sflag:$0x3] =	stream.indirect.gather [hbm4b:s4+s14], $0x80, s20, s14, $0xb8;
	[tilespmem:$0x16800] =	vst v63  }
.LBB2_5:
0x93: {  	_ =	sfence.sel $0x180000  }
0x94: {  	[bflag:$0x0] =	sbarrier.arrive $0xFFFF  }
0x95: {  	_ =	strace $0x9000004D  }
0x96: {  	s0 =	stileid.u32;
	[bflag:$0x2] =	sbarrier.arrive $0xFFFF  }
0x97: {  	p0 =	sne.s32 s0, $0x0;
	s0 =	rddreg [dreg:$0x1]  }
0x98: {  	s0 =	sadd.s32 @!p0 $0x100000, s0  }
0x99: {  	[sflag:s0] =	ssyncadd.tile.s32 @!p0 $0x1;
	_ =	shalt  }
.Lfunc_end2:
_tile_overlayer_lowered:
.L_overlay_start_2:
0x9a: {  	(tag) =	ssettag $0x2  }
0x9b: {  	s0 =	rddreg [dreg:$0x0];
	s2 =	stileid.u32  }
0x9c: {  	s1 =	rddreg [dreg:$0x1];
	p0 =	sne.s32 s2, $0x0  }
0x9d: {  	s3 =	rddreg [dreg:$0x2];
	[bflag:$0x3] =	sbarrier.arrive $0xFFFF;
	s2 =	simm.s32 @!p0 $0x1C0B  }
0x9e: {  	[timem:s3], [sflag:s2] =	dma.local @!p0 [hbm:s0], s1  }
0x9f: {  	s0 =	simm.s32 @!p0 $0xB  }
0xa0: {  	_ =	swait.ge @!p0 [sflag:s0], s1  }
0xa1: {  	s1 =	ssub.s32 @!p0 $0x0, s1;
	[sflag:s0] =	ssyncset.done @!p0 $0x0  }
0xa2: {  	[sflag:s0] =	ssyncadd.s32 @!p0 s1  }
0xa3: {  	[bflag:$0x3] =	sbarrier.arrive $0xFFFF  }
0xa4: {  	_ =	shalt  }

// kernel: kernel.23.cloned.1.call-start
scs
__scs_entry_jumppad:
0x0: {  	(pc) =	sbr.rel $0x88, $3  }
0x1: {  	(tag) =	ssettag $0x0;
	lr =	simm.s32 $0x1  }
0x2: {  	[smem:$0x3F97] =	sst lr;
	_ =	strace $0xD0000000  }
0x3: {  	_ = 	snop  }
0x4: {  	_ = 	snop  }
0x5: {  	_ = 	snop  }
0x6: {  	_ = 	snop  }
0x7: {  	_ = 	snop  }
__scs_overlays_trampoline_lowered:
0x8: {  	[smem:$0x3FA6] =	sst s0  }
0x9: {  	[smem:$0x3FA7] =	sst s1  }
0xa: {  	[smem:$0x3FA8] =	sst s2  }
0xb: {  	[smem:$0x3FA9] =	sst s3  }
0xc: {  	[smem:$0x3FAA] =	sst s4  }
0xd: {  	[smem:$0x3FAB] =	sst s5  }
0xe: {  	[smem:$0x3FAC] =	sst s6  }
0xf: {  	[smem:$0x3FAD] =	sst s7  }
0x10: {  	[smem:$0x3FAE] =	sst s8  }
0x11: {  	[smem:$0x3FAF] =	sst s9;
	s0 =	simm.s32 @!p0 $0x0  }
0x12: {  	s1 =	sld [smem:$0x3F95];
	s0 =	simm.s32 @p0 $0x1  }
0x13: {  	[smem:$0x3FB0] =	sst s0;
	s0 =	simm.s32 @!p1 $0x0  }
0x14: {  	s2 =	sld [smem:$0x3F94];
	s0 =	simm.s32 @p1 $0x1  }
0x15: {  	[smem:$0x3FB1] =	sst s0;
	s0 =	simm.s32 @!p2 $0x0  }
0x16: {  	s3 =	sld [smem:$0x3FDB];
	s0 =	simm.s32 @p2 $0x1  }
0x17: {  	s4 =	simm.s32 $0x1BF5;
	[smem:$0x3FB3] =	sst s0  }
0x18: {  	s0 =	sld [smem:$0x3F96];
	_ =	swait.ge [sflag:s4], $0x0  }
0x19: {  	s7 =	sld [smem:$0x3F97]  }
0x1a: {  	s8 =	sadd.s32 $0xFFFFE003, lr  }
0x1b: {  	s9 =	sadd.s32 $0xFFFFFEF7, lr;
	s5 =	simm.s32 $0xFFFFFFFF;
	p2 =	slt.u32 s8, $0xFFFFF086  }
0x1c: {  	p1 =	slt.u32 s9, $0xF7A;
	s5 =	simm.s32 @!p2 $0x0  }
0x1d: {  	s5 =	simm.s32 @p1 $0x1;
	p0 =	seq.s32 s7, s2  }
0x1e: {  	s7 =	smul.u32 @!p0 $0xF7A, s2;
	p2 =	seq.s32 @!p0 s5, $0x0  }
0x1f: {  	s9 =	smul.u32 $0xF7A, s1;
	s8 =	simm.s32 @!p0 $0x1BF5;
	p2 =	por !p2, p0  }
0x20: {  	[sflag:s8] =	ssyncset.s32 @!p0 $0xFFFFF086;
	s6 =	sadd.s32 @!p0 s3, s7;
	s7 =	simm.s32 @!p0 $0x108  }
0x21: {  	s3 =	sadd.s32 s3, s9;
	s6 =	sadd.s32 @!p0 $0x88, s6;
	s7 =	simm.s32 @p2 $0x1082  }
0x22: {  	[simem:s7], [sflag:s8] =	dma.local @!p0 [hbm:s6], $0xF7A  }
0x23: {  	s9 =	sor.u32 $0xD0000000, s2;
	s6 =	simm.s32 $0x108;
	_ =	swait.ge @!p0 [sflag:s8], $0x0  }
0x24: {  	s3 =	sadd.s32 $0x88, s3;
	s6 =	simm.s32 @!p1 $0x1082;
	[sflag:s4] =	ssyncset.s32 $0xFFFFF086  }
0x25: {  	[simem:s6], [sflag:s4] =	dma.local [hbm:s3], $0xF7A  }
0x26: {  	[smem:$0x3F97] =	sst s1;
	(tag) =	ssettag s2;
	_ =	strace s9  }
0x27: {  	s1 =	sld [smem:$0x3FA7]  }
0x28: {  	s2 =	sld [smem:$0x3FA8]  }
0x29: {  	s4 =	sld [smem:$0x3FAA]  }
0x2a: {  	p0 =	seq.s32 s5, $0x0;
	s5 =	sld [smem:$0x3FAB]  }
0x2b: {  	s6 =	sld [smem:$0x3FAC]  }
0x2c: {  	s7 =	sld [smem:$0x3FAD]  }
0x2d: {  	s3 =	simm.s32 $0x108;
	s8 =	sld [smem:$0x3FAE]  }
0x2e: {  	s3 =	simm.s32 @!p0 $0x1082;
	s9 =	sld [smem:$0x3FAF]  }
0x2f: {  	lr =	sadd.s32 s0, s3;
	s0 =	sld [smem:$0x3FA6]  }
0x30: {  	s3 =	sld [smem:$0x3FA9]  }
0x31: {  	[smem:$0x3FB2] =	sst s10  }
0x32: {  	s10 =	sld [smem:$0x3FB0];
	_ =	sdelay $0x3  }
0x33: {  	p0 =	seq.s32 s10, $0x1;
	s10 =	sld [smem:$0x3FB2];
	_ =	sdelay $0x3  }
0x34: {  	[smem:$0x3FB2] =	sst s10  }
0x35: {  	s10 =	sld [smem:$0x3FB1];
	_ =	sdelay $0x3  }
0x36: {  	p1 =	seq.s32 s10, $0x1;
	s10 =	sld [smem:$0x3FB2];
	_ =	sdelay $0x3  }
0x37: {  	[smem:$0x3FB2] =	sst s10  }
0x38: {  	s10 =	sld [smem:$0x3FB3]  }
0x39: {  	_ = 	snop;
	(pc) =	sbr.ind lr, $3  }
0x3a: {  	_ = 	snop  }
0x3b: {  	_ = 	snop  }
0x3c: {  	p2 =	seq.s32 s10, $0x1;
	s10 =	sld [smem:$0x3FB2]  }
0x3d: {  	_ =	shalt  }
0x3e: {  	_ =	shalt  }
0x3f: {  	_ =	shalt  }
0x40: {  	_ =	shalt  }
0x41: {  	_ =	shalt  }
0x42: {  	_ =	shalt  }
0x43: {  	_ =	shalt  }
0x44: {  	_ =	shalt  }
0x45: {  	_ =	shalt  }
0x46: {  	_ =	shalt  }
0x47: {  	_ =	shalt  }
0x48: {  	_ =	shalt  }
0x49: {  	_ =	shalt  }
0x4a: {  	_ =	shalt  }
0x4b: {  	_ =	shalt  }
0x4c: {  	_ =	shalt  }
0x4d: {  	_ =	shalt  }
0x4e: {  	_ =	shalt  }
0x4f: {  	_ =	shalt  }
0x50: {  	_ =	shalt  }
0x51: {  	_ =	shalt  }
0x52: {  	_ =	shalt  }
0x53: {  	_ =	shalt  }
0x54: {  	_ =	shalt  }
0x55: {  	_ =	shalt  }
0x56: {  	_ =	shalt  }
0x57: {  	_ =	shalt  }
0x58: {  	_ =	shalt  }
0x59: {  	_ =	shalt  }
0x5a: {  	_ =	shalt  }
0x5b: {  	_ =	shalt  }
0x5c: {  	_ =	shalt  }
0x5d: {  	_ =	shalt  }
0x5e: {  	_ =	shalt  }
0x5f: {  	_ =	shalt  }
0x60: {  	_ =	shalt  }
0x61: {  	_ =	shalt  }
0x62: {  	_ =	shalt  }
0x63: {  	_ =	shalt  }
0x64: {  	_ =	shalt  }
0x65: {  	_ =	shalt  }
0x66: {  	_ =	shalt  }
0x67: {  	_ =	shalt  }
0x68: {  	_ =	shalt  }
0x69: {  	_ =	shalt  }
0x6a: {  	_ =	shalt  }
0x6b: {  	_ =	shalt  }
0x6c: {  	_ =	shalt  }
0x6d: {  	_ =	shalt  }
0x6e: {  	_ =	shalt  }
0x6f: {  	_ =	shalt  }
0x70: {  	_ =	shalt  }
0x71: {  	_ =	shalt  }
0x72: {  	_ =	shalt  }
0x73: {  	_ =	shalt  }
0x74: {  	_ =	shalt  }
0x75: {  	_ =	shalt  }
0x76: {  	_ =	shalt  }
0x77: {  	_ =	shalt  }
0x78: {  	_ =	shalt  }
0x79: {  	_ =	shalt  }
0x7a: {  	_ =	shalt  }
0x7b: {  	_ =	shalt  }
0x7c: {  	_ =	shalt  }
0x7d: {  	_ =	shalt  }
0x7e: {  	_ =	shalt  }
0x7f: {  	_ =	shalt  }
0x80: {  	_ =	shalt  }
0x81: {  	_ =	shalt  }
0x82: {  	_ =	shalt  }
0x83: {  	_ =	shalt  }
0x84: {  	_ =	shalt  }
0x85: {  	_ =	shalt  }
0x86: {  	_ =	shalt  }
0x87: {  	_ =	shalt  }
.Lfunc_end0:
.L_simem_size_0:
called_computation.3_lowered:
.L_overlay_start_0:
0x88: {  	s2 =	sld [smem:$0x3FD9]  }
0x89: {  	s3 =	sld [smem:$0x3FFE];
	_ =	sdelay $0x1  }
0x8a: {  	s1 =	srdreg.scid  }
0x8b: {  	s0 =	sand.u32 $0x1, s1  }
0x8c: {  	s17 =	sshll.u32 s0, $0xA;
	s2 =	sadd.s32 s3, s2  }
0x8d: {  	s2 =	sadd.s32 s2, s17  }
0x8e: {  	[smem:$0x3FBE] =	sst s2  }
0x8f: {  	_ = 	snop  }
0x90: {  	s2 =	sld [smem:$0x3FC6]  }
0x91: {  	s18 =	sld [smem:$0x3FC5];
	(tm) =	ssettm $0x1  }
0x92: {  	s4 =	sld [smem:$0x3FFB];
	_ =	sdelay $0x3  }
0x93: {  	_ =	strace s4  }
0x94: {  	s4 =	sld [smem:$0x3FFC];
	_ =	sdelay $0x3  }
0x95: {  	_ =	strace s4  }
0x96: {  	s4 =	sld [smem:$0x3FFD];
	_ =	sdelay $0x3  }
0x97: {  	_ =	strace s4  }
0x98: {  	_ =	strace $0x8FFFFFFF  }
0x99: {  	s19 =	sld [smem:$0x3FDB];
	_ =	sdelay $0x1  }
0x9a: {  	s5 =	simm.s32 $_scs_section_size  }
0x9b: {  	s6 =	simm.s32 $_size__tile_overlayer_lowered;
	s7 =	simm.s32 $_tile_overlayer_lowered  }
0x9c: {  	s22 =	simm.s32 $0x1BFF;
	s21 =	sshll.u32 s7, $0x1;
	s4 =	sadd.s32 s5, s19  }
0x9d: {  	s8 =	simm.s32 $0x0;
	s20 =	sshll.u32 s6, $0x1;
	s6 =	sadd.s32 s21, s4  }
0x9e: {  	[timem:s8], [sflag:s22] =	dma.local [hbm:s6], s20  }
0x9f: {  	_ =	swait.ge [sflag:s22], s20  }
0xa0: {  	s5 =	ssub.s32 $0x0, s20;
	[sflag:s22] =	ssyncset.done $0x0  }
0xa1: {  	[sflag:s22] =	ssyncadd.s32 s5;
	_ =	sdelay $0x1  }
0xa2: {  	s23 =	simm.s32 $0x1B8B  }
0xa3: {  	_ =	swait.ge [sflag:s23], $0x1  }
0xa4: {  	[sflag:s23] =	ssyncset.done $0x0  }
0xa5: {  	s25 =	simm.s32 $0x1B8E;
	s24 =	sld [smem:$0x3FFE];
	[sflag:s23] =	ssyncadd.s32 $0xFFFFFFFF  }
0xa6: {  	s26 =	simm.s32 $execute0_lowered;
	[smem:$0x3FD2] =	sst s25  }
0xa7: {  	s6 =	sshll.u32 s26, $0x1;
	_ =	strace $0x8000004F;
	[dreg:$0x1] =	wrdreg $0xFFFFFFFF  }
0xa8: {  	s28 =	simm.s32 $_size_execute0_lowered;
	s4 =	sadd.s32 s4, s6;
	[dreg:$0x0] =	wrdreg $0x0  }
0xa9: {  	s6 =	sshll.u32 s28, $0x1;
	[dreg:$0x2] =	wrdreg s4  }
0xaa: {  	[dreg:$0x3] =	wrdreg s6  }
0xab: {  	[dreg:$0x4] =	wrdreg $0xC0  }
0xac: {  	_ =	task [dreg:s8], $0x5FFFF  }
0xad: {  	[dreg:$0x1] =	wrdreg $0xFFFFFFFF  }
0xae: {  	[dreg:$0x0] =	wrdreg $0x60  }
0xaf: {  	[dreg:$0x2] =	wrdreg s24  }
0xb0: {  	[dreg:$0x3] =	wrdreg s2  }
0xb1: {  	[dreg:$0x4] =	wrdreg s18  }
0xb2: {  	[dreg:$0x5] =	wrdreg $0x9  }
0xb3: {  	_ =	task.clear_ibuf [dreg:s8], $0x6FFFF;
	_ =	strace $0x9000004F  }
0xb4: {  	s29 =	simm.s32 $0x9;
	_ =	strace $0x80000051  }
0xb5: {  	_ =	swait.ge [sflag:s29], $0x1  }
0xb6: {  	[sflag:s29] =	ssyncadd.s32 $0xFFFFFFFF  }
0xb7: {  	_ =	strace $0x90000051  }
0xb8: {  	_ =	sfence  }
0xb9: {  	s30 =	sld [smem:$0x0];
	_ =	sdelay $0x2  }
0xba: {  	s31 =	sshll.u32 s1, $0xD;
	s1 =	sshrl.u32 s1, $0x2  }
0xbb: {  	s3 =	sand.u32 $0x4000, s31;
	s1 =	sadd.s32 s1, s30  }
0xbc: {  	s0 =	sor.u32 s3, s0;
	s1 =	sshll.u32 s1, $0x11  }
0xbd: {  	s0 =	sor.u32 s1, s0  }
0xbe: {  	s0 =	sadd.s32 $0x8F2B, s0  }
0xbf: {  	[sflag:s0] =	ssyncadd.remote.s32 $0x1  }
0xc0: {  	_ =	sfence.sel $0xFFFF  }
0xc1: {  	[dreg:$0x0] =	wrdreg $0xFFFFFFFF;
	(pc) =	sbr.abs _section_cstart, $3  }
0xc2: {  	[dreg:$0x1] =	wrdreg $0xFFFFFFFF  }
0xc3: {  	_ =	task.clear_ibuf [dreg:s8], $0x2FFFF;
	_ =	strace $0x9FFFFFFF  }
0xc4: {  	(tm) =	ssettm $0x7FFFFFFF  }
0xc5: {  	_ =	shalt  }
tec
execute0_lowered:
.L_overlay_start_1:
0x0: {  	(tag) =	ssettag $0x1  }
0x1: {  	s0 =	rddreg [dreg:$0x0]  }
0x2: {  	s1 =	rddreg [dreg:$0x1]  }
0x3: {  	s5 =	rddreg [dreg:$0x2]  }
0x4: {  	s2 =	simm.s32 $0x0;
	s3 =	srdreg.scid;
	s12 =	stileid.u32  }
0x5: {  	s28 =	simm.s32 $0x8F00;
	s29 =	simm.s32 $0x10F00;
	s30 =	simm.s32 $0x2  }
0x6: {  	s31 =	simm.s32 $0xAF00;
	[smem:$0x7FF] =	sst s2;
	s14 =	smul.u32 $0x271000, s12  }
0x7: {  	s6 =	sand.u32 $0x1, s3;
	s3 =	sadd.s32 $0x3E00, s0;
	s17 =	smul.u32 $0x4E200, s12  }
0x8: {  	s7 =	sshll.u32 s12, $0x1;
	s4 =	sadd.s32 $0x1395E00, s0;
	s16 =	smul.u32 $0x138800, s6  }
0x9: {  	s7 =	sor.u32 s6, s7;
	s9 =	ssub.s32 $0x2, s6;
	s6 =	smul.u32 $0x27100, s6  }
0xa: {  	s8 =	sadd.s32 $0x2BE00, s0;
	s0 =	sadd.s32 $0x9D1E00, s0;
	s10 =	smul.u32 $0x2710, s7  }
0xb: {  	_ =	strace $0x80000050;
	s11 =	sshrl.u32 s9, $0x1;
	s7 =	smul.u32 $0x138800, s7  }
0xc: {  	s20 =	sadd.s32 s17, s8;
	s22 =	sadd.s32 s17, s0;
	s9 =	ssub.s32 s9, s11  }
0xd: {  	s21 =	sadd.s32 s6, s20;
	s20 =	simm.s32 $0x40;
	s10 =	sshrl.u32 s10, $0x3  }
0xe: {  	s15 =	sshrl.u32 s7, $0x3;
	s7 =	sadd.s32 s16, s14;
	s9 =	smax.u32 s9, $0x1  }
0xf: {  	s12 =	sadd.s32 $0x400, s21;
	s21 =	simm.s32 $0x4F00;
	s1 =	sadd.s32 s1, s10  }
0x10: {  	s5 =	sadd.s32 s5, s10;
	s19 =	sshrl.u32 s7, $0x3;
	[dreg:$0x8] =	wrdreg s9  }
0x11: {  	s23 =	sadd.s32 $0x6000, s7;
	s24 =	sadd.s32 $0x4000, s7;
	[dreg:$0x4] =	wrdreg s1  }
0x12: {  	[dreg:$0x5] =	wrdreg s5;
	s1 =	sadd.s32 $0x26D00, s15;
	s10 =	sadd.s32 s19, s0  }
0x13: {  	s11 =	sadd.s32 s19, s8;
	s25 =	sshrl.u32 s23, $0x3;
	s26 =	sshrl.u32 s24, $0x3  }
0x14: {  	s23 =	simm.s32 $0x6F00;
	s24 =	simm.s32 $0x5;
	s5 =	simm.s32 $0x4  }
0x15: {  	s18 =	sadd.s32 s8, s1;
	s1 =	sadd.s32 s0, s1;
	s14 =	sadd.s32 s25, s0  }
.Ltmp0:
0x16: {  	s15 =	sadd.s32 s25, s8;
	s16 =	sadd.s32 s26, s0;
	(pc) =	sbr.rel .LBB2_1-.Ltmp0, $4  }
0x17: {  	s17 =	sadd.s32 s26, s8;
	s25 =	simm.s32 $0xEF00;
	s26 =	simm.s32 $0x1  }
0x18: {  	s0 =	simm.s32 $0x12F00;
	s8 =	simm.s32 $0x0;
	[dreg:$0x6] =	wrdreg s18  }
0x19: {  	[dreg:$0x7] =	wrdreg s1;
	s1 =	sadd.s32 s6, s22;
	s22 =	simm.s32 $0xCF00  }
0x1a: {  	s6 =	simm.s32 $0x6;
	s13 =	sadd.s32 $0x400, s1;
	s1 =	simm.s32 $0x3  }
.LBB2_4:
0x1b: {  	s7 =	simm.s32 $0x7  }
0x1c: {  	_ =	swait.ge [sflag:s7], $0x2000  }
0x1d: {  	[sflag:s7] =	ssyncset.done $0x0  }
0x1e: {  	[sflag:s7] =	ssyncadd.s32 $0xFFFFE000  }
0x1f: {  	_ =	swait.ge [sflag:s7], $0x2000  }
0x20: {  	[sflag:s7] =	ssyncset.done $0x0  }
0x21: {  	s21 =	simm.s32 $0x8;
	[sflag:s7] =	ssyncadd.s32 $0xFFFFE000  }
0x22: {  	_ =	swait.ge [sflag:s21], $0x2000  }
0x23: {  	[sflag:s21] =	ssyncset.done $0x0  }
0x24: {  	[sflag:s21] =	ssyncadd.s32 $0xFFFFE000  }
0x25: {  	_ =	swait.ge [sflag:s21], $0x2000  }
0x26: {  	[sflag:s21] =	ssyncset.done $0x0  }
0x27: {  	s22 =	simm.s32 $0x26D0;
	[sflag:s21] =	ssyncadd.s32 $0xFFFFE000;
	s21 =	simm.s32 $0x4F00  }
0x28: {  	[tilespmem:s21], [sflag:$0x1] =	stream.indirect.gather [hbm4b:s3+s20], $0x80, s22, s20, $0xb8;
	[tilespmem:$0x14F00] =	vst v63  }
0x29: {  	s8 =	simm.s32 $0x4E50;
	s22 =	simm.s32 $0xCF00  }
0x2a: {  	[tilespmem:s22], [sflag:$0x1] =	stream.indirect.gather [hbm4b:s4+s20], $0x80, s8, s20, $0xb8;
	[tilespmem:$0x14F00] =	vst v63  }
0x2b: {  	_ =	swait.ge [sflag:s26], $0x2000  }
0x2c: {  	[sflag:s26] =	ssyncset.done $0x0  }
0x2d: {  	[sflag:s26] =	ssyncadd.s32 $0xFFFFE000  }
0x2e: {  	_ =	swait.ge [sflag:s26], $0x2000  }
0x2f: {  	[sflag:s26] =	ssyncset.done $0x0  }
0x30: {  	s9 =	rddreg [dreg:$0x6];
	[sflag:s26] =	ssyncadd.s32 $0xFFFFE000  }
0x31: {  	[hbm4b:s9+s2] =	stream.linear.scatter [tilespmem:s21], [sflag:$0x5], $0x2000, $0x38;
	[tilespmem:$0x14F00] =	vst v63  }
0x32: {  	s18 =	rddreg [dreg:$0x7]  }
0x33: {  	[hbm4b:s18+s2] =	stream.linear.scatter [tilespmem:s22], [sflag:$0x5], $0x2000, $0x38;
	[tilespmem:$0x14F00] =	vst v63  }
0x34: {  	_ =	swait.ge [sflag:s24], $0x2000  }
0x35: {  	[sflag:s24] =	ssyncset.done $0x0  }
0x36: {  	[sflag:s24] =	ssyncadd.s32 $0xFFFFE000  }
0x37: {  	_ =	swait.ge [sflag:s24], $0x2000  }
0x38: {  	s8 =	rddreg [dreg:$0x9]  }
0x39: {  	s19 =	rddreg [dreg:$0x8];
	s8 =	sadd.s32 $0x1, s8  }
0x3a: {  	p0 =	sne.s32 s8, s19  }
.Ltmp1:
0x3b: {  	_ = 	snop;
	(pc) =	sbr.rel @!p0 .LBB2_5-.Ltmp1, $3  }
0x3c: {  	_ =	sdelay $0x1  }
0x3d: {  	[sflag:s24] =	ssyncset.done $0x0  }
0x3e: {  	[sflag:s24] =	ssyncadd.s32 $0xFFFFE000  }
.LBB2_1:
0x3f: {  	[dreg:$0x9] =	wrdreg s8  }
0x40: {  	s7 =	rddreg [dreg:$0x4];
	s19 =	simm.s32 $0x9  }
0x41: {  	[tilespmem:s2], [sflag:$0x9] =	stream.linear.gather [hbm4b:s7+s2], $0x2710, $0x38;
	[tilespmem:$0x14F00] =	vst v63  }
0x42: {  	_ =	swait.ge [sflag:s19], $0x2710  }
0x43: {  	[sflag:s19] =	ssyncset.done $0x0  }
0x44: {  	s9 =	simm.s32 $0x2780;
	s18 =	rddreg [dreg:$0x5];
	[sflag:s19] =	ssyncadd.s32 $0xFFFFD8F0  }
0x45: {  	[tilespmem:s9], [sflag:$0x9] =	stream.linear.gather [hbm4b:s18+s2], $0x2710, $0x38;
	[tilespmem:$0x14F00] =	vst v63  }
0x46: {  	_ =	swait.ge [sflag:s19], $0x2710  }
0x47: {  	[sflag:s19] =	ssyncset.done $0x0  }
0x48: {  	[sflag:s19] =	ssyncadd.s32 $0xFFFFD8F0  }
0x49: {  	[tilespmem:s21], [sflag:$0x1] =	stream.indirect.gather [hbm4b:s3+s20], $0x80, s2, s20, $0xb8;
	[tilespmem:$0x14F00] =	vst v63  }
0x4a: {  	_ = 	snop  }
0x4b: {  	[tilespmem:s22], [sflag:$0x1] =	stream.indirect.gather [hbm4b:s4+s20], $0x80, s9, s20, $0xb8;
	[tilespmem:$0x14F00] =	vst v63  }
0x4c: {  	_ = 	snop  }
0x4d: {  	[tilespmem:s23], [sflag:$0x2] =	stream.indirect.gather [hbm4b:s3+s20], $0x80, s20, s20, $0xb8;
	[tilespmem:$0x14F00] =	vst v63  }
0x4e: {  	s19 =	simm.s32 $0x27C0  }
0x4f: {  	[tilespmem:s25], [sflag:$0x2] =	stream.indirect.gather [hbm4b:s4+s20], $0x80, s19, s20, $0xb8;
	[tilespmem:$0x14F00] =	vst v63  }
0x50: {  	s18 =	simm.s32 $0x0;
	s19 =	simm.s32 $0x0  }
.LBB2_2:
0x51: {  	_ =	swait.ge [sflag:s26], $0x2000  }
0x52: {  	[sflag:s26] =	ssyncset.done $0x0  }
0x53: {  	[sflag:s26] =	ssyncadd.s32 $0xFFFFE000  }
0x54: {  	_ =	swait.ge [sflag:s26], $0x2000  }
0x55: {  	[sflag:s26] =	ssyncset.done $0x0  }
0x56: {  	s7 =	sadd.s32 s18, s11;
	p0 =	seq.s32 s18, $0x0;
	[sflag:s26] =	ssyncadd.s32 $0xFFFFE000  }
0x57: {  	[hbm4b:s7+s2] =	stream.linear.scatter [tilespmem:s21], [sflag:$0x5], $0x2000, $0x38;
	[tilespmem:$0x14F00] =	vst v63  }
0x58: {  	s8 =	simm.s32 @!p0 $0x7;
	s21 =	sadd.s32 s18, s10  }
0x59: {  	[hbm4b:s21+s2] =	stream.linear.scatter [tilespmem:s22], [sflag:$0x5], $0x2000, $0x38;
	[tilespmem:$0x14F00] =	vst v63  }
0x5a: {  	_ =	swait.ge @!p0 [sflag:s8], $0x2000  }
0x5b: {  	[sflag:s8] =	ssyncset.done @!p0 $0x0  }
0x5c: {  	[sflag:s8] =	ssyncadd.s32 @!p0 $0xFFFFE000  }
0x5d: {  	_ =	swait.ge @!p0 [sflag:s8], $0x2000  }
0x5e: {  	s7 =	sshra.s32 s19, $0x2;
	[sflag:s8] =	ssyncset.done @!p0 $0x0  }
0x5f: {  	s22 =	sadd.s32 $0x80, s7;
	[sflag:s8] =	ssyncadd.s32 @!p0 $0xFFFFE000  }
0x60: {  	[tilespmem:s28], [sflag:$0x3] =	stream.indirect.gather [hbm4b:s3+s20], $0x80, s22, s20, $0xb8;
	[tilespmem:$0x14F00] =	vst v63  }
0x61: {  	s9 =	sadd.s32 $0x2800, s7  }
0x62: {  	[tilespmem:s29], [sflag:$0x3] =	stream.indirect.gather [hbm4b:s4+s20], $0x80, s9, s20, $0xb8;
	[tilespmem:$0x14F00] =	vst v63  }
0x63: {  	_ =	swait.ge [sflag:s30], $0x2000  }
0x64: {  	[sflag:s30] =	ssyncset.done $0x0  }
0x65: {  	[sflag:s30] =	ssyncadd.s32 $0xFFFFE000  }
0x66: {  	_ =	swait.ge [sflag:s30], $0x2000  }
0x67: {  	[sflag:s30] =	ssyncset.done $0x0  }
0x68: {  	s21 =	sadd.s32 s18, s12;
	[sflag:s30] =	ssyncadd.s32 $0xFFFFE000  }
0x69: {  	[hbm4b:s21+s2] =	stream.linear.scatter [tilespmem:s23], [sflag:$0x6], $0x2000, $0x38;
	[tilespmem:$0x14F00] =	vst v63  }
0x6a: {  	s8 =	simm.s32 @!p0 $0x8;
	s22 =	sadd.s32 s18, s13  }
0x6b: {  	[hbm4b:s22+s2] =	stream.linear.scatter [tilespmem:s25], [sflag:$0x6], $0x2000, $0x38;
	[tilespmem:$0x14F00] =	vst v63  }
0x6c: {  	_ =	swait.ge @!p0 [sflag:s8], $0x2000  }
0x6d: {  	[sflag:s8] =	ssyncset.done @!p0 $0x0  }
0x6e: {  	[sflag:s8] =	ssyncadd.s32 @!p0 $0xFFFFE000  }
0x6f: {  	_ =	swait.ge @!p0 [sflag:s8], $0x2000  }
0x70: {  	[sflag:s8] =	ssyncset.done @!p0 $0x0  }
0x71: {  	s9 =	sadd.s32 $0xC0, s7;
	[sflag:s8] =	ssyncadd.s32 @!p0 $0xFFFFE000  }
0x72: {  	[tilespmem:s31], [sflag:$0x4] =	stream.indirect.gather [hbm4b:s3+s20], $0x80, s9, s20, $0xb8;
	[tilespmem:$0x14F00] =	vst v63  }
0x73: {  	s21 =	sadd.s32 $0x2840, s7  }
0x74: {  	[tilespmem:s0], [sflag:$0x4] =	stream.indirect.gather [hbm4b:s4+s20], $0x80, s21, s20, $0xb8;
	[tilespmem:$0x14F00] =	vst v63  }
0x75: {  	_ =	swait.ge [sflag:s1], $0x2000  }
0x76: {  	[sflag:s1] =	ssyncset.done $0x0  }
0x77: {  	[sflag:s1] =	ssyncadd.s32 $0xFFFFE000  }
0x78: {  	_ =	swait.ge [sflag:s1], $0x2000  }
0x79: {  	[sflag:s1] =	ssyncset.done $0x0  }
0x7a: {  	s22 =	sadd.s32 s18, s17;
	[sflag:s1] =	ssyncadd.s32 $0xFFFFE000  }
0x7b: {  	[hbm4b:s22+s2] =	stream.linear.scatter [tilespmem:s28], [sflag:$0x7], $0x2000, $0x38;
	[tilespmem:$0x14F00] =	vst v63  }
0x7c: {  	s9 =	sadd.s32 s18, s16  }
0x7d: {  	[hbm4b:s9+s2] =	stream.linear.scatter [tilespmem:s29], [sflag:$0x7], $0x2000, $0x38;
	[tilespmem:$0x14F00] =	vst v63  }
0x7e: {  	_ =	swait.ge [sflag:s24], $0x2000  }
0x7f: {  	[sflag:s24] =	ssyncset.done $0x0  }
0x80: {  	[sflag:s24] =	ssyncadd.s32 $0xFFFFE000  }
0x81: {  	p0 =	seq.s32 s18, $0x26000;
	_ =	swait.ge [sflag:s24], $0x2000  }
0x82: {  	s8 =	sshra.s32 @!p0 s19, $0x2;
	s21 =	simm.s32 @!p0 $0x40;
	[sflag:s24] =	ssyncset.done $0x0  }
0x83: {  	s22 =	simm.s32 @!p0 $0x4F00;
	s9 =	sadd.s32 @!p0 $0x100, s8;
	[sflag:s24] =	ssyncadd.s32 $0xFFFFE000  }
0x84: {  	[tilespmem:s22], [sflag:$0x1] =	stream.indirect.gather @!p0 [hbm4b:s3+s21], $0x80, s9, s21, $0xb8;
	[tilespmem:$0x14F00] =	vst v63  }
0x85: {  	s8 =	sadd.s32 @!p0 $0x2880, s8;
	s9 =	simm.s32 @!p0 $0xCF00  }
0x86: {  	[tilespmem:s9], [sflag:$0x1] =	stream.indirect.gather @!p0 [hbm4b:s4+s21], $0x80, s8, s21, $0xb8;
	[tilespmem:$0x14F00] =	vst v63  }
0x87: {  	_ =	swait.ge [sflag:s5], $0x2000  }
0x88: {  	[sflag:s5] =	ssyncset.done $0x0  }
0x89: {  	[sflag:s5] =	ssyncadd.s32 $0xFFFFE000  }
0x8a: {  	_ =	swait.ge [sflag:s5], $0x2000  }
0x8b: {  	[sflag:s5] =	ssyncset.done $0x0  }
0x8c: {  	s21 =	sadd.s32 s18, s15;
	[sflag:s5] =	ssyncadd.s32 $0xFFFFE000  }
0x8d: {  	[hbm4b:s21+s2] =	stream.linear.scatter [tilespmem:s31], [sflag:$0x8], $0x2000, $0x38;
	[tilespmem:$0x14F00] =	vst v63  }
0x8e: {  	s22 =	sadd.s32 s18, s14  }
0x8f: {  	[hbm4b:s22+s2] =	stream.linear.scatter [tilespmem:s0], [sflag:$0x8], $0x2000, $0x38;
	[tilespmem:$0x14F00] =	vst v63  }
0x90: {  	_ =	swait.ge [sflag:s6], $0x2000  }
.Ltmp2:
0x91: {  	[sflag:s6] =	ssyncset.done $0x0;
	(pc) =	sbr.rel @p0 .LBB2_4-.Ltmp2, $4  }
0x92: {  	[sflag:s6] =	ssyncadd.s32 $0xFFFFE000  }
0x93: {  	_ =	swait.ge [sflag:s6], $0x2000  }
0x94: {  	[sflag:s6] =	ssyncset.done $0x0  }
0x95: {  	[sflag:s6] =	ssyncadd.s32 $0xFFFFE000  }
.Ltmp3:
0x96: {  	s8 =	sadd.s32 $0x140, s7;
	(pc) =	sbr.rel .LBB2_2-.Ltmp3, $4  }
0x97: {  	[tilespmem:s23], [sflag:$0x2] =	stream.indirect.gather [hbm4b:s3+s20], $0x80, s8, s20, $0xb8;
	[tilespmem:$0x14F00] =	vst v63  }
0x98: {  	s22 =	sadd.s32 $0x28C0, s7;
	s18 =	sadd.s32 $0x1000, s18  }
0x99: {  	[tilespmem:s25], [sflag:$0x2] =	stream.indirect.gather [hbm4b:s4+s20], $0x80, s22, s20, $0xb8;
	[tilespmem:$0x14F00] =	vst v63  }
0x9a: {  	s19 =	sadd.s32 $0x400, s19;
	s21 =	simm.s32 $0x4F00;
	s22 =	simm.s32 $0xCF00  }
.LBB2_5:
0x9b: {  	_ =	sfence.sel $0x180000  }
0x9c: {  	[bflag:$0x0] =	sbarrier.arrive $0xFFFF  }
0x9d: {  	_ =	strace $0x90000050  }
0x9e: {  	s0 =	stileid.u32;
	[bflag:$0x2] =	sbarrier.arrive $0xFFFF  }
0x9f: {  	p0 =	sne.s32 s0, $0x0;
	s0 =	rddreg [dreg:$0x3]  }
0xa0: {  	s0 =	sadd.s32 @!p0 $0x100000, s0  }
0xa1: {  	[sflag:s0] =	ssyncadd.tile.s32 @!p0 $0x1;
	_ =	shalt  }
.Lfunc_end2:
_tile_overlayer_lowered:
.L_overlay_start_2:
0xa2: {  	(tag) =	ssettag $0x2  }
0xa3: {  	s0 =	rddreg [dreg:$0x0];
	s2 =	stileid.u32  }
0xa4: {  	s1 =	rddreg [dreg:$0x1];
	p0 =	sne.s32 s2, $0x0  }
0xa5: {  	s3 =	rddreg [dreg:$0x2];
	[bflag:$0x3] =	sbarrier.arrive $0xFFFF;
	s2 =	simm.s32 @!p0 $0x1C09  }
0xa6: {  	[timem:s3], [sflag:s2] =	dma.local @!p0 [hbm:s0], s1  }
0xa7: {  	s0 =	simm.s32 @!p0 $0x9  }
0xa8: {  	_ =	swait.ge @!p0 [sflag:s0], s1  }
0xa9: {  	s1 =	ssub.s32 @!p0 $0x0, s1;
	[sflag:s0] =	ssyncset.done @!p0 $0x0  }
0xaa: {  	[sflag:s0] =	ssyncadd.s32 @!p0 s1  }
0xab: {  	[bflag:$0x3] =	sbarrier.arrive $0xFFFF  }
0xac: {  	_ =	shalt  }

// kernel: kernel.26.cloned.1.call-start
scs
__scs_entry_jumppad:
0x0: {  	(pc) =	sbr.rel $0x88, $3  }
0x1: {  	(tag) =	ssettag $0x0;
	lr =	simm.s32 $0x1  }
0x2: {  	[smem:$0x3F97] =	sst lr;
	_ =	strace $0xD0000000  }
0x3: {  	_ = 	snop  }
0x4: {  	_ = 	snop  }
0x5: {  	_ = 	snop  }
0x6: {  	_ = 	snop  }
0x7: {  	_ = 	snop  }
__scs_overlays_trampoline_lowered:
0x8: {  	[smem:$0x3FA6] =	sst s0  }
0x9: {  	[smem:$0x3FA7] =	sst s1  }
0xa: {  	[smem:$0x3FA8] =	sst s2  }
0xb: {  	[smem:$0x3FA9] =	sst s3  }
0xc: {  	[smem:$0x3FAA] =	sst s4  }
0xd: {  	[smem:$0x3FAB] =	sst s5  }
0xe: {  	[smem:$0x3FAC] =	sst s6  }
0xf: {  	[smem:$0x3FAD] =	sst s7  }
0x10: {  	[smem:$0x3FAE] =	sst s8  }
0x11: {  	[smem:$0x3FAF] =	sst s9;
	s0 =	simm.s32 @!p0 $0x0  }
0x12: {  	s1 =	sld [smem:$0x3F95];
	s0 =	simm.s32 @p0 $0x1  }
0x13: {  	[smem:$0x3FB0] =	sst s0;
	s0 =	simm.s32 @!p1 $0x0  }
0x14: {  	s2 =	sld [smem:$0x3F94];
	s0 =	simm.s32 @p1 $0x1  }
0x15: {  	[smem:$0x3FB1] =	sst s0;
	s0 =	simm.s32 @!p2 $0x0  }
0x16: {  	s3 =	sld [smem:$0x3FDB];
	s0 =	simm.s32 @p2 $0x1  }
0x17: {  	s4 =	simm.s32 $0x1BF5;
	[smem:$0x3FB3] =	sst s0  }
0x18: {  	s0 =	sld [smem:$0x3F96];
	_ =	swait.ge [sflag:s4], $0x0  }
0x19: {  	s7 =	sld [smem:$0x3F97]  }
0x1a: {  	s8 =	sadd.s32 $0xFFFFE003, lr  }
0x1b: {  	s9 =	sadd.s32 $0xFFFFFEF7, lr;
	s5 =	simm.s32 $0xFFFFFFFF;
	p2 =	slt.u32 s8, $0xFFFFF086  }
0x1c: {  	p1 =	slt.u32 s9, $0xF7A;
	s5 =	simm.s32 @!p2 $0x0  }
0x1d: {  	s5 =	simm.s32 @p1 $0x1;
	p0 =	seq.s32 s7, s2  }
0x1e: {  	s7 =	smul.u32 @!p0 $0xF7A, s2;
	p2 =	seq.s32 @!p0 s5, $0x0  }
0x1f: {  	s9 =	smul.u32 $0xF7A, s1;
	s8 =	simm.s32 @!p0 $0x1BF5;
	p2 =	por !p2, p0  }
0x20: {  	[sflag:s8] =	ssyncset.s32 @!p0 $0xFFFFF086;
	s6 =	sadd.s32 @!p0 s3, s7;
	s7 =	simm.s32 @!p0 $0x108  }
0x21: {  	s3 =	sadd.s32 s3, s9;
	s6 =	sadd.s32 @!p0 $0x88, s6;
	s7 =	simm.s32 @p2 $0x1082  }
0x22: {  	[simem:s7], [sflag:s8] =	dma.local @!p0 [hbm:s6], $0xF7A  }
0x23: {  	s9 =	sor.u32 $0xD0000000, s2;
	s6 =	simm.s32 $0x108;
	_ =	swait.ge @!p0 [sflag:s8], $0x0  }
0x24: {  	s3 =	sadd.s32 $0x88, s3;
	s6 =	simm.s32 @!p1 $0x1082;
	[sflag:s4] =	ssyncset.s32 $0xFFFFF086  }
0x25: {  	[simem:s6], [sflag:s4] =	dma.local [hbm:s3], $0xF7A  }
0x26: {  	[smem:$0x3F97] =	sst s1;
	(tag) =	ssettag s2;
	_ =	strace s9  }
0x27: {  	s1 =	sld [smem:$0x3FA7]  }
0x28: {  	s2 =	sld [smem:$0x3FA8]  }
0x29: {  	s4 =	sld [smem:$0x3FAA]  }
0x2a: {  	p0 =	seq.s32 s5, $0x0;
	s5 =	sld [smem:$0x3FAB]  }
0x2b: {  	s6 =	sld [smem:$0x3FAC]  }
0x2c: {  	s7 =	sld [smem:$0x3FAD]  }
0x2d: {  	s3 =	simm.s32 $0x108;
	s8 =	sld [smem:$0x3FAE]  }
0x2e: {  	s3 =	simm.s32 @!p0 $0x1082;
	s9 =	sld [smem:$0x3FAF]  }
0x2f: {  	lr =	sadd.s32 s0, s3;
	s0 =	sld [smem:$0x3FA6]  }
0x30: {  	s3 =	sld [smem:$0x3FA9]  }
0x31: {  	[smem:$0x3FB2] =	sst s10  }
0x32: {  	s10 =	sld [smem:$0x3FB0];
	_ =	sdelay $0x3  }
0x33: {  	p0 =	seq.s32 s10, $0x1;
	s10 =	sld [smem:$0x3FB2];
	_ =	sdelay $0x3  }
0x34: {  	[smem:$0x3FB2] =	sst s10  }
0x35: {  	s10 =	sld [smem:$0x3FB1];
	_ =	sdelay $0x3  }
0x36: {  	p1 =	seq.s32 s10, $0x1;
	s10 =	sld [smem:$0x3FB2];
	_ =	sdelay $0x3  }
0x37: {  	[smem:$0x3FB2] =	sst s10  }
0x38: {  	s10 =	sld [smem:$0x3FB3]  }
0x39: {  	_ = 	snop;
	(pc) =	sbr.ind lr, $3  }
0x3a: {  	_ = 	snop  }
0x3b: {  	_ = 	snop  }
0x3c: {  	p2 =	seq.s32 s10, $0x1;
	s10 =	sld [smem:$0x3FB2]  }
0x3d: {  	_ =	shalt  }
0x3e: {  	_ =	shalt  }
0x3f: {  	_ =	shalt  }
0x40: {  	_ =	shalt  }
0x41: {  	_ =	shalt  }
0x42: {  	_ =	shalt  }
0x43: {  	_ =	shalt  }
0x44: {  	_ =	shalt  }
0x45: {  	_ =	shalt  }
0x46: {  	_ =	shalt  }
0x47: {  	_ =	shalt  }
0x48: {  	_ =	shalt  }
0x49: {  	_ =	shalt  }
0x4a: {  	_ =	shalt  }
0x4b: {  	_ =	shalt  }
0x4c: {  	_ =	shalt  }
0x4d: {  	_ =	shalt  }
0x4e: {  	_ =	shalt  }
0x4f: {  	_ =	shalt  }
0x50: {  	_ =	shalt  }
0x51: {  	_ =	shalt  }
0x52: {  	_ =	shalt  }
0x53: {  	_ =	shalt  }
0x54: {  	_ =	shalt  }
0x55: {  	_ =	shalt  }
0x56: {  	_ =	shalt  }
0x57: {  	_ =	shalt  }
0x58: {  	_ =	shalt  }
0x59: {  	_ =	shalt  }
0x5a: {  	_ =	shalt  }
0x5b: {  	_ =	shalt  }
0x5c: {  	_ =	shalt  }
0x5d: {  	_ =	shalt  }
0x5e: {  	_ =	shalt  }
0x5f: {  	_ =	shalt  }
0x60: {  	_ =	shalt  }
0x61: {  	_ =	shalt  }
0x62: {  	_ =	shalt  }
0x63: {  	_ =	shalt  }
0x64: {  	_ =	shalt  }
0x65: {  	_ =	shalt  }
0x66: {  	_ =	shalt  }
0x67: {  	_ =	shalt  }
0x68: {  	_ =	shalt  }
0x69: {  	_ =	shalt  }
0x6a: {  	_ =	shalt  }
0x6b: {  	_ =	shalt  }
0x6c: {  	_ =	shalt  }
0x6d: {  	_ =	shalt  }
0x6e: {  	_ =	shalt  }
0x6f: {  	_ =	shalt  }
0x70: {  	_ =	shalt  }
0x71: {  	_ =	shalt  }
0x72: {  	_ =	shalt  }
0x73: {  	_ =	shalt  }
0x74: {  	_ =	shalt  }
0x75: {  	_ =	shalt  }
0x76: {  	_ =	shalt  }
0x77: {  	_ =	shalt  }
0x78: {  	_ =	shalt  }
0x79: {  	_ =	shalt  }
0x7a: {  	_ =	shalt  }
0x7b: {  	_ =	shalt  }
0x7c: {  	_ =	shalt  }
0x7d: {  	_ =	shalt  }
0x7e: {  	_ =	shalt  }
0x7f: {  	_ =	shalt  }
0x80: {  	_ =	shalt  }
0x81: {  	_ =	shalt  }
0x82: {  	_ =	shalt  }
0x83: {  	_ =	shalt  }
0x84: {  	_ =	shalt  }
0x85: {  	_ =	shalt  }
0x86: {  	_ =	shalt  }
0x87: {  	_ =	shalt  }
.Lfunc_end0:
.L_simem_size_0:
called_computation.4_lowered:
.L_overlay_start_0:
0x88: {  	s2 =	sld [smem:$0x3FD9]  }
0x89: {  	s3 =	sld [smem:$0x3FFE];
	_ =	sdelay $0x1  }
0x8a: {  	s1 =	srdreg.scid  }
0x8b: {  	s0 =	sand.u32 $0x1, s1  }
0x8c: {  	s16 =	sshll.u32 s0, $0xA;
	s2 =	sadd.s32 s3, s2  }
0x8d: {  	s2 =	sadd.s32 s2, s16  }
0x8e: {  	[smem:$0x3FBE] =	sst s2  }
0x8f: {  	_ = 	snop  }
0x90: {  	(tm) =	ssettm $0x1  }
0x91: {  	s17 =	sld [smem:$0x3FFB];
	_ =	sdelay $0x3  }
0x92: {  	_ =	strace s17  }
0x93: {  	s2 =	sld [smem:$0x3FFC];
	_ =	sdelay $0x3  }
0x94: {  	_ =	strace s2  }
0x95: {  	s2 =	sld [smem:$0x3FFD];
	_ =	sdelay $0x3  }
0x96: {  	_ =	strace s2  }
0x97: {  	_ =	strace $0x8FFFFFFF  }
0x98: {  	s18 =	sld [smem:$0x3FDB];
	_ =	sdelay $0x1  }
0x99: {  	s19 =	simm.s32 $_scs_section_size  }
0x9a: {  	s4 =	simm.s32 $_size__tile_overlayer_lowered;
	s5 =	simm.s32 $_tile_overlayer_lowered  }
0x9b: {  	s22 =	simm.s32 $0x1BFF;
	s21 =	sshll.u32 s5, $0x1;
	s2 =	sadd.s32 s19, s18  }
0x9c: {  	s6 =	simm.s32 $0x0;
	s20 =	sshll.u32 s4, $0x1;
	s4 =	sadd.s32 s21, s2  }
0x9d: {  	[timem:s6], [sflag:s22] =	dma.local [hbm:s4], s20  }
0x9e: {  	_ =	swait.ge [sflag:s22], s20  }
0x9f: {  	s3 =	ssub.s32 $0x0, s20;
	[sflag:s22] =	ssyncset.done $0x0  }
0xa0: {  	[sflag:s22] =	ssyncadd.s32 s3;
	_ =	sdelay $0x1  }
0xa1: {  	s23 =	simm.s32 $0x1B8B  }
0xa2: {  	_ =	swait.ge [sflag:s23], $0x1  }
0xa3: {  	[sflag:s23] =	ssyncset.done $0x0  }
0xa4: {  	s25 =	simm.s32 $0x1B8E;
	s24 =	sld [smem:$0x3FFE];
	[sflag:s23] =	ssyncadd.s32 $0xFFFFFFFF  }
0xa5: {  	s26 =	simm.s32 $execute0_lowered;
	[smem:$0x3FD2] =	sst s25  }
0xa6: {  	s4 =	sshll.u32 s26, $0x1;
	_ =	strace $0x80000052;
	[dreg:$0x1] =	wrdreg $0xFFFFFFFF  }
0xa7: {  	s28 =	simm.s32 $_size_execute0_lowered;
	s2 =	sadd.s32 s2, s4;
	[dreg:$0x0] =	wrdreg $0x0  }
0xa8: {  	s4 =	sshll.u32 s28, $0x1;
	[dreg:$0x2] =	wrdreg s2  }
0xa9: {  	[dreg:$0x3] =	wrdreg s4  }
0xaa: {  	[dreg:$0x4] =	wrdreg $0xC0  }
0xab: {  	_ =	task [dreg:s6], $0x5FFFF  }
0xac: {  	[dreg:$0x1] =	wrdreg $0xFFFFFFFF  }
0xad: {  	[dreg:$0x0] =	wrdreg $0x60  }
0xae: {  	[dreg:$0x2] =	wrdreg s24  }
0xaf: {  	[dreg:$0x3] =	wrdreg $0x9  }
0xb0: {  	_ =	task.clear_ibuf [dreg:s6], $0x4FFFF;
	_ =	strace $0x90000052  }
0xb1: {  	s29 =	simm.s32 $0x9;
	_ =	strace $0x80000054  }
0xb2: {  	_ =	swait.ge [sflag:s29], $0x1  }
0xb3: {  	[sflag:s29] =	ssyncadd.s32 $0xFFFFFFFF  }
0xb4: {  	_ =	strace $0x90000054  }
0xb5: {  	_ =	sfence  }
0xb6: {  	s30 =	sld [smem:$0x0];
	_ =	sdelay $0x2  }
0xb7: {  	s31 =	sshll.u32 s1, $0xD;
	s1 =	sshrl.u32 s1, $0x2  }
0xb8: {  	s3 =	sand.u32 $0x4000, s31;
	s1 =	sadd.s32 s1, s30  }
0xb9: {  	s0 =	sor.u32 s3, s0;
	s1 =	sshll.u32 s1, $0x11  }
0xba: {  	s0 =	sor.u32 s1, s0  }
0xbb: {  	s0 =	sadd.s32 $0x8F2B, s0  }
0xbc: {  	[sflag:s0] =	ssyncadd.remote.s32 $0x1  }
0xbd: {  	_ =	sfence.sel $0xFFFF  }
0xbe: {  	[dreg:$0x0] =	wrdreg $0xFFFFFFFF;
	(pc) =	sbr.abs _section_cstart, $3  }
0xbf: {  	[dreg:$0x1] =	wrdreg $0xFFFFFFFF  }
0xc0: {  	_ =	task.clear_ibuf [dreg:s6], $0x2FFFF;
	_ =	strace $0x9FFFFFFF  }
0xc1: {  	(tm) =	ssettm $0x7FFFFFFF  }
tec
execute0_lowered:
.L_overlay_start_1:
0x0: {  	(tag) =	ssettag $0x1  }
0x1: {  	s0 =	srdreg.scid  }
0x2: {  	s8 =	stileid.u32;
	s1 =	rddreg [dreg:$0x0]  }
0x3: {  	s2 =	simm.s32 $0x0;
	s14 =	simm.s32 $0x40;
	s22 =	simm.s32 $0x6800  }
0x4: {  	s28 =	simm.s32 $0x12800;
	s29 =	simm.s32 $0x2;
	s30 =	simm.s32 $0xA800  }
0x5: {  	s31 =	simm.s32 $0x14800;
	s17 =	simm.s32 $0x4;
	s19 =	simm.s32 $0x7  }
0x6: {  	s21 =	simm.s32 $0x5;
	s23 =	simm.s32 $0x8;
	s6 =	smul.u32 $0x5000, s8  }
0x7: {  	s0 =	sand.u32 $0x1, s0;
	s3 =	sshll.u32 s8, $0x1;
	s9 =	smul.u32 $0x50000, s8  }
0x8: {  	[smem:$0x7FF] =	sst s2;
	s3 =	sor.u32 s0, s3;
	s7 =	smul.u32 $0x2800, s0  }
0x9: {  	_ =	strace $0x80000053;
	s24 =	ssub.s32 $0x2, s0;
	s0 =	smul.u32 $0x28000, s0  }
0xa: {  	s4 =	smul.u32 $0x2800, s3;
	s3 =	sadd.s32 $0xEB3E00, s1;
	s25 =	sshrl.u32 s24, $0x1  }
0xb: {  	s6 =	sadd.s32 s7, s6;
	s9 =	sadd.s32 s0, s9;
	s0 =	simm.s32 $0x6  }
0xc: {  	s7 =	simm.s32 $0x0;
	s5 =	sshrl.u32 s4, $0x3;
	s4 =	sadd.s32 $0x1395E00, s1  }
0xd: {  	s26 =	sshll.u32 s6, $0x4;
	s5 =	sadd.s32 s5, s1;
	s1 =	sadd.s32 $0x3E00, s1  }
.Ltmp0:
0xe: {  	s8 =	sor.u32 $0x2400, s26;
	s10 =	sor.u32 $0x1C00, s26;
	(pc) =	sbr.rel .LBB2_1-.Ltmp0, $4  }
0xf: {  	s11 =	sor.u32 $0x1400, s26;
	s12 =	sor.u32 $0xC00, s26;
	s26 =	simm.s32 $0x8800  }
0x10: {  	[dreg:$0x2] =	wrdreg s1;
	s1 =	ssub.s32 s24, s25;
	s5 =	sadd.s32 $0x9C7E00, s5  }
0x11: {  	s24 =	simm.s32 $0x10800;
	[dreg:$0x3] =	wrdreg s5;
	s1 =	smax.u32 s1, $0x1  }
0x12: {  	s25 =	simm.s32 $0x1;
	[dreg:$0x4] =	wrdreg s1;
	s1 =	simm.s32 $0x3  }
.LBB2_4:
0x13: {  	s5 =	simm.s32 $0x9  }
0x14: {  	_ =	swait.ge [sflag:s5], $0x2000  }
0x15: {  	[sflag:s5] =	ssyncset.done $0x0  }
0x16: {  	[sflag:s5] =	ssyncadd.s32 $0xFFFFE000  }
0x17: {  	_ =	swait.ge [sflag:s5], $0x2000  }
0x18: {  	[sflag:s5] =	ssyncset.done $0x0  }
0x19: {  	s6 =	simm.s32 $0xA;
	[sflag:s5] =	ssyncadd.s32 $0xFFFFE000  }
0x1a: {  	_ =	swait.ge [sflag:s6], $0x2000  }
0x1b: {  	[sflag:s6] =	ssyncset.done $0x0  }
0x1c: {  	[sflag:s6] =	ssyncadd.s32 $0xFFFFE000  }
0x1d: {  	_ =	swait.ge [sflag:s6], $0x2000  }
0x1e: {  	s7 =	rddreg [dreg:$0x5]  }
0x1f: {  	s20 =	rddreg [dreg:$0x4];
	s7 =	sadd.s32 $0x1, s7  }
0x20: {  	p0 =	sne.s32 s7, s20  }
.Ltmp1:
0x21: {  	_ = 	snop;
	(pc) =	sbr.rel @!p0 .LBB2_5-.Ltmp1, $3  }
0x22: {  	_ =	sdelay $0x1  }
0x23: {  	[sflag:s6] =	ssyncset.done $0x0  }
0x24: {  	[sflag:s6] =	ssyncadd.s32 $0xFFFFE000  }
.LBB2_1:
0x25: {  	[dreg:$0x5] =	wrdreg s7  }
0x26: {  	s5 =	rddreg [dreg:$0x3];
	s20 =	simm.s32 $0xB  }
0x27: {  	[tilespmem:s2], [sflag:$0xB] =	stream.linear.gather [hbm4b:s5+s2], $0x2800, $0x38;
	[tilespmem:$0x16800] =	vst v63  }
0x28: {  	_ =	swait.ge [sflag:s20], $0x2800  }
0x29: {  	[sflag:s20] =	ssyncset.done $0x0  }
0x2a: {  	s6 =	simm.s32 $0x2800;
	[sflag:s20] =	ssyncadd.s32 $0xFFFFD800  }
0x2b: {  	[tilespmem:s6], [sflag:$0x1] =	stream.indirect.gather [hbm4b:s3+s14], $0x80, s2, s14, $0xb8;
	[tilespmem:$0x16800] =	vst v63  }
0x2c: {  	s7 =	simm.s32 $0xC800  }
0x2d: {  	[tilespmem:s7], [sflag:$0x1] =	stream.indirect.gather [hbm4b:s4+s14], $0x80, s14, s14, $0xb8;
	[tilespmem:$0x16800] =	vst v63  }
0x2e: {  	s13 =	simm.s32 $0x80;
	s6 =	simm.s32 $0x4800  }
0x2f: {  	[tilespmem:s6], [sflag:$0x2] =	stream.indirect.gather [hbm4b:s3+s14], $0x80, s13, s14, $0xb8;
	[tilespmem:$0x16800] =	vst v63  }
0x30: {  	s15 =	simm.s32 $0xC0;
	s16 =	simm.s32 $0xE800  }
0x31: {  	[tilespmem:s16], [sflag:$0x2] =	stream.indirect.gather [hbm4b:s4+s14], $0x80, s15, s14, $0xb8;
	[tilespmem:$0x16800] =	vst v63  }
0x32: {  	s18 =	simm.s32 $0x100  }
0x33: {  	[tilespmem:s22], [sflag:$0x3] =	stream.indirect.gather [hbm4b:s3+s14], $0x80, s18, s14, $0xb8;
	[tilespmem:$0x16800] =	vst v63  }
0x34: {  	s5 =	simm.s32 $0x0;
	s20 =	simm.s32 $0x140;
	s13 =	rddreg [dreg:$0x2]  }
0x35: {  	[tilespmem:s24], [sflag:$0x3] =	stream.indirect.gather [hbm4b:s4+s14], $0x80, s20, s14, $0xb8;
	[tilespmem:$0x16800] =	vst v63  }
.LBB2_2:
0x36: {  	_ =	swait.ge [sflag:s25], $0x2000  }
0x37: {  	[sflag:s25] =	ssyncset.done $0x0  }
0x38: {  	[sflag:s25] =	ssyncadd.s32 $0xFFFFE000  }
0x39: {  	_ =	swait.ge [sflag:s25], $0x2000  }
0x3a: {  	[sflag:s25] =	ssyncset.done $0x0  }
0x3b: {  	s7 =	sadd.s32 s13, s9;
	s6 =	simm.s32 $0x2800;
	[sflag:s25] =	ssyncadd.s32 $0xFFFFE000  }
0x3c: {  	[hbm4b:s7+s2] =	stream.linear.scatter [tilespmem:s6], [sflag:$0x6], $0x2000, $0x38;
	[tilespmem:$0x16800] =	vst v63  }
0x3d: {  	s15 =	simm.s32 $0xC800;
	p0 =	seq.s32 s5, $0x0;
	s20 =	sadd.s32 $0x400, s7  }
0x3e: {  	[hbm4b:s20+s2] =	stream.linear.scatter [tilespmem:s15], [sflag:$0x6], $0x2000, $0x38;
	[tilespmem:$0x16800] =	vst v63  }
0x3f: {  	s15 =	simm.s32 @!p0 $0x9  }
0x40: {  	_ =	swait.ge @!p0 [sflag:s15], $0x2000  }
0x41: {  	[sflag:s15] =	ssyncset.done @!p0 $0x0  }
0x42: {  	[sflag:s15] =	ssyncadd.s32 @!p0 $0xFFFFE000  }
0x43: {  	_ =	swait.ge @!p0 [sflag:s15], $0x2000  }
0x44: {  	s6 =	sshra.s32 s5, $0x2;
	[sflag:s15] =	ssyncset.done @!p0 $0x0  }
0x45: {  	s16 =	sadd.s32 $0x180, s6;
	[sflag:s15] =	ssyncadd.s32 @!p0 $0xFFFFE000  }
0x46: {  	[tilespmem:s26], [sflag:$0x4] =	stream.indirect.gather [hbm4b:s3+s14], $0x80, s16, s14, $0xb8;
	[tilespmem:$0x16800] =	vst v63  }
0x47: {  	s18 =	sadd.s32 $0x1C0, s6  }
0x48: {  	[tilespmem:s28], [sflag:$0x4] =	stream.indirect.gather [hbm4b:s4+s14], $0x80, s18, s14, $0xb8;
	[tilespmem:$0x16800] =	vst v63  }
0x49: {  	_ =	swait.ge [sflag:s29], $0x2000  }
0x4a: {  	[sflag:s29] =	ssyncset.done $0x0  }
0x4b: {  	[sflag:s29] =	ssyncadd.s32 $0xFFFFE000  }
0x4c: {  	_ =	swait.ge [sflag:s29], $0x2000  }
0x4d: {  	[sflag:s29] =	ssyncset.done $0x0  }
0x4e: {  	s20 =	sadd.s32 $0x800, s7;
	s16 =	simm.s32 $0x4800;
	[sflag:s29] =	ssyncadd.s32 $0xFFFFE000  }
0x4f: {  	[hbm4b:s20+s2] =	stream.linear.scatter [tilespmem:s16], [sflag:$0x7], $0x2000, $0x38;
	[tilespmem:$0x16800] =	vst v63  }
0x50: {  	s15 =	simm.s32 @!p0 $0xA;
	s18 =	sadd.s32 s13, s12;
	s20 =	simm.s32 $0xE800  }
0x51: {  	[hbm4b:s18+s2] =	stream.linear.scatter [tilespmem:s20], [sflag:$0x7], $0x2000, $0x38;
	[tilespmem:$0x16800] =	vst v63  }
0x52: {  	_ =	swait.ge @!p0 [sflag:s15], $0x2000  }
0x53: {  	[sflag:s15] =	ssyncset.done @!p0 $0x0  }
0x54: {  	[sflag:s15] =	ssyncadd.s32 @!p0 $0xFFFFE000  }
0x55: {  	_ =	swait.ge @!p0 [sflag:s15], $0x2000  }
0x56: {  	[sflag:s15] =	ssyncset.done @!p0 $0x0  }
0x57: {  	s18 =	sadd.s32 $0x200, s6;
	[sflag:s15] =	ssyncadd.s32 @!p0 $0xFFFFE000  }
0x58: {  	[tilespmem:s30], [sflag:$0x5] =	stream.indirect.gather [hbm4b:s3+s14], $0x80, s18, s14, $0xb8;
	[tilespmem:$0x16800] =	vst v63  }
0x59: {  	s20 =	sadd.s32 $0x240, s6  }
0x5a: {  	[tilespmem:s31], [sflag:$0x5] =	stream.indirect.gather [hbm4b:s4+s14], $0x80, s20, s14, $0xb8;
	[tilespmem:$0x16800] =	vst v63  }
0x5b: {  	_ =	swait.ge [sflag:s1], $0x2000  }
0x5c: {  	[sflag:s1] =	ssyncset.done $0x0  }
0x5d: {  	[sflag:s1] =	ssyncadd.s32 $0xFFFFE000  }
0x5e: {  	_ =	swait.ge [sflag:s1], $0x2000  }
0x5f: {  	[sflag:s1] =	ssyncset.done $0x0  }
0x60: {  	s16 =	sadd.s32 $0x1000, s7;
	[sflag:s1] =	ssyncadd.s32 $0xFFFFE000  }
0x61: {  	[hbm4b:s16+s2] =	stream.linear.scatter [tilespmem:s22], [sflag:$0x8], $0x2000, $0x38;
	[tilespmem:$0x16800] =	vst v63  }
0x62: {  	s18 =	sadd.s32 s13, s11  }
0x63: {  	[hbm4b:s18+s2] =	stream.linear.scatter [tilespmem:s24], [sflag:$0x8], $0x2000, $0x38;
	[tilespmem:$0x16800] =	vst v63  }
0x64: {  	_ =	swait.ge [sflag:s0], $0x2000  }
0x65: {  	[sflag:s0] =	ssyncset.done $0x0  }
0x66: {  	[sflag:s0] =	ssyncadd.s32 $0xFFFFE000  }
0x67: {  	p0 =	seq.s32 s5, $0x9600;
	_ =	swait.ge [sflag:s0], $0x2000  }
0x68: {  	s15 =	sshra.s32 @!p0 s5, $0x2;
	s20 =	simm.s32 @!p0 $0x2800;
	[sflag:s0] =	ssyncset.done $0x0  }
0x69: {  	s16 =	sadd.s32 @!p0 $0x280, s15;
	s18 =	simm.s32 @!p0 $0x40;
	[sflag:s0] =	ssyncadd.s32 $0xFFFFE000  }
0x6a: {  	[tilespmem:s20], [sflag:$0x1] =	stream.indirect.gather @!p0 [hbm4b:s3+s18], $0x80, s16, s18, $0xb8;
	[tilespmem:$0x16800] =	vst v63  }
0x6b: {  	s16 =	sadd.s32 @!p0 $0x2C0, s15;
	s20 =	simm.s32 @!p0 $0xC800  }
0x6c: {  	[tilespmem:s20], [sflag:$0x1] =	stream.indirect.gather @!p0 [hbm4b:s4+s18], $0x80, s16, s18, $0xb8;
	[tilespmem:$0x16800] =	vst v63  }
0x6d: {  	_ =	swait.ge [sflag:s17], $0x2000  }
0x6e: {  	[sflag:s17] =	ssyncset.done $0x0  }
0x6f: {  	[sflag:s17] =	ssyncadd.s32 $0xFFFFE000  }
0x70: {  	_ =	swait.ge [sflag:s17], $0x2000  }
0x71: {  	[sflag:s17] =	ssyncset.done $0x0  }
0x72: {  	s20 =	sadd.s32 $0x1800, s7;
	[sflag:s17] =	ssyncadd.s32 $0xFFFFE000  }
0x73: {  	[hbm4b:s20+s2] =	stream.linear.scatter [tilespmem:s26], [sflag:$0x9], $0x2000, $0x38;
	[tilespmem:$0x16800] =	vst v63  }
0x74: {  	s20 =	sadd.s32 s13, s10  }
0x75: {  	[hbm4b:s20+s2] =	stream.linear.scatter [tilespmem:s28], [sflag:$0x9], $0x2000, $0x38;
	[tilespmem:$0x16800] =	vst v63  }
0x76: {  	_ =	swait.ge [sflag:s19], $0x2000  }
0x77: {  	[sflag:s19] =	ssyncset.done $0x0  }
0x78: {  	[sflag:s19] =	ssyncadd.s32 $0xFFFFE000  }
0x79: {  	_ =	swait.ge [sflag:s19], $0x2000  }
0x7a: {  	[sflag:s19] =	ssyncset.done $0x0  }
0x7b: {  	s16 =	sadd.s32 @!p0 $0x300, s15;
	s20 =	simm.s32 @!p0 $0x4800;
	[sflag:s19] =	ssyncadd.s32 $0xFFFFE000  }
0x7c: {  	[tilespmem:s20], [sflag:$0x2] =	stream.indirect.gather @!p0 [hbm4b:s3+s18], $0x80, s16, s18, $0xb8;
	[tilespmem:$0x16800] =	vst v63  }
0x7d: {  	s15 =	sadd.s32 @!p0 $0x340, s15;
	s16 =	simm.s32 @!p0 $0xE800  }
0x7e: {  	[tilespmem:s16], [sflag:$0x2] =	stream.indirect.gather @!p0 [hbm4b:s4+s18], $0x80, s15, s18, $0xb8;
	[tilespmem:$0x16800] =	vst v63  }
0x7f: {  	_ =	swait.ge [sflag:s21], $0x2000  }
0x80: {  	[sflag:s21] =	ssyncset.done $0x0  }
0x81: {  	[sflag:s21] =	ssyncadd.s32 $0xFFFFE000  }
0x82: {  	_ =	swait.ge [sflag:s21], $0x2000  }
0x83: {  	[sflag:s21] =	ssyncset.done $0x0  }
0x84: {  	s7 =	sadd.s32 $0x2000, s7;
	[sflag:s21] =	ssyncadd.s32 $0xFFFFE000  }
0x85: {  	[hbm4b:s7+s2] =	stream.linear.scatter [tilespmem:s30], [sflag:$0xA], $0x2000, $0x38;
	[tilespmem:$0x16800] =	vst v63  }
0x86: {  	s20 =	sadd.s32 s13, s8  }
0x87: {  	[hbm4b:s20+s2] =	stream.linear.scatter [tilespmem:s31], [sflag:$0xA], $0x2000, $0x38;
	[tilespmem:$0x16800] =	vst v63  }
0x88: {  	_ =	swait.ge [sflag:s23], $0x2000  }
.Ltmp2:
0x89: {  	[sflag:s23] =	ssyncset.done $0x0;
	(pc) =	sbr.rel @p0 .LBB2_4-.Ltmp2, $4  }
0x8a: {  	[sflag:s23] =	ssyncadd.s32 $0xFFFFE000  }
0x8b: {  	_ =	swait.ge [sflag:s23], $0x2000  }
0x8c: {  	[sflag:s23] =	ssyncset.done $0x0  }
0x8d: {  	[sflag:s23] =	ssyncadd.s32 $0xFFFFE000  }
.Ltmp3:
0x8e: {  	(pc) =	sbr.rel .LBB2_2-.Ltmp3, $4  }
0x8f: {  	s7 =	sadd.s32 $0x380, s6  }
0x90: {  	[tilespmem:s22], [sflag:$0x3] =	stream.indirect.gather [hbm4b:s3+s14], $0x80, s7, s14, $0xb8;
	[tilespmem:$0x16800] =	vst v63  }
0x91: {  	s20 =	sadd.s32 $0x3C0, s6;
	s5 =	sadd.s32 $0xA00, s5;
	s13 =	sadd.s32 $0x2800, s13  }
0x92: {  	[tilespmem:s24], [sflag:$0x3] =	stream.indirect.gather [hbm4b:s4+s14], $0x80, s20, s14, $0xb8;
	[tilespmem:$0x16800] =	vst v63  }
.LBB2_5:
0x93: {  	_ =	sfence.sel $0x180000  }
0x94: {  	[bflag:$0x0] =	sbarrier.arrive $0xFFFF  }
0x95: {  	_ =	strace $0x90000053  }
0x96: {  	s0 =	stileid.u32;
	[bflag:$0x2] =	sbarrier.arrive $0xFFFF  }
0x97: {  	p0 =	sne.s32 s0, $0x0;
	s0 =	rddreg [dreg:$0x1]  }
0x98: {  	s0 =	sadd.s32 @!p0 $0x100000, s0  }
0x99: {  	[sflag:s0] =	ssyncadd.tile.s32 @!p0 $0x1;
	_ =	shalt  }
.Lfunc_end2:
_tile_overlayer_lowered:
.L_overlay_start_2:
0x9a: {  	(tag) =	ssettag $0x2  }
0x9b: {  	s0 =	rddreg [dreg:$0x0];
	s2 =	stileid.u32  }
0x9c: {  	s1 =	rddreg [dreg:$0x1];
	p0 =	sne.s32 s2, $0x0  }
0x9d: {  	s3 =	rddreg [dreg:$0x2];
	[bflag:$0x3] =	sbarrier.arrive $0xFFFF;
	s2 =	simm.s32 @!p0 $0x1C0B  }
0x9e: {  	[timem:s3], [sflag:s2] =	dma.local @!p0 [hbm:s0], s1  }
0x9f: {  	s0 =	simm.s32 @!p0 $0xB  }
0xa0: {  	_ =	swait.ge @!p0 [sflag:s0], s1  }
0xa1: {  	s1 =	ssub.s32 @!p0 $0x0, s1;
	[sflag:s0] =	ssyncset.done @!p0 $0x0  }
0xa2: {  	[sflag:s0] =	ssyncadd.s32 @!p0 s1  }
0xa3: {  	[bflag:$0x3] =	sbarrier.arrive $0xFFFF  }
0xa4: {  	_ =	shalt  }

</sc_bundles>
